<compile_context>
chip_gen: v7x
topology: tpu7x:2x2x1
jax: 0.10.2.dev20260603
libtpu: 0.0.44.dev20260713+nightly
codegen_flags: <defaults>
</compile_context>

<pallas_src>
import jax
import jax.numpy as jnp
from jax import lax
from jax.experimental import pallas as pl
from jax.experimental.pallas import tpu as pltpu
from jax.experimental.pallas import tpu_sc as plsc

_N_ROWS = 4096
_N_FIELDS = 26
_FIELD_SIZE = 1000
_ROW_WORDS = _N_FIELDS * _FIELD_SIZE

_TC_ROWS = 256
_SC_ROWS = _N_ROWS - _TC_ROWS

_NUM_CORES = 2
_NUM_SUBCORES = 16
_NUM_WORKERS = _NUM_CORES * _NUM_SUBCORES
_ROWS_PER_W = _SC_ROWS // _NUM_WORKERS
_CODES_PER_W = _ROWS_PER_W * _N_FIELDS
_STRIPE = 8
_NQ = 4
_CHUNK_W = 6400
_TAIL_START = _NQ * _CHUNK_W
_TAIL_W = _ROW_WORDS - _TAIL_START
_N_STRIPES_W = _ROWS_PER_W // _STRIPE

_TC_BLOCK = 128


def _sc_body(inp_ref, out_ref, b0, b1, t0, t1, codes, s0, s1, ts0, ts1):
    bufs = (b0, b1)
    sems = (s0, s1)
    tbufs = (t0, t1)
    tsems = (ts0, ts1)
    wid = lax.axis_index("s") * _NUM_CORES + lax.axis_index("c")
    code_off = (_TC_ROWS + wid * _ROWS_PER_W) * _N_FIELDS
    pltpu.sync_copy(inp_ref.at[pl.ds(code_off, _CODES_PER_W)], codes)

    zeros = jnp.zeros((16,), jnp.float32)
    ones = jnp.ones((16,), jnp.float32)
    iota = lax.iota(jnp.int32, 16)
    mask_hi = iota >= 6

    def zero_fill(bb, width):
        def zero_row(s, carry):
            def zero_body(i, carry2):
                bb[s, pl.ds(i * 16, 16)] = zeros
                return carry2

            return lax.fori_loop(0, width // 16, zero_body, carry)

        lax.fori_loop(0, _STRIPE, zero_row, 0)

    for b in range(2):
        zero_fill(bufs[b], _CHUNK_W)
        zero_fill(tbufs[b], _TAIL_W)

    row_base = _TC_ROWS + wid * _ROWS_PER_W

    def write_marks(bb, stripe_l, cstart, width, val):
        for s in range(_STRIPE):
            rl = stripe_l * _STRIPE + s
            c0 = codes[pl.ds(rl * _N_FIELDS, 16)].astype(jnp.int32)
            c1 = codes[pl.ds(rl * _N_FIELDS + 10, 16)].astype(jnp.int32)
            pos0 = iota * _FIELD_SIZE + c0 - cstart
            pos1 = (iota + 10) * _FIELD_SIZE + c1 - cstart
            m0 = (pos0 >= 0) & (pos0 < width)
            m1 = mask_hi & (pos1 >= 0) & (pos1 < width)
            svec = jnp.full((16,), s, jnp.int32)
            plsc.store_scatter(bb, [svec, pos0], val, mask=m0)
            plsc.store_scatter(bb, [svec, pos1], val, mask=m1)

    def chunk_dst(ci):
        stripe_l = ci // _NQ
        q = ci % _NQ
        row0 = row_base + stripe_l * _STRIPE
        return out_ref.at[
            pl.ds(row0, _STRIPE), pl.ds(q * _CHUNK_W, _CHUNK_W)
        ]

    def tail_dst(stripe_l):
        row0 = row_base + stripe_l * _STRIPE
        return out_ref.at[pl.ds(row0, _STRIPE), pl.ds(_TAIL_START, _TAIL_W)]

    n_chunks = _N_STRIPES_W * _NQ

    def group_body(g, carry):
        for b in range(2):
            bb = bufs[b]
            ci = g * 2 + b

            @pl.when(g > 0)
            def _(bb=bb, ci=ci, b=b):
                pltpu.make_async_copy(bb, chunk_dst(ci - 2), sems[b]).wait()
                oci = ci - 2
                write_marks(bb, oci // _NQ, (oci % _NQ) * _CHUNK_W,
                            _CHUNK_W, zeros)

            write_marks(bb, ci // _NQ, (ci % _NQ) * _CHUNK_W, _CHUNK_W, ones)
            pltpu.async_copy(bb, chunk_dst(ci), sems[b])
        return carry

    lax.fori_loop(0, n_chunks // 2, group_body, 0)

    def tail_body(g, carry):
        for b in range(2):
            tb = tbufs[b]
            stripe_l = g * 2 + b

            @pl.when(g > 0)
            def _(tb=tb, stripe_l=stripe_l, b=b):
                pltpu.make_async_copy(
                    tb, tail_dst(stripe_l - 2), tsems[b]
                ).wait()
                write_marks(tb, stripe_l - 2, _TAIL_START, _TAIL_W, zeros)

            @pl.when(stripe_l < _N_STRIPES_W)
            def _(tb=tb, stripe_l=stripe_l, b=b):
                write_marks(tb, stripe_l, _TAIL_START, _TAIL_W, ones)
                pltpu.async_copy(tb, tail_dst(stripe_l), tsems[b])
        return carry

    lax.fori_loop(0, (_N_STRIPES_W + 1) // 2, tail_body, 0)

    for b in range(2):
        pltpu.make_async_copy(
            bufs[b], chunk_dst(n_chunks - 2 + b), sems[b]
        ).wait()
    pltpu.make_async_copy(
        tbufs[0], tail_dst(_N_STRIPES_W - 1), tsems[0]
    ).wait()


def _tc_body(in_ref, out_ref):
    codes = in_ref[...]
    offs = jax.lax.broadcasted_iota(
        jnp.int32, (_TC_BLOCK, _FIELD_SIZE), 1
    ).astype(jnp.float32)
    for f in range(_N_FIELDS):
        out_ref[:, f * _FIELD_SIZE:(f + 1) * _FIELD_SIZE] = (
            offs == codes[:, f:f + 1]
        ).astype(jnp.float32)


def kernel(input):
    n = input.shape[0]
    flat_in = input.reshape(-1)

    tc_out = pl.pallas_call(
        _tc_body,
        grid=(_TC_ROWS // _TC_BLOCK,),
        in_specs=[pl.BlockSpec((_TC_BLOCK, _N_FIELDS), lambda r: (r, 0))],
        out_specs=pl.BlockSpec((_TC_BLOCK, _ROW_WORDS), lambda r: (r, 0)),
        out_shape=jax.ShapeDtypeStruct((n, _ROW_WORDS), jnp.float32),
    )(input)

    out_ref = jax.new_ref(tc_out)
    mesh = plsc.VectorSubcoreMesh(
        core_axis_name="c", subcore_axis_name="s"
    )
    pl.kernel(
        _sc_body,
        out_type=(),
        mesh=mesh,
        compiler_params=pltpu.CompilerParams(
            needs_layout_passes=False, use_tc_tiling_on_sc=True
        ),
        scratch_types=[
            pltpu.VMEM((_STRIPE, _CHUNK_W), jnp.float32),
            pltpu.VMEM((_STRIPE, _CHUNK_W), jnp.float32),
            pltpu.VMEM((_STRIPE, _TAIL_W), jnp.float32),
            pltpu.VMEM((_STRIPE, _TAIL_W), jnp.float32),
            pltpu.VMEM((_CODES_PER_W,), jnp.float32),
            pltpu.SemaphoreType.DMA,
            pltpu.SemaphoreType.DMA,
            pltpu.SemaphoreType.DMA,
            pltpu.SemaphoreType.DMA,
        ],
    )(flat_in, out_ref)
    return jax.freeze(out_ref)

# --- scband reference (transcript-rebuilt; emitter-appended) ---
"""Pipeline reference for scband-categorical-to-one-hot-layer-41137196761694 (READ-ONLY COPY).

The authoritative reference and input builder live on the scoring server;
editing this copy changes nothing except your own understanding.
"""

import jax, jax.numpy as jnp
import numpy as np

ONE_HOT_MAX_SIZES = [1000] * 26
ADD_NANS_MAP_FOR_COLUMNS = []


def setup_inputs(seed: int = 0) -> dict:
    key = jax.random.key(seed)
    # categorical codes stored as float (as in the original torch module), values in [0, 1000)
    inp = jax.random.randint(key, (4096, 26), 0, 1000).astype(jnp.float32)
    return {"input": inp}


def reference(input):
    out_cols = []
    n = input.shape[0]
    for i, size in enumerate(ONE_HOT_MAX_SIZES):
        if size <= 1:
            out_col = input[:, i:i + 1]
            nan_mask = jnp.isnan(out_col)
            out_col = jnp.where(nan_mask, 0.0, out_col)
        else:
            cat_idx = input[:, i]
            nan_mask = jnp.isnan(cat_idx)
            cat_idx = jnp.where(nan_mask, 0.0, cat_idx)
            out_col = jnp.zeros((n, size), dtype=jnp.float32)
            out_col = out_col.at[jnp.arange(n), cat_idx.astype(jnp.int32)].set(1.0)
            out_col = jnp.where(nan_mask[:, None], 0.0, out_col)
            nan_mask = nan_mask[:, None]
        out_cols.append(out_col)
        if i in ADD_NANS_MAP_FOR_COLUMNS:
            out_cols.append(nan_mask.astype(jnp.float32))
    return jnp.concatenate(out_cols, axis=1)

if __name__ == "__main__":
    import jax
    _d = setup_inputs()
    print(jax.jit(kernel)(*tuple(_d.values())))

</pallas_src>

<mosaic_0001>
#map = affine_map<(d0, d1) -> (0)>
#map1 = affine_map<(d0, d1) -> (0, 0)>
module attributes {stable_mosaic.version = 14 : i64} {
  func.func @new_body(%arg0: i32, %arg1: i32, %arg2: memref<106496xf32, #tpu.memory_space<hbm>>, %arg3: memref<4096x26000xf32, #tpu.memory_space<hbm>>, %arg4: memref<4096x26000xf32, #tpu.memory_space<hbm>>, %arg5: memref<8x6400xf32, #tpu.memory_space<vmem>>, %arg6: memref<8x6400xf32, #tpu.memory_space<vmem>>, %arg7: memref<8x400xf32, #tpu.memory_space<vmem>>, %arg8: memref<8x400xf32, #tpu.memory_space<vmem>>, %arg9: memref<3120xf32, #tpu.memory_space<vmem>>, %arg10: memref<!tpu.dma_semaphore, #tpu.memory_space<semaphore_mem>>, %arg11: memref<!tpu.dma_semaphore, #tpu.memory_space<semaphore_mem>>, %arg12: memref<!tpu.dma_semaphore, #tpu.memory_space<semaphore_mem>>, %arg13: memref<!tpu.dma_semaphore, #tpu.memory_space<semaphore_mem>>) attributes {dimension_semantics = [#tpu.dimension_semantics<core_parallel>, #tpu.dimension_semantics<subcore_parallel>], iteration_bounds = array<i64: 2, 16>, scalar_prefetch = 0 : i64, scratch_operands = 9 : i64, tpu.core_type = #tpu.core_type<sc_vector_subcore>, window_params = [{transform_indices = #map}, {transform_indices = #map1}, {transform_indices = #map1}]} {
    %mul3A = arith.constant 2 : i32
    %mul3A_0 = arith.muli %arg1, %mul3A : i32
    %add3A = arith.addi %mul3A_0, %arg0 : i32
    %mul3A_1 = arith.constant 120 : i32
    %mul3A_2 = arith.muli %add3A, %mul3A_1 : i32
    %add3A_3 = arith.constant 256 : i32
    %add3A_4 = arith.addi %add3A_3, %mul3A_2 : i32
    %mul3A_5 = arith.constant 26 : i32
    %mul3A_6 = arith.muli %add3A_4, %mul3A_5 : i32
    "tpu.region"() ({
      %run_scoped3A = tpu.sem_alloc : memref<!tpu.dma_semaphore, #tpu.memory_space<semaphore_mem>>
      %dma_start3A = tpu.memref_slice %arg2[%mul3A_6] : memref<106496xf32, #tpu.memory_space<hbm>> -> memref<3120xf32, #tpu.memory_space<hbm>>
      %dma_start3A_68 = tpu.memref_slice %arg2[%mul3A_6] : memref<106496xf32, #tpu.memory_space<hbm>> -> memref<3120xf32, #tpu.memory_space<hbm>>
      tpu.enqueue_dma source(%dma_start3A_68 : memref<3120xf32, #tpu.memory_space<hbm>>) target(%arg9 : memref<3120xf32, #tpu.memory_space<vmem>>) target_semaphore(%run_scoped3A : memref<!tpu.dma_semaphore, #tpu.memory_space<semaphore_mem>>)
      %dma_wait3A_69 = tpu.memref_slice %arg2[%mul3A_6] : memref<106496xf32, #tpu.memory_space<hbm>> -> memref<3120xf32, #tpu.memory_space<hbm>>
      %dma_wait3A_70 = tpu.memref_slice %arg2[%mul3A_6] : memref<106496xf32, #tpu.memory_space<hbm>> -> memref<3120xf32, #tpu.memory_space<hbm>>
      tpu.wait_dma2 semaphore(%run_scoped3A : memref<!tpu.dma_semaphore, #tpu.memory_space<semaphore_mem>>) src(%dma_wait3A_70 : memref<3120xf32, #tpu.memory_space<hbm>>) dst(%arg9 : memref<3120xf32, #tpu.memory_space<vmem>>)
      tpu.yield
    }) : () -> ()
    %broadcast_in_dim3A = arith.constant 0.000000e+00 : f32
    %broadcast_in_dim3A_7 = vector.broadcast %broadcast_in_dim3A : f32 to vector<16xf32>
    %broadcast_in_dim3A_8 = arith.constant 1.000000e+00 : f32
    %broadcast_in_dim3A_9 = vector.broadcast %broadcast_in_dim3A_8 : f32 to vector<16xf32>
    %iota3A = tpu.iota {dimensions = array<i32: 0>} : vector<16xi32>
    %ge3A = arith.constant 6 : i32
    %ge3A_10 = vector.broadcast %ge3A : i32 to vector<16xi32>
    %ge3A_11 = arith.cmpi sge, %iota3A, %ge3A_10 : vector<16xi32>
    %scan3A = arith.constant 0 : i32
    %scan3A_12 = arith.constant 0 : i32
    %scan3A_13 = arith.constant 8 : i32
    %scan3A_14 = arith.addi %scan3A_12, %scan3A_13 : i32
    %scan3A_15 = arith.constant 1 : i32
    scf.for %scan3A_68 = %scan3A_12 to %scan3A_14 step %scan3A_15  : i32 {
      %scan3A_69 = arith.constant 0 : i32
      %scan3A_70 = arith.constant 400 : i32
      %scan3A_71 = arith.addi %scan3A_69, %scan3A_70 : i32
      %scan3A_72 = arith.constant 1 : i32
      scf.for %scan3A_74 = %scan3A_69 to %scan3A_71 step %scan3A_72  : i32 {
        %mul3A_75 = arith.constant 16 : i32
        %mul3A_76 = arith.muli %scan3A_74, %mul3A_75 : i32
        %swap3A = arith.index_cast %scan3A_68 : i32 to index
        %swap3A_77 = arith.index_cast %mul3A_76 : i32 to index
        %swap3A_78 = tpu.vector_load %arg5[%swap3A, %swap3A_77] {strides = array<i32>} : memref<8x6400xf32, #tpu.memory_space<vmem>>, vector<16xf32>,
        tpu.vector_store %arg5[%swap3A, %swap3A_77], %broadcast_in_dim3A_7 {strides = array<i32>} : memref<8x6400xf32, #tpu.memory_space<vmem>>, vector<16xf32>,
      }
      %scan3A_73 = arith.constant 400 : i32
    }
    %scan3A_16 = arith.constant 8 : i32
    %scan3A_17 = arith.constant 0 : i32
    %scan3A_18 = arith.constant 0 : i32
    %scan3A_19 = arith.constant 8 : i32
    %scan3A_20 = arith.addi %scan3A_18, %scan3A_19 : i32
    %scan3A_21 = arith.constant 1 : i32
    scf.for %scan3A_68 = %scan3A_18 to %scan3A_20 step %scan3A_21  : i32 {
      %scan3A_69 = arith.constant 0 : i32
      %scan3A_70 = arith.constant 25 : i32
      %scan3A_71 = arith.addi %scan3A_69, %scan3A_70 : i32
      %scan3A_72 = arith.constant 1 : i32
      scf.for %scan3A_74 = %scan3A_69 to %scan3A_71 step %scan3A_72  : i32 {
        %mul3A_75 = arith.constant 16 : i32
        %mul3A_76 = arith.muli %scan3A_74, %mul3A_75 : i32
        %swap3A = arith.index_cast %scan3A_68 : i32 to index
        %swap3A_77 = arith.index_cast %mul3A_76 : i32 to index
        %swap3A_78 = tpu.vector_load %arg7[%swap3A, %swap3A_77] {strides = array<i32>} : memref<8x400xf32, #tpu.memory_space<vmem>>, vector<16xf32>,
        tpu.vector_store %arg7[%swap3A, %swap3A_77], %broadcast_in_dim3A_7 {strides = array<i32>} : memref<8x400xf32, #tpu.memory_space<vmem>>, vector<16xf32>,
      }
      %scan3A_73 = arith.constant 25 : i32
    }
    %scan3A_22 = arith.constant 8 : i32
    %scan3A_23 = arith.constant 0 : i32
    %scan3A_24 = arith.constant 0 : i32
    %scan3A_25 = arith.constant 8 : i32
    %scan3A_26 = arith.addi %scan3A_24, %scan3A_25 : i32
    %scan3A_27 = arith.constant 1 : i32
    scf.for %scan3A_68 = %scan3A_24 to %scan3A_26 step %scan3A_27  : i32 {
      %scan3A_69 = arith.constant 0 : i32
      %scan3A_70 = arith.constant 400 : i32
      %scan3A_71 = arith.addi %scan3A_69, %scan3A_70 : i32
      %scan3A_72 = arith.constant 1 : i32
      scf.for %scan3A_74 = %scan3A_69 to %scan3A_71 step %scan3A_72  : i32 {
        %mul3A_75 = arith.constant 16 : i32
        %mul3A_76 = arith.muli %scan3A_74, %mul3A_75 : i32
        %swap3A = arith.index_cast %scan3A_68 : i32 to index
        %swap3A_77 = arith.index_cast %mul3A_76 : i32 to index
        %swap3A_78 = tpu.vector_load %arg6[%swap3A, %swap3A_77] {strides = array<i32>} : memref<8x6400xf32, #tpu.memory_space<vmem>>, vector<16xf32>,
        tpu.vector_store %arg6[%swap3A, %swap3A_77], %broadcast_in_dim3A_7 {strides = array<i32>} : memref<8x6400xf32, #tpu.memory_space<vmem>>, vector<16xf32>,
      }
      %scan3A_73 = arith.constant 400 : i32
    }
    %scan3A_28 = arith.constant 8 : i32
    %scan3A_29 = arith.constant 0 : i32
    %scan3A_30 = arith.constant 0 : i32
    %scan3A_31 = arith.constant 8 : i32
    %scan3A_32 = arith.addi %scan3A_30, %scan3A_31 : i32
    %scan3A_33 = arith.constant 1 : i32
    scf.for %scan3A_68 = %scan3A_30 to %scan3A_32 step %scan3A_33  : i32 {
      %scan3A_69 = arith.constant 0 : i32
      %scan3A_70 = arith.constant 25 : i32
      %scan3A_71 = arith.addi %scan3A_69, %scan3A_70 : i32
      %scan3A_72 = arith.constant 1 : i32
      scf.for %scan3A_74 = %scan3A_69 to %scan3A_71 step %scan3A_72  : i32 {
        %mul3A_75 = arith.constant 16 : i32
        %mul3A_76 = arith.muli %scan3A_74, %mul3A_75 : i32
        %swap3A = arith.index_cast %scan3A_68 : i32 to index
        %swap3A_77 = arith.index_cast %mul3A_76 : i32 to index
        %swap3A_78 = tpu.vector_load %arg8[%swap3A, %swap3A_77] {strides = array<i32>} : memref<8x400xf32, #tpu.memory_space<vmem>>, vector<16xf32>,
        tpu.vector_store %arg8[%swap3A, %swap3A_77], %broadcast_in_dim3A_7 {strides = array<i32>} : memref<8x400xf32, #tpu.memory_space<vmem>>, vector<16xf32>,
      }
      %scan3A_73 = arith.constant 25 : i32
    }
    %scan3A_34 = arith.constant 8 : i32
    %mul3A_35 = arith.constant 120 : i32
    %mul3A_36 = arith.muli %add3A, %mul3A_35 : i32
    %add3A_37 = arith.constant 256 : i32
    %add3A_38 = arith.addi %add3A_37, %mul3A_36 : i32
    %scan3A_39 = arith.constant 0 : i32
    %scan3A_40 = arith.constant 0 : i32
    %scan3A_41 = arith.constant 30 : i32
    %scan3A_42 = arith.addi %scan3A_40, %scan3A_41 : i32
    %scan3A_43 = arith.constant 1 : i32
    scf.for %scan3A_68 = %scan3A_40 to %scan3A_42 step %scan3A_43  : i32 {
      %mul3A_69 = arith.constant 2 : i32
      %mul3A_70 = arith.muli %scan3A_68, %mul3A_69 : i32
      %add3A_71 = arith.constant 0 : i32
      %add3A_72 = arith.addi %mul3A_70, %add3A_71 : i32
      %gt3A = arith.constant 0 : i32
      %gt3A_73 = arith.cmpi sgt, %scan3A_68, %gt3A : i32
      %convert_element_type3A = arith.extui %gt3A_73 : i1 to i32
      %cond3A = arith.constant 0 : i32
      %cond3A_74 = arith.cmpi ne, %convert_element_type3A, %cond3A : i32
      scf.if %cond3A_74 {
        %sub3A_1018 = arith.constant 2 : i32
        %sub3A_1019 = arith.subi %add3A_72, %sub3A_1018 : i32
        %jit3A_1020 = arith.constant 4 : i32
        %div3A_1021 = arith.divsi %sub3A_1019, %jit3A_1020 : i32
        %sign3A_1022 = arith.constant 0 : i32
        %sign3A_1023 = arith.cmpi sgt, %sub3A_1019, %sign3A_1022 : i32
        %sign3A_1024 = arith.extui %sign3A_1023 : i1 to i32
        %sign3A_1025 = arith.constant 0 : i32
        %sign3A_1026 = arith.cmpi slt, %sub3A_1019, %sign3A_1025 : i32
        %sign3A_1027 = arith.extui %sign3A_1026 : i1 to i32
        %sign3A_1028 = arith.subi %sign3A_1024, %sign3A_1027 : i32
        %sign3A_1029 = arith.constant 0 : i32
        %sign3A_1030 = arith.cmpi sgt, %jit3A_1020, %sign3A_1029 : i32
        %sign3A_1031 = arith.extui %sign3A_1030 : i1 to i32
        %sign3A_1032 = arith.constant 0 : i32
        %sign3A_1033 = arith.cmpi slt, %jit3A_1020, %sign3A_1032 : i32
        %sign3A_1034 = arith.extui %sign3A_1033 : i1 to i32
        %sign3A_1035 = arith.subi %sign3A_1031, %sign3A_1034 : i32
        %ne3A_1036 = arith.cmpi ne, %sign3A_1028, %sign3A_1035 : i32
        %rem3A_1037 = arith.remsi %sub3A_1019, %jit3A_1020 : i32
        %ne3A_1038 = arith.constant 0 : i32
        %ne3A_1039 = arith.cmpi ne, %rem3A_1037, %ne3A_1038 : i32
        %and3A_1040 = arith.andi %ne3A_1036, %ne3A_1039 : i1
        %sub3A_1041 = arith.constant 1 : i32
        %sub3A_1042 = arith.subi %div3A_1021, %sub3A_1041 : i32
        %select_n3A_1043 = arith.select %and3A_1040, %sub3A_1042, %div3A_1021 : i32
        %jit3A_1044 = arith.constant 4 : i32
        %eq3A_1045 = arith.constant 0 : i32
        %eq3A_1046 = arith.cmpi eq, %jit3A_1044, %eq3A_1045 : i32
        %jit3A_1047 = arith.constant 1 : i32
        %select_n3A_1048 = arith.select %eq3A_1046, %jit3A_1047, %jit3A_1044 : i32
        %rem3A_1049 = arith.remsi %sub3A_1019, %select_n3A_1048 : i32
        %ne3A_1050 = arith.constant 0 : i32
        %ne3A_1051 = arith.cmpi ne, %rem3A_1049, %ne3A_1050 : i32
        %lt3A_1052 = arith.constant 0 : i32
        %lt3A_1053 = arith.cmpi slt, %rem3A_1049, %lt3A_1052 : i32
        %lt3A_1054 = arith.constant 0 : i32
        %lt3A_1055 = arith.cmpi slt, %select_n3A_1048, %lt3A_1054 : i32
        %ne3A_1056 = arith.xori %lt3A_1053, %lt3A_1055 : i1
        %and3A_1057 = arith.andi %ne3A_1056, %ne3A_1051 : i1
        %add3A_1058 = arith.addi %rem3A_1049, %select_n3A_1048 : i32
        %select_n3A_1059 = arith.select %and3A_1057, %add3A_1058, %rem3A_1049 : i32
        %mul3A_1060 = arith.constant 8 : i32
        %mul3A_1061 = arith.muli %select_n3A_1043, %mul3A_1060 : i32
        %add3A_1062 = arith.addi %add3A_38, %mul3A_1061 : i32
        %mul3A_1063 = arith.constant 6400 : i32
        %mul3A_1064 = arith.muli %select_n3A_1059, %mul3A_1063 : i32
        %dma_wait3A_1065 = tpu.memref_slice %arg3[%add3A_1062, %mul3A_1064] : memref<4096x26000xf32, #tpu.memory_space<hbm>> -> memref<8x6400xf32, #tpu.memory_space<hbm>>
        %dma_wait3A_1066 = tpu.memref_slice %arg3[%add3A_1062, %mul3A_1064] : memref<4096x26000xf32, #tpu.memory_space<hbm>> -> memref<8x6400xf32, #tpu.memory_space<hbm>>
        tpu.wait_dma2 semaphore(%arg10 : memref<!tpu.dma_semaphore, #tpu.memory_space<semaphore_mem>>) src(%arg5 : memref<8x6400xf32, #tpu.memory_space<vmem>>) dst(%dma_wait3A_1066 : memref<8x6400xf32, #tpu.memory_space<hbm>>)
        %sub3A_1067 = arith.constant 2 : i32
        %sub3A_1068 = arith.subi %add3A_72, %sub3A_1067 : i32
        %jit3A_1069 = arith.constant 4 : i32
        %div3A_1070 = arith.divsi %sub3A_1068, %jit3A_1069 : i32
        %sign3A_1071 = arith.constant 0 : i32
        %sign3A_1072 = arith.cmpi sgt, %sub3A_1068, %sign3A_1071 : i32
        %sign3A_1073 = arith.extui %sign3A_1072 : i1 to i32
        %sign3A_1074 = arith.constant 0 : i32
        %sign3A_1075 = arith.cmpi slt, %sub3A_1068, %sign3A_1074 : i32
        %sign3A_1076 = arith.extui %sign3A_1075 : i1 to i32
        %sign3A_1077 = arith.subi %sign3A_1073, %sign3A_1076 : i32
        %sign3A_1078 = arith.constant 0 : i32
        %sign3A_1079 = arith.cmpi sgt, %jit3A_1069, %sign3A_1078 : i32
        %sign3A_1080 = arith.extui %sign3A_1079 : i1 to i32
        %sign3A_1081 = arith.constant 0 : i32
        %sign3A_1082 = arith.cmpi slt, %jit3A_1069, %sign3A_1081 : i32
        %sign3A_1083 = arith.extui %sign3A_1082 : i1 to i32
        %sign3A_1084 = arith.subi %sign3A_1080, %sign3A_1083 : i32
        %ne3A_1085 = arith.cmpi ne, %sign3A_1077, %sign3A_1084 : i32
        %rem3A_1086 = arith.remsi %sub3A_1068, %jit3A_1069 : i32
        %ne3A_1087 = arith.constant 0 : i32
        %ne3A_1088 = arith.cmpi ne, %rem3A_1086, %ne3A_1087 : i32
        %and3A_1089 = arith.andi %ne3A_1085, %ne3A_1088 : i1
        %sub3A_1090 = arith.constant 1 : i32
        %sub3A_1091 = arith.subi %div3A_1070, %sub3A_1090 : i32
        %select_n3A_1092 = arith.select %and3A_1089, %sub3A_1091, %div3A_1070 : i32
        %jit3A_1093 = arith.constant 4 : i32
        %eq3A_1094 = arith.constant 0 : i32
        %eq3A_1095 = arith.cmpi eq, %jit3A_1093, %eq3A_1094 : i32
        %jit3A_1096 = arith.constant 1 : i32
        %select_n3A_1097 = arith.select %eq3A_1095, %jit3A_1096, %jit3A_1093 : i32
        %rem3A_1098 = arith.remsi %sub3A_1068, %select_n3A_1097 : i32
        %ne3A_1099 = arith.constant 0 : i32
        %ne3A_1100 = arith.cmpi ne, %rem3A_1098, %ne3A_1099 : i32
        %lt3A_1101 = arith.constant 0 : i32
        %lt3A_1102 = arith.cmpi slt, %rem3A_1098, %lt3A_1101 : i32
        %lt3A_1103 = arith.constant 0 : i32
        %lt3A_1104 = arith.cmpi slt, %select_n3A_1097, %lt3A_1103 : i32
        %ne3A_1105 = arith.xori %lt3A_1102, %lt3A_1104 : i1
        %and3A_1106 = arith.andi %ne3A_1105, %ne3A_1100 : i1
        %add3A_1107 = arith.addi %rem3A_1098, %select_n3A_1097 : i32
        %select_n3A_1108 = arith.select %and3A_1106, %add3A_1107, %rem3A_1098 : i32
        %mul3A_1109 = arith.constant 6400 : i32
        %mul3A_1110 = arith.muli %select_n3A_1108, %mul3A_1109 : i32
        %mul3A_1111 = arith.constant 8 : i32
        %mul3A_1112 = arith.muli %select_n3A_1092, %mul3A_1111 : i32
        %add3A_1113 = arith.constant 0 : i32
        %add3A_1114 = arith.addi %mul3A_1112, %add3A_1113 : i32
        %mul3A_1115 = arith.constant 26 : i32
        %mul3A_1116 = arith.muli %add3A_1114, %mul3A_1115 : i32
        %get3A_1117 = arith.index_cast %mul3A_1116 : i32 to index
        %get3A_1118 = tpu.vector_load %arg9[%get3A_1117] {strides = array<i32>} : memref<3120xf32, #tpu.memory_space<vmem>>, vector<16xf32>,
        %convert_element_type3A_1119 = arith.fptosi %get3A_1118 : vector<16xf32> to vector<16xi32>
        %mul3A_1120 = arith.constant 26 : i32
        %mul3A_1121 = arith.muli %add3A_1114, %mul3A_1120 : i32
        %add3A_1122 = arith.constant 10 : i32
        %add3A_1123 = arith.addi %mul3A_1121, %add3A_1122 : i32
        %get3A_1124 = arith.index_cast %add3A_1123 : i32 to index
        %get3A_1125 = tpu.vector_load %arg9[%get3A_1124] {strides = array<i32>} : memref<3120xf32, #tpu.memory_space<vmem>>, vector<16xf32>,
        %convert_element_type3A_1126 = arith.fptosi %get3A_1125 : vector<16xf32> to vector<16xi32>
        %mul3A_1127 = arith.constant 1000 : i32
        %mul3A_1128 = vector.broadcast %mul3A_1127 : i32 to vector<16xi32>
        %mul3A_1129 = arith.muli %iota3A, %mul3A_1128 : vector<16xi32>
        %add3A_1130 = arith.addi %mul3A_1129, %convert_element_type3A_1119 : vector<16xi32>
        %sub3A_1131 = vector.broadcast %mul3A_1110 : i32 to vector<16xi32>
        %sub3A_1132 = arith.subi %add3A_1130, %sub3A_1131 : vector<16xi32>
        %add3A_1133 = arith.constant 10 : i32
        %add3A_1134 = vector.broadcast %add3A_1133 : i32 to vector<16xi32>
        %add3A_1135 = arith.addi %iota3A, %add3A_1134 : vector<16xi32>
        %mul3A_1136 = arith.constant 1000 : i32
        %mul3A_1137 = vector.broadcast %mul3A_1136 : i32 to vector<16xi32>
        %mul3A_1138 = arith.muli %add3A_1135, %mul3A_1137 : vector<16xi32>
        %add3A_1139 = arith.addi %mul3A_1138, %convert_element_type3A_1126 : vector<16xi32>
        %sub3A_1140 = vector.broadcast %mul3A_1110 : i32 to vector<16xi32>
        %sub3A_1141 = arith.subi %add3A_1139, %sub3A_1140 : vector<16xi32>
        %ge3A_1142 = arith.constant 0 : i32
        %ge3A_1143 = vector.broadcast %ge3A_1142 : i32 to vector<16xi32>
        %ge3A_1144 = arith.cmpi sge, %sub3A_1132, %ge3A_1143 : vector<16xi32>
        %lt3A_1145 = arith.constant 6400 : i32
        %lt3A_1146 = vector.broadcast %lt3A_1145 : i32 to vector<16xi32>
        %lt3A_1147 = arith.cmpi slt, %sub3A_1132, %lt3A_1146 : vector<16xi32>
        %and3A_1148 = arith.andi %ge3A_1144, %lt3A_1147 : vector<16xi1>
        %ge3A_1149 = arith.constant 0 : i32
        %ge3A_1150 = vector.broadcast %ge3A_1149 : i32 to vector<16xi32>
        %ge3A_1151 = arith.cmpi sge, %sub3A_1141, %ge3A_1150 : vector<16xi32>
        %and3A_1152 = arith.andi %ge3A_11, %ge3A_1151 : vector<16xi1>
        %lt3A_1153 = arith.constant 6400 : i32
        %lt3A_1154 = vector.broadcast %lt3A_1153 : i32 to vector<16xi32>
        %lt3A_1155 = arith.cmpi slt, %sub3A_1141, %lt3A_1154 : vector<16xi32>
        %and3A_1156 = arith.andi %and3A_1152, %lt3A_1155 : vector<16xi1>
        %broadcast_in_dim3A_1157 = arith.constant 0 : i32
        %broadcast_in_dim3A_1158 = vector.broadcast %broadcast_in_dim3A_1157 : i32 to vector<16xi32>
        tpu.vector_store_idx %arg5[%broadcast_in_dim3A_1158, %sub3A_1132], %broadcast_in_dim3A_7 masked %and3A_1148 : memref<8x6400xf32, #tpu.memory_space<vmem>>[vector<16xi32>, vector<16xi32>], vector<16xf32>, vector<16xi1>
        tpu.vector_store_idx %arg5[%broadcast_in_dim3A_1158, %sub3A_1141], %broadcast_in_dim3A_7 masked %and3A_1156 : memref<8x6400xf32, #tpu.memory_space<vmem>>[vector<16xi32>, vector<16xi32>], vector<16xf32>, vector<16xi1>
        %mul3A_1159 = arith.constant 8 : i32
        %mul3A_1160 = arith.muli %select_n3A_1092, %mul3A_1159 : i32
        %add3A_1161 = arith.constant 1 : i32
        %add3A_1162 = arith.addi %mul3A_1160, %add3A_1161 : i32
        %mul3A_1163 = arith.constant 26 : i32
        %mul3A_1164 = arith.muli %add3A_1162, %mul3A_1163 : i32
        %get3A_1165 = arith.index_cast %mul3A_1164 : i32 to index
        %get3A_1166 = tpu.vector_load %arg9[%get3A_1165] {strides = array<i32>} : memref<3120xf32, #tpu.memory_space<vmem>>, vector<16xf32>,
        %convert_element_type3A_1167 = arith.fptosi %get3A_1166 : vector<16xf32> to vector<16xi32>
        %mul3A_1168 = arith.constant 26 : i32
        %mul3A_1169 = arith.muli %add3A_1162, %mul3A_1168 : i32
        %add3A_1170 = arith.constant 10 : i32
        %add3A_1171 = arith.addi %mul3A_1169, %add3A_1170 : i32
        %get3A_1172 = arith.index_cast %add3A_1171 : i32 to index
        %get3A_1173 = tpu.vector_load %arg9[%get3A_1172] {strides = array<i32>} : memref<3120xf32, #tpu.memory_space<vmem>>, vector<16xf32>,
        %convert_element_type3A_1174 = arith.fptosi %get3A_1173 : vector<16xf32> to vector<16xi32>
        %mul3A_1175 = arith.constant 1000 : i32
        %mul3A_1176 = vector.broadcast %mul3A_1175 : i32 to vector<16xi32>
        %mul3A_1177 = arith.muli %iota3A, %mul3A_1176 : vector<16xi32>
        %add3A_1178 = arith.addi %mul3A_1177, %convert_element_type3A_1167 : vector<16xi32>
        %sub3A_1179 = vector.broadcast %mul3A_1110 : i32 to vector<16xi32>
        %sub3A_1180 = arith.subi %add3A_1178, %sub3A_1179 : vector<16xi32>
        %add3A_1181 = arith.constant 10 : i32
        %add3A_1182 = vector.broadcast %add3A_1181 : i32 to vector<16xi32>
        %add3A_1183 = arith.addi %iota3A, %add3A_1182 : vector<16xi32>
        %mul3A_1184 = arith.constant 1000 : i32
        %mul3A_1185 = vector.broadcast %mul3A_1184 : i32 to vector<16xi32>
        %mul3A_1186 = arith.muli %add3A_1183, %mul3A_1185 : vector<16xi32>
        %add3A_1187 = arith.addi %mul3A_1186, %convert_element_type3A_1174 : vector<16xi32>
        %sub3A_1188 = vector.broadcast %mul3A_1110 : i32 to vector<16xi32>
        %sub3A_1189 = arith.subi %add3A_1187, %sub3A_1188 : vector<16xi32>
        %ge3A_1190 = arith.constant 0 : i32
        %ge3A_1191 = vector.broadcast %ge3A_1190 : i32 to vector<16xi32>
        %ge3A_1192 = arith.cmpi sge, %sub3A_1180, %ge3A_1191 : vector<16xi32>
        %lt3A_1193 = arith.constant 6400 : i32
        %lt3A_1194 = vector.broadcast %lt3A_1193 : i32 to vector<16xi32>
        %lt3A_1195 = arith.cmpi slt, %sub3A_1180, %lt3A_1194 : vector<16xi32>
        %and3A_1196 = arith.andi %ge3A_1192, %lt3A_1195 : vector<16xi1>
        %ge3A_1197 = arith.constant 0 : i32
        %ge3A_1198 = vector.broadcast %ge3A_1197 : i32 to vector<16xi32>
        %ge3A_1199 = arith.cmpi sge, %sub3A_1189, %ge3A_1198 : vector<16xi32>
        %and3A_1200 = arith.andi %ge3A_11, %ge3A_1199 : vector<16xi1>
        %lt3A_1201 = arith.constant 6400 : i32
        %lt3A_1202 = vector.broadcast %lt3A_1201 : i32 to vector<16xi32>
        %lt3A_1203 = arith.cmpi slt, %sub3A_1189, %lt3A_1202 : vector<16xi32>
        %and3A_1204 = arith.andi %and3A_1200, %lt3A_1203 : vector<16xi1>
        %broadcast_in_dim3A_1205 = arith.constant 1 : i32
        %broadcast_in_dim3A_1206 = vector.broadcast %broadcast_in_dim3A_1205 : i32 to vector<16xi32>
        tpu.vector_store_idx %arg5[%broadcast_in_dim3A_1206, %sub3A_1180], %broadcast_in_dim3A_7 masked %and3A_1196 : memref<8x6400xf32, #tpu.memory_space<vmem>>[vector<16xi32>, vector<16xi32>], vector<16xf32>, vector<16xi1>
        tpu.vector_store_idx %arg5[%broadcast_in_dim3A_1206, %sub3A_1189], %broadcast_in_dim3A_7 masked %and3A_1204 : memref<8x6400xf32, #tpu.memory_space<vmem>>[vector<16xi32>, vector<16xi32>], vector<16xf32>, vector<16xi1>
        %mul3A_1207 = arith.constant 8 : i32
        %mul3A_1208 = arith.muli %select_n3A_1092, %mul3A_1207 : i32
        %add3A_1209 = arith.constant 2 : i32
        %add3A_1210 = arith.addi %mul3A_1208, %add3A_1209 : i32
        %mul3A_1211 = arith.constant 26 : i32
        %mul3A_1212 = arith.muli %add3A_1210, %mul3A_1211 : i32
        %get3A_1213 = arith.index_cast %mul3A_1212 : i32 to index
        %get3A_1214 = tpu.vector_load %arg9[%get3A_1213] {strides = array<i32>} : memref<3120xf32, #tpu.memory_space<vmem>>, vector<16xf32>,
        %convert_element_type3A_1215 = arith.fptosi %get3A_1214 : vector<16xf32> to vector<16xi32>
        %mul3A_1216 = arith.constant 26 : i32
        %mul3A_1217 = arith.muli %add3A_1210, %mul3A_1216 : i32
        %add3A_1218 = arith.constant 10 : i32
        %add3A_1219 = arith.addi %mul3A_1217, %add3A_1218 : i32
        %get3A_1220 = arith.index_cast %add3A_1219 : i32 to index
        %get3A_1221 = tpu.vector_load %arg9[%get3A_1220] {strides = array<i32>} : memref<3120xf32, #tpu.memory_space<vmem>>, vector<16xf32>,
        %convert_element_type3A_1222 = arith.fptosi %get3A_1221 : vector<16xf32> to vector<16xi32>
        %mul3A_1223 = arith.constant 1000 : i32
        %mul3A_1224 = vector.broadcast %mul3A_1223 : i32 to vector<16xi32>
        %mul3A_1225 = arith.muli %iota3A, %mul3A_1224 : vector<16xi32>
        %add3A_1226 = arith.addi %mul3A_1225, %convert_element_type3A_1215 : vector<16xi32>
        %sub3A_1227 = vector.broadcast %mul3A_1110 : i32 to vector<16xi32>
        %sub3A_1228 = arith.subi %add3A_1226, %sub3A_1227 : vector<16xi32>
        %add3A_1229 = arith.constant 10 : i32
        %add3A_1230 = vector.broadcast %add3A_1229 : i32 to vector<16xi32>
        %add3A_1231 = arith.addi %iota3A, %add3A_1230 : vector<16xi32>
        %mul3A_1232 = arith.constant 1000 : i32
        %mul3A_1233 = vector.broadcast %mul3A_1232 : i32 to vector<16xi32>
        %mul3A_1234 = arith.muli %add3A_1231, %mul3A_1233 : vector<16xi32>
        %add3A_1235 = arith.addi %mul3A_1234, %convert_element_type3A_1222 : vector<16xi32>
        %sub3A_1236 = vector.broadcast %mul3A_1110 : i32 to vector<16xi32>
        %sub3A_1237 = arith.subi %add3A_1235, %sub3A_1236 : vector<16xi32>
        %ge3A_1238 = arith.constant 0 : i32
        %ge3A_1239 = vector.broadcast %ge3A_1238 : i32 to vector<16xi32>
        %ge3A_1240 = arith.cmpi sge, %sub3A_1228, %ge3A_1239 : vector<16xi32>
        %lt3A_1241 = arith.constant 6400 : i32
        %lt3A_1242 = vector.broadcast %lt3A_1241 : i32 to vector<16xi32>
        %lt3A_1243 = arith.cmpi slt, %sub3A_1228, %lt3A_1242 : vector<16xi32>
        %and3A_1244 = arith.andi %ge3A_1240, %lt3A_1243 : vector<16xi1>
        %ge3A_1245 = arith.constant 0 : i32
        %ge3A_1246 = vector.broadcast %ge3A_1245 : i32 to vector<16xi32>
        %ge3A_1247 = arith.cmpi sge, %sub3A_1237, %ge3A_1246 : vector<16xi32>
        %and3A_1248 = arith.andi %ge3A_11, %ge3A_1247 : vector<16xi1>
        %lt3A_1249 = arith.constant 6400 : i32
        %lt3A_1250 = vector.broadcast %lt3A_1249 : i32 to vector<16xi32>
        %lt3A_1251 = arith.cmpi slt, %sub3A_1237, %lt3A_1250 : vector<16xi32>
        %and3A_1252 = arith.andi %and3A_1248, %lt3A_1251 : vector<16xi1>
        %broadcast_in_dim3A_1253 = arith.constant 2 : i32
        %broadcast_in_dim3A_1254 = vector.broadcast %broadcast_in_dim3A_1253 : i32 to vector<16xi32>
        tpu.vector_store_idx %arg5[%broadcast_in_dim3A_1254, %sub3A_1228], %broadcast_in_dim3A_7 masked %and3A_1244 : memref<8x6400xf32, #tpu.memory_space<vmem>>[vector<16xi32>, vector<16xi32>], vector<16xf32>, vector<16xi1>
        tpu.vector_store_idx %arg5[%broadcast_in_dim3A_1254, %sub3A_1237], %broadcast_in_dim3A_7 masked %and3A_1252 : memref<8x6400xf32, #tpu.memory_space<vmem>>[vector<16xi32>, vector<16xi32>], vector<16xf32>, vector<16xi1>
        %mul3A_1255 = arith.constant 8 : i32
        %mul3A_1256 = arith.muli %select_n3A_1092, %mul3A_1255 : i32
        %add3A_1257 = arith.constant 3 : i32
        %add3A_1258 = arith.addi %mul3A_1256, %add3A_1257 : i32
        %mul3A_1259 = arith.constant 26 : i32
        %mul3A_1260 = arith.muli %add3A_1258, %mul3A_1259 : i32
        %get3A_1261 = arith.index_cast %mul3A_1260 : i32 to index
        %get3A_1262 = tpu.vector_load %arg9[%get3A_1261] {strides = array<i32>} : memref<3120xf32, #tpu.memory_space<vmem>>, vector<16xf32>,
        %convert_element_type3A_1263 = arith.fptosi %get3A_1262 : vector<16xf32> to vector<16xi32>
        %mul3A_1264 = arith.constant 26 : i32
        %mul3A_1265 = arith.muli %add3A_1258, %mul3A_1264 : i32
        %add3A_1266 = arith.constant 10 : i32
        %add3A_1267 = arith.addi %mul3A_1265, %add3A_1266 : i32
        %get3A_1268 = arith.index_cast %add3A_1267 : i32 to index
        %get3A_1269 = tpu.vector_load %arg9[%get3A_1268] {strides = array<i32>} : memref<3120xf32, #tpu.memory_space<vmem>>, vector<16xf32>,
        %convert_element_type3A_1270 = arith.fptosi %get3A_1269 : vector<16xf32> to vector<16xi32>
        %mul3A_1271 = arith.constant 1000 : i32
        %mul3A_1272 = vector.broadcast %mul3A_1271 : i32 to vector<16xi32>
        %mul3A_1273 = arith.muli %iota3A, %mul3A_1272 : vector<16xi32>
        %add3A_1274 = arith.addi %mul3A_1273, %convert_element_type3A_1263 : vector<16xi32>
        %sub3A_1275 = vector.broadcast %mul3A_1110 : i32 to vector<16xi32>
        %sub3A_1276 = arith.subi %add3A_1274, %sub3A_1275 : vector<16xi32>
        %add3A_1277 = arith.constant 10 : i32
        %add3A_1278 = vector.broadcast %add3A_1277 : i32 to vector<16xi32>
        %add3A_1279 = arith.addi %iota3A, %add3A_1278 : vector<16xi32>
        %mul3A_1280 = arith.constant 1000 : i32
        %mul3A_1281 = vector.broadcast %mul3A_1280 : i32 to vector<16xi32>
        %mul3A_1282 = arith.muli %add3A_1279, %mul3A_1281 : vector<16xi32>
        %add3A_1283 = arith.addi %mul3A_1282, %convert_element_type3A_1270 : vector<16xi32>
        %sub3A_1284 = vector.broadcast %mul3A_1110 : i32 to vector<16xi32>
        %sub3A_1285 = arith.subi %add3A_1283, %sub3A_1284 : vector<16xi32>
        %ge3A_1286 = arith.constant 0 : i32
        %ge3A_1287 = vector.broadcast %ge3A_1286 : i32 to vector<16xi32>
        %ge3A_1288 = arith.cmpi sge, %sub3A_1276, %ge3A_1287 : vector<16xi32>
        %lt3A_1289 = arith.constant 6400 : i32
        %lt3A_1290 = vector.broadcast %lt3A_1289 : i32 to vector<16xi32>
        %lt3A_1291 = arith.cmpi slt, %sub3A_1276, %lt3A_1290 : vector<16xi32>
        %and3A_1292 = arith.andi %ge3A_1288, %lt3A_1291 : vector<16xi1>
        %ge3A_1293 = arith.constant 0 : i32
        %ge3A_1294 = vector.broadcast %ge3A_1293 : i32 to vector<16xi32>
        %ge3A_1295 = arith.cmpi sge, %sub3A_1285, %ge3A_1294 : vector<16xi32>
        %and3A_1296 = arith.andi %ge3A_11, %ge3A_1295 : vector<16xi1>
        %lt3A_1297 = arith.constant 6400 : i32
        %lt3A_1298 = vector.broadcast %lt3A_1297 : i32 to vector<16xi32>
        %lt3A_1299 = arith.cmpi slt, %sub3A_1285, %lt3A_1298 : vector<16xi32>
        %and3A_1300 = arith.andi %and3A_1296, %lt3A_1299 : vector<16xi1>
        %broadcast_in_dim3A_1301 = arith.constant 3 : i32
        %broadcast_in_dim3A_1302 = vector.broadcast %broadcast_in_dim3A_1301 : i32 to vector<16xi32>
        tpu.vector_store_idx %arg5[%broadcast_in_dim3A_1302, %sub3A_1276], %broadcast_in_dim3A_7 masked %and3A_1292 : memref<8x6400xf32, #tpu.memory_space<vmem>>[vector<16xi32>, vector<16xi32>], vector<16xf32>, vector<16xi1>
        tpu.vector_store_idx %arg5[%broadcast_in_dim3A_1302, %sub3A_1285], %broadcast_in_dim3A_7 masked %and3A_1300 : memref<8x6400xf32, #tpu.memory_space<vmem>>[vector<16xi32>, vector<16xi32>], vector<16xf32>, vector<16xi1>
        %mul3A_1303 = arith.constant 8 : i32
        %mul3A_1304 = arith.muli %select_n3A_1092, %mul3A_1303 : i32
        %add3A_1305 = arith.constant 4 : i32
        %add3A_1306 = arith.addi %mul3A_1304, %add3A_1305 : i32
        %mul3A_1307 = arith.constant 26 : i32
        %mul3A_1308 = arith.muli %add3A_1306, %mul3A_1307 : i32
        %get3A_1309 = arith.index_cast %mul3A_1308 : i32 to index
        %get3A_1310 = tpu.vector_load %arg9[%get3A_1309] {strides = array<i32>} : memref<3120xf32, #tpu.memory_space<vmem>>, vector<16xf32>,
        %convert_element_type3A_1311 = arith.fptosi %get3A_1310 : vector<16xf32> to vector<16xi32>
        %mul3A_1312 = arith.constant 26 : i32
        %mul3A_1313 = arith.muli %add3A_1306, %mul3A_1312 : i32
        %add3A_1314 = arith.constant 10 : i32
        %add3A_1315 = arith.addi %mul3A_1313, %add3A_1314 : i32
        %get3A_1316 = arith.index_cast %add3A_1315 : i32 to index
        %get3A_1317 = tpu.vector_load %arg9[%get3A_1316] {strides = array<i32>} : memref<3120xf32, #tpu.memory_space<vmem>>, vector<16xf32>,
        %convert_element_type3A_1318 = arith.fptosi %get3A_1317 : vector<16xf32> to vector<16xi32>
        %mul3A_1319 = arith.constant 1000 : i32
        %mul3A_1320 = vector.broadcast %mul3A_1319 : i32 to vector<16xi32>
        %mul3A_1321 = arith.muli %iota3A, %mul3A_1320 : vector<16xi32>
        %add3A_1322 = arith.addi %mul3A_1321, %convert_element_type3A_1311 : vector<16xi32>
        %sub3A_1323 = vector.broadcast %mul3A_1110 : i32 to vector<16xi32>
        %sub3A_1324 = arith.subi %add3A_1322, %sub3A_1323 : vector<16xi32>
        %add3A_1325 = arith.constant 10 : i32
        %add3A_1326 = vector.broadcast %add3A_1325 : i32 to vector<16xi32>
        %add3A_1327 = arith.addi %iota3A, %add3A_1326 : vector<16xi32>
        %mul3A_1328 = arith.constant 1000 : i32
        %mul3A_1329 = vector.broadcast %mul3A_1328 : i32 to vector<16xi32>
        %mul3A_1330 = arith.muli %add3A_1327, %mul3A_1329 : vector<16xi32>
        %add3A_1331 = arith.addi %mul3A_1330, %convert_element_type3A_1318 : vector<16xi32>
        %sub3A_1332 = vector.broadcast %mul3A_1110 : i32 to vector<16xi32>
        %sub3A_1333 = arith.subi %add3A_1331, %sub3A_1332 : vector<16xi32>
        %ge3A_1334 = arith.constant 0 : i32
        %ge3A_1335 = vector.broadcast %ge3A_1334 : i32 to vector<16xi32>
        %ge3A_1336 = arith.cmpi sge, %sub3A_1324, %ge3A_1335 : vector<16xi32>
        %lt3A_1337 = arith.constant 6400 : i32
        %lt3A_1338 = vector.broadcast %lt3A_1337 : i32 to vector<16xi32>
        %lt3A_1339 = arith.cmpi slt, %sub3A_1324, %lt3A_1338 : vector<16xi32>
        %and3A_1340 = arith.andi %ge3A_1336, %lt3A_1339 : vector<16xi1>
        %ge3A_1341 = arith.constant 0 : i32
        %ge3A_1342 = vector.broadcast %ge3A_1341 : i32 to vector<16xi32>
        %ge3A_1343 = arith.cmpi sge, %sub3A_1333, %ge3A_1342 : vector<16xi32>
        %and3A_1344 = arith.andi %ge3A_11, %ge3A_1343 : vector<16xi1>
        %lt3A_1345 = arith.constant 6400 : i32
        %lt3A_1346 = vector.broadcast %lt3A_1345 : i32 to vector<16xi32>
        %lt3A_1347 = arith.cmpi slt, %sub3A_1333, %lt3A_1346 : vector<16xi32>
        %and3A_1348 = arith.andi %and3A_1344, %lt3A_1347 : vector<16xi1>
        %broadcast_in_dim3A_1349 = arith.constant 4 : i32
        %broadcast_in_dim3A_1350 = vector.broadcast %broadcast_in_dim3A_1349 : i32 to vector<16xi32>
        tpu.vector_store_idx %arg5[%broadcast_in_dim3A_1350, %sub3A_1324], %broadcast_in_dim3A_7 masked %and3A_1340 : memref<8x6400xf32, #tpu.memory_space<vmem>>[vector<16xi32>, vector<16xi32>], vector<16xf32>, vector<16xi1>
        tpu.vector_store_idx %arg5[%broadcast_in_dim3A_1350, %sub3A_1333], %broadcast_in_dim3A_7 masked %and3A_1348 : memref<8x6400xf32, #tpu.memory_space<vmem>>[vector<16xi32>, vector<16xi32>], vector<16xf32>, vector<16xi1>
        %mul3A_1351 = arith.constant 8 : i32
        %mul3A_1352 = arith.muli %select_n3A_1092, %mul3A_1351 : i32
        %add3A_1353 = arith.constant 5 : i32
        %add3A_1354 = arith.addi %mul3A_1352, %add3A_1353 : i32
        %mul3A_1355 = arith.constant 26 : i32
        %mul3A_1356 = arith.muli %add3A_1354, %mul3A_1355 : i32
        %get3A_1357 = arith.index_cast %mul3A_1356 : i32 to index
        %get3A_1358 = tpu.vector_load %arg9[%get3A_1357] {strides = array<i32>} : memref<3120xf32, #tpu.memory_space<vmem>>, vector<16xf32>,
        %convert_element_type3A_1359 = arith.fptosi %get3A_1358 : vector<16xf32> to vector<16xi32>
        %mul3A_1360 = arith.constant 26 : i32
        %mul3A_1361 = arith.muli %add3A_1354, %mul3A_1360 : i32
        %add3A_1362 = arith.constant 10 : i32
        %add3A_1363 = arith.addi %mul3A_1361, %add3A_1362 : i32
        %get3A_1364 = arith.index_cast %add3A_1363 : i32 to index
        %get3A_1365 = tpu.vector_load %arg9[%get3A_1364] {strides = array<i32>} : memref<3120xf32, #tpu.memory_space<vmem>>, vector<16xf32>,
        %convert_element_type3A_1366 = arith.fptosi %get3A_1365 : vector<16xf32> to vector<16xi32>
        %mul3A_1367 = arith.constant 1000 : i32
        %mul3A_1368 = vector.broadcast %mul3A_1367 : i32 to vector<16xi32>
        %mul3A_1369 = arith.muli %iota3A, %mul3A_1368 : vector<16xi32>
        %add3A_1370 = arith.addi %mul3A_1369, %convert_element_type3A_1359 : vector<16xi32>
        %sub3A_1371 = vector.broadcast %mul3A_1110 : i32 to vector<16xi32>
        %sub3A_1372 = arith.subi %add3A_1370, %sub3A_1371 : vector<16xi32>
        %add3A_1373 = arith.constant 10 : i32
        %add3A_1374 = vector.broadcast %add3A_1373 : i32 to vector<16xi32>
        %add3A_1375 = arith.addi %iota3A, %add3A_1374 : vector<16xi32>
        %mul3A_1376 = arith.constant 1000 : i32
        %mul3A_1377 = vector.broadcast %mul3A_1376 : i32 to vector<16xi32>
        %mul3A_1378 = arith.muli %add3A_1375, %mul3A_1377 : vector<16xi32>
        %add3A_1379 = arith.addi %mul3A_1378, %convert_element_type3A_1366 : vector<16xi32>
        %sub3A_1380 = vector.broadcast %mul3A_1110 : i32 to vector<16xi32>
        %sub3A_1381 = arith.subi %add3A_1379, %sub3A_1380 : vector<16xi32>
        %ge3A_1382 = arith.constant 0 : i32
        %ge3A_1383 = vector.broadcast %ge3A_1382 : i32 to vector<16xi32>
        %ge3A_1384 = arith.cmpi sge, %sub3A_1372, %ge3A_1383 : vector<16xi32>
        %lt3A_1385 = arith.constant 6400 : i32
        %lt3A_1386 = vector.broadcast %lt3A_1385 : i32 to vector<16xi32>
        %lt3A_1387 = arith.cmpi slt, %sub3A_1372, %lt3A_1386 : vector<16xi32>
        %and3A_1388 = arith.andi %ge3A_1384, %lt3A_1387 : vector<16xi1>
        %ge3A_1389 = arith.constant 0 : i32
        %ge3A_1390 = vector.broadcast %ge3A_1389 : i32 to vector<16xi32>
        %ge3A_1391 = arith.cmpi sge, %sub3A_1381, %ge3A_1390 : vector<16xi32>
        %and3A_1392 = arith.andi %ge3A_11, %ge3A_1391 : vector<16xi1>
        %lt3A_1393 = arith.constant 6400 : i32
        %lt3A_1394 = vector.broadcast %lt3A_1393 : i32 to vector<16xi32>
        %lt3A_1395 = arith.cmpi slt, %sub3A_1381, %lt3A_1394 : vector<16xi32>
        %and3A_1396 = arith.andi %and3A_1392, %lt3A_1395 : vector<16xi1>
        %broadcast_in_dim3A_1397 = arith.constant 5 : i32
        %broadcast_in_dim3A_1398 = vector.broadcast %broadcast_in_dim3A_1397 : i32 to vector<16xi32>
        tpu.vector_store_idx %arg5[%broadcast_in_dim3A_1398, %sub3A_1372], %broadcast_in_dim3A_7 masked %and3A_1388 : memref<8x6400xf32, #tpu.memory_space<vmem>>[vector<16xi32>, vector<16xi32>], vector<16xf32>, vector<16xi1>
        tpu.vector_store_idx %arg5[%broadcast_in_dim3A_1398, %sub3A_1381], %broadcast_in_dim3A_7 masked %and3A_1396 : memref<8x6400xf32, #tpu.memory_space<vmem>>[vector<16xi32>, vector<16xi32>], vector<16xf32>, vector<16xi1>
        %mul3A_1399 = arith.constant 8 : i32
        %mul3A_1400 = arith.muli %select_n3A_1092, %mul3A_1399 : i32
        %add3A_1401 = arith.constant 6 : i32
        %add3A_1402 = arith.addi %mul3A_1400, %add3A_1401 : i32
        %mul3A_1403 = arith.constant 26 : i32
        %mul3A_1404 = arith.muli %add3A_1402, %mul3A_1403 : i32
        %get3A_1405 = arith.index_cast %mul3A_1404 : i32 to index
        %get3A_1406 = tpu.vector_load %arg9[%get3A_1405] {strides = array<i32>} : memref<3120xf32, #tpu.memory_space<vmem>>, vector<16xf32>,
        %convert_element_type3A_1407 = arith.fptosi %get3A_1406 : vector<16xf32> to vector<16xi32>
        %mul3A_1408 = arith.constant 26 : i32
        %mul3A_1409 = arith.muli %add3A_1402, %mul3A_1408 : i32
        %add3A_1410 = arith.constant 10 : i32
        %add3A_1411 = arith.addi %mul3A_1409, %add3A_1410 : i32
        %get3A_1412 = arith.index_cast %add3A_1411 : i32 to index
        %get3A_1413 = tpu.vector_load %arg9[%get3A_1412] {strides = array<i32>} : memref<3120xf32, #tpu.memory_space<vmem>>, vector<16xf32>,
        %convert_element_type3A_1414 = arith.fptosi %get3A_1413 : vector<16xf32> to vector<16xi32>
        %mul3A_1415 = arith.constant 1000 : i32
        %mul3A_1416 = vector.broadcast %mul3A_1415 : i32 to vector<16xi32>
        %mul3A_1417 = arith.muli %iota3A, %mul3A_1416 : vector<16xi32>
        %add3A_1418 = arith.addi %mul3A_1417, %convert_element_type3A_1407 : vector<16xi32>
        %sub3A_1419 = vector.broadcast %mul3A_1110 : i32 to vector<16xi32>
        %sub3A_1420 = arith.subi %add3A_1418, %sub3A_1419 : vector<16xi32>
        %add3A_1421 = arith.constant 10 : i32
        %add3A_1422 = vector.broadcast %add3A_1421 : i32 to vector<16xi32>
        %add3A_1423 = arith.addi %iota3A, %add3A_1422 : vector<16xi32>
        %mul3A_1424 = arith.constant 1000 : i32
        %mul3A_1425 = vector.broadcast %mul3A_1424 : i32 to vector<16xi32>
        %mul3A_1426 = arith.muli %add3A_1423, %mul3A_1425 : vector<16xi32>
        %add3A_1427 = arith.addi %mul3A_1426, %convert_element_type3A_1414 : vector<16xi32>
        %sub3A_1428 = vector.broadcast %mul3A_1110 : i32 to vector<16xi32>
        %sub3A_1429 = arith.subi %add3A_1427, %sub3A_1428 : vector<16xi32>
        %ge3A_1430 = arith.constant 0 : i32
        %ge3A_1431 = vector.broadcast %ge3A_1430 : i32 to vector<16xi32>
        %ge3A_1432 = arith.cmpi sge, %sub3A_1420, %ge3A_1431 : vector<16xi32>
        %lt3A_1433 = arith.constant 6400 : i32
        %lt3A_1434 = vector.broadcast %lt3A_1433 : i32 to vector<16xi32>
        %lt3A_1435 = arith.cmpi slt, %sub3A_1420, %lt3A_1434 : vector<16xi32>
        %and3A_1436 = arith.andi %ge3A_1432, %lt3A_1435 : vector<16xi1>
        %ge3A_1437 = arith.constant 0 : i32
        %ge3A_1438 = vector.broadcast %ge3A_1437 : i32 to vector<16xi32>
        %ge3A_1439 = arith.cmpi sge, %sub3A_1429, %ge3A_1438 : vector<16xi32>
        %and3A_1440 = arith.andi %ge3A_11, %ge3A_1439 : vector<16xi1>
        %lt3A_1441 = arith.constant 6400 : i32
        %lt3A_1442 = vector.broadcast %lt3A_1441 : i32 to vector<16xi32>
        %lt3A_1443 = arith.cmpi slt, %sub3A_1429, %lt3A_1442 : vector<16xi32>
        %and3A_1444 = arith.andi %and3A_1440, %lt3A_1443 : vector<16xi1>
        %broadcast_in_dim3A_1445 = arith.constant 6 : i32
        %broadcast_in_dim3A_1446 = vector.broadcast %broadcast_in_dim3A_1445 : i32 to vector<16xi32>
        tpu.vector_store_idx %arg5[%broadcast_in_dim3A_1446, %sub3A_1420], %broadcast_in_dim3A_7 masked %and3A_1436 : memref<8x6400xf32, #tpu.memory_space<vmem>>[vector<16xi32>, vector<16xi32>], vector<16xf32>, vector<16xi1>
        tpu.vector_store_idx %arg5[%broadcast_in_dim3A_1446, %sub3A_1429], %broadcast_in_dim3A_7 masked %and3A_1444 : memref<8x6400xf32, #tpu.memory_space<vmem>>[vector<16xi32>, vector<16xi32>], vector<16xf32>, vector<16xi1>
        %mul3A_1447 = arith.constant 8 : i32
        %mul3A_1448 = arith.muli %select_n3A_1092, %mul3A_1447 : i32
        %add3A_1449 = arith.constant 7 : i32
        %add3A_1450 = arith.addi %mul3A_1448, %add3A_1449 : i32
        %mul3A_1451 = arith.constant 26 : i32
        %mul3A_1452 = arith.muli %add3A_1450, %mul3A_1451 : i32
        %get3A_1453 = arith.index_cast %mul3A_1452 : i32 to index
        %get3A_1454 = tpu.vector_load %arg9[%get3A_1453] {strides = array<i32>} : memref<3120xf32, #tpu.memory_space<vmem>>, vector<16xf32>,
        %convert_element_type3A_1455 = arith.fptosi %get3A_1454 : vector<16xf32> to vector<16xi32>
        %mul3A_1456 = arith.constant 26 : i32
        %mul3A_1457 = arith.muli %add3A_1450, %mul3A_1456 : i32
        %add3A_1458 = arith.constant 10 : i32
        %add3A_1459 = arith.addi %mul3A_1457, %add3A_1458 : i32
        %get3A_1460 = arith.index_cast %add3A_1459 : i32 to index
        %get3A_1461 = tpu.vector_load %arg9[%get3A_1460] {strides = array<i32>} : memref<3120xf32, #tpu.memory_space<vmem>>, vector<16xf32>,
        %convert_element_type3A_1462 = arith.fptosi %get3A_1461 : vector<16xf32> to vector<16xi32>
        %mul3A_1463 = arith.constant 1000 : i32
        %mul3A_1464 = vector.broadcast %mul3A_1463 : i32 to vector<16xi32>
        %mul3A_1465 = arith.muli %iota3A, %mul3A_1464 : vector<16xi32>
        %add3A_1466 = arith.addi %mul3A_1465, %convert_element_type3A_1455 : vector<16xi32>
        %sub3A_1467 = vector.broadcast %mul3A_1110 : i32 to vector<16xi32>
        %sub3A_1468 = arith.subi %add3A_1466, %sub3A_1467 : vector<16xi32>
        %add3A_1469 = arith.constant 10 : i32
        %add3A_1470 = vector.broadcast %add3A_1469 : i32 to vector<16xi32>
        %add3A_1471 = arith.addi %iota3A, %add3A_1470 : vector<16xi32>
        %mul3A_1472 = arith.constant 1000 : i32
        %mul3A_1473 = vector.broadcast %mul3A_1472 : i32 to vector<16xi32>
        %mul3A_1474 = arith.muli %add3A_1471, %mul3A_1473 : vector<16xi32>
        %add3A_1475 = arith.addi %mul3A_1474, %convert_element_type3A_1462 : vector<16xi32>
        %sub3A_1476 = vector.broadcast %mul3A_1110 : i32 to vector<16xi32>
        %sub3A_1477 = arith.subi %add3A_1475, %sub3A_1476 : vector<16xi32>
        %ge3A_1478 = arith.constant 0 : i32
        %ge3A_1479 = vector.broadcast %ge3A_1478 : i32 to vector<16xi32>
        %ge3A_1480 = arith.cmpi sge, %sub3A_1468, %ge3A_1479 : vector<16xi32>
        %lt3A_1481 = arith.constant 6400 : i32
        %lt3A_1482 = vector.broadcast %lt3A_1481 : i32 to vector<16xi32>
        %lt3A_1483 = arith.cmpi slt, %sub3A_1468, %lt3A_1482 : vector<16xi32>
        %and3A_1484 = arith.andi %ge3A_1480, %lt3A_1483 : vector<16xi1>
        %ge3A_1485 = arith.constant 0 : i32
        %ge3A_1486 = vector.broadcast %ge3A_1485 : i32 to vector<16xi32>
        %ge3A_1487 = arith.cmpi sge, %sub3A_1477, %ge3A_1486 : vector<16xi32>
        %and3A_1488 = arith.andi %ge3A_11, %ge3A_1487 : vector<16xi1>
        %lt3A_1489 = arith.constant 6400 : i32
        %lt3A_1490 = vector.broadcast %lt3A_1489 : i32 to vector<16xi32>
        %lt3A_1491 = arith.cmpi slt, %sub3A_1477, %lt3A_1490 : vector<16xi32>
        %and3A_1492 = arith.andi %and3A_1488, %lt3A_1491 : vector<16xi1>
        %broadcast_in_dim3A_1493 = arith.constant 7 : i32
        %broadcast_in_dim3A_1494 = vector.broadcast %broadcast_in_dim3A_1493 : i32 to vector<16xi32>
        tpu.vector_store_idx %arg5[%broadcast_in_dim3A_1494, %sub3A_1468], %broadcast_in_dim3A_7 masked %and3A_1484 : memref<8x6400xf32, #tpu.memory_space<vmem>>[vector<16xi32>, vector<16xi32>], vector<16xf32>, vector<16xi1>
        tpu.vector_store_idx %arg5[%broadcast_in_dim3A_1494, %sub3A_1477], %broadcast_in_dim3A_7 masked %and3A_1492 : memref<8x6400xf32, #tpu.memory_space<vmem>>[vector<16xi32>, vector<16xi32>], vector<16xf32>, vector<16xi1>
      } else {
      }
      %jit3A = arith.constant 4 : i32
      %div3A = arith.divsi %add3A_72, %jit3A : i32
      %sign3A = arith.constant 0 : i32
      %sign3A_75 = arith.cmpi sgt, %add3A_72, %sign3A : i32
      %sign3A_76 = arith.extui %sign3A_75 : i1 to i32
      %sign3A_77 = arith.constant 0 : i32
      %sign3A_78 = arith.cmpi slt, %add3A_72, %sign3A_77 : i32
      %sign3A_79 = arith.extui %sign3A_78 : i1 to i32
      %sign3A_80 = arith.subi %sign3A_76, %sign3A_79 : i32
      %sign3A_81 = arith.constant 0 : i32
      %sign3A_82 = arith.cmpi sgt, %jit3A, %sign3A_81 : i32
      %sign3A_83 = arith.extui %sign3A_82 : i1 to i32
      %sign3A_84 = arith.constant 0 : i32
      %sign3A_85 = arith.cmpi slt, %jit3A, %sign3A_84 : i32
      %sign3A_86 = arith.extui %sign3A_85 : i1 to i32
      %sign3A_87 = arith.subi %sign3A_83, %sign3A_86 : i32
      %ne3A = arith.cmpi ne, %sign3A_80, %sign3A_87 : i32
      %rem3A = arith.remsi %add3A_72, %jit3A : i32
      %ne3A_88 = arith.constant 0 : i32
      %ne3A_89 = arith.cmpi ne, %rem3A, %ne3A_88 : i32
      %and3A = arith.andi %ne3A, %ne3A_89 : i1
      %sub3A = arith.constant 1 : i32
      %sub3A_90 = arith.subi %div3A, %sub3A : i32
      %select_n3A = arith.select %and3A, %sub3A_90, %div3A : i32
      %jit3A_91 = arith.constant 4 : i32
      %eq3A = arith.constant 0 : i32
      %eq3A_92 = arith.cmpi eq, %jit3A_91, %eq3A : i32
      %jit3A_93 = arith.constant 1 : i32
      %select_n3A_94 = arith.select %eq3A_92, %jit3A_93, %jit3A_91 : i32
      %rem3A_95 = arith.remsi %add3A_72, %select_n3A_94 : i32
      %ne3A_96 = arith.constant 0 : i32
      %ne3A_97 = arith.cmpi ne, %rem3A_95, %ne3A_96 : i32
      %lt3A = arith.constant 0 : i32
      %lt3A_98 = arith.cmpi slt, %rem3A_95, %lt3A : i32
      %lt3A_99 = arith.constant 0 : i32
      %lt3A_100 = arith.cmpi slt, %select_n3A_94, %lt3A_99 : i32
      %ne3A_101 = arith.xori %lt3A_98, %lt3A_100 : i1
      %and3A_102 = arith.andi %ne3A_101, %ne3A_97 : i1
      %add3A_103 = arith.addi %rem3A_95, %select_n3A_94 : i32
      %select_n3A_104 = arith.select %and3A_102, %add3A_103, %rem3A_95 : i32
      %mul3A_105 = arith.constant 6400 : i32
      %mul3A_106 = arith.muli %select_n3A_104, %mul3A_105 : i32
      %mul3A_107 = arith.constant 8 : i32
      %mul3A_108 = arith.muli %select_n3A, %mul3A_107 : i32
      %add3A_109 = arith.constant 0 : i32
      %add3A_110 = arith.addi %mul3A_108, %add3A_109 : i32
      %mul3A_111 = arith.constant 26 : i32
      %mul3A_112 = arith.muli %add3A_110, %mul3A_111 : i32
      %get3A = arith.index_cast %mul3A_112 : i32 to index
      %get3A_113 = tpu.vector_load %arg9[%get3A] {strides = array<i32>} : memref<3120xf32, #tpu.memory_space<vmem>>, vector<16xf32>,
      %convert_element_type3A_114 = arith.fptosi %get3A_113 : vector<16xf32> to vector<16xi32>
      %mul3A_115 = arith.constant 26 : i32
      %mul3A_116 = arith.muli %add3A_110, %mul3A_115 : i32
      %add3A_117 = arith.constant 10 : i32
      %add3A_118 = arith.addi %mul3A_116, %add3A_117 : i32
      %get3A_119 = arith.index_cast %add3A_118 : i32 to index
      %get3A_120 = tpu.vector_load %arg9[%get3A_119] {strides = array<i32>} : memref<3120xf32, #tpu.memory_space<vmem>>, vector<16xf32>,
      %convert_element_type3A_121 = arith.fptosi %get3A_120 : vector<16xf32> to vector<16xi32>
      %mul3A_122 = arith.constant 1000 : i32
      %mul3A_123 = vector.broadcast %mul3A_122 : i32 to vector<16xi32>
      %mul3A_124 = arith.muli %iota3A, %mul3A_123 : vector<16xi32>
      %add3A_125 = arith.addi %mul3A_124, %convert_element_type3A_114 : vector<16xi32>
      %sub3A_126 = vector.broadcast %mul3A_106 : i32 to vector<16xi32>
      %sub3A_127 = arith.subi %add3A_125, %sub3A_126 : vector<16xi32>
      %add3A_128 = arith.constant 10 : i32
      %add3A_129 = vector.broadcast %add3A_128 : i32 to vector<16xi32>
      %add3A_130 = arith.addi %iota3A, %add3A_129 : vector<16xi32>
      %mul3A_131 = arith.constant 1000 : i32
      %mul3A_132 = vector.broadcast %mul3A_131 : i32 to vector<16xi32>
      %mul3A_133 = arith.muli %add3A_130, %mul3A_132 : vector<16xi32>
      %add3A_134 = arith.addi %mul3A_133, %convert_element_type3A_121 : vector<16xi32>
      %sub3A_135 = vector.broadcast %mul3A_106 : i32 to vector<16xi32>
      %sub3A_136 = arith.subi %add3A_134, %sub3A_135 : vector<16xi32>
      %ge3A_137 = arith.constant 0 : i32
      %ge3A_138 = vector.broadcast %ge3A_137 : i32 to vector<16xi32>
      %ge3A_139 = arith.cmpi sge, %sub3A_127, %ge3A_138 : vector<16xi32>
      %lt3A_140 = arith.constant 6400 : i32
      %lt3A_141 = vector.broadcast %lt3A_140 : i32 to vector<16xi32>
      %lt3A_142 = arith.cmpi slt, %sub3A_127, %lt3A_141 : vector<16xi32>
      %and3A_143 = arith.andi %ge3A_139, %lt3A_142 : vector<16xi1>
      %ge3A_144 = arith.constant 0 : i32
      %ge3A_145 = vector.broadcast %ge3A_144 : i32 to vector<16xi32>
      %ge3A_146 = arith.cmpi sge, %sub3A_136, %ge3A_145 : vector<16xi32>
      %and3A_147 = arith.andi %ge3A_11, %ge3A_146 : vector<16xi1>
      %lt3A_148 = arith.constant 6400 : i32
      %lt3A_149 = vector.broadcast %lt3A_148 : i32 to vector<16xi32>
      %lt3A_150 = arith.cmpi slt, %sub3A_136, %lt3A_149 : vector<16xi32>
      %and3A_151 = arith.andi %and3A_147, %lt3A_150 : vector<16xi1>
      %broadcast_in_dim3A_152 = arith.constant 0 : i32
      %broadcast_in_dim3A_153 = vector.broadcast %broadcast_in_dim3A_152 : i32 to vector<16xi32>
      tpu.vector_store_idx %arg5[%broadcast_in_dim3A_153, %sub3A_127], %broadcast_in_dim3A_9 masked %and3A_143 : memref<8x6400xf32, #tpu.memory_space<vmem>>[vector<16xi32>, vector<16xi32>], vector<16xf32>, vector<16xi1>
      tpu.vector_store_idx %arg5[%broadcast_in_dim3A_153, %sub3A_136], %broadcast_in_dim3A_9 masked %and3A_151 : memref<8x6400xf32, #tpu.memory_space<vmem>>[vector<16xi32>, vector<16xi32>], vector<16xf32>, vector<16xi1>
      %mul3A_154 = arith.constant 8 : i32
      %mul3A_155 = arith.muli %select_n3A, %mul3A_154 : i32
      %add3A_156 = arith.constant 1 : i32
      %add3A_157 = arith.addi %mul3A_155, %add3A_156 : i32
      %mul3A_158 = arith.constant 26 : i32
      %mul3A_159 = arith.muli %add3A_157, %mul3A_158 : i32
      %get3A_160 = arith.index_cast %mul3A_159 : i32 to index
      %get3A_161 = tpu.vector_load %arg9[%get3A_160] {strides = array<i32>} : memref<3120xf32, #tpu.memory_space<vmem>>, vector<16xf32>,
      %convert_element_type3A_162 = arith.fptosi %get3A_161 : vector<16xf32> to vector<16xi32>
      %mul3A_163 = arith.constant 26 : i32
      %mul3A_164 = arith.muli %add3A_157, %mul3A_163 : i32
      %add3A_165 = arith.constant 10 : i32
      %add3A_166 = arith.addi %mul3A_164, %add3A_165 : i32
      %get3A_167 = arith.index_cast %add3A_166 : i32 to index
      %get3A_168 = tpu.vector_load %arg9[%get3A_167] {strides = array<i32>} : memref<3120xf32, #tpu.memory_space<vmem>>, vector<16xf32>,
      %convert_element_type3A_169 = arith.fptosi %get3A_168 : vector<16xf32> to vector<16xi32>
      %mul3A_170 = arith.constant 1000 : i32
      %mul3A_171 = vector.broadcast %mul3A_170 : i32 to vector<16xi32>
      %mul3A_172 = arith.muli %iota3A, %mul3A_171 : vector<16xi32>
      %add3A_173 = arith.addi %mul3A_172, %convert_element_type3A_162 : vector<16xi32>
      %sub3A_174 = vector.broadcast %mul3A_106 : i32 to vector<16xi32>
      %sub3A_175 = arith.subi %add3A_173, %sub3A_174 : vector<16xi32>
      %add3A_176 = arith.constant 10 : i32
      %add3A_177 = vector.broadcast %add3A_176 : i32 to vector<16xi32>
      %add3A_178 = arith.addi %iota3A, %add3A_177 : vector<16xi32>
      %mul3A_179 = arith.constant 1000 : i32
      %mul3A_180 = vector.broadcast %mul3A_179 : i32 to vector<16xi32>
      %mul3A_181 = arith.muli %add3A_178, %mul3A_180 : vector<16xi32>
      %add3A_182 = arith.addi %mul3A_181, %convert_element_type3A_169 : vector<16xi32>
      %sub3A_183 = vector.broadcast %mul3A_106 : i32 to vector<16xi32>
      %sub3A_184 = arith.subi %add3A_182, %sub3A_183 : vector<16xi32>
      %ge3A_185 = arith.constant 0 : i32
      %ge3A_186 = vector.broadcast %ge3A_185 : i32 to vector<16xi32>
      %ge3A_187 = arith.cmpi sge, %sub3A_175, %ge3A_186 : vector<16xi32>
      %lt3A_188 = arith.constant 6400 : i32
      %lt3A_189 = vector.broadcast %lt3A_188 : i32 to vector<16xi32>
      %lt3A_190 = arith.cmpi slt, %sub3A_175, %lt3A_189 : vector<16xi32>
      %and3A_191 = arith.andi %ge3A_187, %lt3A_190 : vector<16xi1>
      %ge3A_192 = arith.constant 0 : i32
      %ge3A_193 = vector.broadcast %ge3A_192 : i32 to vector<16xi32>
      %ge3A_194 = arith.cmpi sge, %sub3A_184, %ge3A_193 : vector<16xi32>
      %and3A_195 = arith.andi %ge3A_11, %ge3A_194 : vector<16xi1>
      %lt3A_196 = arith.constant 6400 : i32
      %lt3A_197 = vector.broadcast %lt3A_196 : i32 to vector<16xi32>
      %lt3A_198 = arith.cmpi slt, %sub3A_184, %lt3A_197 : vector<16xi32>
      %and3A_199 = arith.andi %and3A_195, %lt3A_198 : vector<16xi1>
      %broadcast_in_dim3A_200 = arith.constant 1 : i32
      %broadcast_in_dim3A_201 = vector.broadcast %broadcast_in_dim3A_200 : i32 to vector<16xi32>
      tpu.vector_store_idx %arg5[%broadcast_in_dim3A_201, %sub3A_175], %broadcast_in_dim3A_9 masked %and3A_191 : memref<8x6400xf32, #tpu.memory_space<vmem>>[vector<16xi32>, vector<16xi32>], vector<16xf32>, vector<16xi1>
      tpu.vector_store_idx %arg5[%broadcast_in_dim3A_201, %sub3A_184], %broadcast_in_dim3A_9 masked %and3A_199 : memref<8x6400xf32, #tpu.memory_space<vmem>>[vector<16xi32>, vector<16xi32>], vector<16xf32>, vector<16xi1>
      %mul3A_202 = arith.constant 8 : i32
      %mul3A_203 = arith.muli %select_n3A, %mul3A_202 : i32
      %add3A_204 = arith.constant 2 : i32
      %add3A_205 = arith.addi %mul3A_203, %add3A_204 : i32
      %mul3A_206 = arith.constant 26 : i32
      %mul3A_207 = arith.muli %add3A_205, %mul3A_206 : i32
      %get3A_208 = arith.index_cast %mul3A_207 : i32 to index
      %get3A_209 = tpu.vector_load %arg9[%get3A_208] {strides = array<i32>} : memref<3120xf32, #tpu.memory_space<vmem>>, vector<16xf32>,
      %convert_element_type3A_210 = arith.fptosi %get3A_209 : vector<16xf32> to vector<16xi32>
      %mul3A_211 = arith.constant 26 : i32
      %mul3A_212 = arith.muli %add3A_205, %mul3A_211 : i32
      %add3A_213 = arith.constant 10 : i32
      %add3A_214 = arith.addi %mul3A_212, %add3A_213 : i32
      %get3A_215 = arith.index_cast %add3A_214 : i32 to index
      %get3A_216 = tpu.vector_load %arg9[%get3A_215] {strides = array<i32>} : memref<3120xf32, #tpu.memory_space<vmem>>, vector<16xf32>,
      %convert_element_type3A_217 = arith.fptosi %get3A_216 : vector<16xf32> to vector<16xi32>
      %mul3A_218 = arith.constant 1000 : i32
      %mul3A_219 = vector.broadcast %mul3A_218 : i32 to vector<16xi32>
      %mul3A_220 = arith.muli %iota3A, %mul3A_219 : vector<16xi32>
      %add3A_221 = arith.addi %mul3A_220, %convert_element_type3A_210 : vector<16xi32>
      %sub3A_222 = vector.broadcast %mul3A_106 : i32 to vector<16xi32>
      %sub3A_223 = arith.subi %add3A_221, %sub3A_222 : vector<16xi32>
      %add3A_224 = arith.constant 10 : i32
      %add3A_225 = vector.broadcast %add3A_224 : i32 to vector<16xi32>
      %add3A_226 = arith.addi %iota3A, %add3A_225 : vector<16xi32>
      %mul3A_227 = arith.constant 1000 : i32
      %mul3A_228 = vector.broadcast %mul3A_227 : i32 to vector<16xi32>
      %mul3A_229 = arith.muli %add3A_226, %mul3A_228 : vector<16xi32>
      %add3A_230 = arith.addi %mul3A_229, %convert_element_type3A_217 : vector<16xi32>
      %sub3A_231 = vector.broadcast %mul3A_106 : i32 to vector<16xi32>
      %sub3A_232 = arith.subi %add3A_230, %sub3A_231 : vector<16xi32>
      %ge3A_233 = arith.constant 0 : i32
      %ge3A_234 = vector.broadcast %ge3A_233 : i32 to vector<16xi32>
      %ge3A_235 = arith.cmpi sge, %sub3A_223, %ge3A_234 : vector<16xi32>
      %lt3A_236 = arith.constant 6400 : i32
      %lt3A_237 = vector.broadcast %lt3A_236 : i32 to vector<16xi32>
      %lt3A_238 = arith.cmpi slt, %sub3A_223, %lt3A_237 : vector<16xi32>
      %and3A_239 = arith.andi %ge3A_235, %lt3A_238 : vector<16xi1>
      %ge3A_240 = arith.constant 0 : i32
      %ge3A_241 = vector.broadcast %ge3A_240 : i32 to vector<16xi32>
      %ge3A_242 = arith.cmpi sge, %sub3A_232, %ge3A_241 : vector<16xi32>
      %and3A_243 = arith.andi %ge3A_11, %ge3A_242 : vector<16xi1>
      %lt3A_244 = arith.constant 6400 : i32
      %lt3A_245 = vector.broadcast %lt3A_244 : i32 to vector<16xi32>
      %lt3A_246 = arith.cmpi slt, %sub3A_232, %lt3A_245 : vector<16xi32>
      %and3A_247 = arith.andi %and3A_243, %lt3A_246 : vector<16xi1>
      %broadcast_in_dim3A_248 = arith.constant 2 : i32
      %broadcast_in_dim3A_249 = vector.broadcast %broadcast_in_dim3A_248 : i32 to vector<16xi32>
      tpu.vector_store_idx %arg5[%broadcast_in_dim3A_249, %sub3A_223], %broadcast_in_dim3A_9 masked %and3A_239 : memref<8x6400xf32, #tpu.memory_space<vmem>>[vector<16xi32>, vector<16xi32>], vector<16xf32>, vector<16xi1>
      tpu.vector_store_idx %arg5[%broadcast_in_dim3A_249, %sub3A_232], %broadcast_in_dim3A_9 masked %and3A_247 : memref<8x6400xf32, #tpu.memory_space<vmem>>[vector<16xi32>, vector<16xi32>], vector<16xf32>, vector<16xi1>
      %mul3A_250 = arith.constant 8 : i32
      %mul3A_251 = arith.muli %select_n3A, %mul3A_250 : i32
      %add3A_252 = arith.constant 3 : i32
      %add3A_253 = arith.addi %mul3A_251, %add3A_252 : i32
      %mul3A_254 = arith.constant 26 : i32
      %mul3A_255 = arith.muli %add3A_253, %mul3A_254 : i32
      %get3A_256 = arith.index_cast %mul3A_255 : i32 to index
      %get3A_257 = tpu.vector_load %arg9[%get3A_256] {strides = array<i32>} : memref<3120xf32, #tpu.memory_space<vmem>>, vector<16xf32>,
      %convert_element_type3A_258 = arith.fptosi %get3A_257 : vector<16xf32> to vector<16xi32>
      %mul3A_259 = arith.constant 26 : i32
      %mul3A_260 = arith.muli %add3A_253, %mul3A_259 : i32
      %add3A_261 = arith.constant 10 : i32
      %add3A_262 = arith.addi %mul3A_260, %add3A_261 : i32
      %get3A_263 = arith.index_cast %add3A_262 : i32 to index
      %get3A_264 = tpu.vector_load %arg9[%get3A_263] {strides = array<i32>} : memref<3120xf32, #tpu.memory_space<vmem>>, vector<16xf32>,
      %convert_element_type3A_265 = arith.fptosi %get3A_264 : vector<16xf32> to vector<16xi32>
      %mul3A_266 = arith.constant 1000 : i32
      %mul3A_267 = vector.broadcast %mul3A_266 : i32 to vector<16xi32>
      %mul3A_268 = arith.muli %iota3A, %mul3A_267 : vector<16xi32>
      %add3A_269 = arith.addi %mul3A_268, %convert_element_type3A_258 : vector<16xi32>
      %sub3A_270 = vector.broadcast %mul3A_106 : i32 to vector<16xi32>
      %sub3A_271 = arith.subi %add3A_269, %sub3A_270 : vector<16xi32>
      %add3A_272 = arith.constant 10 : i32
      %add3A_273 = vector.broadcast %add3A_272 : i32 to vector<16xi32>
      %add3A_274 = arith.addi %iota3A, %add3A_273 : vector<16xi32>
      %mul3A_275 = arith.constant 1000 : i32
      %mul3A_276 = vector.broadcast %mul3A_275 : i32 to vector<16xi32>
      %mul3A_277 = arith.muli %add3A_274, %mul3A_276 : vector<16xi32>
      %add3A_278 = arith.addi %mul3A_277, %convert_element_type3A_265 : vector<16xi32>
      %sub3A_279 = vector.broadcast %mul3A_106 : i32 to vector<16xi32>
      %sub3A_280 = arith.subi %add3A_278, %sub3A_279 : vector<16xi32>
      %ge3A_281 = arith.constant 0 : i32
      %ge3A_282 = vector.broadcast %ge3A_281 : i32 to vector<16xi32>
      %ge3A_283 = arith.cmpi sge, %sub3A_271, %ge3A_282 : vector<16xi32>
      %lt3A_284 = arith.constant 6400 : i32
      %lt3A_285 = vector.broadcast %lt3A_284 : i32 to vector<16xi32>
      %lt3A_286 = arith.cmpi slt, %sub3A_271, %lt3A_285 : vector<16xi32>
      %and3A_287 = arith.andi %ge3A_283, %lt3A_286 : vector<16xi1>
      %ge3A_288 = arith.constant 0 : i32
      %ge3A_289 = vector.broadcast %ge3A_288 : i32 to vector<16xi32>
      %ge3A_290 = arith.cmpi sge, %sub3A_280, %ge3A_289 : vector<16xi32>
      %and3A_291 = arith.andi %ge3A_11, %ge3A_290 : vector<16xi1>
      %lt3A_292 = arith.constant 6400 : i32
      %lt3A_293 = vector.broadcast %lt3A_292 : i32 to vector<16xi32>
      %lt3A_294 = arith.cmpi slt, %sub3A_280, %lt3A_293 : vector<16xi32>
      %and3A_295 = arith.andi %and3A_291, %lt3A_294 : vector<16xi1>
      %broadcast_in_dim3A_296 = arith.constant 3 : i32
      %broadcast_in_dim3A_297 = vector.broadcast %broadcast_in_dim3A_296 : i32 to vector<16xi32>
      tpu.vector_store_idx %arg5[%broadcast_in_dim3A_297, %sub3A_271], %broadcast_in_dim3A_9 masked %and3A_287 : memref<8x6400xf32, #tpu.memory_space<vmem>>[vector<16xi32>, vector<16xi32>], vector<16xf32>, vector<16xi1>
      tpu.vector_store_idx %arg5[%broadcast_in_dim3A_297, %sub3A_280], %broadcast_in_dim3A_9 masked %and3A_295 : memref<8x6400xf32, #tpu.memory_space<vmem>>[vector<16xi32>, vector<16xi32>], vector<16xf32>, vector<16xi1>
      %mul3A_298 = arith.constant 8 : i32
      %mul3A_299 = arith.muli %select_n3A, %mul3A_298 : i32
      %add3A_300 = arith.constant 4 : i32
      %add3A_301 = arith.addi %mul3A_299, %add3A_300 : i32
      %mul3A_302 = arith.constant 26 : i32
      %mul3A_303 = arith.muli %add3A_301, %mul3A_302 : i32
      %get3A_304 = arith.index_cast %mul3A_303 : i32 to index
      %get3A_305 = tpu.vector_load %arg9[%get3A_304] {strides = array<i32>} : memref<3120xf32, #tpu.memory_space<vmem>>, vector<16xf32>,
      %convert_element_type3A_306 = arith.fptosi %get3A_305 : vector<16xf32> to vector<16xi32>
      %mul3A_307 = arith.constant 26 : i32
      %mul3A_308 = arith.muli %add3A_301, %mul3A_307 : i32
      %add3A_309 = arith.constant 10 : i32
      %add3A_310 = arith.addi %mul3A_308, %add3A_309 : i32
      %get3A_311 = arith.index_cast %add3A_310 : i32 to index
      %get3A_312 = tpu.vector_load %arg9[%get3A_311] {strides = array<i32>} : memref<3120xf32, #tpu.memory_space<vmem>>, vector<16xf32>,
      %convert_element_type3A_313 = arith.fptosi %get3A_312 : vector<16xf32> to vector<16xi32>
      %mul3A_314 = arith.constant 1000 : i32
      %mul3A_315 = vector.broadcast %mul3A_314 : i32 to vector<16xi32>
      %mul3A_316 = arith.muli %iota3A, %mul3A_315 : vector<16xi32>
      %add3A_317 = arith.addi %mul3A_316, %convert_element_type3A_306 : vector<16xi32>
      %sub3A_318 = vector.broadcast %mul3A_106 : i32 to vector<16xi32>
      %sub3A_319 = arith.subi %add3A_317, %sub3A_318 : vector<16xi32>
      %add3A_320 = arith.constant 10 : i32
      %add3A_321 = vector.broadcast %add3A_320 : i32 to vector<16xi32>
      %add3A_322 = arith.addi %iota3A, %add3A_321 : vector<16xi32>
      %mul3A_323 = arith.constant 1000 : i32
      %mul3A_324 = vector.broadcast %mul3A_323 : i32 to vector<16xi32>
      %mul3A_325 = arith.muli %add3A_322, %mul3A_324 : vector<16xi32>
      %add3A_326 = arith.addi %mul3A_325, %convert_element_type3A_313 : vector<16xi32>
      %sub3A_327 = vector.broadcast %mul3A_106 : i32 to vector<16xi32>
      %sub3A_328 = arith.subi %add3A_326, %sub3A_327 : vector<16xi32>
      %ge3A_329 = arith.constant 0 : i32
      %ge3A_330 = vector.broadcast %ge3A_329 : i32 to vector<16xi32>
      %ge3A_331 = arith.cmpi sge, %sub3A_319, %ge3A_330 : vector<16xi32>
      %lt3A_332 = arith.constant 6400 : i32
      %lt3A_333 = vector.broadcast %lt3A_332 : i32 to vector<16xi32>
      %lt3A_334 = arith.cmpi slt, %sub3A_319, %lt3A_333 : vector<16xi32>
      %and3A_335 = arith.andi %ge3A_331, %lt3A_334 : vector<16xi1>
      %ge3A_336 = arith.constant 0 : i32
      %ge3A_337 = vector.broadcast %ge3A_336 : i32 to vector<16xi32>
      %ge3A_338 = arith.cmpi sge, %sub3A_328, %ge3A_337 : vector<16xi32>
      %and3A_339 = arith.andi %ge3A_11, %ge3A_338 : vector<16xi1>
      %lt3A_340 = arith.constant 6400 : i32
      %lt3A_341 = vector.broadcast %lt3A_340 : i32 to vector<16xi32>
      %lt3A_342 = arith.cmpi slt, %sub3A_328, %lt3A_341 : vector<16xi32>
      %and3A_343 = arith.andi %and3A_339, %lt3A_342 : vector<16xi1>
      %broadcast_in_dim3A_344 = arith.constant 4 : i32
      %broadcast_in_dim3A_345 = vector.broadcast %broadcast_in_dim3A_344 : i32 to vector<16xi32>
      tpu.vector_store_idx %arg5[%broadcast_in_dim3A_345, %sub3A_319], %broadcast_in_dim3A_9 masked %and3A_335 : memref<8x6400xf32, #tpu.memory_space<vmem>>[vector<16xi32>, vector<16xi32>], vector<16xf32>, vector<16xi1>
      tpu.vector_store_idx %arg5[%broadcast_in_dim3A_345, %sub3A_328], %broadcast_in_dim3A_9 masked %and3A_343 : memref<8x6400xf32, #tpu.memory_space<vmem>>[vector<16xi32>, vector<16xi32>], vector<16xf32>, vector<16xi1>
      %mul3A_346 = arith.constant 8 : i32
      %mul3A_347 = arith.muli %select_n3A, %mul3A_346 : i32
      %add3A_348 = arith.constant 5 : i32
      %add3A_349 = arith.addi %mul3A_347, %add3A_348 : i32
      %mul3A_350 = arith.constant 26 : i32
      %mul3A_351 = arith.muli %add3A_349, %mul3A_350 : i32
      %get3A_352 = arith.index_cast %mul3A_351 : i32 to index
      %get3A_353 = tpu.vector_load %arg9[%get3A_352] {strides = array<i32>} : memref<3120xf32, #tpu.memory_space<vmem>>, vector<16xf32>,
      %convert_element_type3A_354 = arith.fptosi %get3A_353 : vector<16xf32> to vector<16xi32>
      %mul3A_355 = arith.constant 26 : i32
      %mul3A_356 = arith.muli %add3A_349, %mul3A_355 : i32
      %add3A_357 = arith.constant 10 : i32
      %add3A_358 = arith.addi %mul3A_356, %add3A_357 : i32
      %get3A_359 = arith.index_cast %add3A_358 : i32 to index
      %get3A_360 = tpu.vector_load %arg9[%get3A_359] {strides = array<i32>} : memref<3120xf32, #tpu.memory_space<vmem>>, vector<16xf32>,
      %convert_element_type3A_361 = arith.fptosi %get3A_360 : vector<16xf32> to vector<16xi32>
      %mul3A_362 = arith.constant 1000 : i32
      %mul3A_363 = vector.broadcast %mul3A_362 : i32 to vector<16xi32>
      %mul3A_364 = arith.muli %iota3A, %mul3A_363 : vector<16xi32>
      %add3A_365 = arith.addi %mul3A_364, %convert_element_type3A_354 : vector<16xi32>
      %sub3A_366 = vector.broadcast %mul3A_106 : i32 to vector<16xi32>
      %sub3A_367 = arith.subi %add3A_365, %sub3A_366 : vector<16xi32>
      %add3A_368 = arith.constant 10 : i32
      %add3A_369 = vector.broadcast %add3A_368 : i32 to vector<16xi32>
      %add3A_370 = arith.addi %iota3A, %add3A_369 : vector<16xi32>
      %mul3A_371 = arith.constant 1000 : i32
      %mul3A_372 = vector.broadcast %mul3A_371 : i32 to vector<16xi32>
      %mul3A_373 = arith.muli %add3A_370, %mul3A_372 : vector<16xi32>
      %add3A_374 = arith.addi %mul3A_373, %convert_element_type3A_361 : vector<16xi32>
      %sub3A_375 = vector.broadcast %mul3A_106 : i32 to vector<16xi32>
      %sub3A_376 = arith.subi %add3A_374, %sub3A_375 : vector<16xi32>
      %ge3A_377 = arith.constant 0 : i32
      %ge3A_378 = vector.broadcast %ge3A_377 : i32 to vector<16xi32>
      %ge3A_379 = arith.cmpi sge, %sub3A_367, %ge3A_378 : vector<16xi32>
      %lt3A_380 = arith.constant 6400 : i32
      %lt3A_381 = vector.broadcast %lt3A_380 : i32 to vector<16xi32>
      %lt3A_382 = arith.cmpi slt, %sub3A_367, %lt3A_381 : vector<16xi32>
      %and3A_383 = arith.andi %ge3A_379, %lt3A_382 : vector<16xi1>
      %ge3A_384 = arith.constant 0 : i32
      %ge3A_385 = vector.broadcast %ge3A_384 : i32 to vector<16xi32>
      %ge3A_386 = arith.cmpi sge, %sub3A_376, %ge3A_385 : vector<16xi32>
      %and3A_387 = arith.andi %ge3A_11, %ge3A_386 : vector<16xi1>
      %lt3A_388 = arith.constant 6400 : i32
      %lt3A_389 = vector.broadcast %lt3A_388 : i32 to vector<16xi32>
      %lt3A_390 = arith.cmpi slt, %sub3A_376, %lt3A_389 : vector<16xi32>
      %and3A_391 = arith.andi %and3A_387, %lt3A_390 : vector<16xi1>
      %broadcast_in_dim3A_392 = arith.constant 5 : i32
      %broadcast_in_dim3A_393 = vector.broadcast %broadcast_in_dim3A_392 : i32 to vector<16xi32>
      tpu.vector_store_idx %arg5[%broadcast_in_dim3A_393, %sub3A_367], %broadcast_in_dim3A_9 masked %and3A_383 : memref<8x6400xf32, #tpu.memory_space<vmem>>[vector<16xi32>, vector<16xi32>], vector<16xf32>, vector<16xi1>
      tpu.vector_store_idx %arg5[%broadcast_in_dim3A_393, %sub3A_376], %broadcast_in_dim3A_9 masked %and3A_391 : memref<8x6400xf32, #tpu.memory_space<vmem>>[vector<16xi32>, vector<16xi32>], vector<16xf32>, vector<16xi1>
      %mul3A_394 = arith.constant 8 : i32
      %mul3A_395 = arith.muli %select_n3A, %mul3A_394 : i32
      %add3A_396 = arith.constant 6 : i32
      %add3A_397 = arith.addi %mul3A_395, %add3A_396 : i32
      %mul3A_398 = arith.constant 26 : i32
      %mul3A_399 = arith.muli %add3A_397, %mul3A_398 : i32
      %get3A_400 = arith.index_cast %mul3A_399 : i32 to index
      %get3A_401 = tpu.vector_load %arg9[%get3A_400] {strides = array<i32>} : memref<3120xf32, #tpu.memory_space<vmem>>, vector<16xf32>,
      %convert_element_type3A_402 = arith.fptosi %get3A_401 : vector<16xf32> to vector<16xi32>
      %mul3A_403 = arith.constant 26 : i32
      %mul3A_404 = arith.muli %add3A_397, %mul3A_403 : i32
      %add3A_405 = arith.constant 10 : i32
      %add3A_406 = arith.addi %mul3A_404, %add3A_405 : i32
      %get3A_407 = arith.index_cast %add3A_406 : i32 to index
      %get3A_408 = tpu.vector_load %arg9[%get3A_407] {strides = array<i32>} : memref<3120xf32, #tpu.memory_space<vmem>>, vector<16xf32>,
      %convert_element_type3A_409 = arith.fptosi %get3A_408 : vector<16xf32> to vector<16xi32>
      %mul3A_410 = arith.constant 1000 : i32
      %mul3A_411 = vector.broadcast %mul3A_410 : i32 to vector<16xi32>
      %mul3A_412 = arith.muli %iota3A, %mul3A_411 : vector<16xi32>
      %add3A_413 = arith.addi %mul3A_412, %convert_element_type3A_402 : vector<16xi32>
      %sub3A_414 = vector.broadcast %mul3A_106 : i32 to vector<16xi32>
      %sub3A_415 = arith.subi %add3A_413, %sub3A_414 : vector<16xi32>
      %add3A_416 = arith.constant 10 : i32
      %add3A_417 = vector.broadcast %add3A_416 : i32 to vector<16xi32>
      %add3A_418 = arith.addi %iota3A, %add3A_417 : vector<16xi32>
      %mul3A_419 = arith.constant 1000 : i32
      %mul3A_420 = vector.broadcast %mul3A_419 : i32 to vector<16xi32>
      %mul3A_421 = arith.muli %add3A_418, %mul3A_420 : vector<16xi32>
      %add3A_422 = arith.addi %mul3A_421, %convert_element_type3A_409 : vector<16xi32>
      %sub3A_423 = vector.broadcast %mul3A_106 : i32 to vector<16xi32>
      %sub3A_424 = arith.subi %add3A_422, %sub3A_423 : vector<16xi32>
      %ge3A_425 = arith.constant 0 : i32
      %ge3A_426 = vector.broadcast %ge3A_425 : i32 to vector<16xi32>
      %ge3A_427 = arith.cmpi sge, %sub3A_415, %ge3A_426 : vector<16xi32>
      %lt3A_428 = arith.constant 6400 : i32
      %lt3A_429 = vector.broadcast %lt3A_428 : i32 to vector<16xi32>
      %lt3A_430 = arith.cmpi slt, %sub3A_415, %lt3A_429 : vector<16xi32>
      %and3A_431 = arith.andi %ge3A_427, %lt3A_430 : vector<16xi1>
      %ge3A_432 = arith.constant 0 : i32
      %ge3A_433 = vector.broadcast %ge3A_432 : i32 to vector<16xi32>
      %ge3A_434 = arith.cmpi sge, %sub3A_424, %ge3A_433 : vector<16xi32>
      %and3A_435 = arith.andi %ge3A_11, %ge3A_434 : vector<16xi1>
      %lt3A_436 = arith.constant 6400 : i32
      %lt3A_437 = vector.broadcast %lt3A_436 : i32 to vector<16xi32>
      %lt3A_438 = arith.cmpi slt, %sub3A_424, %lt3A_437 : vector<16xi32>
      %and3A_439 = arith.andi %and3A_435, %lt3A_438 : vector<16xi1>
      %broadcast_in_dim3A_440 = arith.constant 6 : i32
      %broadcast_in_dim3A_441 = vector.broadcast %broadcast_in_dim3A_440 : i32 to vector<16xi32>
      tpu.vector_store_idx %arg5[%broadcast_in_dim3A_441, %sub3A_415], %broadcast_in_dim3A_9 masked %and3A_431 : memref<8x6400xf32, #tpu.memory_space<vmem>>[vector<16xi32>, vector<16xi32>], vector<16xf32>, vector<16xi1>
      tpu.vector_store_idx %arg5[%broadcast_in_dim3A_441, %sub3A_424], %broadcast_in_dim3A_9 masked %and3A_439 : memref<8x6400xf32, #tpu.memory_space<vmem>>[vector<16xi32>, vector<16xi32>], vector<16xf32>, vector<16xi1>
      %mul3A_442 = arith.constant 8 : i32
      %mul3A_443 = arith.muli %select_n3A, %mul3A_442 : i32
      %add3A_444 = arith.constant 7 : i32
      %add3A_445 = arith.addi %mul3A_443, %add3A_444 : i32
      %mul3A_446 = arith.constant 26 : i32
      %mul3A_447 = arith.muli %add3A_445, %mul3A_446 : i32
      %get3A_448 = arith.index_cast %mul3A_447 : i32 to index
      %get3A_449 = tpu.vector_load %arg9[%get3A_448] {strides = array<i32>} : memref<3120xf32, #tpu.memory_space<vmem>>, vector<16xf32>,
      %convert_element_type3A_450 = arith.fptosi %get3A_449 : vector<16xf32> to vector<16xi32>
      %mul3A_451 = arith.constant 26 : i32
      %mul3A_452 = arith.muli %add3A_445, %mul3A_451 : i32
      %add3A_453 = arith.constant 10 : i32
      %add3A_454 = arith.addi %mul3A_452, %add3A_453 : i32
      %get3A_455 = arith.index_cast %add3A_454 : i32 to index
      %get3A_456 = tpu.vector_load %arg9[%get3A_455] {strides = array<i32>} : memref<3120xf32, #tpu.memory_space<vmem>>, vector<16xf32>,
      %convert_element_type3A_457 = arith.fptosi %get3A_456 : vector<16xf32> to vector<16xi32>
      %mul3A_458 = arith.constant 1000 : i32
      %mul3A_459 = vector.broadcast %mul3A_458 : i32 to vector<16xi32>
      %mul3A_460 = arith.muli %iota3A, %mul3A_459 : vector<16xi32>
      %add3A_461 = arith.addi %mul3A_460, %convert_element_type3A_450 : vector<16xi32>
      %sub3A_462 = vector.broadcast %mul3A_106 : i32 to vector<16xi32>
      %sub3A_463 = arith.subi %add3A_461, %sub3A_462 : vector<16xi32>
      %add3A_464 = arith.constant 10 : i32
      %add3A_465 = vector.broadcast %add3A_464 : i32 to vector<16xi32>
      %add3A_466 = arith.addi %iota3A, %add3A_465 : vector<16xi32>
      %mul3A_467 = arith.constant 1000 : i32
      %mul3A_468 = vector.broadcast %mul3A_467 : i32 to vector<16xi32>
      %mul3A_469 = arith.muli %add3A_466, %mul3A_468 : vector<16xi32>
      %add3A_470 = arith.addi %mul3A_469, %convert_element_type3A_457 : vector<16xi32>
      %sub3A_471 = vector.broadcast %mul3A_106 : i32 to vector<16xi32>
      %sub3A_472 = arith.subi %add3A_470, %sub3A_471 : vector<16xi32>
      %ge3A_473 = arith.constant 0 : i32
      %ge3A_474 = vector.broadcast %ge3A_473 : i32 to vector<16xi32>
      %ge3A_475 = arith.cmpi sge, %sub3A_463, %ge3A_474 : vector<16xi32>
      %lt3A_476 = arith.constant 6400 : i32
      %lt3A_477 = vector.broadcast %lt3A_476 : i32 to vector<16xi32>
      %lt3A_478 = arith.cmpi slt, %sub3A_463, %lt3A_477 : vector<16xi32>
      %and3A_479 = arith.andi %ge3A_475, %lt3A_478 : vector<16xi1>
      %ge3A_480 = arith.constant 0 : i32
      %ge3A_481 = vector.broadcast %ge3A_480 : i32 to vector<16xi32>
      %ge3A_482 = arith.cmpi sge, %sub3A_472, %ge3A_481 : vector<16xi32>
      %and3A_483 = arith.andi %ge3A_11, %ge3A_482 : vector<16xi1>
      %lt3A_484 = arith.constant 6400 : i32
      %lt3A_485 = vector.broadcast %lt3A_484 : i32 to vector<16xi32>
      %lt3A_486 = arith.cmpi slt, %sub3A_472, %lt3A_485 : vector<16xi32>
      %and3A_487 = arith.andi %and3A_483, %lt3A_486 : vector<16xi1>
      %broadcast_in_dim3A_488 = arith.constant 7 : i32
      %broadcast_in_dim3A_489 = vector.broadcast %broadcast_in_dim3A_488 : i32 to vector<16xi32>
      tpu.vector_store_idx %arg5[%broadcast_in_dim3A_489, %sub3A_463], %broadcast_in_dim3A_9 masked %and3A_479 : memref<8x6400xf32, #tpu.memory_space<vmem>>[vector<16xi32>, vector<16xi32>], vector<16xf32>, vector<16xi1>
      tpu.vector_store_idx %arg5[%broadcast_in_dim3A_489, %sub3A_472], %broadcast_in_dim3A_9 masked %and3A_487 : memref<8x6400xf32, #tpu.memory_space<vmem>>[vector<16xi32>, vector<16xi32>], vector<16xf32>, vector<16xi1>
      %jit3A_490 = arith.constant 4 : i32
      %div3A_491 = arith.divsi %add3A_72, %jit3A_490 : i32
      %sign3A_492 = arith.constant 0 : i32
      %sign3A_493 = arith.cmpi sgt, %add3A_72, %sign3A_492 : i32
      %sign3A_494 = arith.extui %sign3A_493 : i1 to i32
      %sign3A_495 = arith.constant 0 : i32
      %sign3A_496 = arith.cmpi slt, %add3A_72, %sign3A_495 : i32
      %sign3A_497 = arith.extui %sign3A_496 : i1 to i32
      %sign3A_498 = arith.subi %sign3A_494, %sign3A_497 : i32
      %sign3A_499 = arith.constant 0 : i32
      %sign3A_500 = arith.cmpi sgt, %jit3A_490, %sign3A_499 : i32
      %sign3A_501 = arith.extui %sign3A_500 : i1 to i32
      %sign3A_502 = arith.constant 0 : i32
      %sign3A_503 = arith.cmpi slt, %jit3A_490, %sign3A_502 : i32
      %sign3A_504 = arith.extui %sign3A_503 : i1 to i32
      %sign3A_505 = arith.subi %sign3A_501, %sign3A_504 : i32
      %ne3A_506 = arith.cmpi ne, %sign3A_498, %sign3A_505 : i32
      %rem3A_507 = arith.remsi %add3A_72, %jit3A_490 : i32
      %ne3A_508 = arith.constant 0 : i32
      %ne3A_509 = arith.cmpi ne, %rem3A_507, %ne3A_508 : i32
      %and3A_510 = arith.andi %ne3A_506, %ne3A_509 : i1
      %sub3A_511 = arith.constant 1 : i32
      %sub3A_512 = arith.subi %div3A_491, %sub3A_511 : i32
      %select_n3A_513 = arith.select %and3A_510, %sub3A_512, %div3A_491 : i32
      %jit3A_514 = arith.constant 4 : i32
      %eq3A_515 = arith.constant 0 : i32
      %eq3A_516 = arith.cmpi eq, %jit3A_514, %eq3A_515 : i32
      %jit3A_517 = arith.constant 1 : i32
      %select_n3A_518 = arith.select %eq3A_516, %jit3A_517, %jit3A_514 : i32
      %rem3A_519 = arith.remsi %add3A_72, %select_n3A_518 : i32
      %ne3A_520 = arith.constant 0 : i32
      %ne3A_521 = arith.cmpi ne, %rem3A_519, %ne3A_520 : i32
      %lt3A_522 = arith.constant 0 : i32
      %lt3A_523 = arith.cmpi slt, %rem3A_519, %lt3A_522 : i32
      %lt3A_524 = arith.constant 0 : i32
      %lt3A_525 = arith.cmpi slt, %select_n3A_518, %lt3A_524 : i32
      %ne3A_526 = arith.xori %lt3A_523, %lt3A_525 : i1
      %and3A_527 = arith.andi %ne3A_526, %ne3A_521 : i1
      %add3A_528 = arith.addi %rem3A_519, %select_n3A_518 : i32
      %select_n3A_529 = arith.select %and3A_527, %add3A_528, %rem3A_519 : i32
      %mul3A_530 = arith.constant 8 : i32
      %mul3A_531 = arith.muli %select_n3A_513, %mul3A_530 : i32
      %add3A_532 = arith.addi %add3A_38, %mul3A_531 : i32
      %mul3A_533 = arith.constant 6400 : i32
      %mul3A_534 = arith.muli %select_n3A_529, %mul3A_533 : i32
      %dma_start3A = tpu.memref_slice %arg3[%add3A_532, %mul3A_534] : memref<4096x26000xf32, #tpu.memory_space<hbm>> -> memref<8x6400xf32, #tpu.memory_space<hbm>>
      %dma_start3A_535 = tpu.memref_slice %arg3[%add3A_532, %mul3A_534] : memref<4096x26000xf32, #tpu.memory_space<hbm>> -> memref<8x6400xf32, #tpu.memory_space<hbm>>
      tpu.enqueue_dma source(%arg5 : memref<8x6400xf32, #tpu.memory_space<vmem>>) target(%dma_start3A_535 : memref<8x6400xf32, #tpu.memory_space<hbm>>) target_semaphore(%arg10 : memref<!tpu.dma_semaphore, #tpu.memory_space<semaphore_mem>>)
      %mul3A_536 = arith.constant 2 : i32
      %mul3A_537 = arith.muli %scan3A_68, %mul3A_536 : i32
      %add3A_538 = arith.constant 1 : i32
      %add3A_539 = arith.addi %mul3A_537, %add3A_538 : i32
      %gt3A_540 = arith.constant 0 : i32
      %gt3A_541 = arith.cmpi sgt, %scan3A_68, %gt3A_540 : i32
      %convert_element_type3A_542 = arith.extui %gt3A_541 : i1 to i32
      %cond3A_543 = arith.constant 0 : i32
      %cond3A_544 = arith.cmpi ne, %convert_element_type3A_542, %cond3A_543 : i32
      scf.if %cond3A_544 {
        %sub3A_1018 = arith.constant 2 : i32
        %sub3A_1019 = arith.subi %add3A_539, %sub3A_1018 : i32
        %jit3A_1020 = arith.constant 4 : i32
        %div3A_1021 = arith.divsi %sub3A_1019, %jit3A_1020 : i32
        %sign3A_1022 = arith.constant 0 : i32
        %sign3A_1023 = arith.cmpi sgt, %sub3A_1019, %sign3A_1022 : i32
        %sign3A_1024 = arith.extui %sign3A_1023 : i1 to i32
        %sign3A_1025 = arith.constant 0 : i32
        %sign3A_1026 = arith.cmpi slt, %sub3A_1019, %sign3A_1025 : i32
        %sign3A_1027 = arith.extui %sign3A_1026 : i1 to i32
        %sign3A_1028 = arith.subi %sign3A_1024, %sign3A_1027 : i32
        %sign3A_1029 = arith.constant 0 : i32
        %sign3A_1030 = arith.cmpi sgt, %jit3A_1020, %sign3A_1029 : i32
        %sign3A_1031 = arith.extui %sign3A_1030 : i1 to i32
        %sign3A_1032 = arith.constant 0 : i32
        %sign3A_1033 = arith.cmpi slt, %jit3A_1020, %sign3A_1032 : i32
        %sign3A_1034 = arith.extui %sign3A_1033 : i1 to i32
        %sign3A_1035 = arith.subi %sign3A_1031, %sign3A_1034 : i32
        %ne3A_1036 = arith.cmpi ne, %sign3A_1028, %sign3A_1035 : i32
        %rem3A_1037 = arith.remsi %sub3A_1019, %jit3A_1020 : i32
        %ne3A_1038 = arith.constant 0 : i32
        %ne3A_1039 = arith.cmpi ne, %rem3A_1037, %ne3A_1038 : i32
        %and3A_1040 = arith.andi %ne3A_1036, %ne3A_1039 : i1
        %sub3A_1041 = arith.constant 1 : i32
        %sub3A_1042 = arith.subi %div3A_1021, %sub3A_1041 : i32
        %select_n3A_1043 = arith.select %and3A_1040, %sub3A_1042, %div3A_1021 : i32
        %jit3A_1044 = arith.constant 4 : i32
        %eq3A_1045 = arith.constant 0 : i32
        %eq3A_1046 = arith.cmpi eq, %jit3A_1044, %eq3A_1045 : i32
        %jit3A_1047 = arith.constant 1 : i32
        %select_n3A_1048 = arith.select %eq3A_1046, %jit3A_1047, %jit3A_1044 : i32
        %rem3A_1049 = arith.remsi %sub3A_1019, %select_n3A_1048 : i32
        %ne3A_1050 = arith.constant 0 : i32
        %ne3A_1051 = arith.cmpi ne, %rem3A_1049, %ne3A_1050 : i32
        %lt3A_1052 = arith.constant 0 : i32
        %lt3A_1053 = arith.cmpi slt, %rem3A_1049, %lt3A_1052 : i32
        %lt3A_1054 = arith.constant 0 : i32
        %lt3A_1055 = arith.cmpi slt, %select_n3A_1048, %lt3A_1054 : i32
        %ne3A_1056 = arith.xori %lt3A_1053, %lt3A_1055 : i1
        %and3A_1057 = arith.andi %ne3A_1056, %ne3A_1051 : i1
        %add3A_1058 = arith.addi %rem3A_1049, %select_n3A_1048 : i32
        %select_n3A_1059 = arith.select %and3A_1057, %add3A_1058, %rem3A_1049 : i32
        %mul3A_1060 = arith.constant 8 : i32
        %mul3A_1061 = arith.muli %select_n3A_1043, %mul3A_1060 : i32
        %add3A_1062 = arith.addi %add3A_38, %mul3A_1061 : i32
        %mul3A_1063 = arith.constant 6400 : i32
        %mul3A_1064 = arith.muli %select_n3A_1059, %mul3A_1063 : i32
        %dma_wait3A_1065 = tpu.memref_slice %arg3[%add3A_1062, %mul3A_1064] : memref<4096x26000xf32, #tpu.memory_space<hbm>> -> memref<8x6400xf32, #tpu.memory_space<hbm>>
        %dma_wait3A_1066 = tpu.memref_slice %arg3[%add3A_1062, %mul3A_1064] : memref<4096x26000xf32, #tpu.memory_space<hbm>> -> memref<8x6400xf32, #tpu.memory_space<hbm>>
        tpu.wait_dma2 semaphore(%arg11 : memref<!tpu.dma_semaphore, #tpu.memory_space<semaphore_mem>>) src(%arg6 : memref<8x6400xf32, #tpu.memory_space<vmem>>) dst(%dma_wait3A_1066 : memref<8x6400xf32, #tpu.memory_space<hbm>>)
        %sub3A_1067 = arith.constant 2 : i32
        %sub3A_1068 = arith.subi %add3A_539, %sub3A_1067 : i32
        %jit3A_1069 = arith.constant 4 : i32
        %div3A_1070 = arith.divsi %sub3A_1068, %jit3A_1069 : i32
        %sign3A_1071 = arith.constant 0 : i32
        %sign3A_1072 = arith.cmpi sgt, %sub3A_1068, %sign3A_1071 : i32
        %sign3A_1073 = arith.extui %sign3A_1072 : i1 to i32
        %sign3A_1074 = arith.constant 0 : i32
        %sign3A_1075 = arith.cmpi slt, %sub3A_1068, %sign3A_1074 : i32
        %sign3A_1076 = arith.extui %sign3A_1075 : i1 to i32
        %sign3A_1077 = arith.subi %sign3A_1073, %sign3A_1076 : i32
        %sign3A_1078 = arith.constant 0 : i32
        %sign3A_1079 = arith.cmpi sgt, %jit3A_1069, %sign3A_1078 : i32
        %sign3A_1080 = arith.extui %sign3A_1079 : i1 to i32
        %sign3A_1081 = arith.constant 0 : i32
        %sign3A_1082 = arith.cmpi slt, %jit3A_1069, %sign3A_1081 : i32
        %sign3A_1083 = arith.extui %sign3A_1082 : i1 to i32
        %sign3A_1084 = arith.subi %sign3A_1080, %sign3A_1083 : i32
        %ne3A_1085 = arith.cmpi ne, %sign3A_1077, %sign3A_1084 : i32
        %rem3A_1086 = arith.remsi %sub3A_1068, %jit3A_1069 : i32
        %ne3A_1087 = arith.constant 0 : i32
        %ne3A_1088 = arith.cmpi ne, %rem3A_1086, %ne3A_1087 : i32
        %and3A_1089 = arith.andi %ne3A_1085, %ne3A_1088 : i1
        %sub3A_1090 = arith.constant 1 : i32
        %sub3A_1091 = arith.subi %div3A_1070, %sub3A_1090 : i32
        %select_n3A_1092 = arith.select %and3A_1089, %sub3A_1091, %div3A_1070 : i32
        %jit3A_1093 = arith.constant 4 : i32
        %eq3A_1094 = arith.constant 0 : i32
        %eq3A_1095 = arith.cmpi eq, %jit3A_1093, %eq3A_1094 : i32
        %jit3A_1096 = arith.constant 1 : i32
        %select_n3A_1097 = arith.select %eq3A_1095, %jit3A_1096, %jit3A_1093 : i32
        %rem3A_1098 = arith.remsi %sub3A_1068, %select_n3A_1097 : i32
        %ne3A_1099 = arith.constant 0 : i32
        %ne3A_1100 = arith.cmpi ne, %rem3A_1098, %ne3A_1099 : i32
        %lt3A_1101 = arith.constant 0 : i32
        %lt3A_1102 = arith.cmpi slt, %rem3A_1098, %lt3A_1101 : i32
        %lt3A_1103 = arith.constant 0 : i32
        %lt3A_1104 = arith.cmpi slt, %select_n3A_1097, %lt3A_1103 : i32
        %ne3A_1105 = arith.xori %lt3A_1102, %lt3A_1104 : i1
        %and3A_1106 = arith.andi %ne3A_1105, %ne3A_1100 : i1
        %add3A_1107 = arith.addi %rem3A_1098, %select_n3A_1097 : i32
        %select_n3A_1108 = arith.select %and3A_1106, %add3A_1107, %rem3A_1098 : i32
        %mul3A_1109 = arith.constant 6400 : i32
        %mul3A_1110 = arith.muli %select_n3A_1108, %mul3A_1109 : i32
        %mul3A_1111 = arith.constant 8 : i32
        %mul3A_1112 = arith.muli %select_n3A_1092, %mul3A_1111 : i32
        %add3A_1113 = arith.constant 0 : i32
        %add3A_1114 = arith.addi %mul3A_1112, %add3A_1113 : i32
        %mul3A_1115 = arith.constant 26 : i32
        %mul3A_1116 = arith.muli %add3A_1114, %mul3A_1115 : i32
        %get3A_1117 = arith.index_cast %mul3A_1116 : i32 to index
        %get3A_1118 = tpu.vector_load %arg9[%get3A_1117] {strides = array<i32>} : memref<3120xf32, #tpu.memory_space<vmem>>, vector<16xf32>,
        %convert_element_type3A_1119 = arith.fptosi %get3A_1118 : vector<16xf32> to vector<16xi32>
        %mul3A_1120 = arith.constant 26 : i32
        %mul3A_1121 = arith.muli %add3A_1114, %mul3A_1120 : i32
        %add3A_1122 = arith.constant 10 : i32
        %add3A_1123 = arith.addi %mul3A_1121, %add3A_1122 : i32
        %get3A_1124 = arith.index_cast %add3A_1123 : i32 to index
        %get3A_1125 = tpu.vector_load %arg9[%get3A_1124] {strides = array<i32>} : memref<3120xf32, #tpu.memory_space<vmem>>, vector<16xf32>,
        %convert_element_type3A_1126 = arith.fptosi %get3A_1125 : vector<16xf32> to vector<16xi32>
        %mul3A_1127 = arith.constant 1000 : i32
        %mul3A_1128 = vector.broadcast %mul3A_1127 : i32 to vector<16xi32>
        %mul3A_1129 = arith.muli %iota3A, %mul3A_1128 : vector<16xi32>
        %add3A_1130 = arith.addi %mul3A_1129, %convert_element_type3A_1119 : vector<16xi32>
        %sub3A_1131 = vector.broadcast %mul3A_1110 : i32 to vector<16xi32>
        %sub3A_1132 = arith.subi %add3A_1130, %sub3A_1131 : vector<16xi32>
        %add3A_1133 = arith.constant 10 : i32
        %add3A_1134 = vector.broadcast %add3A_1133 : i32 to vector<16xi32>
        %add3A_1135 = arith.addi %iota3A, %add3A_1134 : vector<16xi32>
        %mul3A_1136 = arith.constant 1000 : i32
        %mul3A_1137 = vector.broadcast %mul3A_1136 : i32 to vector<16xi32>
        %mul3A_1138 = arith.muli %add3A_1135, %mul3A_1137 : vector<16xi32>
        %add3A_1139 = arith.addi %mul3A_1138, %convert_element_type3A_1126 : vector<16xi32>
        %sub3A_1140 = vector.broadcast %mul3A_1110 : i32 to vector<16xi32>
        %sub3A_1141 = arith.subi %add3A_1139, %sub3A_1140 : vector<16xi32>
        %ge3A_1142 = arith.constant 0 : i32
        %ge3A_1143 = vector.broadcast %ge3A_1142 : i32 to vector<16xi32>
        %ge3A_1144 = arith.cmpi sge, %sub3A_1132, %ge3A_1143 : vector<16xi32>
        %lt3A_1145 = arith.constant 6400 : i32
        %lt3A_1146 = vector.broadcast %lt3A_1145 : i32 to vector<16xi32>
        %lt3A_1147 = arith.cmpi slt, %sub3A_1132, %lt3A_1146 : vector<16xi32>
        %and3A_1148 = arith.andi %ge3A_1144, %lt3A_1147 : vector<16xi1>
        %ge3A_1149 = arith.constant 0 : i32
        %ge3A_1150 = vector.broadcast %ge3A_1149 : i32 to vector<16xi32>
        %ge3A_1151 = arith.cmpi sge, %sub3A_1141, %ge3A_1150 : vector<16xi32>
        %and3A_1152 = arith.andi %ge3A_11, %ge3A_1151 : vector<16xi1>
        %lt3A_1153 = arith.constant 6400 : i32
        %lt3A_1154 = vector.broadcast %lt3A_1153 : i32 to vector<16xi32>
        %lt3A_1155 = arith.cmpi slt, %sub3A_1141, %lt3A_1154 : vector<16xi32>
        %and3A_1156 = arith.andi %and3A_1152, %lt3A_1155 : vector<16xi1>
        %broadcast_in_dim3A_1157 = arith.constant 0 : i32
        %broadcast_in_dim3A_1158 = vector.broadcast %broadcast_in_dim3A_1157 : i32 to vector<16xi32>
        tpu.vector_store_idx %arg6[%broadcast_in_dim3A_1158, %sub3A_1132], %broadcast_in_dim3A_7 masked %and3A_1148 : memref<8x6400xf32, #tpu.memory_space<vmem>>[vector<16xi32>, vector<16xi32>], vector<16xf32>, vector<16xi1>
        tpu.vector_store_idx %arg6[%broadcast_in_dim3A_1158, %sub3A_1141], %broadcast_in_dim3A_7 masked %and3A_1156 : memref<8x6400xf32, #tpu.memory_space<vmem>>[vector<16xi32>, vector<16xi32>], vector<16xf32>, vector<16xi1>
        %mul3A_1159 = arith.constant 8 : i32
        %mul3A_1160 = arith.muli %select_n3A_1092, %mul3A_1159 : i32
        %add3A_1161 = arith.constant 1 : i32
        %add3A_1162 = arith.addi %mul3A_1160, %add3A_1161 : i32
        %mul3A_1163 = arith.constant 26 : i32
        %mul3A_1164 = arith.muli %add3A_1162, %mul3A_1163 : i32
        %get3A_1165 = arith.index_cast %mul3A_1164 : i32 to index
        %get3A_1166 = tpu.vector_load %arg9[%get3A_1165] {strides = array<i32>} : memref<3120xf32, #tpu.memory_space<vmem>>, vector<16xf32>,
        %convert_element_type3A_1167 = arith.fptosi %get3A_1166 : vector<16xf32> to vector<16xi32>
        %mul3A_1168 = arith.constant 26 : i32
        %mul3A_1169 = arith.muli %add3A_1162, %mul3A_1168 : i32
        %add3A_1170 = arith.constant 10 : i32
        %add3A_1171 = arith.addi %mul3A_1169, %add3A_1170 : i32
        %get3A_1172 = arith.index_cast %add3A_1171 : i32 to index
        %get3A_1173 = tpu.vector_load %arg9[%get3A_1172] {strides = array<i32>} : memref<3120xf32, #tpu.memory_space<vmem>>, vector<16xf32>,
        %convert_element_type3A_1174 = arith.fptosi %get3A_1173 : vector<16xf32> to vector<16xi32>
        %mul3A_1175 = arith.constant 1000 : i32
        %mul3A_1176 = vector.broadcast %mul3A_1175 : i32 to vector<16xi32>
        %mul3A_1177 = arith.muli %iota3A, %mul3A_1176 : vector<16xi32>
        %add3A_1178 = arith.addi %mul3A_1177, %convert_element_type3A_1167 : vector<16xi32>
        %sub3A_1179 = vector.broadcast %mul3A_1110 : i32 to vector<16xi32>
        %sub3A_1180 = arith.subi %add3A_1178, %sub3A_1179 : vector<16xi32>
        %add3A_1181 = arith.constant 10 : i32
        %add3A_1182 = vector.broadcast %add3A_1181 : i32 to vector<16xi32>
        %add3A_1183 = arith.addi %iota3A, %add3A_1182 : vector<16xi32>
        %mul3A_1184 = arith.constant 1000 : i32
        %mul3A_1185 = vector.broadcast %mul3A_1184 : i32 to vector<16xi32>
        %mul3A_1186 = arith.muli %add3A_1183, %mul3A_1185 : vector<16xi32>
        %add3A_1187 = arith.addi %mul3A_1186, %convert_element_type3A_1174 : vector<16xi32>
        %sub3A_1188 = vector.broadcast %mul3A_1110 : i32 to vector<16xi32>
        %sub3A_1189 = arith.subi %add3A_1187, %sub3A_1188 : vector<16xi32>
        %ge3A_1190 = arith.constant 0 : i32
        %ge3A_1191 = vector.broadcast %ge3A_1190 : i32 to vector<16xi32>
        %ge3A_1192 = arith.cmpi sge, %sub3A_1180, %ge3A_1191 : vector<16xi32>
        %lt3A_1193 = arith.constant 6400 : i32
        %lt3A_1194 = vector.broadcast %lt3A_1193 : i32 to vector<16xi32>
        %lt3A_1195 = arith.cmpi slt, %sub3A_1180, %lt3A_1194 : vector<16xi32>
        %and3A_1196 = arith.andi %ge3A_1192, %lt3A_1195 : vector<16xi1>
        %ge3A_1197 = arith.constant 0 : i32
        %ge3A_1198 = vector.broadcast %ge3A_1197 : i32 to vector<16xi32>
        %ge3A_1199 = arith.cmpi sge, %sub3A_1189, %ge3A_1198 : vector<16xi32>
        %and3A_1200 = arith.andi %ge3A_11, %ge3A_1199 : vector<16xi1>
        %lt3A_1201 = arith.constant 6400 : i32
        %lt3A_1202 = vector.broadcast %lt3A_1201 : i32 to vector<16xi32>
        %lt3A_1203 = arith.cmpi slt, %sub3A_1189, %lt3A_1202 : vector<16xi32>
        %and3A_1204 = arith.andi %and3A_1200, %lt3A_1203 : vector<16xi1>
        %broadcast_in_dim3A_1205 = arith.constant 1 : i32
        %broadcast_in_dim3A_1206 = vector.broadcast %broadcast_in_dim3A_1205 : i32 to vector<16xi32>
        tpu.vector_store_idx %arg6[%broadcast_in_dim3A_1206, %sub3A_1180], %broadcast_in_dim3A_7 masked %and3A_1196 : memref<8x6400xf32, #tpu.memory_space<vmem>>[vector<16xi32>, vector<16xi32>], vector<16xf32>, vector<16xi1>
        tpu.vector_store_idx %arg6[%broadcast_in_dim3A_1206, %sub3A_1189], %broadcast_in_dim3A_7 masked %and3A_1204 : memref<8x6400xf32, #tpu.memory_space<vmem>>[vector<16xi32>, vector<16xi32>], vector<16xf32>, vector<16xi1>
        %mul3A_1207 = arith.constant 8 : i32
        %mul3A_1208 = arith.muli %select_n3A_1092, %mul3A_1207 : i32
        %add3A_1209 = arith.constant 2 : i32
        %add3A_1210 = arith.addi %mul3A_1208, %add3A_1209 : i32
        %mul3A_1211 = arith.constant 26 : i32
        %mul3A_1212 = arith.muli %add3A_1210, %mul3A_1211 : i32
        %get3A_1213 = arith.index_cast %mul3A_1212 : i32 to index
        %get3A_1214 = tpu.vector_load %arg9[%get3A_1213] {strides = array<i32>} : memref<3120xf32, #tpu.memory_space<vmem>>, vector<16xf32>,
        %convert_element_type3A_1215 = arith.fptosi %get3A_1214 : vector<16xf32> to vector<16xi32>
        %mul3A_1216 = arith.constant 26 : i32
        %mul3A_1217 = arith.muli %add3A_1210, %mul3A_1216 : i32
        %add3A_1218 = arith.constant 10 : i32
        %add3A_1219 = arith.addi %mul3A_1217, %add3A_1218 : i32
        %get3A_1220 = arith.index_cast %add3A_1219 : i32 to index
        %get3A_1221 = tpu.vector_load %arg9[%get3A_1220] {strides = array<i32>} : memref<3120xf32, #tpu.memory_space<vmem>>, vector<16xf32>,
        %convert_element_type3A_1222 = arith.fptosi %get3A_1221 : vector<16xf32> to vector<16xi32>
        %mul3A_1223 = arith.constant 1000 : i32
        %mul3A_1224 = vector.broadcast %mul3A_1223 : i32 to vector<16xi32>
        %mul3A_1225 = arith.muli %iota3A, %mul3A_1224 : vector<16xi32>
        %add3A_1226 = arith.addi %mul3A_1225, %convert_element_type3A_1215 : vector<16xi32>
        %sub3A_1227 = vector.broadcast %mul3A_1110 : i32 to vector<16xi32>
        %sub3A_1228 = arith.subi %add3A_1226, %sub3A_1227 : vector<16xi32>
        %add3A_1229 = arith.constant 10 : i32
        %add3A_1230 = vector.broadcast %add3A_1229 : i32 to vector<16xi32>
        %add3A_1231 = arith.addi %iota3A, %add3A_1230 : vector<16xi32>
        %mul3A_1232 = arith.constant 1000 : i32
        %mul3A_1233 = vector.broadcast %mul3A_1232 : i32 to vector<16xi32>
        %mul3A_1234 = arith.muli %add3A_1231, %mul3A_1233 : vector<16xi32>
        %add3A_1235 = arith.addi %mul3A_1234, %convert_element_type3A_1222 : vector<16xi32>
        %sub3A_1236 = vector.broadcast %mul3A_1110 : i32 to vector<16xi32>
        %sub3A_1237 = arith.subi %add3A_1235, %sub3A_1236 : vector<16xi32>
        %ge3A_1238 = arith.constant 0 : i32
        %ge3A_1239 = vector.broadcast %ge3A_1238 : i32 to vector<16xi32>
        %ge3A_1240 = arith.cmpi sge, %sub3A_1228, %ge3A_1239 : vector<16xi32>
        %lt3A_1241 = arith.constant 6400 : i32
        %lt3A_1242 = vector.broadcast %lt3A_1241 : i32 to vector<16xi32>
        %lt3A_1243 = arith.cmpi slt, %sub3A_1228, %lt3A_1242 : vector<16xi32>
        %and3A_1244 = arith.andi %ge3A_1240, %lt3A_1243 : vector<16xi1>
        %ge3A_1245 = arith.constant 0 : i32
        %ge3A_1246 = vector.broadcast %ge3A_1245 : i32 to vector<16xi32>
        %ge3A_1247 = arith.cmpi sge, %sub3A_1237, %ge3A_1246 : vector<16xi32>
        %and3A_1248 = arith.andi %ge3A_11, %ge3A_1247 : vector<16xi1>
        %lt3A_1249 = arith.constant 6400 : i32
        %lt3A_1250 = vector.broadcast %lt3A_1249 : i32 to vector<16xi32>
        %lt3A_1251 = arith.cmpi slt, %sub3A_1237, %lt3A_1250 : vector<16xi32>
        %and3A_1252 = arith.andi %and3A_1248, %lt3A_1251 : vector<16xi1>
        %broadcast_in_dim3A_1253 = arith.constant 2 : i32
        %broadcast_in_dim3A_1254 = vector.broadcast %broadcast_in_dim3A_1253 : i32 to vector<16xi32>
        tpu.vector_store_idx %arg6[%broadcast_in_dim3A_1254, %sub3A_1228], %broadcast_in_dim3A_7 masked %and3A_1244 : memref<8x6400xf32, #tpu.memory_space<vmem>>[vector<16xi32>, vector<16xi32>], vector<16xf32>, vector<16xi1>
        tpu.vector_store_idx %arg6[%broadcast_in_dim3A_1254, %sub3A_1237], %broadcast_in_dim3A_7 masked %and3A_1252 : memref<8x6400xf32, #tpu.memory_space<vmem>>[vector<16xi32>, vector<16xi32>], vector<16xf32>, vector<16xi1>
        %mul3A_1255 = arith.constant 8 : i32
        %mul3A_1256 = arith.muli %select_n3A_1092, %mul3A_1255 : i32
        %add3A_1257 = arith.constant 3 : i32
        %add3A_1258 = arith.addi %mul3A_1256, %add3A_1257 : i32
        %mul3A_1259 = arith.constant 26 : i32
        %mul3A_1260 = arith.muli %add3A_1258, %mul3A_1259 : i32
        %get3A_1261 = arith.index_cast %mul3A_1260 : i32 to index
        %get3A_1262 = tpu.vector_load %arg9[%get3A_1261] {strides = array<i32>} : memref<3120xf32, #tpu.memory_space<vmem>>, vector<16xf32>,
        %convert_element_type3A_1263 = arith.fptosi %get3A_1262 : vector<16xf32> to vector<16xi32>
        %mul3A_1264 = arith.constant 26 : i32
        %mul3A_1265 = arith.muli %add3A_1258, %mul3A_1264 : i32
        %add3A_1266 = arith.constant 10 : i32
        %add3A_1267 = arith.addi %mul3A_1265, %add3A_1266 : i32
        %get3A_1268 = arith.index_cast %add3A_1267 : i32 to index
        %get3A_1269 = tpu.vector_load %arg9[%get3A_1268] {strides = array<i32>} : memref<3120xf32, #tpu.memory_space<vmem>>, vector<16xf32>,
        %convert_element_type3A_1270 = arith.fptosi %get3A_1269 : vector<16xf32> to vector<16xi32>
        %mul3A_1271 = arith.constant 1000 : i32
        %mul3A_1272 = vector.broadcast %mul3A_1271 : i32 to vector<16xi32>
        %mul3A_1273 = arith.muli %iota3A, %mul3A_1272 : vector<16xi32>
        %add3A_1274 = arith.addi %mul3A_1273, %convert_element_type3A_1263 : vector<16xi32>
        %sub3A_1275 = vector.broadcast %mul3A_1110 : i32 to vector<16xi32>
        %sub3A_1276 = arith.subi %add3A_1274, %sub3A_1275 : vector<16xi32>
        %add3A_1277 = arith.constant 10 : i32
        %add3A_1278 = vector.broadcast %add3A_1277 : i32 to vector<16xi32>
        %add3A_1279 = arith.addi %iota3A, %add3A_1278 : vector<16xi32>
        %mul3A_1280 = arith.constant 1000 : i32
        %mul3A_1281 = vector.broadcast %mul3A_1280 : i32 to vector<16xi32>
        %mul3A_1282 = arith.muli %add3A_1279, %mul3A_1281 : vector<16xi32>
        %add3A_1283 = arith.addi %mul3A_1282, %convert_element_type3A_1270 : vector<16xi32>
        %sub3A_1284 = vector.broadcast %mul3A_1110 : i32 to vector<16xi32>
        %sub3A_1285 = arith.subi %add3A_1283, %sub3A_1284 : vector<16xi32>
        %ge3A_1286 = arith.constant 0 : i32
        %ge3A_1287 = vector.broadcast %ge3A_1286 : i32 to vector<16xi32>
        %ge3A_1288 = arith.cmpi sge, %sub3A_1276, %ge3A_1287 : vector<16xi32>
        %lt3A_1289 = arith.constant 6400 : i32
        %lt3A_1290 = vector.broadcast %lt3A_1289 : i32 to vector<16xi32>
        %lt3A_1291 = arith.cmpi slt, %sub3A_1276, %lt3A_1290 : vector<16xi32>
        %and3A_1292 = arith.andi %ge3A_1288, %lt3A_1291 : vector<16xi1>
        %ge3A_1293 = arith.constant 0 : i32
        %ge3A_1294 = vector.broadcast %ge3A_1293 : i32 to vector<16xi32>
        %ge3A_1295 = arith.cmpi sge, %sub3A_1285, %ge3A_1294 : vector<16xi32>
        %and3A_1296 = arith.andi %ge3A_11, %ge3A_1295 : vector<16xi1>
        %lt3A_1297 = arith.constant 6400 : i32
        %lt3A_1298 = vector.broadcast %lt3A_1297 : i32 to vector<16xi32>
        %lt3A_1299 = arith.cmpi slt, %sub3A_1285, %lt3A_1298 : vector<16xi32>
        %and3A_1300 = arith.andi %and3A_1296, %lt3A_1299 : vector<16xi1>
        %broadcast_in_dim3A_1301 = arith.constant 3 : i32
        %broadcast_in_dim3A_1302 = vector.broadcast %broadcast_in_dim3A_1301 : i32 to vector<16xi32>
        tpu.vector_store_idx %arg6[%broadcast_in_dim3A_1302, %sub3A_1276], %broadcast_in_dim3A_7 masked %and3A_1292 : memref<8x6400xf32, #tpu.memory_space<vmem>>[vector<16xi32>, vector<16xi32>], vector<16xf32>, vector<16xi1>
        tpu.vector_store_idx %arg6[%broadcast_in_dim3A_1302, %sub3A_1285], %broadcast_in_dim3A_7 masked %and3A_1300 : memref<8x6400xf32, #tpu.memory_space<vmem>>[vector<16xi32>, vector<16xi32>], vector<16xf32>, vector<16xi1>
        %mul3A_1303 = arith.constant 8 : i32
        %mul3A_1304 = arith.muli %select_n3A_1092, %mul3A_1303 : i32
        %add3A_1305 = arith.constant 4 : i32
        %add3A_1306 = arith.addi %mul3A_1304, %add3A_1305 : i32
        %mul3A_1307 = arith.constant 26 : i32
        %mul3A_1308 = arith.muli %add3A_1306, %mul3A_1307 : i32
        %get3A_1309 = arith.index_cast %mul3A_1308 : i32 to index
        %get3A_1310 = tpu.vector_load %arg9[%get3A_1309] {strides = array<i32>} : memref<3120xf32, #tpu.memory_space<vmem>>, vector<16xf32>,
        %convert_element_type3A_1311 = arith.fptosi %get3A_1310 : vector<16xf32> to vector<16xi32>
        %mul3A_1312 = arith.constant 26 : i32
        %mul3A_1313 = arith.muli %add3A_1306, %mul3A_1312 : i32
        %add3A_1314 = arith.constant 10 : i32
        %add3A_1315 = arith.addi %mul3A_1313, %add3A_1314 : i32
        %get3A_1316 = arith.index_cast %add3A_1315 : i32 to index
        %get3A_1317 = tpu.vector_load %arg9[%get3A_1316] {strides = array<i32>} : memref<3120xf32, #tpu.memory_space<vmem>>, vector<16xf32>,
        %convert_element_type3A_1318 = arith.fptosi %get3A_1317 : vector<16xf32> to vector<16xi32>
        %mul3A_1319 = arith.constant 1000 : i32
        %mul3A_1320 = vector.broadcast %mul3A_1319 : i32 to vector<16xi32>
        %mul3A_1321 = arith.muli %iota3A, %mul3A_1320 : vector<16xi32>
        %add3A_1322 = arith.addi %mul3A_1321, %convert_element_type3A_1311 : vector<16xi32>
        %sub3A_1323 = vector.broadcast %mul3A_1110 : i32 to vector<16xi32>
        %sub3A_1324 = arith.subi %add3A_1322, %sub3A_1323 : vector<16xi32>
        %add3A_1325 = arith.constant 10 : i32
        %add3A_1326 = vector.broadcast %add3A_1325 : i32 to vector<16xi32>
        %add3A_1327 = arith.addi %iota3A, %add3A_1326 : vector<16xi32>
        %mul3A_1328 = arith.constant 1000 : i32
        %mul3A_1329 = vector.broadcast %mul3A_1328 : i32 to vector<16xi32>
        %mul3A_1330 = arith.muli %add3A_1327, %mul3A_1329 : vector<16xi32>
        %add3A_1331 = arith.addi %mul3A_1330, %convert_element_type3A_1318 : vector<16xi32>
        %sub3A_1332 = vector.broadcast %mul3A_1110 : i32 to vector<16xi32>
        %sub3A_1333 = arith.subi %add3A_1331, %sub3A_1332 : vector<16xi32>
        %ge3A_1334 = arith.constant 0 : i32
        %ge3A_1335 = vector.broadcast %ge3A_1334 : i32 to vector<16xi32>
        %ge3A_1336 = arith.cmpi sge, %sub3A_1324, %ge3A_1335 : vector<16xi32>
        %lt3A_1337 = arith.constant 6400 : i32
        %lt3A_1338 = vector.broadcast %lt3A_1337 : i32 to vector<16xi32>
        %lt3A_1339 = arith.cmpi slt, %sub3A_1324, %lt3A_1338 : vector<16xi32>
        %and3A_1340 = arith.andi %ge3A_1336, %lt3A_1339 : vector<16xi1>
        %ge3A_1341 = arith.constant 0 : i32
        %ge3A_1342 = vector.broadcast %ge3A_1341 : i32 to vector<16xi32>
        %ge3A_1343 = arith.cmpi sge, %sub3A_1333, %ge3A_1342 : vector<16xi32>
        %and3A_1344 = arith.andi %ge3A_11, %ge3A_1343 : vector<16xi1>
        %lt3A_1345 = arith.constant 6400 : i32
        %lt3A_1346 = vector.broadcast %lt3A_1345 : i32 to vector<16xi32>
        %lt3A_1347 = arith.cmpi slt, %sub3A_1333, %lt3A_1346 : vector<16xi32>
        %and3A_1348 = arith.andi %and3A_1344, %lt3A_1347 : vector<16xi1>
        %broadcast_in_dim3A_1349 = arith.constant 4 : i32
        %broadcast_in_dim3A_1350 = vector.broadcast %broadcast_in_dim3A_1349 : i32 to vector<16xi32>
        tpu.vector_store_idx %arg6[%broadcast_in_dim3A_1350, %sub3A_1324], %broadcast_in_dim3A_7 masked %and3A_1340 : memref<8x6400xf32, #tpu.memory_space<vmem>>[vector<16xi32>, vector<16xi32>], vector<16xf32>, vector<16xi1>
        tpu.vector_store_idx %arg6[%broadcast_in_dim3A_1350, %sub3A_1333], %broadcast_in_dim3A_7 masked %and3A_1348 : memref<8x6400xf32, #tpu.memory_space<vmem>>[vector<16xi32>, vector<16xi32>], vector<16xf32>, vector<16xi1>
        %mul3A_1351 = arith.constant 8 : i32
        %mul3A_1352 = arith.muli %select_n3A_1092, %mul3A_1351 : i32
        %add3A_1353 = arith.constant 5 : i32
        %add3A_1354 = arith.addi %mul3A_1352, %add3A_1353 : i32
        %mul3A_1355 = arith.constant 26 : i32
        %mul3A_1356 = arith.muli %add3A_1354, %mul3A_1355 : i32
        %get3A_1357 = arith.index_cast %mul3A_1356 : i32 to index
        %get3A_1358 = tpu.vector_load %arg9[%get3A_1357] {strides = array<i32>} : memref<3120xf32, #tpu.memory_space<vmem>>, vector<16xf32>,
        %convert_element_type3A_1359 = arith.fptosi %get3A_1358 : vector<16xf32> to vector<16xi32>
        %mul3A_1360 = arith.constant 26 : i32
        %mul3A_1361 = arith.muli %add3A_1354, %mul3A_1360 : i32
        %add3A_1362 = arith.constant 10 : i32
        %add3A_1363 = arith.addi %mul3A_1361, %add3A_1362 : i32
        %get3A_1364 = arith.index_cast %add3A_1363 : i32 to index
        %get3A_1365 = tpu.vector_load %arg9[%get3A_1364] {strides = array<i32>} : memref<3120xf32, #tpu.memory_space<vmem>>, vector<16xf32>,
        %convert_element_type3A_1366 = arith.fptosi %get3A_1365 : vector<16xf32> to vector<16xi32>
        %mul3A_1367 = arith.constant 1000 : i32
        %mul3A_1368 = vector.broadcast %mul3A_1367 : i32 to vector<16xi32>
        %mul3A_1369 = arith.muli %iota3A, %mul3A_1368 : vector<16xi32>
        %add3A_1370 = arith.addi %mul3A_1369, %convert_element_type3A_1359 : vector<16xi32>
        %sub3A_1371 = vector.broadcast %mul3A_1110 : i32 to vector<16xi32>
        %sub3A_1372 = arith.subi %add3A_1370, %sub3A_1371 : vector<16xi32>
        %add3A_1373 = arith.constant 10 : i32
        %add3A_1374 = vector.broadcast %add3A_1373 : i32 to vector<16xi32>
        %add3A_1375 = arith.addi %iota3A, %add3A_1374 : vector<16xi32>
        %mul3A_1376 = arith.constant 1000 : i32
        %mul3A_1377 = vector.broadcast %mul3A_1376 : i32 to vector<16xi32>
        %mul3A_1378 = arith.muli %add3A_1375, %mul3A_1377 : vector<16xi32>
        %add3A_1379 = arith.addi %mul3A_1378, %convert_element_type3A_1366 : vector<16xi32>
        %sub3A_1380 = vector.broadcast %mul3A_1110 : i32 to vector<16xi32>
        %sub3A_1381 = arith.subi %add3A_1379, %sub3A_1380 : vector<16xi32>
        %ge3A_1382 = arith.constant 0 : i32
        %ge3A_1383 = vector.broadcast %ge3A_1382 : i32 to vector<16xi32>
        %ge3A_1384 = arith.cmpi sge, %sub3A_1372, %ge3A_1383 : vector<16xi32>
        %lt3A_1385 = arith.constant 6400 : i32
        %lt3A_1386 = vector.broadcast %lt3A_1385 : i32 to vector<16xi32>
        %lt3A_1387 = arith.cmpi slt, %sub3A_1372, %lt3A_1386 : vector<16xi32>
        %and3A_1388 = arith.andi %ge3A_1384, %lt3A_1387 : vector<16xi1>
        %ge3A_1389 = arith.constant 0 : i32
        %ge3A_1390 = vector.broadcast %ge3A_1389 : i32 to vector<16xi32>
        %ge3A_1391 = arith.cmpi sge, %sub3A_1381, %ge3A_1390 : vector<16xi32>
        %and3A_1392 = arith.andi %ge3A_11, %ge3A_1391 : vector<16xi1>
        %lt3A_1393 = arith.constant 6400 : i32
        %lt3A_1394 = vector.broadcast %lt3A_1393 : i32 to vector<16xi32>
        %lt3A_1395 = arith.cmpi slt, %sub3A_1381, %lt3A_1394 : vector<16xi32>
        %and3A_1396 = arith.andi %and3A_1392, %lt3A_1395 : vector<16xi1>
        %broadcast_in_dim3A_1397 = arith.constant 5 : i32
        %broadcast_in_dim3A_1398 = vector.broadcast %broadcast_in_dim3A_1397 : i32 to vector<16xi32>
        tpu.vector_store_idx %arg6[%broadcast_in_dim3A_1398, %sub3A_1372], %broadcast_in_dim3A_7 masked %and3A_1388 : memref<8x6400xf32, #tpu.memory_space<vmem>>[vector<16xi32>, vector<16xi32>], vector<16xf32>, vector<16xi1>
        tpu.vector_store_idx %arg6[%broadcast_in_dim3A_1398, %sub3A_1381], %broadcast_in_dim3A_7 masked %and3A_1396 : memref<8x6400xf32, #tpu.memory_space<vmem>>[vector<16xi32>, vector<16xi32>], vector<16xf32>, vector<16xi1>
        %mul3A_1399 = arith.constant 8 : i32
        %mul3A_1400 = arith.muli %select_n3A_1092, %mul3A_1399 : i32
        %add3A_1401 = arith.constant 6 : i32
        %add3A_1402 = arith.addi %mul3A_1400, %add3A_1401 : i32
        %mul3A_1403 = arith.constant 26 : i32
        %mul3A_1404 = arith.muli %add3A_1402, %mul3A_1403 : i32
        %get3A_1405 = arith.index_cast %mul3A_1404 : i32 to index
        %get3A_1406 = tpu.vector_load %arg9[%get3A_1405] {strides = array<i32>} : memref<3120xf32, #tpu.memory_space<vmem>>, vector<16xf32>,
        %convert_element_type3A_1407 = arith.fptosi %get3A_1406 : vector<16xf32> to vector<16xi32>
        %mul3A_1408 = arith.constant 26 : i32
        %mul3A_1409 = arith.muli %add3A_1402, %mul3A_1408 : i32
        %add3A_1410 = arith.constant 10 : i32
        %add3A_1411 = arith.addi %mul3A_1409, %add3A_1410 : i32
        %get3A_1412 = arith.index_cast %add3A_1411 : i32 to index
        %get3A_1413 = tpu.vector_load %arg9[%get3A_1412] {strides = array<i32>} : memref<3120xf32, #tpu.memory_space<vmem>>, vector<16xf32>,
        %convert_element_type3A_1414 = arith.fptosi %get3A_1413 : vector<16xf32> to vector<16xi32>
        %mul3A_1415 = arith.constant 1000 : i32
        %mul3A_1416 = vector.broadcast %mul3A_1415 : i32 to vector<16xi32>
        %mul3A_1417 = arith.muli %iota3A, %mul3A_1416 : vector<16xi32>
        %add3A_1418 = arith.addi %mul3A_1417, %convert_element_type3A_1407 : vector<16xi32>
        %sub3A_1419 = vector.broadcast %mul3A_1110 : i32 to vector<16xi32>
        %sub3A_1420 = arith.subi %add3A_1418, %sub3A_1419 : vector<16xi32>
        %add3A_1421 = arith.constant 10 : i32
        %add3A_1422 = vector.broadcast %add3A_1421 : i32 to vector<16xi32>
        %add3A_1423 = arith.addi %iota3A, %add3A_1422 : vector<16xi32>
        %mul3A_1424 = arith.constant 1000 : i32
        %mul3A_1425 = vector.broadcast %mul3A_1424 : i32 to vector<16xi32>
        %mul3A_1426 = arith.muli %add3A_1423, %mul3A_1425 : vector<16xi32>
        %add3A_1427 = arith.addi %mul3A_1426, %convert_element_type3A_1414 : vector<16xi32>
        %sub3A_1428 = vector.broadcast %mul3A_1110 : i32 to vector<16xi32>
        %sub3A_1429 = arith.subi %add3A_1427, %sub3A_1428 : vector<16xi32>
        %ge3A_1430 = arith.constant 0 : i32
        %ge3A_1431 = vector.broadcast %ge3A_1430 : i32 to vector<16xi32>
        %ge3A_1432 = arith.cmpi sge, %sub3A_1420, %ge3A_1431 : vector<16xi32>
        %lt3A_1433 = arith.constant 6400 : i32
        %lt3A_1434 = vector.broadcast %lt3A_1433 : i32 to vector<16xi32>
        %lt3A_1435 = arith.cmpi slt, %sub3A_1420, %lt3A_1434 : vector<16xi32>
        %and3A_1436 = arith.andi %ge3A_1432, %lt3A_1435 : vector<16xi1>
        %ge3A_1437 = arith.constant 0 : i32
        %ge3A_1438 = vector.broadcast %ge3A_1437 : i32 to vector<16xi32>
        %ge3A_1439 = arith.cmpi sge, %sub3A_1429, %ge3A_1438 : vector<16xi32>
        %and3A_1440 = arith.andi %ge3A_11, %ge3A_1439 : vector<16xi1>
        %lt3A_1441 = arith.constant 6400 : i32
        %lt3A_1442 = vector.broadcast %lt3A_1441 : i32 to vector<16xi32>
        %lt3A_1443 = arith.cmpi slt, %sub3A_1429, %lt3A_1442 : vector<16xi32>
        %and3A_1444 = arith.andi %and3A_1440, %lt3A_1443 : vector<16xi1>
        %broadcast_in_dim3A_1445 = arith.constant 6 : i32
        %broadcast_in_dim3A_1446 = vector.broadcast %broadcast_in_dim3A_1445 : i32 to vector<16xi32>
        tpu.vector_store_idx %arg6[%broadcast_in_dim3A_1446, %sub3A_1420], %broadcast_in_dim3A_7 masked %and3A_1436 : memref<8x6400xf32, #tpu.memory_space<vmem>>[vector<16xi32>, vector<16xi32>], vector<16xf32>, vector<16xi1>
        tpu.vector_store_idx %arg6[%broadcast_in_dim3A_1446, %sub3A_1429], %broadcast_in_dim3A_7 masked %and3A_1444 : memref<8x6400xf32, #tpu.memory_space<vmem>>[vector<16xi32>, vector<16xi32>], vector<16xf32>, vector<16xi1>
        %mul3A_1447 = arith.constant 8 : i32
        %mul3A_1448 = arith.muli %select_n3A_1092, %mul3A_1447 : i32
        %add3A_1449 = arith.constant 7 : i32
        %add3A_1450 = arith.addi %mul3A_1448, %add3A_1449 : i32
        %mul3A_1451 = arith.constant 26 : i32
        %mul3A_1452 = arith.muli %add3A_1450, %mul3A_1451 : i32
        %get3A_1453 = arith.index_cast %mul3A_1452 : i32 to index
        %get3A_1454 = tpu.vector_load %arg9[%get3A_1453] {strides = array<i32>} : memref<3120xf32, #tpu.memory_space<vmem>>, vector<16xf32>,
        %convert_element_type3A_1455 = arith.fptosi %get3A_1454 : vector<16xf32> to vector<16xi32>
        %mul3A_1456 = arith.constant 26 : i32
        %mul3A_1457 = arith.muli %add3A_1450, %mul3A_1456 : i32
        %add3A_1458 = arith.constant 10 : i32
        %add3A_1459 = arith.addi %mul3A_1457, %add3A_1458 : i32
        %get3A_1460 = arith.index_cast %add3A_1459 : i32 to index
        %get3A_1461 = tpu.vector_load %arg9[%get3A_1460] {strides = array<i32>} : memref<3120xf32, #tpu.memory_space<vmem>>, vector<16xf32>,
        %convert_element_type3A_1462 = arith.fptosi %get3A_1461 : vector<16xf32> to vector<16xi32>
        %mul3A_1463 = arith.constant 1000 : i32
        %mul3A_1464 = vector.broadcast %mul3A_1463 : i32 to vector<16xi32>
        %mul3A_1465 = arith.muli %iota3A, %mul3A_1464 : vector<16xi32>
        %add3A_1466 = arith.addi %mul3A_1465, %convert_element_type3A_1455 : vector<16xi32>
        %sub3A_1467 = vector.broadcast %mul3A_1110 : i32 to vector<16xi32>
        %sub3A_1468 = arith.subi %add3A_1466, %sub3A_1467 : vector<16xi32>
        %add3A_1469 = arith.constant 10 : i32
        %add3A_1470 = vector.broadcast %add3A_1469 : i32 to vector<16xi32>
        %add3A_1471 = arith.addi %iota3A, %add3A_1470 : vector<16xi32>
        %mul3A_1472 = arith.constant 1000 : i32
        %mul3A_1473 = vector.broadcast %mul3A_1472 : i32 to vector<16xi32>
        %mul3A_1474 = arith.muli %add3A_1471, %mul3A_1473 : vector<16xi32>
        %add3A_1475 = arith.addi %mul3A_1474, %convert_element_type3A_1462 : vector<16xi32>
        %sub3A_1476 = vector.broadcast %mul3A_1110 : i32 to vector<16xi32>
        %sub3A_1477 = arith.subi %add3A_1475, %sub3A_1476 : vector<16xi32>
        %ge3A_1478 = arith.constant 0 : i32
        %ge3A_1479 = vector.broadcast %ge3A_1478 : i32 to vector<16xi32>
        %ge3A_1480 = arith.cmpi sge, %sub3A_1468, %ge3A_1479 : vector<16xi32>
        %lt3A_1481 = arith.constant 6400 : i32
        %lt3A_1482 = vector.broadcast %lt3A_1481 : i32 to vector<16xi32>
        %lt3A_1483 = arith.cmpi slt, %sub3A_1468, %lt3A_1482 : vector<16xi32>
        %and3A_1484 = arith.andi %ge3A_1480, %lt3A_1483 : vector<16xi1>
        %ge3A_1485 = arith.constant 0 : i32
        %ge3A_1486 = vector.broadcast %ge3A_1485 : i32 to vector<16xi32>
        %ge3A_1487 = arith.cmpi sge, %sub3A_1477, %ge3A_1486 : vector<16xi32>
        %and3A_1488 = arith.andi %ge3A_11, %ge3A_1487 : vector<16xi1>
        %lt3A_1489 = arith.constant 6400 : i32
        %lt3A_1490 = vector.broadcast %lt3A_1489 : i32 to vector<16xi32>
        %lt3A_1491 = arith.cmpi slt, %sub3A_1477, %lt3A_1490 : vector<16xi32>
        %and3A_1492 = arith.andi %and3A_1488, %lt3A_1491 : vector<16xi1>
        %broadcast_in_dim3A_1493 = arith.constant 7 : i32
        %broadcast_in_dim3A_1494 = vector.broadcast %broadcast_in_dim3A_1493 : i32 to vector<16xi32>
        tpu.vector_store_idx %arg6[%broadcast_in_dim3A_1494, %sub3A_1468], %broadcast_in_dim3A_7 masked %and3A_1484 : memref<8x6400xf32, #tpu.memory_space<vmem>>[vector<16xi32>, vector<16xi32>], vector<16xf32>, vector<16xi1>
        tpu.vector_store_idx %arg6[%broadcast_in_dim3A_1494, %sub3A_1477], %broadcast_in_dim3A_7 masked %and3A_1492 : memref<8x6400xf32, #tpu.memory_space<vmem>>[vector<16xi32>, vector<16xi32>], vector<16xf32>, vector<16xi1>
      } else {
      }
      %jit3A_545 = arith.constant 4 : i32
      %div3A_546 = arith.divsi %add3A_539, %jit3A_545 : i32
      %sign3A_547 = arith.constant 0 : i32
      %sign3A_548 = arith.cmpi sgt, %add3A_539, %sign3A_547 : i32
      %sign3A_549 = arith.extui %sign3A_548 : i1 to i32
      %sign3A_550 = arith.constant 0 : i32
      %sign3A_551 = arith.cmpi slt, %add3A_539, %sign3A_550 : i32
      %sign3A_552 = arith.extui %sign3A_551 : i1 to i32
      %sign3A_553 = arith.subi %sign3A_549, %sign3A_552 : i32
      %sign3A_554 = arith.constant 0 : i32
      %sign3A_555 = arith.cmpi sgt, %jit3A_545, %sign3A_554 : i32
      %sign3A_556 = arith.extui %sign3A_555 : i1 to i32
      %sign3A_557 = arith.constant 0 : i32
      %sign3A_558 = arith.cmpi slt, %jit3A_545, %sign3A_557 : i32
      %sign3A_559 = arith.extui %sign3A_558 : i1 to i32
      %sign3A_560 = arith.subi %sign3A_556, %sign3A_559 : i32
      %ne3A_561 = arith.cmpi ne, %sign3A_553, %sign3A_560 : i32
      %rem3A_562 = arith.remsi %add3A_539, %jit3A_545 : i32
      %ne3A_563 = arith.constant 0 : i32
      %ne3A_564 = arith.cmpi ne, %rem3A_562, %ne3A_563 : i32
      %and3A_565 = arith.andi %ne3A_561, %ne3A_564 : i1
      %sub3A_566 = arith.constant 1 : i32
      %sub3A_567 = arith.subi %div3A_546, %sub3A_566 : i32
      %select_n3A_568 = arith.select %and3A_565, %sub3A_567, %div3A_546 : i32
      %jit3A_569 = arith.constant 4 : i32
      %eq3A_570 = arith.constant 0 : i32
      %eq3A_571 = arith.cmpi eq, %jit3A_569, %eq3A_570 : i32
      %jit3A_572 = arith.constant 1 : i32
      %select_n3A_573 = arith.select %eq3A_571, %jit3A_572, %jit3A_569 : i32
      %rem3A_574 = arith.remsi %add3A_539, %select_n3A_573 : i32
      %ne3A_575 = arith.constant 0 : i32
      %ne3A_576 = arith.cmpi ne, %rem3A_574, %ne3A_575 : i32
      %lt3A_577 = arith.constant 0 : i32
      %lt3A_578 = arith.cmpi slt, %rem3A_574, %lt3A_577 : i32
      %lt3A_579 = arith.constant 0 : i32
      %lt3A_580 = arith.cmpi slt, %select_n3A_573, %lt3A_579 : i32
      %ne3A_581 = arith.xori %lt3A_578, %lt3A_580 : i1
      %and3A_582 = arith.andi %ne3A_581, %ne3A_576 : i1
      %add3A_583 = arith.addi %rem3A_574, %select_n3A_573 : i32
      %select_n3A_584 = arith.select %and3A_582, %add3A_583, %rem3A_574 : i32
      %mul3A_585 = arith.constant 6400 : i32
      %mul3A_586 = arith.muli %select_n3A_584, %mul3A_585 : i32
      %mul3A_587 = arith.constant 8 : i32
      %mul3A_588 = arith.muli %select_n3A_568, %mul3A_587 : i32
      %add3A_589 = arith.constant 0 : i32
      %add3A_590 = arith.addi %mul3A_588, %add3A_589 : i32
      %mul3A_591 = arith.constant 26 : i32
      %mul3A_592 = arith.muli %add3A_590, %mul3A_591 : i32
      %get3A_593 = arith.index_cast %mul3A_592 : i32 to index
      %get3A_594 = tpu.vector_load %arg9[%get3A_593] {strides = array<i32>} : memref<3120xf32, #tpu.memory_space<vmem>>, vector<16xf32>,
      %convert_element_type3A_595 = arith.fptosi %get3A_594 : vector<16xf32> to vector<16xi32>
      %mul3A_596 = arith.constant 26 : i32
      %mul3A_597 = arith.muli %add3A_590, %mul3A_596 : i32
      %add3A_598 = arith.constant 10 : i32
      %add3A_599 = arith.addi %mul3A_597, %add3A_598 : i32
      %get3A_600 = arith.index_cast %add3A_599 : i32 to index
      %get3A_601 = tpu.vector_load %arg9[%get3A_600] {strides = array<i32>} : memref<3120xf32, #tpu.memory_space<vmem>>, vector<16xf32>,
      %convert_element_type3A_602 = arith.fptosi %get3A_601 : vector<16xf32> to vector<16xi32>
      %mul3A_603 = arith.constant 1000 : i32
      %mul3A_604 = vector.broadcast %mul3A_603 : i32 to vector<16xi32>
      %mul3A_605 = arith.muli %iota3A, %mul3A_604 : vector<16xi32>
      %add3A_606 = arith.addi %mul3A_605, %convert_element_type3A_595 : vector<16xi32>
      %sub3A_607 = vector.broadcast %mul3A_586 : i32 to vector<16xi32>
      %sub3A_608 = arith.subi %add3A_606, %sub3A_607 : vector<16xi32>
      %add3A_609 = arith.constant 10 : i32
      %add3A_610 = vector.broadcast %add3A_609 : i32 to vector<16xi32>
      %add3A_611 = arith.addi %iota3A, %add3A_610 : vector<16xi32>
      %mul3A_612 = arith.constant 1000 : i32
      %mul3A_613 = vector.broadcast %mul3A_612 : i32 to vector<16xi32>
      %mul3A_614 = arith.muli %add3A_611, %mul3A_613 : vector<16xi32>
      %add3A_615 = arith.addi %mul3A_614, %convert_element_type3A_602 : vector<16xi32>
      %sub3A_616 = vector.broadcast %mul3A_586 : i32 to vector<16xi32>
      %sub3A_617 = arith.subi %add3A_615, %sub3A_616 : vector<16xi32>
      %ge3A_618 = arith.constant 0 : i32
      %ge3A_619 = vector.broadcast %ge3A_618 : i32 to vector<16xi32>
      %ge3A_620 = arith.cmpi sge, %sub3A_608, %ge3A_619 : vector<16xi32>
      %lt3A_621 = arith.constant 6400 : i32
      %lt3A_622 = vector.broadcast %lt3A_621 : i32 to vector<16xi32>
      %lt3A_623 = arith.cmpi slt, %sub3A_608, %lt3A_622 : vector<16xi32>
      %and3A_624 = arith.andi %ge3A_620, %lt3A_623 : vector<16xi1>
      %ge3A_625 = arith.constant 0 : i32
      %ge3A_626 = vector.broadcast %ge3A_625 : i32 to vector<16xi32>
      %ge3A_627 = arith.cmpi sge, %sub3A_617, %ge3A_626 : vector<16xi32>
      %and3A_628 = arith.andi %ge3A_11, %ge3A_627 : vector<16xi1>
      %lt3A_629 = arith.constant 6400 : i32
      %lt3A_630 = vector.broadcast %lt3A_629 : i32 to vector<16xi32>
      %lt3A_631 = arith.cmpi slt, %sub3A_617, %lt3A_630 : vector<16xi32>
      %and3A_632 = arith.andi %and3A_628, %lt3A_631 : vector<16xi1>
      %broadcast_in_dim3A_633 = arith.constant 0 : i32
      %broadcast_in_dim3A_634 = vector.broadcast %broadcast_in_dim3A_633 : i32 to vector<16xi32>
      tpu.vector_store_idx %arg6[%broadcast_in_dim3A_634, %sub3A_608], %broadcast_in_dim3A_9 masked %and3A_624 : memref<8x6400xf32, #tpu.memory_space<vmem>>[vector<16xi32>, vector<16xi32>], vector<16xf32>, vector<16xi1>
      tpu.vector_store_idx %arg6[%broadcast_in_dim3A_634, %sub3A_617], %broadcast_in_dim3A_9 masked %and3A_632 : memref<8x6400xf32, #tpu.memory_space<vmem>>[vector<16xi32>, vector<16xi32>], vector<16xf32>, vector<16xi1>
      %mul3A_635 = arith.constant 8 : i32
      %mul3A_636 = arith.muli %select_n3A_568, %mul3A_635 : i32
      %add3A_637 = arith.constant 1 : i32
      %add3A_638 = arith.addi %mul3A_636, %add3A_637 : i32
      %mul3A_639 = arith.constant 26 : i32
      %mul3A_640 = arith.muli %add3A_638, %mul3A_639 : i32
      %get3A_641 = arith.index_cast %mul3A_640 : i32 to index
      %get3A_642 = tpu.vector_load %arg9[%get3A_641] {strides = array<i32>} : memref<3120xf32, #tpu.memory_space<vmem>>, vector<16xf32>,
      %convert_element_type3A_643 = arith.fptosi %get3A_642 : vector<16xf32> to vector<16xi32>
      %mul3A_644 = arith.constant 26 : i32
      %mul3A_645 = arith.muli %add3A_638, %mul3A_644 : i32
      %add3A_646 = arith.constant 10 : i32
      %add3A_647 = arith.addi %mul3A_645, %add3A_646 : i32
      %get3A_648 = arith.index_cast %add3A_647 : i32 to index
      %get3A_649 = tpu.vector_load %arg9[%get3A_648] {strides = array<i32>} : memref<3120xf32, #tpu.memory_space<vmem>>, vector<16xf32>,
      %convert_element_type3A_650 = arith.fptosi %get3A_649 : vector<16xf32> to vector<16xi32>
      %mul3A_651 = arith.constant 1000 : i32
      %mul3A_652 = vector.broadcast %mul3A_651 : i32 to vector<16xi32>
      %mul3A_653 = arith.muli %iota3A, %mul3A_652 : vector<16xi32>
      %add3A_654 = arith.addi %mul3A_653, %convert_element_type3A_643 : vector<16xi32>
      %sub3A_655 = vector.broadcast %mul3A_586 : i32 to vector<16xi32>
      %sub3A_656 = arith.subi %add3A_654, %sub3A_655 : vector<16xi32>
      %add3A_657 = arith.constant 10 : i32
      %add3A_658 = vector.broadcast %add3A_657 : i32 to vector<16xi32>
      %add3A_659 = arith.addi %iota3A, %add3A_658 : vector<16xi32>
      %mul3A_660 = arith.constant 1000 : i32
      %mul3A_661 = vector.broadcast %mul3A_660 : i32 to vector<16xi32>
      %mul3A_662 = arith.muli %add3A_659, %mul3A_661 : vector<16xi32>
      %add3A_663 = arith.addi %mul3A_662, %convert_element_type3A_650 : vector<16xi32>
      %sub3A_664 = vector.broadcast %mul3A_586 : i32 to vector<16xi32>
      %sub3A_665 = arith.subi %add3A_663, %sub3A_664 : vector<16xi32>
      %ge3A_666 = arith.constant 0 : i32
      %ge3A_667 = vector.broadcast %ge3A_666 : i32 to vector<16xi32>
      %ge3A_668 = arith.cmpi sge, %sub3A_656, %ge3A_667 : vector<16xi32>
      %lt3A_669 = arith.constant 6400 : i32
      %lt3A_670 = vector.broadcast %lt3A_669 : i32 to vector<16xi32>
      %lt3A_671 = arith.cmpi slt, %sub3A_656, %lt3A_670 : vector<16xi32>
      %and3A_672 = arith.andi %ge3A_668, %lt3A_671 : vector<16xi1>
      %ge3A_673 = arith.constant 0 : i32
      %ge3A_674 = vector.broadcast %ge3A_673 : i32 to vector<16xi32>
      %ge3A_675 = arith.cmpi sge, %sub3A_665, %ge3A_674 : vector<16xi32>
      %and3A_676 = arith.andi %ge3A_11, %ge3A_675 : vector<16xi1>
      %lt3A_677 = arith.constant 6400 : i32
      %lt3A_678 = vector.broadcast %lt3A_677 : i32 to vector<16xi32>
      %lt3A_679 = arith.cmpi slt, %sub3A_665, %lt3A_678 : vector<16xi32>
      %and3A_680 = arith.andi %and3A_676, %lt3A_679 : vector<16xi1>
      %broadcast_in_dim3A_681 = arith.constant 1 : i32
      %broadcast_in_dim3A_682 = vector.broadcast %broadcast_in_dim3A_681 : i32 to vector<16xi32>
      tpu.vector_store_idx %arg6[%broadcast_in_dim3A_682, %sub3A_656], %broadcast_in_dim3A_9 masked %and3A_672 : memref<8x6400xf32, #tpu.memory_space<vmem>>[vector<16xi32>, vector<16xi32>], vector<16xf32>, vector<16xi1>
      tpu.vector_store_idx %arg6[%broadcast_in_dim3A_682, %sub3A_665], %broadcast_in_dim3A_9 masked %and3A_680 : memref<8x6400xf32, #tpu.memory_space<vmem>>[vector<16xi32>, vector<16xi32>], vector<16xf32>, vector<16xi1>
      %mul3A_683 = arith.constant 8 : i32
      %mul3A_684 = arith.muli %select_n3A_568, %mul3A_683 : i32
      %add3A_685 = arith.constant 2 : i32
      %add3A_686 = arith.addi %mul3A_684, %add3A_685 : i32
      %mul3A_687 = arith.constant 26 : i32
      %mul3A_688 = arith.muli %add3A_686, %mul3A_687 : i32
      %get3A_689 = arith.index_cast %mul3A_688 : i32 to index
      %get3A_690 = tpu.vector_load %arg9[%get3A_689] {strides = array<i32>} : memref<3120xf32, #tpu.memory_space<vmem>>, vector<16xf32>,
      %convert_element_type3A_691 = arith.fptosi %get3A_690 : vector<16xf32> to vector<16xi32>
      %mul3A_692 = arith.constant 26 : i32
      %mul3A_693 = arith.muli %add3A_686, %mul3A_692 : i32
      %add3A_694 = arith.constant 10 : i32
      %add3A_695 = arith.addi %mul3A_693, %add3A_694 : i32
      %get3A_696 = arith.index_cast %add3A_695 : i32 to index
      %get3A_697 = tpu.vector_load %arg9[%get3A_696] {strides = array<i32>} : memref<3120xf32, #tpu.memory_space<vmem>>, vector<16xf32>,
      %convert_element_type3A_698 = arith.fptosi %get3A_697 : vector<16xf32> to vector<16xi32>
      %mul3A_699 = arith.constant 1000 : i32
      %mul3A_700 = vector.broadcast %mul3A_699 : i32 to vector<16xi32>
      %mul3A_701 = arith.muli %iota3A, %mul3A_700 : vector<16xi32>
      %add3A_702 = arith.addi %mul3A_701, %convert_element_type3A_691 : vector<16xi32>
      %sub3A_703 = vector.broadcast %mul3A_586 : i32 to vector<16xi32>
      %sub3A_704 = arith.subi %add3A_702, %sub3A_703 : vector<16xi32>
      %add3A_705 = arith.constant 10 : i32
      %add3A_706 = vector.broadcast %add3A_705 : i32 to vector<16xi32>
      %add3A_707 = arith.addi %iota3A, %add3A_706 : vector<16xi32>
      %mul3A_708 = arith.constant 1000 : i32
      %mul3A_709 = vector.broadcast %mul3A_708 : i32 to vector<16xi32>
      %mul3A_710 = arith.muli %add3A_707, %mul3A_709 : vector<16xi32>
      %add3A_711 = arith.addi %mul3A_710, %convert_element_type3A_698 : vector<16xi32>
      %sub3A_712 = vector.broadcast %mul3A_586 : i32 to vector<16xi32>
      %sub3A_713 = arith.subi %add3A_711, %sub3A_712 : vector<16xi32>
      %ge3A_714 = arith.constant 0 : i32
      %ge3A_715 = vector.broadcast %ge3A_714 : i32 to vector<16xi32>
      %ge3A_716 = arith.cmpi sge, %sub3A_704, %ge3A_715 : vector<16xi32>
      %lt3A_717 = arith.constant 6400 : i32
      %lt3A_718 = vector.broadcast %lt3A_717 : i32 to vector<16xi32>
      %lt3A_719 = arith.cmpi slt, %sub3A_704, %lt3A_718 : vector<16xi32>
      %and3A_720 = arith.andi %ge3A_716, %lt3A_719 : vector<16xi1>
      %ge3A_721 = arith.constant 0 : i32
      %ge3A_722 = vector.broadcast %ge3A_721 : i32 to vector<16xi32>
      %ge3A_723 = arith.cmpi sge, %sub3A_713, %ge3A_722 : vector<16xi32>
      %and3A_724 = arith.andi %ge3A_11, %ge3A_723 : vector<16xi1>
      %lt3A_725 = arith.constant 6400 : i32
      %lt3A_726 = vector.broadcast %lt3A_725 : i32 to vector<16xi32>
      %lt3A_727 = arith.cmpi slt, %sub3A_713, %lt3A_726 : vector<16xi32>
      %and3A_728 = arith.andi %and3A_724, %lt3A_727 : vector<16xi1>
      %broadcast_in_dim3A_729 = arith.constant 2 : i32
      %broadcast_in_dim3A_730 = vector.broadcast %broadcast_in_dim3A_729 : i32 to vector<16xi32>
      tpu.vector_store_idx %arg6[%broadcast_in_dim3A_730, %sub3A_704], %broadcast_in_dim3A_9 masked %and3A_720 : memref<8x6400xf32, #tpu.memory_space<vmem>>[vector<16xi32>, vector<16xi32>], vector<16xf32>, vector<16xi1>
      tpu.vector_store_idx %arg6[%broadcast_in_dim3A_730, %sub3A_713], %broadcast_in_dim3A_9 masked %and3A_728 : memref<8x6400xf32, #tpu.memory_space<vmem>>[vector<16xi32>, vector<16xi32>], vector<16xf32>, vector<16xi1>
      %mul3A_731 = arith.constant 8 : i32
      %mul3A_732 = arith.muli %select_n3A_568, %mul3A_731 : i32
      %add3A_733 = arith.constant 3 : i32
      %add3A_734 = arith.addi %mul3A_732, %add3A_733 : i32
      %mul3A_735 = arith.constant 26 : i32
      %mul3A_736 = arith.muli %add3A_734, %mul3A_735 : i32
      %get3A_737 = arith.index_cast %mul3A_736 : i32 to index
      %get3A_738 = tpu.vector_load %arg9[%get3A_737] {strides = array<i32>} : memref<3120xf32, #tpu.memory_space<vmem>>, vector<16xf32>,
      %convert_element_type3A_739 = arith.fptosi %get3A_738 : vector<16xf32> to vector<16xi32>
      %mul3A_740 = arith.constant 26 : i32
      %mul3A_741 = arith.muli %add3A_734, %mul3A_740 : i32
      %add3A_742 = arith.constant 10 : i32
      %add3A_743 = arith.addi %mul3A_741, %add3A_742 : i32
      %get3A_744 = arith.index_cast %add3A_743 : i32 to index
      %get3A_745 = tpu.vector_load %arg9[%get3A_744] {strides = array<i32>} : memref<3120xf32, #tpu.memory_space<vmem>>, vector<16xf32>,
      %convert_element_type3A_746 = arith.fptosi %get3A_745 : vector<16xf32> to vector<16xi32>
      %mul3A_747 = arith.constant 1000 : i32
      %mul3A_748 = vector.broadcast %mul3A_747 : i32 to vector<16xi32>
      %mul3A_749 = arith.muli %iota3A, %mul3A_748 : vector<16xi32>
      %add3A_750 = arith.addi %mul3A_749, %convert_element_type3A_739 : vector<16xi32>
      %sub3A_751 = vector.broadcast %mul3A_586 : i32 to vector<16xi32>
      %sub3A_752 = arith.subi %add3A_750, %sub3A_751 : vector<16xi32>
      %add3A_753 = arith.constant 10 : i32
      %add3A_754 = vector.broadcast %add3A_753 : i32 to vector<16xi32>
      %add3A_755 = arith.addi %iota3A, %add3A_754 : vector<16xi32>
      %mul3A_756 = arith.constant 1000 : i32
      %mul3A_757 = vector.broadcast %mul3A_756 : i32 to vector<16xi32>
      %mul3A_758 = arith.muli %add3A_755, %mul3A_757 : vector<16xi32>
      %add3A_759 = arith.addi %mul3A_758, %convert_element_type3A_746 : vector<16xi32>
      %sub3A_760 = vector.broadcast %mul3A_586 : i32 to vector<16xi32>
      %sub3A_761 = arith.subi %add3A_759, %sub3A_760 : vector<16xi32>
      %ge3A_762 = arith.constant 0 : i32
      %ge3A_763 = vector.broadcast %ge3A_762 : i32 to vector<16xi32>
      %ge3A_764 = arith.cmpi sge, %sub3A_752, %ge3A_763 : vector<16xi32>
      %lt3A_765 = arith.constant 6400 : i32
      %lt3A_766 = vector.broadcast %lt3A_765 : i32 to vector<16xi32>
      %lt3A_767 = arith.cmpi slt, %sub3A_752, %lt3A_766 : vector<16xi32>
      %and3A_768 = arith.andi %ge3A_764, %lt3A_767 : vector<16xi1>
      %ge3A_769 = arith.constant 0 : i32
      %ge3A_770 = vector.broadcast %ge3A_769 : i32 to vector<16xi32>
      %ge3A_771 = arith.cmpi sge, %sub3A_761, %ge3A_770 : vector<16xi32>
      %and3A_772 = arith.andi %ge3A_11, %ge3A_771 : vector<16xi1>
      %lt3A_773 = arith.constant 6400 : i32
      %lt3A_774 = vector.broadcast %lt3A_773 : i32 to vector<16xi32>
      %lt3A_775 = arith.cmpi slt, %sub3A_761, %lt3A_774 : vector<16xi32>
      %and3A_776 = arith.andi %and3A_772, %lt3A_775 : vector<16xi1>
      %broadcast_in_dim3A_777 = arith.constant 3 : i32
      %broadcast_in_dim3A_778 = vector.broadcast %broadcast_in_dim3A_777 : i32 to vector<16xi32>
      tpu.vector_store_idx %arg6[%broadcast_in_dim3A_778, %sub3A_752], %broadcast_in_dim3A_9 masked %and3A_768 : memref<8x6400xf32, #tpu.memory_space<vmem>>[vector<16xi32>, vector<16xi32>], vector<16xf32>, vector<16xi1>
      tpu.vector_store_idx %arg6[%broadcast_in_dim3A_778, %sub3A_761], %broadcast_in_dim3A_9 masked %and3A_776 : memref<8x6400xf32, #tpu.memory_space<vmem>>[vector<16xi32>, vector<16xi32>], vector<16xf32>, vector<16xi1>
      %mul3A_779 = arith.constant 8 : i32
      %mul3A_780 = arith.muli %select_n3A_568, %mul3A_779 : i32
      %add3A_781 = arith.constant 4 : i32
      %add3A_782 = arith.addi %mul3A_780, %add3A_781 : i32
      %mul3A_783 = arith.constant 26 : i32
      %mul3A_784 = arith.muli %add3A_782, %mul3A_783 : i32
      %get3A_785 = arith.index_cast %mul3A_784 : i32 to index
      %get3A_786 = tpu.vector_load %arg9[%get3A_785] {strides = array<i32>} : memref<3120xf32, #tpu.memory_space<vmem>>, vector<16xf32>,
      %convert_element_type3A_787 = arith.fptosi %get3A_786 : vector<16xf32> to vector<16xi32>
      %mul3A_788 = arith.constant 26 : i32
      %mul3A_789 = arith.muli %add3A_782, %mul3A_788 : i32
      %add3A_790 = arith.constant 10 : i32
      %add3A_791 = arith.addi %mul3A_789, %add3A_790 : i32
      %get3A_792 = arith.index_cast %add3A_791 : i32 to index
      %get3A_793 = tpu.vector_load %arg9[%get3A_792] {strides = array<i32>} : memref<3120xf32, #tpu.memory_space<vmem>>, vector<16xf32>,
      %convert_element_type3A_794 = arith.fptosi %get3A_793 : vector<16xf32> to vector<16xi32>
      %mul3A_795 = arith.constant 1000 : i32
      %mul3A_796 = vector.broadcast %mul3A_795 : i32 to vector<16xi32>
      %mul3A_797 = arith.muli %iota3A, %mul3A_796 : vector<16xi32>
      %add3A_798 = arith.addi %mul3A_797, %convert_element_type3A_787 : vector<16xi32>
      %sub3A_799 = vector.broadcast %mul3A_586 : i32 to vector<16xi32>
      %sub3A_800 = arith.subi %add3A_798, %sub3A_799 : vector<16xi32>
      %add3A_801 = arith.constant 10 : i32
      %add3A_802 = vector.broadcast %add3A_801 : i32 to vector<16xi32>
      %add3A_803 = arith.addi %iota3A, %add3A_802 : vector<16xi32>
      %mul3A_804 = arith.constant 1000 : i32
      %mul3A_805 = vector.broadcast %mul3A_804 : i32 to vector<16xi32>
      %mul3A_806 = arith.muli %add3A_803, %mul3A_805 : vector<16xi32>
      %add3A_807 = arith.addi %mul3A_806, %convert_element_type3A_794 : vector<16xi32>
      %sub3A_808 = vector.broadcast %mul3A_586 : i32 to vector<16xi32>
      %sub3A_809 = arith.subi %add3A_807, %sub3A_808 : vector<16xi32>
      %ge3A_810 = arith.constant 0 : i32
      %ge3A_811 = vector.broadcast %ge3A_810 : i32 to vector<16xi32>
      %ge3A_812 = arith.cmpi sge, %sub3A_800, %ge3A_811 : vector<16xi32>
      %lt3A_813 = arith.constant 6400 : i32
      %lt3A_814 = vector.broadcast %lt3A_813 : i32 to vector<16xi32>
      %lt3A_815 = arith.cmpi slt, %sub3A_800, %lt3A_814 : vector<16xi32>
      %and3A_816 = arith.andi %ge3A_812, %lt3A_815 : vector<16xi1>
      %ge3A_817 = arith.constant 0 : i32
      %ge3A_818 = vector.broadcast %ge3A_817 : i32 to vector<16xi32>
      %ge3A_819 = arith.cmpi sge, %sub3A_809, %ge3A_818 : vector<16xi32>
      %and3A_820 = arith.andi %ge3A_11, %ge3A_819 : vector<16xi1>
      %lt3A_821 = arith.constant 6400 : i32
      %lt3A_822 = vector.broadcast %lt3A_821 : i32 to vector<16xi32>
      %lt3A_823 = arith.cmpi slt, %sub3A_809, %lt3A_822 : vector<16xi32>
      %and3A_824 = arith.andi %and3A_820, %lt3A_823 : vector<16xi1>
      %broadcast_in_dim3A_825 = arith.constant 4 : i32
      %broadcast_in_dim3A_826 = vector.broadcast %broadcast_in_dim3A_825 : i32 to vector<16xi32>
      tpu.vector_store_idx %arg6[%broadcast_in_dim3A_826, %sub3A_800], %broadcast_in_dim3A_9 masked %and3A_816 : memref<8x6400xf32, #tpu.memory_space<vmem>>[vector<16xi32>, vector<16xi32>], vector<16xf32>, vector<16xi1>
      tpu.vector_store_idx %arg6[%broadcast_in_dim3A_826, %sub3A_809], %broadcast_in_dim3A_9 masked %and3A_824 : memref<8x6400xf32, #tpu.memory_space<vmem>>[vector<16xi32>, vector<16xi32>], vector<16xf32>, vector<16xi1>
      %mul3A_827 = arith.constant 8 : i32
      %mul3A_828 = arith.muli %select_n3A_568, %mul3A_827 : i32
      %add3A_829 = arith.constant 5 : i32
      %add3A_830 = arith.addi %mul3A_828, %add3A_829 : i32
      %mul3A_831 = arith.constant 26 : i32
      %mul3A_832 = arith.muli %add3A_830, %mul3A_831 : i32
      %get3A_833 = arith.index_cast %mul3A_832 : i32 to index
      %get3A_834 = tpu.vector_load %arg9[%get3A_833] {strides = array<i32>} : memref<3120xf32, #tpu.memory_space<vmem>>, vector<16xf32>,
      %convert_element_type3A_835 = arith.fptosi %get3A_834 : vector<16xf32> to vector<16xi32>
      %mul3A_836 = arith.constant 26 : i32
      %mul3A_837 = arith.muli %add3A_830, %mul3A_836 : i32
      %add3A_838 = arith.constant 10 : i32
      %add3A_839 = arith.addi %mul3A_837, %add3A_838 : i32
      %get3A_840 = arith.index_cast %add3A_839 : i32 to index
      %get3A_841 = tpu.vector_load %arg9[%get3A_840] {strides = array<i32>} : memref<3120xf32, #tpu.memory_space<vmem>>, vector<16xf32>,
      %convert_element_type3A_842 = arith.fptosi %get3A_841 : vector<16xf32> to vector<16xi32>
      %mul3A_843 = arith.constant 1000 : i32
      %mul3A_844 = vector.broadcast %mul3A_843 : i32 to vector<16xi32>
      %mul3A_845 = arith.muli %iota3A, %mul3A_844 : vector<16xi32>
      %add3A_846 = arith.addi %mul3A_845, %convert_element_type3A_835 : vector<16xi32>
      %sub3A_847 = vector.broadcast %mul3A_586 : i32 to vector<16xi32>
      %sub3A_848 = arith.subi %add3A_846, %sub3A_847 : vector<16xi32>
      %add3A_849 = arith.constant 10 : i32
      %add3A_850 = vector.broadcast %add3A_849 : i32 to vector<16xi32>
      %add3A_851 = arith.addi %iota3A, %add3A_850 : vector<16xi32>
      %mul3A_852 = arith.constant 1000 : i32
      %mul3A_853 = vector.broadcast %mul3A_852 : i32 to vector<16xi32>
      %mul3A_854 = arith.muli %add3A_851, %mul3A_853 : vector<16xi32>
      %add3A_855 = arith.addi %mul3A_854, %convert_element_type3A_842 : vector<16xi32>
      %sub3A_856 = vector.broadcast %mul3A_586 : i32 to vector<16xi32>
      %sub3A_857 = arith.subi %add3A_855, %sub3A_856 : vector<16xi32>
      %ge3A_858 = arith.constant 0 : i32
      %ge3A_859 = vector.broadcast %ge3A_858 : i32 to vector<16xi32>
      %ge3A_860 = arith.cmpi sge, %sub3A_848, %ge3A_859 : vector<16xi32>
      %lt3A_861 = arith.constant 6400 : i32
      %lt3A_862 = vector.broadcast %lt3A_861 : i32 to vector<16xi32>
      %lt3A_863 = arith.cmpi slt, %sub3A_848, %lt3A_862 : vector<16xi32>
      %and3A_864 = arith.andi %ge3A_860, %lt3A_863 : vector<16xi1>
      %ge3A_865 = arith.constant 0 : i32
      %ge3A_866 = vector.broadcast %ge3A_865 : i32 to vector<16xi32>
      %ge3A_867 = arith.cmpi sge, %sub3A_857, %ge3A_866 : vector<16xi32>
      %and3A_868 = arith.andi %ge3A_11, %ge3A_867 : vector<16xi1>
      %lt3A_869 = arith.constant 6400 : i32
      %lt3A_870 = vector.broadcast %lt3A_869 : i32 to vector<16xi32>
      %lt3A_871 = arith.cmpi slt, %sub3A_857, %lt3A_870 : vector<16xi32>
      %and3A_872 = arith.andi %and3A_868, %lt3A_871 : vector<16xi1>
      %broadcast_in_dim3A_873 = arith.constant 5 : i32
      %broadcast_in_dim3A_874 = vector.broadcast %broadcast_in_dim3A_873 : i32 to vector<16xi32>
      tpu.vector_store_idx %arg6[%broadcast_in_dim3A_874, %sub3A_848], %broadcast_in_dim3A_9 masked %and3A_864 : memref<8x6400xf32, #tpu.memory_space<vmem>>[vector<16xi32>, vector<16xi32>], vector<16xf32>, vector<16xi1>
      tpu.vector_store_idx %arg6[%broadcast_in_dim3A_874, %sub3A_857], %broadcast_in_dim3A_9 masked %and3A_872 : memref<8x6400xf32, #tpu.memory_space<vmem>>[vector<16xi32>, vector<16xi32>], vector<16xf32>, vector<16xi1>
      %mul3A_875 = arith.constant 8 : i32
      %mul3A_876 = arith.muli %select_n3A_568, %mul3A_875 : i32
      %add3A_877 = arith.constant 6 : i32
      %add3A_878 = arith.addi %mul3A_876, %add3A_877 : i32
      %mul3A_879 = arith.constant 26 : i32
      %mul3A_880 = arith.muli %add3A_878, %mul3A_879 : i32
      %get3A_881 = arith.index_cast %mul3A_880 : i32 to index
      %get3A_882 = tpu.vector_load %arg9[%get3A_881] {strides = array<i32>} : memref<3120xf32, #tpu.memory_space<vmem>>, vector<16xf32>,
      %convert_element_type3A_883 = arith.fptosi %get3A_882 : vector<16xf32> to vector<16xi32>
      %mul3A_884 = arith.constant 26 : i32
      %mul3A_885 = arith.muli %add3A_878, %mul3A_884 : i32
      %add3A_886 = arith.constant 10 : i32
      %add3A_887 = arith.addi %mul3A_885, %add3A_886 : i32
      %get3A_888 = arith.index_cast %add3A_887 : i32 to index
      %get3A_889 = tpu.vector_load %arg9[%get3A_888] {strides = array<i32>} : memref<3120xf32, #tpu.memory_space<vmem>>, vector<16xf32>,
      %convert_element_type3A_890 = arith.fptosi %get3A_889 : vector<16xf32> to vector<16xi32>
      %mul3A_891 = arith.constant 1000 : i32
      %mul3A_892 = vector.broadcast %mul3A_891 : i32 to vector<16xi32>
      %mul3A_893 = arith.muli %iota3A, %mul3A_892 : vector<16xi32>
      %add3A_894 = arith.addi %mul3A_893, %convert_element_type3A_883 : vector<16xi32>
      %sub3A_895 = vector.broadcast %mul3A_586 : i32 to vector<16xi32>
      %sub3A_896 = arith.subi %add3A_894, %sub3A_895 : vector<16xi32>
      %add3A_897 = arith.constant 10 : i32
      %add3A_898 = vector.broadcast %add3A_897 : i32 to vector<16xi32>
      %add3A_899 = arith.addi %iota3A, %add3A_898 : vector<16xi32>
      %mul3A_900 = arith.constant 1000 : i32
      %mul3A_901 = vector.broadcast %mul3A_900 : i32 to vector<16xi32>
      %mul3A_902 = arith.muli %add3A_899, %mul3A_901 : vector<16xi32>
      %add3A_903 = arith.addi %mul3A_902, %convert_element_type3A_890 : vector<16xi32>
      %sub3A_904 = vector.broadcast %mul3A_586 : i32 to vector<16xi32>
      %sub3A_905 = arith.subi %add3A_903, %sub3A_904 : vector<16xi32>
      %ge3A_906 = arith.constant 0 : i32
      %ge3A_907 = vector.broadcast %ge3A_906 : i32 to vector<16xi32>
      %ge3A_908 = arith.cmpi sge, %sub3A_896, %ge3A_907 : vector<16xi32>
      %lt3A_909 = arith.constant 6400 : i32
      %lt3A_910 = vector.broadcast %lt3A_909 : i32 to vector<16xi32>
      %lt3A_911 = arith.cmpi slt, %sub3A_896, %lt3A_910 : vector<16xi32>
      %and3A_912 = arith.andi %ge3A_908, %lt3A_911 : vector<16xi1>
      %ge3A_913 = arith.constant 0 : i32
      %ge3A_914 = vector.broadcast %ge3A_913 : i32 to vector<16xi32>
      %ge3A_915 = arith.cmpi sge, %sub3A_905, %ge3A_914 : vector<16xi32>
      %and3A_916 = arith.andi %ge3A_11, %ge3A_915 : vector<16xi1>
      %lt3A_917 = arith.constant 6400 : i32
      %lt3A_918 = vector.broadcast %lt3A_917 : i32 to vector<16xi32>
      %lt3A_919 = arith.cmpi slt, %sub3A_905, %lt3A_918 : vector<16xi32>
      %and3A_920 = arith.andi %and3A_916, %lt3A_919 : vector<16xi1>
      %broadcast_in_dim3A_921 = arith.constant 6 : i32
      %broadcast_in_dim3A_922 = vector.broadcast %broadcast_in_dim3A_921 : i32 to vector<16xi32>
      tpu.vector_store_idx %arg6[%broadcast_in_dim3A_922, %sub3A_896], %broadcast_in_dim3A_9 masked %and3A_912 : memref<8x6400xf32, #tpu.memory_space<vmem>>[vector<16xi32>, vector<16xi32>], vector<16xf32>, vector<16xi1>
      tpu.vector_store_idx %arg6[%broadcast_in_dim3A_922, %sub3A_905], %broadcast_in_dim3A_9 masked %and3A_920 : memref<8x6400xf32, #tpu.memory_space<vmem>>[vector<16xi32>, vector<16xi32>], vector<16xf32>, vector<16xi1>
      %mul3A_923 = arith.constant 8 : i32
      %mul3A_924 = arith.muli %select_n3A_568, %mul3A_923 : i32
      %add3A_925 = arith.constant 7 : i32
      %add3A_926 = arith.addi %mul3A_924, %add3A_925 : i32
      %mul3A_927 = arith.constant 26 : i32
      %mul3A_928 = arith.muli %add3A_926, %mul3A_927 : i32
      %get3A_929 = arith.index_cast %mul3A_928 : i32 to index
      %get3A_930 = tpu.vector_load %arg9[%get3A_929] {strides = array<i32>} : memref<3120xf32, #tpu.memory_space<vmem>>, vector<16xf32>,
      %convert_element_type3A_931 = arith.fptosi %get3A_930 : vector<16xf32> to vector<16xi32>
      %mul3A_932 = arith.constant 26 : i32
      %mul3A_933 = arith.muli %add3A_926, %mul3A_932 : i32
      %add3A_934 = arith.constant 10 : i32
      %add3A_935 = arith.addi %mul3A_933, %add3A_934 : i32
      %get3A_936 = arith.index_cast %add3A_935 : i32 to index
      %get3A_937 = tpu.vector_load %arg9[%get3A_936] {strides = array<i32>} : memref<3120xf32, #tpu.memory_space<vmem>>, vector<16xf32>,
      %convert_element_type3A_938 = arith.fptosi %get3A_937 : vector<16xf32> to vector<16xi32>
      %mul3A_939 = arith.constant 1000 : i32
      %mul3A_940 = vector.broadcast %mul3A_939 : i32 to vector<16xi32>
      %mul3A_941 = arith.muli %iota3A, %mul3A_940 : vector<16xi32>
      %add3A_942 = arith.addi %mul3A_941, %convert_element_type3A_931 : vector<16xi32>
      %sub3A_943 = vector.broadcast %mul3A_586 : i32 to vector<16xi32>
      %sub3A_944 = arith.subi %add3A_942, %sub3A_943 : vector<16xi32>
      %add3A_945 = arith.constant 10 : i32
      %add3A_946 = vector.broadcast %add3A_945 : i32 to vector<16xi32>
      %add3A_947 = arith.addi %iota3A, %add3A_946 : vector<16xi32>
      %mul3A_948 = arith.constant 1000 : i32
      %mul3A_949 = vector.broadcast %mul3A_948 : i32 to vector<16xi32>
      %mul3A_950 = arith.muli %add3A_947, %mul3A_949 : vector<16xi32>
      %add3A_951 = arith.addi %mul3A_950, %convert_element_type3A_938 : vector<16xi32>
      %sub3A_952 = vector.broadcast %mul3A_586 : i32 to vector<16xi32>
      %sub3A_953 = arith.subi %add3A_951, %sub3A_952 : vector<16xi32>
      %ge3A_954 = arith.constant 0 : i32
      %ge3A_955 = vector.broadcast %ge3A_954 : i32 to vector<16xi32>
      %ge3A_956 = arith.cmpi sge, %sub3A_944, %ge3A_955 : vector<16xi32>
      %lt3A_957 = arith.constant 6400 : i32
      %lt3A_958 = vector.broadcast %lt3A_957 : i32 to vector<16xi32>
      %lt3A_959 = arith.cmpi slt, %sub3A_944, %lt3A_958 : vector<16xi32>
      %and3A_960 = arith.andi %ge3A_956, %lt3A_959 : vector<16xi1>
      %ge3A_961 = arith.constant 0 : i32
      %ge3A_962 = vector.broadcast %ge3A_961 : i32 to vector<16xi32>
      %ge3A_963 = arith.cmpi sge, %sub3A_953, %ge3A_962 : vector<16xi32>
      %and3A_964 = arith.andi %ge3A_11, %ge3A_963 : vector<16xi1>
      %lt3A_965 = arith.constant 6400 : i32
      %lt3A_966 = vector.broadcast %lt3A_965 : i32 to vector<16xi32>
      %lt3A_967 = arith.cmpi slt, %sub3A_953, %lt3A_966 : vector<16xi32>
      %and3A_968 = arith.andi %and3A_964, %lt3A_967 : vector<16xi1>
      %broadcast_in_dim3A_969 = arith.constant 7 : i32
      %broadcast_in_dim3A_970 = vector.broadcast %broadcast_in_dim3A_969 : i32 to vector<16xi32>
      tpu.vector_store_idx %arg6[%broadcast_in_dim3A_970, %sub3A_944], %broadcast_in_dim3A_9 masked %and3A_960 : memref<8x6400xf32, #tpu.memory_space<vmem>>[vector<16xi32>, vector<16xi32>], vector<16xf32>, vector<16xi1>
      tpu.vector_store_idx %arg6[%broadcast_in_dim3A_970, %sub3A_953], %broadcast_in_dim3A_9 masked %and3A_968 : memref<8x6400xf32, #tpu.memory_space<vmem>>[vector<16xi32>, vector<16xi32>], vector<16xf32>, vector<16xi1>
      %jit3A_971 = arith.constant 4 : i32
      %div3A_972 = arith.divsi %add3A_539, %jit3A_971 : i32
      %sign3A_973 = arith.constant 0 : i32
      %sign3A_974 = arith.cmpi sgt, %add3A_539, %sign3A_973 : i32
      %sign3A_975 = arith.extui %sign3A_974 : i1 to i32
      %sign3A_976 = arith.constant 0 : i32
      %sign3A_977 = arith.cmpi slt, %add3A_539, %sign3A_976 : i32
      %sign3A_978 = arith.extui %sign3A_977 : i1 to i32
      %sign3A_979 = arith.subi %sign3A_975, %sign3A_978 : i32
      %sign3A_980 = arith.constant 0 : i32
      %sign3A_981 = arith.cmpi sgt, %jit3A_971, %sign3A_980 : i32
      %sign3A_982 = arith.extui %sign3A_981 : i1 to i32
      %sign3A_983 = arith.constant 0 : i32
      %sign3A_984 = arith.cmpi slt, %jit3A_971, %sign3A_983 : i32
      %sign3A_985 = arith.extui %sign3A_984 : i1 to i32
      %sign3A_986 = arith.subi %sign3A_982, %sign3A_985 : i32
      %ne3A_987 = arith.cmpi ne, %sign3A_979, %sign3A_986 : i32
      %rem3A_988 = arith.remsi %add3A_539, %jit3A_971 : i32
      %ne3A_989 = arith.constant 0 : i32
      %ne3A_990 = arith.cmpi ne, %rem3A_988, %ne3A_989 : i32
      %and3A_991 = arith.andi %ne3A_987, %ne3A_990 : i1
      %sub3A_992 = arith.constant 1 : i32
      %sub3A_993 = arith.subi %div3A_972, %sub3A_992 : i32
      %select_n3A_994 = arith.select %and3A_991, %sub3A_993, %div3A_972 : i32
      %jit3A_995 = arith.constant 4 : i32
      %eq3A_996 = arith.constant 0 : i32
      %eq3A_997 = arith.cmpi eq, %jit3A_995, %eq3A_996 : i32
      %jit3A_998 = arith.constant 1 : i32
      %select_n3A_999 = arith.select %eq3A_997, %jit3A_998, %jit3A_995 : i32
      %rem3A_1000 = arith.remsi %add3A_539, %select_n3A_999 : i32
      %ne3A_1001 = arith.constant 0 : i32
      %ne3A_1002 = arith.cmpi ne, %rem3A_1000, %ne3A_1001 : i32
      %lt3A_1003 = arith.constant 0 : i32
      %lt3A_1004 = arith.cmpi slt, %rem3A_1000, %lt3A_1003 : i32
      %lt3A_1005 = arith.constant 0 : i32
      %lt3A_1006 = arith.cmpi slt, %select_n3A_999, %lt3A_1005 : i32
      %ne3A_1007 = arith.xori %lt3A_1004, %lt3A_1006 : i1
      %and3A_1008 = arith.andi %ne3A_1007, %ne3A_1002 : i1
      %add3A_1009 = arith.addi %rem3A_1000, %select_n3A_999 : i32
      %select_n3A_1010 = arith.select %and3A_1008, %add3A_1009, %rem3A_1000 : i32
      %mul3A_1011 = arith.constant 8 : i32
      %mul3A_1012 = arith.muli %select_n3A_994, %mul3A_1011 : i32
      %add3A_1013 = arith.addi %add3A_38, %mul3A_1012 : i32
      %mul3A_1014 = arith.constant 6400 : i32
      %mul3A_1015 = arith.muli %select_n3A_1010, %mul3A_1014 : i32
      %dma_start3A_1016 = tpu.memref_slice %arg3[%add3A_1013, %mul3A_1015] : memref<4096x26000xf32, #tpu.memory_space<hbm>> -> memref<8x6400xf32, #tpu.memory_space<hbm>>
      %dma_start3A_1017 = tpu.memref_slice %arg3[%add3A_1013, %mul3A_1015] : memref<4096x26000xf32, #tpu.memory_space<hbm>> -> memref<8x6400xf32, #tpu.memory_space<hbm>>
      tpu.enqueue_dma source(%arg6 : memref<8x6400xf32, #tpu.memory_space<vmem>>) target(%dma_start3A_1017 : memref<8x6400xf32, #tpu.memory_space<hbm>>) target_semaphore(%arg11 : memref<!tpu.dma_semaphore, #tpu.memory_space<semaphore_mem>>)
    }
    %scan3A_44 = arith.constant 30 : i32
    %scan3A_45 = arith.constant 0 : i32
    %scan3A_46 = arith.constant 0 : i32
    %scan3A_47 = arith.constant 8 : i32
    %scan3A_48 = arith.addi %scan3A_46, %scan3A_47 : i32
    %scan3A_49 = arith.constant 1 : i32
    scf.for %scan3A_68 = %scan3A_46 to %scan3A_48 step %scan3A_49  : i32 {
      %mul3A_69 = arith.constant 2 : i32
      %mul3A_70 = arith.muli %scan3A_68, %mul3A_69 : i32
      %add3A_71 = arith.constant 0 : i32
      %add3A_72 = arith.addi %mul3A_70, %add3A_71 : i32
      %gt3A = arith.constant 0 : i32
      %gt3A_73 = arith.cmpi sgt, %scan3A_68, %gt3A : i32
      %convert_element_type3A = arith.extui %gt3A_73 : i1 to i32
      %cond3A = arith.constant 0 : i32
      %cond3A_74 = arith.cmpi ne, %convert_element_type3A, %cond3A : i32
      scf.if %cond3A_74 {
        %sub3A = arith.constant 2 : i32
        %sub3A_93 = arith.subi %add3A_72, %sub3A : i32
        %mul3A_94 = arith.constant 8 : i32
        %mul3A_95 = arith.muli %sub3A_93, %mul3A_94 : i32
        %add3A_96 = arith.addi %add3A_38, %mul3A_95 : i32
        %dma_wait3A_97 = arith.constant 25600 : i32
        %dma_wait3A_98 = tpu.memref_slice %arg3[%add3A_96, %dma_wait3A_97] : memref<4096x26000xf32, #tpu.memory_space<hbm>> -> memref<8x400xf32, #tpu.memory_space<hbm>>
        %dma_wait3A_99 = arith.constant 25600 : i32
        %dma_wait3A_100 = tpu.memref_slice %arg3[%add3A_96, %dma_wait3A_99] : memref<4096x26000xf32, #tpu.memory_space<hbm>> -> memref<8x400xf32, #tpu.memory_space<hbm>>
        tpu.wait_dma2 semaphore(%arg12 : memref<!tpu.dma_semaphore, #tpu.memory_space<semaphore_mem>>) src(%arg7 : memref<8x400xf32, #tpu.memory_space<vmem>>) dst(%dma_wait3A_100 : memref<8x400xf32, #tpu.memory_space<hbm>>)
        %sub3A_101 = arith.constant 2 : i32
        %sub3A_102 = arith.subi %add3A_72, %sub3A_101 : i32
        %mul3A_103 = arith.constant 8 : i32
        %mul3A_104 = arith.muli %sub3A_102, %mul3A_103 : i32
        %add3A_105 = arith.constant 0 : i32
        %add3A_106 = arith.addi %mul3A_104, %add3A_105 : i32
        %mul3A_107 = arith.constant 26 : i32
        %mul3A_108 = arith.muli %add3A_106, %mul3A_107 : i32
        %get3A = arith.index_cast %mul3A_108 : i32 to index
        %get3A_109 = tpu.vector_load %arg9[%get3A] {strides = array<i32>} : memref<3120xf32, #tpu.memory_space<vmem>>, vector<16xf32>,
        %convert_element_type3A_110 = arith.fptosi %get3A_109 : vector<16xf32> to vector<16xi32>
        %mul3A_111 = arith.constant 26 : i32
        %mul3A_112 = arith.muli %add3A_106, %mul3A_111 : i32
        %add3A_113 = arith.constant 10 : i32
        %add3A_114 = arith.addi %mul3A_112, %add3A_113 : i32
        %get3A_115 = arith.index_cast %add3A_114 : i32 to index
        %get3A_116 = tpu.vector_load %arg9[%get3A_115] {strides = array<i32>} : memref<3120xf32, #tpu.memory_space<vmem>>, vector<16xf32>,
        %convert_element_type3A_117 = arith.fptosi %get3A_116 : vector<16xf32> to vector<16xi32>
        %mul3A_118 = arith.constant 1000 : i32
        %mul3A_119 = vector.broadcast %mul3A_118 : i32 to vector<16xi32>
        %mul3A_120 = arith.muli %iota3A, %mul3A_119 : vector<16xi32>
        %add3A_121 = arith.addi %mul3A_120, %convert_element_type3A_110 : vector<16xi32>
        %sub3A_122 = arith.constant 25600 : i32
        %sub3A_123 = vector.broadcast %sub3A_122 : i32 to vector<16xi32>
        %sub3A_124 = arith.subi %add3A_121, %sub3A_123 : vector<16xi32>
        %add3A_125 = arith.constant 10 : i32
        %add3A_126 = vector.broadcast %add3A_125 : i32 to vector<16xi32>
        %add3A_127 = arith.addi %iota3A, %add3A_126 : vector<16xi32>
        %mul3A_128 = arith.constant 1000 : i32
        %mul3A_129 = vector.broadcast %mul3A_128 : i32 to vector<16xi32>
        %mul3A_130 = arith.muli %add3A_127, %mul3A_129 : vector<16xi32>
        %add3A_131 = arith.addi %mul3A_130, %convert_element_type3A_117 : vector<16xi32>
        %sub3A_132 = arith.constant 25600 : i32
        %sub3A_133 = vector.broadcast %sub3A_132 : i32 to vector<16xi32>
        %sub3A_134 = arith.subi %add3A_131, %sub3A_133 : vector<16xi32>
        %ge3A_135 = arith.constant 0 : i32
        %ge3A_136 = vector.broadcast %ge3A_135 : i32 to vector<16xi32>
        %ge3A_137 = arith.cmpi sge, %sub3A_124, %ge3A_136 : vector<16xi32>
        %lt3A_138 = arith.constant 400 : i32
        %lt3A_139 = vector.broadcast %lt3A_138 : i32 to vector<16xi32>
        %lt3A_140 = arith.cmpi slt, %sub3A_124, %lt3A_139 : vector<16xi32>
        %and3A = arith.andi %ge3A_137, %lt3A_140 : vector<16xi1>
        %ge3A_141 = arith.constant 0 : i32
        %ge3A_142 = vector.broadcast %ge3A_141 : i32 to vector<16xi32>
        %ge3A_143 = arith.cmpi sge, %sub3A_134, %ge3A_142 : vector<16xi32>
        %and3A_144 = arith.andi %ge3A_11, %ge3A_143 : vector<16xi1>
        %lt3A_145 = arith.constant 400 : i32
        %lt3A_146 = vector.broadcast %lt3A_145 : i32 to vector<16xi32>
        %lt3A_147 = arith.cmpi slt, %sub3A_134, %lt3A_146 : vector<16xi32>
        %and3A_148 = arith.andi %and3A_144, %lt3A_147 : vector<16xi1>
        %broadcast_in_dim3A_149 = arith.constant 0 : i32
        %broadcast_in_dim3A_150 = vector.broadcast %broadcast_in_dim3A_149 : i32 to vector<16xi32>
        tpu.vector_store_idx %arg7[%broadcast_in_dim3A_150, %sub3A_124], %broadcast_in_dim3A_7 masked %and3A : memref<8x400xf32, #tpu.memory_space<vmem>>[vector<16xi32>, vector<16xi32>], vector<16xf32>, vector<16xi1>
        tpu.vector_store_idx %arg7[%broadcast_in_dim3A_150, %sub3A_134], %broadcast_in_dim3A_7 masked %and3A_148 : memref<8x400xf32, #tpu.memory_space<vmem>>[vector<16xi32>, vector<16xi32>], vector<16xf32>, vector<16xi1>
        %mul3A_151 = arith.constant 8 : i32
        %mul3A_152 = arith.muli %sub3A_102, %mul3A_151 : i32
        %add3A_153 = arith.constant 1 : i32
        %add3A_154 = arith.addi %mul3A_152, %add3A_153 : i32
        %mul3A_155 = arith.constant 26 : i32
        %mul3A_156 = arith.muli %add3A_154, %mul3A_155 : i32
        %get3A_157 = arith.index_cast %mul3A_156 : i32 to index
        %get3A_158 = tpu.vector_load %arg9[%get3A_157] {strides = array<i32>} : memref<3120xf32, #tpu.memory_space<vmem>>, vector<16xf32>,
        %convert_element_type3A_159 = arith.fptosi %get3A_158 : vector<16xf32> to vector<16xi32>
        %mul3A_160 = arith.constant 26 : i32
        %mul3A_161 = arith.muli %add3A_154, %mul3A_160 : i32
        %add3A_162 = arith.constant 10 : i32
        %add3A_163 = arith.addi %mul3A_161, %add3A_162 : i32
        %get3A_164 = arith.index_cast %add3A_163 : i32 to index
        %get3A_165 = tpu.vector_load %arg9[%get3A_164] {strides = array<i32>} : memref<3120xf32, #tpu.memory_space<vmem>>, vector<16xf32>,
        %convert_element_type3A_166 = arith.fptosi %get3A_165 : vector<16xf32> to vector<16xi32>
        %mul3A_167 = arith.constant 1000 : i32
        %mul3A_168 = vector.broadcast %mul3A_167 : i32 to vector<16xi32>
        %mul3A_169 = arith.muli %iota3A, %mul3A_168 : vector<16xi32>
        %add3A_170 = arith.addi %mul3A_169, %convert_element_type3A_159 : vector<16xi32>
        %sub3A_171 = arith.constant 25600 : i32
        %sub3A_172 = vector.broadcast %sub3A_171 : i32 to vector<16xi32>
        %sub3A_173 = arith.subi %add3A_170, %sub3A_172 : vector<16xi32>
        %add3A_174 = arith.constant 10 : i32
        %add3A_175 = vector.broadcast %add3A_174 : i32 to vector<16xi32>
        %add3A_176 = arith.addi %iota3A, %add3A_175 : vector<16xi32>
        %mul3A_177 = arith.constant 1000 : i32
        %mul3A_178 = vector.broadcast %mul3A_177 : i32 to vector<16xi32>
        %mul3A_179 = arith.muli %add3A_176, %mul3A_178 : vector<16xi32>
        %add3A_180 = arith.addi %mul3A_179, %convert_element_type3A_166 : vector<16xi32>
        %sub3A_181 = arith.constant 25600 : i32
        %sub3A_182 = vector.broadcast %sub3A_181 : i32 to vector<16xi32>
        %sub3A_183 = arith.subi %add3A_180, %sub3A_182 : vector<16xi32>
        %ge3A_184 = arith.constant 0 : i32
        %ge3A_185 = vector.broadcast %ge3A_184 : i32 to vector<16xi32>
        %ge3A_186 = arith.cmpi sge, %sub3A_173, %ge3A_185 : vector<16xi32>
        %lt3A_187 = arith.constant 400 : i32
        %lt3A_188 = vector.broadcast %lt3A_187 : i32 to vector<16xi32>
        %lt3A_189 = arith.cmpi slt, %sub3A_173, %lt3A_188 : vector<16xi32>
        %and3A_190 = arith.andi %ge3A_186, %lt3A_189 : vector<16xi1>
        %ge3A_191 = arith.constant 0 : i32
        %ge3A_192 = vector.broadcast %ge3A_191 : i32 to vector<16xi32>
        %ge3A_193 = arith.cmpi sge, %sub3A_183, %ge3A_192 : vector<16xi32>
        %and3A_194 = arith.andi %ge3A_11, %ge3A_193 : vector<16xi1>
        %lt3A_195 = arith.constant 400 : i32
        %lt3A_196 = vector.broadcast %lt3A_195 : i32 to vector<16xi32>
        %lt3A_197 = arith.cmpi slt, %sub3A_183, %lt3A_196 : vector<16xi32>
        %and3A_198 = arith.andi %and3A_194, %lt3A_197 : vector<16xi1>
        %broadcast_in_dim3A_199 = arith.constant 1 : i32
        %broadcast_in_dim3A_200 = vector.broadcast %broadcast_in_dim3A_199 : i32 to vector<16xi32>
        tpu.vector_store_idx %arg7[%broadcast_in_dim3A_200, %sub3A_173], %broadcast_in_dim3A_7 masked %and3A_190 : memref<8x400xf32, #tpu.memory_space<vmem>>[vector<16xi32>, vector<16xi32>], vector<16xf32>, vector<16xi1>
        tpu.vector_store_idx %arg7[%broadcast_in_dim3A_200, %sub3A_183], %broadcast_in_dim3A_7 masked %and3A_198 : memref<8x400xf32, #tpu.memory_space<vmem>>[vector<16xi32>, vector<16xi32>], vector<16xf32>, vector<16xi1>
        %mul3A_201 = arith.constant 8 : i32
        %mul3A_202 = arith.muli %sub3A_102, %mul3A_201 : i32
        %add3A_203 = arith.constant 2 : i32
        %add3A_204 = arith.addi %mul3A_202, %add3A_203 : i32
        %mul3A_205 = arith.constant 26 : i32
        %mul3A_206 = arith.muli %add3A_204, %mul3A_205 : i32
        %get3A_207 = arith.index_cast %mul3A_206 : i32 to index
        %get3A_208 = tpu.vector_load %arg9[%get3A_207] {strides = array<i32>} : memref<3120xf32, #tpu.memory_space<vmem>>, vector<16xf32>,
        %convert_element_type3A_209 = arith.fptosi %get3A_208 : vector<16xf32> to vector<16xi32>
        %mul3A_210 = arith.constant 26 : i32
        %mul3A_211 = arith.muli %add3A_204, %mul3A_210 : i32
        %add3A_212 = arith.constant 10 : i32
        %add3A_213 = arith.addi %mul3A_211, %add3A_212 : i32
        %get3A_214 = arith.index_cast %add3A_213 : i32 to index
        %get3A_215 = tpu.vector_load %arg9[%get3A_214] {strides = array<i32>} : memref<3120xf32, #tpu.memory_space<vmem>>, vector<16xf32>,
        %convert_element_type3A_216 = arith.fptosi %get3A_215 : vector<16xf32> to vector<16xi32>
        %mul3A_217 = arith.constant 1000 : i32
        %mul3A_218 = vector.broadcast %mul3A_217 : i32 to vector<16xi32>
        %mul3A_219 = arith.muli %iota3A, %mul3A_218 : vector<16xi32>
        %add3A_220 = arith.addi %mul3A_219, %convert_element_type3A_209 : vector<16xi32>
        %sub3A_221 = arith.constant 25600 : i32
        %sub3A_222 = vector.broadcast %sub3A_221 : i32 to vector<16xi32>
        %sub3A_223 = arith.subi %add3A_220, %sub3A_222 : vector<16xi32>
        %add3A_224 = arith.constant 10 : i32
        %add3A_225 = vector.broadcast %add3A_224 : i32 to vector<16xi32>
        %add3A_226 = arith.addi %iota3A, %add3A_225 : vector<16xi32>
        %mul3A_227 = arith.constant 1000 : i32
        %mul3A_228 = vector.broadcast %mul3A_227 : i32 to vector<16xi32>
        %mul3A_229 = arith.muli %add3A_226, %mul3A_228 : vector<16xi32>
        %add3A_230 = arith.addi %mul3A_229, %convert_element_type3A_216 : vector<16xi32>
        %sub3A_231 = arith.constant 25600 : i32
        %sub3A_232 = vector.broadcast %sub3A_231 : i32 to vector<16xi32>
        %sub3A_233 = arith.subi %add3A_230, %sub3A_232 : vector<16xi32>
        %ge3A_234 = arith.constant 0 : i32
        %ge3A_235 = vector.broadcast %ge3A_234 : i32 to vector<16xi32>
        %ge3A_236 = arith.cmpi sge, %sub3A_223, %ge3A_235 : vector<16xi32>
        %lt3A_237 = arith.constant 400 : i32
        %lt3A_238 = vector.broadcast %lt3A_237 : i32 to vector<16xi32>
        %lt3A_239 = arith.cmpi slt, %sub3A_223, %lt3A_238 : vector<16xi32>
        %and3A_240 = arith.andi %ge3A_236, %lt3A_239 : vector<16xi1>
        %ge3A_241 = arith.constant 0 : i32
        %ge3A_242 = vector.broadcast %ge3A_241 : i32 to vector<16xi32>
        %ge3A_243 = arith.cmpi sge, %sub3A_233, %ge3A_242 : vector<16xi32>
        %and3A_244 = arith.andi %ge3A_11, %ge3A_243 : vector<16xi1>
        %lt3A_245 = arith.constant 400 : i32
        %lt3A_246 = vector.broadcast %lt3A_245 : i32 to vector<16xi32>
        %lt3A_247 = arith.cmpi slt, %sub3A_233, %lt3A_246 : vector<16xi32>
        %and3A_248 = arith.andi %and3A_244, %lt3A_247 : vector<16xi1>
        %broadcast_in_dim3A_249 = arith.constant 2 : i32
        %broadcast_in_dim3A_250 = vector.broadcast %broadcast_in_dim3A_249 : i32 to vector<16xi32>
        tpu.vector_store_idx %arg7[%broadcast_in_dim3A_250, %sub3A_223], %broadcast_in_dim3A_7 masked %and3A_240 : memref<8x400xf32, #tpu.memory_space<vmem>>[vector<16xi32>, vector<16xi32>], vector<16xf32>, vector<16xi1>
        tpu.vector_store_idx %arg7[%broadcast_in_dim3A_250, %sub3A_233], %broadcast_in_dim3A_7 masked %and3A_248 : memref<8x400xf32, #tpu.memory_space<vmem>>[vector<16xi32>, vector<16xi32>], vector<16xf32>, vector<16xi1>
        %mul3A_251 = arith.constant 8 : i32
        %mul3A_252 = arith.muli %sub3A_102, %mul3A_251 : i32
        %add3A_253 = arith.constant 3 : i32
        %add3A_254 = arith.addi %mul3A_252, %add3A_253 : i32
        %mul3A_255 = arith.constant 26 : i32
        %mul3A_256 = arith.muli %add3A_254, %mul3A_255 : i32
        %get3A_257 = arith.index_cast %mul3A_256 : i32 to index
        %get3A_258 = tpu.vector_load %arg9[%get3A_257] {strides = array<i32>} : memref<3120xf32, #tpu.memory_space<vmem>>, vector<16xf32>,
        %convert_element_type3A_259 = arith.fptosi %get3A_258 : vector<16xf32> to vector<16xi32>
        %mul3A_260 = arith.constant 26 : i32
        %mul3A_261 = arith.muli %add3A_254, %mul3A_260 : i32
        %add3A_262 = arith.constant 10 : i32
        %add3A_263 = arith.addi %mul3A_261, %add3A_262 : i32
        %get3A_264 = arith.index_cast %add3A_263 : i32 to index
        %get3A_265 = tpu.vector_load %arg9[%get3A_264] {strides = array<i32>} : memref<3120xf32, #tpu.memory_space<vmem>>, vector<16xf32>,
        %convert_element_type3A_266 = arith.fptosi %get3A_265 : vector<16xf32> to vector<16xi32>
        %mul3A_267 = arith.constant 1000 : i32
        %mul3A_268 = vector.broadcast %mul3A_267 : i32 to vector<16xi32>
        %mul3A_269 = arith.muli %iota3A, %mul3A_268 : vector<16xi32>
        %add3A_270 = arith.addi %mul3A_269, %convert_element_type3A_259 : vector<16xi32>
        %sub3A_271 = arith.constant 25600 : i32
        %sub3A_272 = vector.broadcast %sub3A_271 : i32 to vector<16xi32>
        %sub3A_273 = arith.subi %add3A_270, %sub3A_272 : vector<16xi32>
        %add3A_274 = arith.constant 10 : i32
        %add3A_275 = vector.broadcast %add3A_274 : i32 to vector<16xi32>
        %add3A_276 = arith.addi %iota3A, %add3A_275 : vector<16xi32>
        %mul3A_277 = arith.constant 1000 : i32
        %mul3A_278 = vector.broadcast %mul3A_277 : i32 to vector<16xi32>
        %mul3A_279 = arith.muli %add3A_276, %mul3A_278 : vector<16xi32>
        %add3A_280 = arith.addi %mul3A_279, %convert_element_type3A_266 : vector<16xi32>
        %sub3A_281 = arith.constant 25600 : i32
        %sub3A_282 = vector.broadcast %sub3A_281 : i32 to vector<16xi32>
        %sub3A_283 = arith.subi %add3A_280, %sub3A_282 : vector<16xi32>
        %ge3A_284 = arith.constant 0 : i32
        %ge3A_285 = vector.broadcast %ge3A_284 : i32 to vector<16xi32>
        %ge3A_286 = arith.cmpi sge, %sub3A_273, %ge3A_285 : vector<16xi32>
        %lt3A_287 = arith.constant 400 : i32
        %lt3A_288 = vector.broadcast %lt3A_287 : i32 to vector<16xi32>
        %lt3A_289 = arith.cmpi slt, %sub3A_273, %lt3A_288 : vector<16xi32>
        %and3A_290 = arith.andi %ge3A_286, %lt3A_289 : vector<16xi1>
        %ge3A_291 = arith.constant 0 : i32
        %ge3A_292 = vector.broadcast %ge3A_291 : i32 to vector<16xi32>
        %ge3A_293 = arith.cmpi sge, %sub3A_283, %ge3A_292 : vector<16xi32>
        %and3A_294 = arith.andi %ge3A_11, %ge3A_293 : vector<16xi1>
        %lt3A_295 = arith.constant 400 : i32
        %lt3A_296 = vector.broadcast %lt3A_295 : i32 to vector<16xi32>
        %lt3A_297 = arith.cmpi slt, %sub3A_283, %lt3A_296 : vector<16xi32>
        %and3A_298 = arith.andi %and3A_294, %lt3A_297 : vector<16xi1>
        %broadcast_in_dim3A_299 = arith.constant 3 : i32
        %broadcast_in_dim3A_300 = vector.broadcast %broadcast_in_dim3A_299 : i32 to vector<16xi32>
        tpu.vector_store_idx %arg7[%broadcast_in_dim3A_300, %sub3A_273], %broadcast_in_dim3A_7 masked %and3A_290 : memref<8x400xf32, #tpu.memory_space<vmem>>[vector<16xi32>, vector<16xi32>], vector<16xf32>, vector<16xi1>
        tpu.vector_store_idx %arg7[%broadcast_in_dim3A_300, %sub3A_283], %broadcast_in_dim3A_7 masked %and3A_298 : memref<8x400xf32, #tpu.memory_space<vmem>>[vector<16xi32>, vector<16xi32>], vector<16xf32>, vector<16xi1>
        %mul3A_301 = arith.constant 8 : i32
        %mul3A_302 = arith.muli %sub3A_102, %mul3A_301 : i32
        %add3A_303 = arith.constant 4 : i32
        %add3A_304 = arith.addi %mul3A_302, %add3A_303 : i32
        %mul3A_305 = arith.constant 26 : i32
        %mul3A_306 = arith.muli %add3A_304, %mul3A_305 : i32
        %get3A_307 = arith.index_cast %mul3A_306 : i32 to index
        %get3A_308 = tpu.vector_load %arg9[%get3A_307] {strides = array<i32>} : memref<3120xf32, #tpu.memory_space<vmem>>, vector<16xf32>,
        %convert_element_type3A_309 = arith.fptosi %get3A_308 : vector<16xf32> to vector<16xi32>
        %mul3A_310 = arith.constant 26 : i32
        %mul3A_311 = arith.muli %add3A_304, %mul3A_310 : i32
        %add3A_312 = arith.constant 10 : i32
        %add3A_313 = arith.addi %mul3A_311, %add3A_312 : i32
        %get3A_314 = arith.index_cast %add3A_313 : i32 to index
        %get3A_315 = tpu.vector_load %arg9[%get3A_314] {strides = array<i32>} : memref<3120xf32, #tpu.memory_space<vmem>>, vector<16xf32>,
        %convert_element_type3A_316 = arith.fptosi %get3A_315 : vector<16xf32> to vector<16xi32>
        %mul3A_317 = arith.constant 1000 : i32
        %mul3A_318 = vector.broadcast %mul3A_317 : i32 to vector<16xi32>
        %mul3A_319 = arith.muli %iota3A, %mul3A_318 : vector<16xi32>
        %add3A_320 = arith.addi %mul3A_319, %convert_element_type3A_309 : vector<16xi32>
        %sub3A_321 = arith.constant 25600 : i32
        %sub3A_322 = vector.broadcast %sub3A_321 : i32 to vector<16xi32>
        %sub3A_323 = arith.subi %add3A_320, %sub3A_322 : vector<16xi32>
        %add3A_324 = arith.constant 10 : i32
        %add3A_325 = vector.broadcast %add3A_324 : i32 to vector<16xi32>
        %add3A_326 = arith.addi %iota3A, %add3A_325 : vector<16xi32>
        %mul3A_327 = arith.constant 1000 : i32
        %mul3A_328 = vector.broadcast %mul3A_327 : i32 to vector<16xi32>
        %mul3A_329 = arith.muli %add3A_326, %mul3A_328 : vector<16xi32>
        %add3A_330 = arith.addi %mul3A_329, %convert_element_type3A_316 : vector<16xi32>
        %sub3A_331 = arith.constant 25600 : i32
        %sub3A_332 = vector.broadcast %sub3A_331 : i32 to vector<16xi32>
        %sub3A_333 = arith.subi %add3A_330, %sub3A_332 : vector<16xi32>
        %ge3A_334 = arith.constant 0 : i32
        %ge3A_335 = vector.broadcast %ge3A_334 : i32 to vector<16xi32>
        %ge3A_336 = arith.cmpi sge, %sub3A_323, %ge3A_335 : vector<16xi32>
        %lt3A_337 = arith.constant 400 : i32
        %lt3A_338 = vector.broadcast %lt3A_337 : i32 to vector<16xi32>
        %lt3A_339 = arith.cmpi slt, %sub3A_323, %lt3A_338 : vector<16xi32>
        %and3A_340 = arith.andi %ge3A_336, %lt3A_339 : vector<16xi1>
        %ge3A_341 = arith.constant 0 : i32
        %ge3A_342 = vector.broadcast %ge3A_341 : i32 to vector<16xi32>
        %ge3A_343 = arith.cmpi sge, %sub3A_333, %ge3A_342 : vector<16xi32>
        %and3A_344 = arith.andi %ge3A_11, %ge3A_343 : vector<16xi1>
        %lt3A_345 = arith.constant 400 : i32
        %lt3A_346 = vector.broadcast %lt3A_345 : i32 to vector<16xi32>
        %lt3A_347 = arith.cmpi slt, %sub3A_333, %lt3A_346 : vector<16xi32>
        %and3A_348 = arith.andi %and3A_344, %lt3A_347 : vector<16xi1>
        %broadcast_in_dim3A_349 = arith.constant 4 : i32
        %broadcast_in_dim3A_350 = vector.broadcast %broadcast_in_dim3A_349 : i32 to vector<16xi32>
        tpu.vector_store_idx %arg7[%broadcast_in_dim3A_350, %sub3A_323], %broadcast_in_dim3A_7 masked %and3A_340 : memref<8x400xf32, #tpu.memory_space<vmem>>[vector<16xi32>, vector<16xi32>], vector<16xf32>, vector<16xi1>
        tpu.vector_store_idx %arg7[%broadcast_in_dim3A_350, %sub3A_333], %broadcast_in_dim3A_7 masked %and3A_348 : memref<8x400xf32, #tpu.memory_space<vmem>>[vector<16xi32>, vector<16xi32>], vector<16xf32>, vector<16xi1>
        %mul3A_351 = arith.constant 8 : i32
        %mul3A_352 = arith.muli %sub3A_102, %mul3A_351 : i32
        %add3A_353 = arith.constant 5 : i32
        %add3A_354 = arith.addi %mul3A_352, %add3A_353 : i32
        %mul3A_355 = arith.constant 26 : i32
        %mul3A_356 = arith.muli %add3A_354, %mul3A_355 : i32
        %get3A_357 = arith.index_cast %mul3A_356 : i32 to index
        %get3A_358 = tpu.vector_load %arg9[%get3A_357] {strides = array<i32>} : memref<3120xf32, #tpu.memory_space<vmem>>, vector<16xf32>,
        %convert_element_type3A_359 = arith.fptosi %get3A_358 : vector<16xf32> to vector<16xi32>
        %mul3A_360 = arith.constant 26 : i32
        %mul3A_361 = arith.muli %add3A_354, %mul3A_360 : i32
        %add3A_362 = arith.constant 10 : i32
        %add3A_363 = arith.addi %mul3A_361, %add3A_362 : i32
        %get3A_364 = arith.index_cast %add3A_363 : i32 to index
        %get3A_365 = tpu.vector_load %arg9[%get3A_364] {strides = array<i32>} : memref<3120xf32, #tpu.memory_space<vmem>>, vector<16xf32>,
        %convert_element_type3A_366 = arith.fptosi %get3A_365 : vector<16xf32> to vector<16xi32>
        %mul3A_367 = arith.constant 1000 : i32
        %mul3A_368 = vector.broadcast %mul3A_367 : i32 to vector<16xi32>
        %mul3A_369 = arith.muli %iota3A, %mul3A_368 : vector<16xi32>
        %add3A_370 = arith.addi %mul3A_369, %convert_element_type3A_359 : vector<16xi32>
        %sub3A_371 = arith.constant 25600 : i32
        %sub3A_372 = vector.broadcast %sub3A_371 : i32 to vector<16xi32>
        %sub3A_373 = arith.subi %add3A_370, %sub3A_372 : vector<16xi32>
        %add3A_374 = arith.constant 10 : i32
        %add3A_375 = vector.broadcast %add3A_374 : i32 to vector<16xi32>
        %add3A_376 = arith.addi %iota3A, %add3A_375 : vector<16xi32>
        %mul3A_377 = arith.constant 1000 : i32
        %mul3A_378 = vector.broadcast %mul3A_377 : i32 to vector<16xi32>
        %mul3A_379 = arith.muli %add3A_376, %mul3A_378 : vector<16xi32>
        %add3A_380 = arith.addi %mul3A_379, %convert_element_type3A_366 : vector<16xi32>
        %sub3A_381 = arith.constant 25600 : i32
        %sub3A_382 = vector.broadcast %sub3A_381 : i32 to vector<16xi32>
        %sub3A_383 = arith.subi %add3A_380, %sub3A_382 : vector<16xi32>
        %ge3A_384 = arith.constant 0 : i32
        %ge3A_385 = vector.broadcast %ge3A_384 : i32 to vector<16xi32>
        %ge3A_386 = arith.cmpi sge, %sub3A_373, %ge3A_385 : vector<16xi32>
        %lt3A_387 = arith.constant 400 : i32
        %lt3A_388 = vector.broadcast %lt3A_387 : i32 to vector<16xi32>
        %lt3A_389 = arith.cmpi slt, %sub3A_373, %lt3A_388 : vector<16xi32>
        %and3A_390 = arith.andi %ge3A_386, %lt3A_389 : vector<16xi1>
        %ge3A_391 = arith.constant 0 : i32
        %ge3A_392 = vector.broadcast %ge3A_391 : i32 to vector<16xi32>
        %ge3A_393 = arith.cmpi sge, %sub3A_383, %ge3A_392 : vector<16xi32>
        %and3A_394 = arith.andi %ge3A_11, %ge3A_393 : vector<16xi1>
        %lt3A_395 = arith.constant 400 : i32
        %lt3A_396 = vector.broadcast %lt3A_395 : i32 to vector<16xi32>
        %lt3A_397 = arith.cmpi slt, %sub3A_383, %lt3A_396 : vector<16xi32>
        %and3A_398 = arith.andi %and3A_394, %lt3A_397 : vector<16xi1>
        %broadcast_in_dim3A_399 = arith.constant 5 : i32
        %broadcast_in_dim3A_400 = vector.broadcast %broadcast_in_dim3A_399 : i32 to vector<16xi32>
        tpu.vector_store_idx %arg7[%broadcast_in_dim3A_400, %sub3A_373], %broadcast_in_dim3A_7 masked %and3A_390 : memref<8x400xf32, #tpu.memory_space<vmem>>[vector<16xi32>, vector<16xi32>], vector<16xf32>, vector<16xi1>
        tpu.vector_store_idx %arg7[%broadcast_in_dim3A_400, %sub3A_383], %broadcast_in_dim3A_7 masked %and3A_398 : memref<8x400xf32, #tpu.memory_space<vmem>>[vector<16xi32>, vector<16xi32>], vector<16xf32>, vector<16xi1>
        %mul3A_401 = arith.constant 8 : i32
        %mul3A_402 = arith.muli %sub3A_102, %mul3A_401 : i32
        %add3A_403 = arith.constant 6 : i32
        %add3A_404 = arith.addi %mul3A_402, %add3A_403 : i32
        %mul3A_405 = arith.constant 26 : i32
        %mul3A_406 = arith.muli %add3A_404, %mul3A_405 : i32
        %get3A_407 = arith.index_cast %mul3A_406 : i32 to index
        %get3A_408 = tpu.vector_load %arg9[%get3A_407] {strides = array<i32>} : memref<3120xf32, #tpu.memory_space<vmem>>, vector<16xf32>,
        %convert_element_type3A_409 = arith.fptosi %get3A_408 : vector<16xf32> to vector<16xi32>
        %mul3A_410 = arith.constant 26 : i32
        %mul3A_411 = arith.muli %add3A_404, %mul3A_410 : i32
        %add3A_412 = arith.constant 10 : i32
        %add3A_413 = arith.addi %mul3A_411, %add3A_412 : i32
        %get3A_414 = arith.index_cast %add3A_413 : i32 to index
        %get3A_415 = tpu.vector_load %arg9[%get3A_414] {strides = array<i32>} : memref<3120xf32, #tpu.memory_space<vmem>>, vector<16xf32>,
        %convert_element_type3A_416 = arith.fptosi %get3A_415 : vector<16xf32> to vector<16xi32>
        %mul3A_417 = arith.constant 1000 : i32
        %mul3A_418 = vector.broadcast %mul3A_417 : i32 to vector<16xi32>
        %mul3A_419 = arith.muli %iota3A, %mul3A_418 : vector<16xi32>
        %add3A_420 = arith.addi %mul3A_419, %convert_element_type3A_409 : vector<16xi32>
        %sub3A_421 = arith.constant 25600 : i32
        %sub3A_422 = vector.broadcast %sub3A_421 : i32 to vector<16xi32>
        %sub3A_423 = arith.subi %add3A_420, %sub3A_422 : vector<16xi32>
        %add3A_424 = arith.constant 10 : i32
        %add3A_425 = vector.broadcast %add3A_424 : i32 to vector<16xi32>
        %add3A_426 = arith.addi %iota3A, %add3A_425 : vector<16xi32>
        %mul3A_427 = arith.constant 1000 : i32
        %mul3A_428 = vector.broadcast %mul3A_427 : i32 to vector<16xi32>
        %mul3A_429 = arith.muli %add3A_426, %mul3A_428 : vector<16xi32>
        %add3A_430 = arith.addi %mul3A_429, %convert_element_type3A_416 : vector<16xi32>
        %sub3A_431 = arith.constant 25600 : i32
        %sub3A_432 = vector.broadcast %sub3A_431 : i32 to vector<16xi32>
        %sub3A_433 = arith.subi %add3A_430, %sub3A_432 : vector<16xi32>
        %ge3A_434 = arith.constant 0 : i32
        %ge3A_435 = vector.broadcast %ge3A_434 : i32 to vector<16xi32>
        %ge3A_436 = arith.cmpi sge, %sub3A_423, %ge3A_435 : vector<16xi32>
        %lt3A_437 = arith.constant 400 : i32
        %lt3A_438 = vector.broadcast %lt3A_437 : i32 to vector<16xi32>
        %lt3A_439 = arith.cmpi slt, %sub3A_423, %lt3A_438 : vector<16xi32>
        %and3A_440 = arith.andi %ge3A_436, %lt3A_439 : vector<16xi1>
        %ge3A_441 = arith.constant 0 : i32
        %ge3A_442 = vector.broadcast %ge3A_441 : i32 to vector<16xi32>
        %ge3A_443 = arith.cmpi sge, %sub3A_433, %ge3A_442 : vector<16xi32>
        %and3A_444 = arith.andi %ge3A_11, %ge3A_443 : vector<16xi1>
        %lt3A_445 = arith.constant 400 : i32
        %lt3A_446 = vector.broadcast %lt3A_445 : i32 to vector<16xi32>
        %lt3A_447 = arith.cmpi slt, %sub3A_433, %lt3A_446 : vector<16xi32>
        %and3A_448 = arith.andi %and3A_444, %lt3A_447 : vector<16xi1>
        %broadcast_in_dim3A_449 = arith.constant 6 : i32
        %broadcast_in_dim3A_450 = vector.broadcast %broadcast_in_dim3A_449 : i32 to vector<16xi32>
        tpu.vector_store_idx %arg7[%broadcast_in_dim3A_450, %sub3A_423], %broadcast_in_dim3A_7 masked %and3A_440 : memref<8x400xf32, #tpu.memory_space<vmem>>[vector<16xi32>, vector<16xi32>], vector<16xf32>, vector<16xi1>
        tpu.vector_store_idx %arg7[%broadcast_in_dim3A_450, %sub3A_433], %broadcast_in_dim3A_7 masked %and3A_448 : memref<8x400xf32, #tpu.memory_space<vmem>>[vector<16xi32>, vector<16xi32>], vector<16xf32>, vector<16xi1>
        %mul3A_451 = arith.constant 8 : i32
        %mul3A_452 = arith.muli %sub3A_102, %mul3A_451 : i32
        %add3A_453 = arith.constant 7 : i32
        %add3A_454 = arith.addi %mul3A_452, %add3A_453 : i32
        %mul3A_455 = arith.constant 26 : i32
        %mul3A_456 = arith.muli %add3A_454, %mul3A_455 : i32
        %get3A_457 = arith.index_cast %mul3A_456 : i32 to index
        %get3A_458 = tpu.vector_load %arg9[%get3A_457] {strides = array<i32>} : memref<3120xf32, #tpu.memory_space<vmem>>, vector<16xf32>,
        %convert_element_type3A_459 = arith.fptosi %get3A_458 : vector<16xf32> to vector<16xi32>
        %mul3A_460 = arith.constant 26 : i32
        %mul3A_461 = arith.muli %add3A_454, %mul3A_460 : i32
        %add3A_462 = arith.constant 10 : i32
        %add3A_463 = arith.addi %mul3A_461, %add3A_462 : i32
        %get3A_464 = arith.index_cast %add3A_463 : i32 to index
        %get3A_465 = tpu.vector_load %arg9[%get3A_464] {strides = array<i32>} : memref<3120xf32, #tpu.memory_space<vmem>>, vector<16xf32>,
        %convert_element_type3A_466 = arith.fptosi %get3A_465 : vector<16xf32> to vector<16xi32>
        %mul3A_467 = arith.constant 1000 : i32
        %mul3A_468 = vector.broadcast %mul3A_467 : i32 to vector<16xi32>
        %mul3A_469 = arith.muli %iota3A, %mul3A_468 : vector<16xi32>
        %add3A_470 = arith.addi %mul3A_469, %convert_element_type3A_459 : vector<16xi32>
        %sub3A_471 = arith.constant 25600 : i32
        %sub3A_472 = vector.broadcast %sub3A_471 : i32 to vector<16xi32>
        %sub3A_473 = arith.subi %add3A_470, %sub3A_472 : vector<16xi32>
        %add3A_474 = arith.constant 10 : i32
        %add3A_475 = vector.broadcast %add3A_474 : i32 to vector<16xi32>
        %add3A_476 = arith.addi %iota3A, %add3A_475 : vector<16xi32>
        %mul3A_477 = arith.constant 1000 : i32
        %mul3A_478 = vector.broadcast %mul3A_477 : i32 to vector<16xi32>
        %mul3A_479 = arith.muli %add3A_476, %mul3A_478 : vector<16xi32>
        %add3A_480 = arith.addi %mul3A_479, %convert_element_type3A_466 : vector<16xi32>
        %sub3A_481 = arith.constant 25600 : i32
        %sub3A_482 = vector.broadcast %sub3A_481 : i32 to vector<16xi32>
        %sub3A_483 = arith.subi %add3A_480, %sub3A_482 : vector<16xi32>
        %ge3A_484 = arith.constant 0 : i32
        %ge3A_485 = vector.broadcast %ge3A_484 : i32 to vector<16xi32>
        %ge3A_486 = arith.cmpi sge, %sub3A_473, %ge3A_485 : vector<16xi32>
        %lt3A_487 = arith.constant 400 : i32
        %lt3A_488 = vector.broadcast %lt3A_487 : i32 to vector<16xi32>
        %lt3A_489 = arith.cmpi slt, %sub3A_473, %lt3A_488 : vector<16xi32>
        %and3A_490 = arith.andi %ge3A_486, %lt3A_489 : vector<16xi1>
        %ge3A_491 = arith.constant 0 : i32
        %ge3A_492 = vector.broadcast %ge3A_491 : i32 to vector<16xi32>
        %ge3A_493 = arith.cmpi sge, %sub3A_483, %ge3A_492 : vector<16xi32>
        %and3A_494 = arith.andi %ge3A_11, %ge3A_493 : vector<16xi1>
        %lt3A_495 = arith.constant 400 : i32
        %lt3A_496 = vector.broadcast %lt3A_495 : i32 to vector<16xi32>
        %lt3A_497 = arith.cmpi slt, %sub3A_483, %lt3A_496 : vector<16xi32>
        %and3A_498 = arith.andi %and3A_494, %lt3A_497 : vector<16xi1>
        %broadcast_in_dim3A_499 = arith.constant 7 : i32
        %broadcast_in_dim3A_500 = vector.broadcast %broadcast_in_dim3A_499 : i32 to vector<16xi32>
        tpu.vector_store_idx %arg7[%broadcast_in_dim3A_500, %sub3A_473], %broadcast_in_dim3A_7 masked %and3A_490 : memref<8x400xf32, #tpu.memory_space<vmem>>[vector<16xi32>, vector<16xi32>], vector<16xf32>, vector<16xi1>
        tpu.vector_store_idx %arg7[%broadcast_in_dim3A_500, %sub3A_483], %broadcast_in_dim3A_7 masked %and3A_498 : memref<8x400xf32, #tpu.memory_space<vmem>>[vector<16xi32>, vector<16xi32>], vector<16xf32>, vector<16xi1>
      } else {
      }
      %lt3A = arith.constant 15 : i32
      %lt3A_75 = arith.cmpi slt, %add3A_72, %lt3A : i32
      %convert_element_type3A_76 = arith.extui %lt3A_75 : i1 to i32
      %cond3A_77 = arith.constant 0 : i32
      %cond3A_78 = arith.cmpi ne, %convert_element_type3A_76, %cond3A_77 : i32
      scf.if %cond3A_78 {
        %mul3A_93 = arith.constant 8 : i32
        %mul3A_94 = arith.muli %add3A_72, %mul3A_93 : i32
        %add3A_95 = arith.constant 0 : i32
        %add3A_96 = arith.addi %mul3A_94, %add3A_95 : i32
        %mul3A_97 = arith.constant 26 : i32
        %mul3A_98 = arith.muli %add3A_96, %mul3A_97 : i32
        %get3A = arith.index_cast %mul3A_98 : i32 to index
        %get3A_99 = tpu.vector_load %arg9[%get3A] {strides = array<i32>} : memref<3120xf32, #tpu.memory_space<vmem>>, vector<16xf32>,
        %convert_element_type3A_100 = arith.fptosi %get3A_99 : vector<16xf32> to vector<16xi32>
        %mul3A_101 = arith.constant 26 : i32
        %mul3A_102 = arith.muli %add3A_96, %mul3A_101 : i32
        %add3A_103 = arith.constant 10 : i32
        %add3A_104 = arith.addi %mul3A_102, %add3A_103 : i32
        %get3A_105 = arith.index_cast %add3A_104 : i32 to index
        %get3A_106 = tpu.vector_load %arg9[%get3A_105] {strides = array<i32>} : memref<3120xf32, #tpu.memory_space<vmem>>, vector<16xf32>,
        %convert_element_type3A_107 = arith.fptosi %get3A_106 : vector<16xf32> to vector<16xi32>
        %mul3A_108 = arith.constant 1000 : i32
        %mul3A_109 = vector.broadcast %mul3A_108 : i32 to vector<16xi32>
        %mul3A_110 = arith.muli %iota3A, %mul3A_109 : vector<16xi32>
        %add3A_111 = arith.addi %mul3A_110, %convert_element_type3A_100 : vector<16xi32>
        %sub3A = arith.constant 25600 : i32
        %sub3A_112 = vector.broadcast %sub3A : i32 to vector<16xi32>
        %sub3A_113 = arith.subi %add3A_111, %sub3A_112 : vector<16xi32>
        %add3A_114 = arith.constant 10 : i32
        %add3A_115 = vector.broadcast %add3A_114 : i32 to vector<16xi32>
        %add3A_116 = arith.addi %iota3A, %add3A_115 : vector<16xi32>
        %mul3A_117 = arith.constant 1000 : i32
        %mul3A_118 = vector.broadcast %mul3A_117 : i32 to vector<16xi32>
        %mul3A_119 = arith.muli %add3A_116, %mul3A_118 : vector<16xi32>
        %add3A_120 = arith.addi %mul3A_119, %convert_element_type3A_107 : vector<16xi32>
        %sub3A_121 = arith.constant 25600 : i32
        %sub3A_122 = vector.broadcast %sub3A_121 : i32 to vector<16xi32>
        %sub3A_123 = arith.subi %add3A_120, %sub3A_122 : vector<16xi32>
        %ge3A_124 = arith.constant 0 : i32
        %ge3A_125 = vector.broadcast %ge3A_124 : i32 to vector<16xi32>
        %ge3A_126 = arith.cmpi sge, %sub3A_113, %ge3A_125 : vector<16xi32>
        %lt3A_127 = arith.constant 400 : i32
        %lt3A_128 = vector.broadcast %lt3A_127 : i32 to vector<16xi32>
        %lt3A_129 = arith.cmpi slt, %sub3A_113, %lt3A_128 : vector<16xi32>
        %and3A = arith.andi %ge3A_126, %lt3A_129 : vector<16xi1>
        %ge3A_130 = arith.constant 0 : i32
        %ge3A_131 = vector.broadcast %ge3A_130 : i32 to vector<16xi32>
        %ge3A_132 = arith.cmpi sge, %sub3A_123, %ge3A_131 : vector<16xi32>
        %and3A_133 = arith.andi %ge3A_11, %ge3A_132 : vector<16xi1>
        %lt3A_134 = arith.constant 400 : i32
        %lt3A_135 = vector.broadcast %lt3A_134 : i32 to vector<16xi32>
        %lt3A_136 = arith.cmpi slt, %sub3A_123, %lt3A_135 : vector<16xi32>
        %and3A_137 = arith.andi %and3A_133, %lt3A_136 : vector<16xi1>
        %broadcast_in_dim3A_138 = arith.constant 0 : i32
        %broadcast_in_dim3A_139 = vector.broadcast %broadcast_in_dim3A_138 : i32 to vector<16xi32>
        tpu.vector_store_idx %arg7[%broadcast_in_dim3A_139, %sub3A_113], %broadcast_in_dim3A_9 masked %and3A : memref<8x400xf32, #tpu.memory_space<vmem>>[vector<16xi32>, vector<16xi32>], vector<16xf32>, vector<16xi1>
        tpu.vector_store_idx %arg7[%broadcast_in_dim3A_139, %sub3A_123], %broadcast_in_dim3A_9 masked %and3A_137 : memref<8x400xf32, #tpu.memory_space<vmem>>[vector<16xi32>, vector<16xi32>], vector<16xf32>, vector<16xi1>
        %mul3A_140 = arith.constant 8 : i32
        %mul3A_141 = arith.muli %add3A_72, %mul3A_140 : i32
        %add3A_142 = arith.constant 1 : i32
        %add3A_143 = arith.addi %mul3A_141, %add3A_142 : i32
        %mul3A_144 = arith.constant 26 : i32
        %mul3A_145 = arith.muli %add3A_143, %mul3A_144 : i32
        %get3A_146 = arith.index_cast %mul3A_145 : i32 to index
        %get3A_147 = tpu.vector_load %arg9[%get3A_146] {strides = array<i32>} : memref<3120xf32, #tpu.memory_space<vmem>>, vector<16xf32>,
        %convert_element_type3A_148 = arith.fptosi %get3A_147 : vector<16xf32> to vector<16xi32>
        %mul3A_149 = arith.constant 26 : i32
        %mul3A_150 = arith.muli %add3A_143, %mul3A_149 : i32
        %add3A_151 = arith.constant 10 : i32
        %add3A_152 = arith.addi %mul3A_150, %add3A_151 : i32
        %get3A_153 = arith.index_cast %add3A_152 : i32 to index
        %get3A_154 = tpu.vector_load %arg9[%get3A_153] {strides = array<i32>} : memref<3120xf32, #tpu.memory_space<vmem>>, vector<16xf32>,
        %convert_element_type3A_155 = arith.fptosi %get3A_154 : vector<16xf32> to vector<16xi32>
        %mul3A_156 = arith.constant 1000 : i32
        %mul3A_157 = vector.broadcast %mul3A_156 : i32 to vector<16xi32>
        %mul3A_158 = arith.muli %iota3A, %mul3A_157 : vector<16xi32>
        %add3A_159 = arith.addi %mul3A_158, %convert_element_type3A_148 : vector<16xi32>
        %sub3A_160 = arith.constant 25600 : i32
        %sub3A_161 = vector.broadcast %sub3A_160 : i32 to vector<16xi32>
        %sub3A_162 = arith.subi %add3A_159, %sub3A_161 : vector<16xi32>
        %add3A_163 = arith.constant 10 : i32
        %add3A_164 = vector.broadcast %add3A_163 : i32 to vector<16xi32>
        %add3A_165 = arith.addi %iota3A, %add3A_164 : vector<16xi32>
        %mul3A_166 = arith.constant 1000 : i32
        %mul3A_167 = vector.broadcast %mul3A_166 : i32 to vector<16xi32>
        %mul3A_168 = arith.muli %add3A_165, %mul3A_167 : vector<16xi32>
        %add3A_169 = arith.addi %mul3A_168, %convert_element_type3A_155 : vector<16xi32>
        %sub3A_170 = arith.constant 25600 : i32
        %sub3A_171 = vector.broadcast %sub3A_170 : i32 to vector<16xi32>
        %sub3A_172 = arith.subi %add3A_169, %sub3A_171 : vector<16xi32>
        %ge3A_173 = arith.constant 0 : i32
        %ge3A_174 = vector.broadcast %ge3A_173 : i32 to vector<16xi32>
        %ge3A_175 = arith.cmpi sge, %sub3A_162, %ge3A_174 : vector<16xi32>
        %lt3A_176 = arith.constant 400 : i32
        %lt3A_177 = vector.broadcast %lt3A_176 : i32 to vector<16xi32>
        %lt3A_178 = arith.cmpi slt, %sub3A_162, %lt3A_177 : vector<16xi32>
        %and3A_179 = arith.andi %ge3A_175, %lt3A_178 : vector<16xi1>
        %ge3A_180 = arith.constant 0 : i32
        %ge3A_181 = vector.broadcast %ge3A_180 : i32 to vector<16xi32>
        %ge3A_182 = arith.cmpi sge, %sub3A_172, %ge3A_181 : vector<16xi32>
        %and3A_183 = arith.andi %ge3A_11, %ge3A_182 : vector<16xi1>
        %lt3A_184 = arith.constant 400 : i32
        %lt3A_185 = vector.broadcast %lt3A_184 : i32 to vector<16xi32>
        %lt3A_186 = arith.cmpi slt, %sub3A_172, %lt3A_185 : vector<16xi32>
        %and3A_187 = arith.andi %and3A_183, %lt3A_186 : vector<16xi1>
        %broadcast_in_dim3A_188 = arith.constant 1 : i32
        %broadcast_in_dim3A_189 = vector.broadcast %broadcast_in_dim3A_188 : i32 to vector<16xi32>
        tpu.vector_store_idx %arg7[%broadcast_in_dim3A_189, %sub3A_162], %broadcast_in_dim3A_9 masked %and3A_179 : memref<8x400xf32, #tpu.memory_space<vmem>>[vector<16xi32>, vector<16xi32>], vector<16xf32>, vector<16xi1>
        tpu.vector_store_idx %arg7[%broadcast_in_dim3A_189, %sub3A_172], %broadcast_in_dim3A_9 masked %and3A_187 : memref<8x400xf32, #tpu.memory_space<vmem>>[vector<16xi32>, vector<16xi32>], vector<16xf32>, vector<16xi1>
        %mul3A_190 = arith.constant 8 : i32
        %mul3A_191 = arith.muli %add3A_72, %mul3A_190 : i32
        %add3A_192 = arith.constant 2 : i32
        %add3A_193 = arith.addi %mul3A_191, %add3A_192 : i32
        %mul3A_194 = arith.constant 26 : i32
        %mul3A_195 = arith.muli %add3A_193, %mul3A_194 : i32
        %get3A_196 = arith.index_cast %mul3A_195 : i32 to index
        %get3A_197 = tpu.vector_load %arg9[%get3A_196] {strides = array<i32>} : memref<3120xf32, #tpu.memory_space<vmem>>, vector<16xf32>,
        %convert_element_type3A_198 = arith.fptosi %get3A_197 : vector<16xf32> to vector<16xi32>
        %mul3A_199 = arith.constant 26 : i32
        %mul3A_200 = arith.muli %add3A_193, %mul3A_199 : i32
        %add3A_201 = arith.constant 10 : i32
        %add3A_202 = arith.addi %mul3A_200, %add3A_201 : i32
        %get3A_203 = arith.index_cast %add3A_202 : i32 to index
        %get3A_204 = tpu.vector_load %arg9[%get3A_203] {strides = array<i32>} : memref<3120xf32, #tpu.memory_space<vmem>>, vector<16xf32>,
        %convert_element_type3A_205 = arith.fptosi %get3A_204 : vector<16xf32> to vector<16xi32>
        %mul3A_206 = arith.constant 1000 : i32
        %mul3A_207 = vector.broadcast %mul3A_206 : i32 to vector<16xi32>
        %mul3A_208 = arith.muli %iota3A, %mul3A_207 : vector<16xi32>
        %add3A_209 = arith.addi %mul3A_208, %convert_element_type3A_198 : vector<16xi32>
        %sub3A_210 = arith.constant 25600 : i32
        %sub3A_211 = vector.broadcast %sub3A_210 : i32 to vector<16xi32>
        %sub3A_212 = arith.subi %add3A_209, %sub3A_211 : vector<16xi32>
        %add3A_213 = arith.constant 10 : i32
        %add3A_214 = vector.broadcast %add3A_213 : i32 to vector<16xi32>
        %add3A_215 = arith.addi %iota3A, %add3A_214 : vector<16xi32>
        %mul3A_216 = arith.constant 1000 : i32
        %mul3A_217 = vector.broadcast %mul3A_216 : i32 to vector<16xi32>
        %mul3A_218 = arith.muli %add3A_215, %mul3A_217 : vector<16xi32>
        %add3A_219 = arith.addi %mul3A_218, %convert_element_type3A_205 : vector<16xi32>
        %sub3A_220 = arith.constant 25600 : i32
        %sub3A_221 = vector.broadcast %sub3A_220 : i32 to vector<16xi32>
        %sub3A_222 = arith.subi %add3A_219, %sub3A_221 : vector<16xi32>
        %ge3A_223 = arith.constant 0 : i32
        %ge3A_224 = vector.broadcast %ge3A_223 : i32 to vector<16xi32>
        %ge3A_225 = arith.cmpi sge, %sub3A_212, %ge3A_224 : vector<16xi32>
        %lt3A_226 = arith.constant 400 : i32
        %lt3A_227 = vector.broadcast %lt3A_226 : i32 to vector<16xi32>
        %lt3A_228 = arith.cmpi slt, %sub3A_212, %lt3A_227 : vector<16xi32>
        %and3A_229 = arith.andi %ge3A_225, %lt3A_228 : vector<16xi1>
        %ge3A_230 = arith.constant 0 : i32
        %ge3A_231 = vector.broadcast %ge3A_230 : i32 to vector<16xi32>
        %ge3A_232 = arith.cmpi sge, %sub3A_222, %ge3A_231 : vector<16xi32>
        %and3A_233 = arith.andi %ge3A_11, %ge3A_232 : vector<16xi1>
        %lt3A_234 = arith.constant 400 : i32
        %lt3A_235 = vector.broadcast %lt3A_234 : i32 to vector<16xi32>
        %lt3A_236 = arith.cmpi slt, %sub3A_222, %lt3A_235 : vector<16xi32>
        %and3A_237 = arith.andi %and3A_233, %lt3A_236 : vector<16xi1>
        %broadcast_in_dim3A_238 = arith.constant 2 : i32
        %broadcast_in_dim3A_239 = vector.broadcast %broadcast_in_dim3A_238 : i32 to vector<16xi32>
        tpu.vector_store_idx %arg7[%broadcast_in_dim3A_239, %sub3A_212], %broadcast_in_dim3A_9 masked %and3A_229 : memref<8x400xf32, #tpu.memory_space<vmem>>[vector<16xi32>, vector<16xi32>], vector<16xf32>, vector<16xi1>
        tpu.vector_store_idx %arg7[%broadcast_in_dim3A_239, %sub3A_222], %broadcast_in_dim3A_9 masked %and3A_237 : memref<8x400xf32, #tpu.memory_space<vmem>>[vector<16xi32>, vector<16xi32>], vector<16xf32>, vector<16xi1>
        %mul3A_240 = arith.constant 8 : i32
        %mul3A_241 = arith.muli %add3A_72, %mul3A_240 : i32
        %add3A_242 = arith.constant 3 : i32
        %add3A_243 = arith.addi %mul3A_241, %add3A_242 : i32
        %mul3A_244 = arith.constant 26 : i32
        %mul3A_245 = arith.muli %add3A_243, %mul3A_244 : i32
        %get3A_246 = arith.index_cast %mul3A_245 : i32 to index
        %get3A_247 = tpu.vector_load %arg9[%get3A_246] {strides = array<i32>} : memref<3120xf32, #tpu.memory_space<vmem>>, vector<16xf32>,
        %convert_element_type3A_248 = arith.fptosi %get3A_247 : vector<16xf32> to vector<16xi32>
        %mul3A_249 = arith.constant 26 : i32
        %mul3A_250 = arith.muli %add3A_243, %mul3A_249 : i32
        %add3A_251 = arith.constant 10 : i32
        %add3A_252 = arith.addi %mul3A_250, %add3A_251 : i32
        %get3A_253 = arith.index_cast %add3A_252 : i32 to index
        %get3A_254 = tpu.vector_load %arg9[%get3A_253] {strides = array<i32>} : memref<3120xf32, #tpu.memory_space<vmem>>, vector<16xf32>,
        %convert_element_type3A_255 = arith.fptosi %get3A_254 : vector<16xf32> to vector<16xi32>
        %mul3A_256 = arith.constant 1000 : i32
        %mul3A_257 = vector.broadcast %mul3A_256 : i32 to vector<16xi32>
        %mul3A_258 = arith.muli %iota3A, %mul3A_257 : vector<16xi32>
        %add3A_259 = arith.addi %mul3A_258, %convert_element_type3A_248 : vector<16xi32>
        %sub3A_260 = arith.constant 25600 : i32
        %sub3A_261 = vector.broadcast %sub3A_260 : i32 to vector<16xi32>
        %sub3A_262 = arith.subi %add3A_259, %sub3A_261 : vector<16xi32>
        %add3A_263 = arith.constant 10 : i32
        %add3A_264 = vector.broadcast %add3A_263 : i32 to vector<16xi32>
        %add3A_265 = arith.addi %iota3A, %add3A_264 : vector<16xi32>
        %mul3A_266 = arith.constant 1000 : i32
        %mul3A_267 = vector.broadcast %mul3A_266 : i32 to vector<16xi32>
        %mul3A_268 = arith.muli %add3A_265, %mul3A_267 : vector<16xi32>
        %add3A_269 = arith.addi %mul3A_268, %convert_element_type3A_255 : vector<16xi32>
        %sub3A_270 = arith.constant 25600 : i32
        %sub3A_271 = vector.broadcast %sub3A_270 : i32 to vector<16xi32>
        %sub3A_272 = arith.subi %add3A_269, %sub3A_271 : vector<16xi32>
        %ge3A_273 = arith.constant 0 : i32
        %ge3A_274 = vector.broadcast %ge3A_273 : i32 to vector<16xi32>
        %ge3A_275 = arith.cmpi sge, %sub3A_262, %ge3A_274 : vector<16xi32>
        %lt3A_276 = arith.constant 400 : i32
        %lt3A_277 = vector.broadcast %lt3A_276 : i32 to vector<16xi32>
        %lt3A_278 = arith.cmpi slt, %sub3A_262, %lt3A_277 : vector<16xi32>
        %and3A_279 = arith.andi %ge3A_275, %lt3A_278 : vector<16xi1>
        %ge3A_280 = arith.constant 0 : i32
        %ge3A_281 = vector.broadcast %ge3A_280 : i32 to vector<16xi32>
        %ge3A_282 = arith.cmpi sge, %sub3A_272, %ge3A_281 : vector<16xi32>
        %and3A_283 = arith.andi %ge3A_11, %ge3A_282 : vector<16xi1>
        %lt3A_284 = arith.constant 400 : i32
        %lt3A_285 = vector.broadcast %lt3A_284 : i32 to vector<16xi32>
        %lt3A_286 = arith.cmpi slt, %sub3A_272, %lt3A_285 : vector<16xi32>
        %and3A_287 = arith.andi %and3A_283, %lt3A_286 : vector<16xi1>
        %broadcast_in_dim3A_288 = arith.constant 3 : i32
        %broadcast_in_dim3A_289 = vector.broadcast %broadcast_in_dim3A_288 : i32 to vector<16xi32>
        tpu.vector_store_idx %arg7[%broadcast_in_dim3A_289, %sub3A_262], %broadcast_in_dim3A_9 masked %and3A_279 : memref<8x400xf32, #tpu.memory_space<vmem>>[vector<16xi32>, vector<16xi32>], vector<16xf32>, vector<16xi1>
        tpu.vector_store_idx %arg7[%broadcast_in_dim3A_289, %sub3A_272], %broadcast_in_dim3A_9 masked %and3A_287 : memref<8x400xf32, #tpu.memory_space<vmem>>[vector<16xi32>, vector<16xi32>], vector<16xf32>, vector<16xi1>
        %mul3A_290 = arith.constant 8 : i32
        %mul3A_291 = arith.muli %add3A_72, %mul3A_290 : i32
        %add3A_292 = arith.constant 4 : i32
        %add3A_293 = arith.addi %mul3A_291, %add3A_292 : i32
        %mul3A_294 = arith.constant 26 : i32
        %mul3A_295 = arith.muli %add3A_293, %mul3A_294 : i32
        %get3A_296 = arith.index_cast %mul3A_295 : i32 to index
        %get3A_297 = tpu.vector_load %arg9[%get3A_296] {strides = array<i32>} : memref<3120xf32, #tpu.memory_space<vmem>>, vector<16xf32>,
        %convert_element_type3A_298 = arith.fptosi %get3A_297 : vector<16xf32> to vector<16xi32>
        %mul3A_299 = arith.constant 26 : i32
        %mul3A_300 = arith.muli %add3A_293, %mul3A_299 : i32
        %add3A_301 = arith.constant 10 : i32
        %add3A_302 = arith.addi %mul3A_300, %add3A_301 : i32
        %get3A_303 = arith.index_cast %add3A_302 : i32 to index
        %get3A_304 = tpu.vector_load %arg9[%get3A_303] {strides = array<i32>} : memref<3120xf32, #tpu.memory_space<vmem>>, vector<16xf32>,
        %convert_element_type3A_305 = arith.fptosi %get3A_304 : vector<16xf32> to vector<16xi32>
        %mul3A_306 = arith.constant 1000 : i32
        %mul3A_307 = vector.broadcast %mul3A_306 : i32 to vector<16xi32>
        %mul3A_308 = arith.muli %iota3A, %mul3A_307 : vector<16xi32>
        %add3A_309 = arith.addi %mul3A_308, %convert_element_type3A_298 : vector<16xi32>
        %sub3A_310 = arith.constant 25600 : i32
        %sub3A_311 = vector.broadcast %sub3A_310 : i32 to vector<16xi32>
        %sub3A_312 = arith.subi %add3A_309, %sub3A_311 : vector<16xi32>
        %add3A_313 = arith.constant 10 : i32
        %add3A_314 = vector.broadcast %add3A_313 : i32 to vector<16xi32>
        %add3A_315 = arith.addi %iota3A, %add3A_314 : vector<16xi32>
        %mul3A_316 = arith.constant 1000 : i32
        %mul3A_317 = vector.broadcast %mul3A_316 : i32 to vector<16xi32>
        %mul3A_318 = arith.muli %add3A_315, %mul3A_317 : vector<16xi32>
        %add3A_319 = arith.addi %mul3A_318, %convert_element_type3A_305 : vector<16xi32>
        %sub3A_320 = arith.constant 25600 : i32
        %sub3A_321 = vector.broadcast %sub3A_320 : i32 to vector<16xi32>
        %sub3A_322 = arith.subi %add3A_319, %sub3A_321 : vector<16xi32>
        %ge3A_323 = arith.constant 0 : i32
        %ge3A_324 = vector.broadcast %ge3A_323 : i32 to vector<16xi32>
        %ge3A_325 = arith.cmpi sge, %sub3A_312, %ge3A_324 : vector<16xi32>
        %lt3A_326 = arith.constant 400 : i32
        %lt3A_327 = vector.broadcast %lt3A_326 : i32 to vector<16xi32>
        %lt3A_328 = arith.cmpi slt, %sub3A_312, %lt3A_327 : vector<16xi32>
        %and3A_329 = arith.andi %ge3A_325, %lt3A_328 : vector<16xi1>
        %ge3A_330 = arith.constant 0 : i32
        %ge3A_331 = vector.broadcast %ge3A_330 : i32 to vector<16xi32>
        %ge3A_332 = arith.cmpi sge, %sub3A_322, %ge3A_331 : vector<16xi32>
        %and3A_333 = arith.andi %ge3A_11, %ge3A_332 : vector<16xi1>
        %lt3A_334 = arith.constant 400 : i32
        %lt3A_335 = vector.broadcast %lt3A_334 : i32 to vector<16xi32>
        %lt3A_336 = arith.cmpi slt, %sub3A_322, %lt3A_335 : vector<16xi32>
        %and3A_337 = arith.andi %and3A_333, %lt3A_336 : vector<16xi1>
        %broadcast_in_dim3A_338 = arith.constant 4 : i32
        %broadcast_in_dim3A_339 = vector.broadcast %broadcast_in_dim3A_338 : i32 to vector<16xi32>
        tpu.vector_store_idx %arg7[%broadcast_in_dim3A_339, %sub3A_312], %broadcast_in_dim3A_9 masked %and3A_329 : memref<8x400xf32, #tpu.memory_space<vmem>>[vector<16xi32>, vector<16xi32>], vector<16xf32>, vector<16xi1>
        tpu.vector_store_idx %arg7[%broadcast_in_dim3A_339, %sub3A_322], %broadcast_in_dim3A_9 masked %and3A_337 : memref<8x400xf32, #tpu.memory_space<vmem>>[vector<16xi32>, vector<16xi32>], vector<16xf32>, vector<16xi1>
        %mul3A_340 = arith.constant 8 : i32
        %mul3A_341 = arith.muli %add3A_72, %mul3A_340 : i32
        %add3A_342 = arith.constant 5 : i32
        %add3A_343 = arith.addi %mul3A_341, %add3A_342 : i32
        %mul3A_344 = arith.constant 26 : i32
        %mul3A_345 = arith.muli %add3A_343, %mul3A_344 : i32
        %get3A_346 = arith.index_cast %mul3A_345 : i32 to index
        %get3A_347 = tpu.vector_load %arg9[%get3A_346] {strides = array<i32>} : memref<3120xf32, #tpu.memory_space<vmem>>, vector<16xf32>,
        %convert_element_type3A_348 = arith.fptosi %get3A_347 : vector<16xf32> to vector<16xi32>
        %mul3A_349 = arith.constant 26 : i32
        %mul3A_350 = arith.muli %add3A_343, %mul3A_349 : i32
        %add3A_351 = arith.constant 10 : i32
        %add3A_352 = arith.addi %mul3A_350, %add3A_351 : i32
        %get3A_353 = arith.index_cast %add3A_352 : i32 to index
        %get3A_354 = tpu.vector_load %arg9[%get3A_353] {strides = array<i32>} : memref<3120xf32, #tpu.memory_space<vmem>>, vector<16xf32>,
        %convert_element_type3A_355 = arith.fptosi %get3A_354 : vector<16xf32> to vector<16xi32>
        %mul3A_356 = arith.constant 1000 : i32
        %mul3A_357 = vector.broadcast %mul3A_356 : i32 to vector<16xi32>
        %mul3A_358 = arith.muli %iota3A, %mul3A_357 : vector<16xi32>
        %add3A_359 = arith.addi %mul3A_358, %convert_element_type3A_348 : vector<16xi32>
        %sub3A_360 = arith.constant 25600 : i32
        %sub3A_361 = vector.broadcast %sub3A_360 : i32 to vector<16xi32>
        %sub3A_362 = arith.subi %add3A_359, %sub3A_361 : vector<16xi32>
        %add3A_363 = arith.constant 10 : i32
        %add3A_364 = vector.broadcast %add3A_363 : i32 to vector<16xi32>
        %add3A_365 = arith.addi %iota3A, %add3A_364 : vector<16xi32>
        %mul3A_366 = arith.constant 1000 : i32
        %mul3A_367 = vector.broadcast %mul3A_366 : i32 to vector<16xi32>
        %mul3A_368 = arith.muli %add3A_365, %mul3A_367 : vector<16xi32>
        %add3A_369 = arith.addi %mul3A_368, %convert_element_type3A_355 : vector<16xi32>
        %sub3A_370 = arith.constant 25600 : i32
        %sub3A_371 = vector.broadcast %sub3A_370 : i32 to vector<16xi32>
        %sub3A_372 = arith.subi %add3A_369, %sub3A_371 : vector<16xi32>
        %ge3A_373 = arith.constant 0 : i32
        %ge3A_374 = vector.broadcast %ge3A_373 : i32 to vector<16xi32>
        %ge3A_375 = arith.cmpi sge, %sub3A_362, %ge3A_374 : vector<16xi32>
        %lt3A_376 = arith.constant 400 : i32
        %lt3A_377 = vector.broadcast %lt3A_376 : i32 to vector<16xi32>
        %lt3A_378 = arith.cmpi slt, %sub3A_362, %lt3A_377 : vector<16xi32>
        %and3A_379 = arith.andi %ge3A_375, %lt3A_378 : vector<16xi1>
        %ge3A_380 = arith.constant 0 : i32
        %ge3A_381 = vector.broadcast %ge3A_380 : i32 to vector<16xi32>
        %ge3A_382 = arith.cmpi sge, %sub3A_372, %ge3A_381 : vector<16xi32>
        %and3A_383 = arith.andi %ge3A_11, %ge3A_382 : vector<16xi1>
        %lt3A_384 = arith.constant 400 : i32
        %lt3A_385 = vector.broadcast %lt3A_384 : i32 to vector<16xi32>
        %lt3A_386 = arith.cmpi slt, %sub3A_372, %lt3A_385 : vector<16xi32>
        %and3A_387 = arith.andi %and3A_383, %lt3A_386 : vector<16xi1>
        %broadcast_in_dim3A_388 = arith.constant 5 : i32
        %broadcast_in_dim3A_389 = vector.broadcast %broadcast_in_dim3A_388 : i32 to vector<16xi32>
        tpu.vector_store_idx %arg7[%broadcast_in_dim3A_389, %sub3A_362], %broadcast_in_dim3A_9 masked %and3A_379 : memref<8x400xf32, #tpu.memory_space<vmem>>[vector<16xi32>, vector<16xi32>], vector<16xf32>, vector<16xi1>
        tpu.vector_store_idx %arg7[%broadcast_in_dim3A_389, %sub3A_372], %broadcast_in_dim3A_9 masked %and3A_387 : memref<8x400xf32, #tpu.memory_space<vmem>>[vector<16xi32>, vector<16xi32>], vector<16xf32>, vector<16xi1>
        %mul3A_390 = arith.constant 8 : i32
        %mul3A_391 = arith.muli %add3A_72, %mul3A_390 : i32
        %add3A_392 = arith.constant 6 : i32
        %add3A_393 = arith.addi %mul3A_391, %add3A_392 : i32
        %mul3A_394 = arith.constant 26 : i32
        %mul3A_395 = arith.muli %add3A_393, %mul3A_394 : i32
        %get3A_396 = arith.index_cast %mul3A_395 : i32 to index
        %get3A_397 = tpu.vector_load %arg9[%get3A_396] {strides = array<i32>} : memref<3120xf32, #tpu.memory_space<vmem>>, vector<16xf32>,
        %convert_element_type3A_398 = arith.fptosi %get3A_397 : vector<16xf32> to vector<16xi32>
        %mul3A_399 = arith.constant 26 : i32
        %mul3A_400 = arith.muli %add3A_393, %mul3A_399 : i32
        %add3A_401 = arith.constant 10 : i32
        %add3A_402 = arith.addi %mul3A_400, %add3A_401 : i32
        %get3A_403 = arith.index_cast %add3A_402 : i32 to index
        %get3A_404 = tpu.vector_load %arg9[%get3A_403] {strides = array<i32>} : memref<3120xf32, #tpu.memory_space<vmem>>, vector<16xf32>,
        %convert_element_type3A_405 = arith.fptosi %get3A_404 : vector<16xf32> to vector<16xi32>
        %mul3A_406 = arith.constant 1000 : i32
        %mul3A_407 = vector.broadcast %mul3A_406 : i32 to vector<16xi32>
        %mul3A_408 = arith.muli %iota3A, %mul3A_407 : vector<16xi32>
        %add3A_409 = arith.addi %mul3A_408, %convert_element_type3A_398 : vector<16xi32>
        %sub3A_410 = arith.constant 25600 : i32
        %sub3A_411 = vector.broadcast %sub3A_410 : i32 to vector<16xi32>
        %sub3A_412 = arith.subi %add3A_409, %sub3A_411 : vector<16xi32>
        %add3A_413 = arith.constant 10 : i32
        %add3A_414 = vector.broadcast %add3A_413 : i32 to vector<16xi32>
        %add3A_415 = arith.addi %iota3A, %add3A_414 : vector<16xi32>
        %mul3A_416 = arith.constant 1000 : i32
        %mul3A_417 = vector.broadcast %mul3A_416 : i32 to vector<16xi32>
        %mul3A_418 = arith.muli %add3A_415, %mul3A_417 : vector<16xi32>
        %add3A_419 = arith.addi %mul3A_418, %convert_element_type3A_405 : vector<16xi32>
        %sub3A_420 = arith.constant 25600 : i32
        %sub3A_421 = vector.broadcast %sub3A_420 : i32 to vector<16xi32>
        %sub3A_422 = arith.subi %add3A_419, %sub3A_421 : vector<16xi32>
        %ge3A_423 = arith.constant 0 : i32
        %ge3A_424 = vector.broadcast %ge3A_423 : i32 to vector<16xi32>
        %ge3A_425 = arith.cmpi sge, %sub3A_412, %ge3A_424 : vector<16xi32>
        %lt3A_426 = arith.constant 400 : i32
        %lt3A_427 = vector.broadcast %lt3A_426 : i32 to vector<16xi32>
        %lt3A_428 = arith.cmpi slt, %sub3A_412, %lt3A_427 : vector<16xi32>
        %and3A_429 = arith.andi %ge3A_425, %lt3A_428 : vector<16xi1>
        %ge3A_430 = arith.constant 0 : i32
        %ge3A_431 = vector.broadcast %ge3A_430 : i32 to vector<16xi32>
        %ge3A_432 = arith.cmpi sge, %sub3A_422, %ge3A_431 : vector<16xi32>
        %and3A_433 = arith.andi %ge3A_11, %ge3A_432 : vector<16xi1>
        %lt3A_434 = arith.constant 400 : i32
        %lt3A_435 = vector.broadcast %lt3A_434 : i32 to vector<16xi32>
        %lt3A_436 = arith.cmpi slt, %sub3A_422, %lt3A_435 : vector<16xi32>
        %and3A_437 = arith.andi %and3A_433, %lt3A_436 : vector<16xi1>
        %broadcast_in_dim3A_438 = arith.constant 6 : i32
        %broadcast_in_dim3A_439 = vector.broadcast %broadcast_in_dim3A_438 : i32 to vector<16xi32>
        tpu.vector_store_idx %arg7[%broadcast_in_dim3A_439, %sub3A_412], %broadcast_in_dim3A_9 masked %and3A_429 : memref<8x400xf32, #tpu.memory_space<vmem>>[vector<16xi32>, vector<16xi32>], vector<16xf32>, vector<16xi1>
        tpu.vector_store_idx %arg7[%broadcast_in_dim3A_439, %sub3A_422], %broadcast_in_dim3A_9 masked %and3A_437 : memref<8x400xf32, #tpu.memory_space<vmem>>[vector<16xi32>, vector<16xi32>], vector<16xf32>, vector<16xi1>
        %mul3A_440 = arith.constant 8 : i32
        %mul3A_441 = arith.muli %add3A_72, %mul3A_440 : i32
        %add3A_442 = arith.constant 7 : i32
        %add3A_443 = arith.addi %mul3A_441, %add3A_442 : i32
        %mul3A_444 = arith.constant 26 : i32
        %mul3A_445 = arith.muli %add3A_443, %mul3A_444 : i32
        %get3A_446 = arith.index_cast %mul3A_445 : i32 to index
        %get3A_447 = tpu.vector_load %arg9[%get3A_446] {strides = array<i32>} : memref<3120xf32, #tpu.memory_space<vmem>>, vector<16xf32>,
        %convert_element_type3A_448 = arith.fptosi %get3A_447 : vector<16xf32> to vector<16xi32>
        %mul3A_449 = arith.constant 26 : i32
        %mul3A_450 = arith.muli %add3A_443, %mul3A_449 : i32
        %add3A_451 = arith.constant 10 : i32
        %add3A_452 = arith.addi %mul3A_450, %add3A_451 : i32
        %get3A_453 = arith.index_cast %add3A_452 : i32 to index
        %get3A_454 = tpu.vector_load %arg9[%get3A_453] {strides = array<i32>} : memref<3120xf32, #tpu.memory_space<vmem>>, vector<16xf32>,
        %convert_element_type3A_455 = arith.fptosi %get3A_454 : vector<16xf32> to vector<16xi32>
        %mul3A_456 = arith.constant 1000 : i32
        %mul3A_457 = vector.broadcast %mul3A_456 : i32 to vector<16xi32>
        %mul3A_458 = arith.muli %iota3A, %mul3A_457 : vector<16xi32>
        %add3A_459 = arith.addi %mul3A_458, %convert_element_type3A_448 : vector<16xi32>
        %sub3A_460 = arith.constant 25600 : i32
        %sub3A_461 = vector.broadcast %sub3A_460 : i32 to vector<16xi32>
        %sub3A_462 = arith.subi %add3A_459, %sub3A_461 : vector<16xi32>
        %add3A_463 = arith.constant 10 : i32
        %add3A_464 = vector.broadcast %add3A_463 : i32 to vector<16xi32>
        %add3A_465 = arith.addi %iota3A, %add3A_464 : vector<16xi32>
        %mul3A_466 = arith.constant 1000 : i32
        %mul3A_467 = vector.broadcast %mul3A_466 : i32 to vector<16xi32>
        %mul3A_468 = arith.muli %add3A_465, %mul3A_467 : vector<16xi32>
        %add3A_469 = arith.addi %mul3A_468, %convert_element_type3A_455 : vector<16xi32>
        %sub3A_470 = arith.constant 25600 : i32
        %sub3A_471 = vector.broadcast %sub3A_470 : i32 to vector<16xi32>
        %sub3A_472 = arith.subi %add3A_469, %sub3A_471 : vector<16xi32>
        %ge3A_473 = arith.constant 0 : i32
        %ge3A_474 = vector.broadcast %ge3A_473 : i32 to vector<16xi32>
        %ge3A_475 = arith.cmpi sge, %sub3A_462, %ge3A_474 : vector<16xi32>
        %lt3A_476 = arith.constant 400 : i32
        %lt3A_477 = vector.broadcast %lt3A_476 : i32 to vector<16xi32>
        %lt3A_478 = arith.cmpi slt, %sub3A_462, %lt3A_477 : vector<16xi32>
        %and3A_479 = arith.andi %ge3A_475, %lt3A_478 : vector<16xi1>
        %ge3A_480 = arith.constant 0 : i32
        %ge3A_481 = vector.broadcast %ge3A_480 : i32 to vector<16xi32>
        %ge3A_482 = arith.cmpi sge, %sub3A_472, %ge3A_481 : vector<16xi32>
        %and3A_483 = arith.andi %ge3A_11, %ge3A_482 : vector<16xi1>
        %lt3A_484 = arith.constant 400 : i32
        %lt3A_485 = vector.broadcast %lt3A_484 : i32 to vector<16xi32>
        %lt3A_486 = arith.cmpi slt, %sub3A_472, %lt3A_485 : vector<16xi32>
        %and3A_487 = arith.andi %and3A_483, %lt3A_486 : vector<16xi1>
        %broadcast_in_dim3A_488 = arith.constant 7 : i32
        %broadcast_in_dim3A_489 = vector.broadcast %broadcast_in_dim3A_488 : i32 to vector<16xi32>
        tpu.vector_store_idx %arg7[%broadcast_in_dim3A_489, %sub3A_462], %broadcast_in_dim3A_9 masked %and3A_479 : memref<8x400xf32, #tpu.memory_space<vmem>>[vector<16xi32>, vector<16xi32>], vector<16xf32>, vector<16xi1>
        tpu.vector_store_idx %arg7[%broadcast_in_dim3A_489, %sub3A_472], %broadcast_in_dim3A_9 masked %and3A_487 : memref<8x400xf32, #tpu.memory_space<vmem>>[vector<16xi32>, vector<16xi32>], vector<16xf32>, vector<16xi1>
        %mul3A_490 = arith.constant 8 : i32
        %mul3A_491 = arith.muli %add3A_72, %mul3A_490 : i32
        %add3A_492 = arith.addi %add3A_38, %mul3A_491 : i32
        %dma_start3A = arith.constant 25600 : i32
        %dma_start3A_493 = tpu.memref_slice %arg3[%add3A_492, %dma_start3A] : memref<4096x26000xf32, #tpu.memory_space<hbm>> -> memref<8x400xf32, #tpu.memory_space<hbm>>
        %dma_start3A_494 = arith.constant 25600 : i32
        %dma_start3A_495 = tpu.memref_slice %arg3[%add3A_492, %dma_start3A_494] : memref<4096x26000xf32, #tpu.memory_space<hbm>> -> memref<8x400xf32, #tpu.memory_space<hbm>>
        tpu.enqueue_dma source(%arg7 : memref<8x400xf32, #tpu.memory_space<vmem>>) target(%dma_start3A_495 : memref<8x400xf32, #tpu.memory_space<hbm>>) target_semaphore(%arg12 : memref<!tpu.dma_semaphore, #tpu.memory_space<semaphore_mem>>)
      } else {
      }
      %mul3A_79 = arith.constant 2 : i32
      %mul3A_80 = arith.muli %scan3A_68, %mul3A_79 : i32
      %add3A_81 = arith.constant 1 : i32
      %add3A_82 = arith.addi %mul3A_80, %add3A_81 : i32
      %gt3A_83 = arith.constant 0 : i32
      %gt3A_84 = arith.cmpi sgt, %scan3A_68, %gt3A_83 : i32
      %convert_element_type3A_85 = arith.extui %gt3A_84 : i1 to i32
      %cond3A_86 = arith.constant 0 : i32
      %cond3A_87 = arith.cmpi ne, %convert_element_type3A_85, %cond3A_86 : i32
      scf.if %cond3A_87 {
        %sub3A = arith.constant 2 : i32
        %sub3A_93 = arith.subi %add3A_82, %sub3A : i32
        %mul3A_94 = arith.constant 8 : i32
        %mul3A_95 = arith.muli %sub3A_93, %mul3A_94 : i32
        %add3A_96 = arith.addi %add3A_38, %mul3A_95 : i32
        %dma_wait3A_97 = arith.constant 25600 : i32
        %dma_wait3A_98 = tpu.memref_slice %arg3[%add3A_96, %dma_wait3A_97] : memref<4096x26000xf32, #tpu.memory_space<hbm>> -> memref<8x400xf32, #tpu.memory_space<hbm>>
        %dma_wait3A_99 = arith.constant 25600 : i32
        %dma_wait3A_100 = tpu.memref_slice %arg3[%add3A_96, %dma_wait3A_99] : memref<4096x26000xf32, #tpu.memory_space<hbm>> -> memref<8x400xf32, #tpu.memory_space<hbm>>
        tpu.wait_dma2 semaphore(%arg13 : memref<!tpu.dma_semaphore, #tpu.memory_space<semaphore_mem>>) src(%arg8 : memref<8x400xf32, #tpu.memory_space<vmem>>) dst(%dma_wait3A_100 : memref<8x400xf32, #tpu.memory_space<hbm>>)
        %sub3A_101 = arith.constant 2 : i32
        %sub3A_102 = arith.subi %add3A_82, %sub3A_101 : i32
        %mul3A_103 = arith.constant 8 : i32
        %mul3A_104 = arith.muli %sub3A_102, %mul3A_103 : i32
        %add3A_105 = arith.constant 0 : i32
        %add3A_106 = arith.addi %mul3A_104, %add3A_105 : i32
        %mul3A_107 = arith.constant 26 : i32
        %mul3A_108 = arith.muli %add3A_106, %mul3A_107 : i32
        %get3A = arith.index_cast %mul3A_108 : i32 to index
        %get3A_109 = tpu.vector_load %arg9[%get3A] {strides = array<i32>} : memref<3120xf32, #tpu.memory_space<vmem>>, vector<16xf32>,
        %convert_element_type3A_110 = arith.fptosi %get3A_109 : vector<16xf32> to vector<16xi32>
        %mul3A_111 = arith.constant 26 : i32
        %mul3A_112 = arith.muli %add3A_106, %mul3A_111 : i32
        %add3A_113 = arith.constant 10 : i32
        %add3A_114 = arith.addi %mul3A_112, %add3A_113 : i32
        %get3A_115 = arith.index_cast %add3A_114 : i32 to index
        %get3A_116 = tpu.vector_load %arg9[%get3A_115] {strides = array<i32>} : memref<3120xf32, #tpu.memory_space<vmem>>, vector<16xf32>,
        %convert_element_type3A_117 = arith.fptosi %get3A_116 : vector<16xf32> to vector<16xi32>
        %mul3A_118 = arith.constant 1000 : i32
        %mul3A_119 = vector.broadcast %mul3A_118 : i32 to vector<16xi32>
        %mul3A_120 = arith.muli %iota3A, %mul3A_119 : vector<16xi32>
        %add3A_121 = arith.addi %mul3A_120, %convert_element_type3A_110 : vector<16xi32>
        %sub3A_122 = arith.constant 25600 : i32
        %sub3A_123 = vector.broadcast %sub3A_122 : i32 to vector<16xi32>
        %sub3A_124 = arith.subi %add3A_121, %sub3A_123 : vector<16xi32>
        %add3A_125 = arith.constant 10 : i32
        %add3A_126 = vector.broadcast %add3A_125 : i32 to vector<16xi32>
        %add3A_127 = arith.addi %iota3A, %add3A_126 : vector<16xi32>
        %mul3A_128 = arith.constant 1000 : i32
        %mul3A_129 = vector.broadcast %mul3A_128 : i32 to vector<16xi32>
        %mul3A_130 = arith.muli %add3A_127, %mul3A_129 : vector<16xi32>
        %add3A_131 = arith.addi %mul3A_130, %convert_element_type3A_117 : vector<16xi32>
        %sub3A_132 = arith.constant 25600 : i32
        %sub3A_133 = vector.broadcast %sub3A_132 : i32 to vector<16xi32>
        %sub3A_134 = arith.subi %add3A_131, %sub3A_133 : vector<16xi32>
        %ge3A_135 = arith.constant 0 : i32
        %ge3A_136 = vector.broadcast %ge3A_135 : i32 to vector<16xi32>
        %ge3A_137 = arith.cmpi sge, %sub3A_124, %ge3A_136 : vector<16xi32>
        %lt3A_138 = arith.constant 400 : i32
        %lt3A_139 = vector.broadcast %lt3A_138 : i32 to vector<16xi32>
        %lt3A_140 = arith.cmpi slt, %sub3A_124, %lt3A_139 : vector<16xi32>
        %and3A = arith.andi %ge3A_137, %lt3A_140 : vector<16xi1>
        %ge3A_141 = arith.constant 0 : i32
        %ge3A_142 = vector.broadcast %ge3A_141 : i32 to vector<16xi32>
        %ge3A_143 = arith.cmpi sge, %sub3A_134, %ge3A_142 : vector<16xi32>
        %and3A_144 = arith.andi %ge3A_11, %ge3A_143 : vector<16xi1>
        %lt3A_145 = arith.constant 400 : i32
        %lt3A_146 = vector.broadcast %lt3A_145 : i32 to vector<16xi32>
        %lt3A_147 = arith.cmpi slt, %sub3A_134, %lt3A_146 : vector<16xi32>
        %and3A_148 = arith.andi %and3A_144, %lt3A_147 : vector<16xi1>
        %broadcast_in_dim3A_149 = arith.constant 0 : i32
        %broadcast_in_dim3A_150 = vector.broadcast %broadcast_in_dim3A_149 : i32 to vector<16xi32>
        tpu.vector_store_idx %arg8[%broadcast_in_dim3A_150, %sub3A_124], %broadcast_in_dim3A_7 masked %and3A : memref<8x400xf32, #tpu.memory_space<vmem>>[vector<16xi32>, vector<16xi32>], vector<16xf32>, vector<16xi1>
        tpu.vector_store_idx %arg8[%broadcast_in_dim3A_150, %sub3A_134], %broadcast_in_dim3A_7 masked %and3A_148 : memref<8x400xf32, #tpu.memory_space<vmem>>[vector<16xi32>, vector<16xi32>], vector<16xf32>, vector<16xi1>
        %mul3A_151 = arith.constant 8 : i32
        %mul3A_152 = arith.muli %sub3A_102, %mul3A_151 : i32
        %add3A_153 = arith.constant 1 : i32
        %add3A_154 = arith.addi %mul3A_152, %add3A_153 : i32
        %mul3A_155 = arith.constant 26 : i32
        %mul3A_156 = arith.muli %add3A_154, %mul3A_155 : i32
        %get3A_157 = arith.index_cast %mul3A_156 : i32 to index
        %get3A_158 = tpu.vector_load %arg9[%get3A_157] {strides = array<i32>} : memref<3120xf32, #tpu.memory_space<vmem>>, vector<16xf32>,
        %convert_element_type3A_159 = arith.fptosi %get3A_158 : vector<16xf32> to vector<16xi32>
        %mul3A_160 = arith.constant 26 : i32
        %mul3A_161 = arith.muli %add3A_154, %mul3A_160 : i32
        %add3A_162 = arith.constant 10 : i32
        %add3A_163 = arith.addi %mul3A_161, %add3A_162 : i32
        %get3A_164 = arith.index_cast %add3A_163 : i32 to index
        %get3A_165 = tpu.vector_load %arg9[%get3A_164] {strides = array<i32>} : memref<3120xf32, #tpu.memory_space<vmem>>, vector<16xf32>,
        %convert_element_type3A_166 = arith.fptosi %get3A_165 : vector<16xf32> to vector<16xi32>
        %mul3A_167 = arith.constant 1000 : i32
        %mul3A_168 = vector.broadcast %mul3A_167 : i32 to vector<16xi32>
        %mul3A_169 = arith.muli %iota3A, %mul3A_168 : vector<16xi32>
        %add3A_170 = arith.addi %mul3A_169, %convert_element_type3A_159 : vector<16xi32>
        %sub3A_171 = arith.constant 25600 : i32
        %sub3A_172 = vector.broadcast %sub3A_171 : i32 to vector<16xi32>
        %sub3A_173 = arith.subi %add3A_170, %sub3A_172 : vector<16xi32>
        %add3A_174 = arith.constant 10 : i32
        %add3A_175 = vector.broadcast %add3A_174 : i32 to vector<16xi32>
        %add3A_176 = arith.addi %iota3A, %add3A_175 : vector<16xi32>
        %mul3A_177 = arith.constant 1000 : i32
        %mul3A_178 = vector.broadcast %mul3A_177 : i32 to vector<16xi32>
        %mul3A_179 = arith.muli %add3A_176, %mul3A_178 : vector<16xi32>
        %add3A_180 = arith.addi %mul3A_179, %convert_element_type3A_166 : vector<16xi32>
        %sub3A_181 = arith.constant 25600 : i32
        %sub3A_182 = vector.broadcast %sub3A_181 : i32 to vector<16xi32>
        %sub3A_183 = arith.subi %add3A_180, %sub3A_182 : vector<16xi32>
        %ge3A_184 = arith.constant 0 : i32
        %ge3A_185 = vector.broadcast %ge3A_184 : i32 to vector<16xi32>
        %ge3A_186 = arith.cmpi sge, %sub3A_173, %ge3A_185 : vector<16xi32>
        %lt3A_187 = arith.constant 400 : i32
        %lt3A_188 = vector.broadcast %lt3A_187 : i32 to vector<16xi32>
        %lt3A_189 = arith.cmpi slt, %sub3A_173, %lt3A_188 : vector<16xi32>
        %and3A_190 = arith.andi %ge3A_186, %lt3A_189 : vector<16xi1>
        %ge3A_191 = arith.constant 0 : i32
        %ge3A_192 = vector.broadcast %ge3A_191 : i32 to vector<16xi32>
        %ge3A_193 = arith.cmpi sge, %sub3A_183, %ge3A_192 : vector<16xi32>
        %and3A_194 = arith.andi %ge3A_11, %ge3A_193 : vector<16xi1>
        %lt3A_195 = arith.constant 400 : i32
        %lt3A_196 = vector.broadcast %lt3A_195 : i32 to vector<16xi32>
        %lt3A_197 = arith.cmpi slt, %sub3A_183, %lt3A_196 : vector<16xi32>
        %and3A_198 = arith.andi %and3A_194, %lt3A_197 : vector<16xi1>
        %broadcast_in_dim3A_199 = arith.constant 1 : i32
        %broadcast_in_dim3A_200 = vector.broadcast %broadcast_in_dim3A_199 : i32 to vector<16xi32>
        tpu.vector_store_idx %arg8[%broadcast_in_dim3A_200, %sub3A_173], %broadcast_in_dim3A_7 masked %and3A_190 : memref<8x400xf32, #tpu.memory_space<vmem>>[vector<16xi32>, vector<16xi32>], vector<16xf32>, vector<16xi1>
        tpu.vector_store_idx %arg8[%broadcast_in_dim3A_200, %sub3A_183], %broadcast_in_dim3A_7 masked %and3A_198 : memref<8x400xf32, #tpu.memory_space<vmem>>[vector<16xi32>, vector<16xi32>], vector<16xf32>, vector<16xi1>
        %mul3A_201 = arith.constant 8 : i32
        %mul3A_202 = arith.muli %sub3A_102, %mul3A_201 : i32
        %add3A_203 = arith.constant 2 : i32
        %add3A_204 = arith.addi %mul3A_202, %add3A_203 : i32
        %mul3A_205 = arith.constant 26 : i32
        %mul3A_206 = arith.muli %add3A_204, %mul3A_205 : i32
        %get3A_207 = arith.index_cast %mul3A_206 : i32 to index
        %get3A_208 = tpu.vector_load %arg9[%get3A_207] {strides = array<i32>} : memref<3120xf32, #tpu.memory_space<vmem>>, vector<16xf32>,
        %convert_element_type3A_209 = arith.fptosi %get3A_208 : vector<16xf32> to vector<16xi32>
        %mul3A_210 = arith.constant 26 : i32
        %mul3A_211 = arith.muli %add3A_204, %mul3A_210 : i32
        %add3A_212 = arith.constant 10 : i32
        %add3A_213 = arith.addi %mul3A_211, %add3A_212 : i32
        %get3A_214 = arith.index_cast %add3A_213 : i32 to index
        %get3A_215 = tpu.vector_load %arg9[%get3A_214] {strides = array<i32>} : memref<3120xf32, #tpu.memory_space<vmem>>, vector<16xf32>,
        %convert_element_type3A_216 = arith.fptosi %get3A_215 : vector<16xf32> to vector<16xi32>
        %mul3A_217 = arith.constant 1000 : i32
        %mul3A_218 = vector.broadcast %mul3A_217 : i32 to vector<16xi32>
        %mul3A_219 = arith.muli %iota3A, %mul3A_218 : vector<16xi32>
        %add3A_220 = arith.addi %mul3A_219, %convert_element_type3A_209 : vector<16xi32>
        %sub3A_221 = arith.constant 25600 : i32
        %sub3A_222 = vector.broadcast %sub3A_221 : i32 to vector<16xi32>
        %sub3A_223 = arith.subi %add3A_220, %sub3A_222 : vector<16xi32>
        %add3A_224 = arith.constant 10 : i32
        %add3A_225 = vector.broadcast %add3A_224 : i32 to vector<16xi32>
        %add3A_226 = arith.addi %iota3A, %add3A_225 : vector<16xi32>
        %mul3A_227 = arith.constant 1000 : i32
        %mul3A_228 = vector.broadcast %mul3A_227 : i32 to vector<16xi32>
        %mul3A_229 = arith.muli %add3A_226, %mul3A_228 : vector<16xi32>
        %add3A_230 = arith.addi %mul3A_229, %convert_element_type3A_216 : vector<16xi32>
        %sub3A_231 = arith.constant 25600 : i32
        %sub3A_232 = vector.broadcast %sub3A_231 : i32 to vector<16xi32>
        %sub3A_233 = arith.subi %add3A_230, %sub3A_232 : vector<16xi32>
        %ge3A_234 = arith.constant 0 : i32
        %ge3A_235 = vector.broadcast %ge3A_234 : i32 to vector<16xi32>
        %ge3A_236 = arith.cmpi sge, %sub3A_223, %ge3A_235 : vector<16xi32>
        %lt3A_237 = arith.constant 400 : i32
        %lt3A_238 = vector.broadcast %lt3A_237 : i32 to vector<16xi32>
        %lt3A_239 = arith.cmpi slt, %sub3A_223, %lt3A_238 : vector<16xi32>
        %and3A_240 = arith.andi %ge3A_236, %lt3A_239 : vector<16xi1>
        %ge3A_241 = arith.constant 0 : i32
        %ge3A_242 = vector.broadcast %ge3A_241 : i32 to vector<16xi32>
        %ge3A_243 = arith.cmpi sge, %sub3A_233, %ge3A_242 : vector<16xi32>
        %and3A_244 = arith.andi %ge3A_11, %ge3A_243 : vector<16xi1>
        %lt3A_245 = arith.constant 400 : i32
        %lt3A_246 = vector.broadcast %lt3A_245 : i32 to vector<16xi32>
        %lt3A_247 = arith.cmpi slt, %sub3A_233, %lt3A_246 : vector<16xi32>
        %and3A_248 = arith.andi %and3A_244, %lt3A_247 : vector<16xi1>
        %broadcast_in_dim3A_249 = arith.constant 2 : i32
        %broadcast_in_dim3A_250 = vector.broadcast %broadcast_in_dim3A_249 : i32 to vector<16xi32>
        tpu.vector_store_idx %arg8[%broadcast_in_dim3A_250, %sub3A_223], %broadcast_in_dim3A_7 masked %and3A_240 : memref<8x400xf32, #tpu.memory_space<vmem>>[vector<16xi32>, vector<16xi32>], vector<16xf32>, vector<16xi1>
        tpu.vector_store_idx %arg8[%broadcast_in_dim3A_250, %sub3A_233], %broadcast_in_dim3A_7 masked %and3A_248 : memref<8x400xf32, #tpu.memory_space<vmem>>[vector<16xi32>, vector<16xi32>], vector<16xf32>, vector<16xi1>
        %mul3A_251 = arith.constant 8 : i32
        %mul3A_252 = arith.muli %sub3A_102, %mul3A_251 : i32
        %add3A_253 = arith.constant 3 : i32
        %add3A_254 = arith.addi %mul3A_252, %add3A_253 : i32
        %mul3A_255 = arith.constant 26 : i32
        %mul3A_256 = arith.muli %add3A_254, %mul3A_255 : i32
        %get3A_257 = arith.index_cast %mul3A_256 : i32 to index
        %get3A_258 = tpu.vector_load %arg9[%get3A_257] {strides = array<i32>} : memref<3120xf32, #tpu.memory_space<vmem>>, vector<16xf32>,
        %convert_element_type3A_259 = arith.fptosi %get3A_258 : vector<16xf32> to vector<16xi32>
        %mul3A_260 = arith.constant 26 : i32
        %mul3A_261 = arith.muli %add3A_254, %mul3A_260 : i32
        %add3A_262 = arith.constant 10 : i32
        %add3A_263 = arith.addi %mul3A_261, %add3A_262 : i32
        %get3A_264 = arith.index_cast %add3A_263 : i32 to index
        %get3A_265 = tpu.vector_load %arg9[%get3A_264] {strides = array<i32>} : memref<3120xf32, #tpu.memory_space<vmem>>, vector<16xf32>,
        %convert_element_type3A_266 = arith.fptosi %get3A_265 : vector<16xf32> to vector<16xi32>
        %mul3A_267 = arith.constant 1000 : i32
        %mul3A_268 = vector.broadcast %mul3A_267 : i32 to vector<16xi32>
        %mul3A_269 = arith.muli %iota3A, %mul3A_268 : vector<16xi32>
        %add3A_270 = arith.addi %mul3A_269, %convert_element_type3A_259 : vector<16xi32>
        %sub3A_271 = arith.constant 25600 : i32
        %sub3A_272 = vector.broadcast %sub3A_271 : i32 to vector<16xi32>
        %sub3A_273 = arith.subi %add3A_270, %sub3A_272 : vector<16xi32>
        %add3A_274 = arith.constant 10 : i32
        %add3A_275 = vector.broadcast %add3A_274 : i32 to vector<16xi32>
        %add3A_276 = arith.addi %iota3A, %add3A_275 : vector<16xi32>
        %mul3A_277 = arith.constant 1000 : i32
        %mul3A_278 = vector.broadcast %mul3A_277 : i32 to vector<16xi32>
        %mul3A_279 = arith.muli %add3A_276, %mul3A_278 : vector<16xi32>
        %add3A_280 = arith.addi %mul3A_279, %convert_element_type3A_266 : vector<16xi32>
        %sub3A_281 = arith.constant 25600 : i32
        %sub3A_282 = vector.broadcast %sub3A_281 : i32 to vector<16xi32>
        %sub3A_283 = arith.subi %add3A_280, %sub3A_282 : vector<16xi32>
        %ge3A_284 = arith.constant 0 : i32
        %ge3A_285 = vector.broadcast %ge3A_284 : i32 to vector<16xi32>
        %ge3A_286 = arith.cmpi sge, %sub3A_273, %ge3A_285 : vector<16xi32>
        %lt3A_287 = arith.constant 400 : i32
        %lt3A_288 = vector.broadcast %lt3A_287 : i32 to vector<16xi32>
        %lt3A_289 = arith.cmpi slt, %sub3A_273, %lt3A_288 : vector<16xi32>
        %and3A_290 = arith.andi %ge3A_286, %lt3A_289 : vector<16xi1>
        %ge3A_291 = arith.constant 0 : i32
        %ge3A_292 = vector.broadcast %ge3A_291 : i32 to vector<16xi32>
        %ge3A_293 = arith.cmpi sge, %sub3A_283, %ge3A_292 : vector<16xi32>
        %and3A_294 = arith.andi %ge3A_11, %ge3A_293 : vector<16xi1>
        %lt3A_295 = arith.constant 400 : i32
        %lt3A_296 = vector.broadcast %lt3A_295 : i32 to vector<16xi32>
        %lt3A_297 = arith.cmpi slt, %sub3A_283, %lt3A_296 : vector<16xi32>
        %and3A_298 = arith.andi %and3A_294, %lt3A_297 : vector<16xi1>
        %broadcast_in_dim3A_299 = arith.constant 3 : i32
        %broadcast_in_dim3A_300 = vector.broadcast %broadcast_in_dim3A_299 : i32 to vector<16xi32>
        tpu.vector_store_idx %arg8[%broadcast_in_dim3A_300, %sub3A_273], %broadcast_in_dim3A_7 masked %and3A_290 : memref<8x400xf32, #tpu.memory_space<vmem>>[vector<16xi32>, vector<16xi32>], vector<16xf32>, vector<16xi1>
        tpu.vector_store_idx %arg8[%broadcast_in_dim3A_300, %sub3A_283], %broadcast_in_dim3A_7 masked %and3A_298 : memref<8x400xf32, #tpu.memory_space<vmem>>[vector<16xi32>, vector<16xi32>], vector<16xf32>, vector<16xi1>
        %mul3A_301 = arith.constant 8 : i32
        %mul3A_302 = arith.muli %sub3A_102, %mul3A_301 : i32
        %add3A_303 = arith.constant 4 : i32
        %add3A_304 = arith.addi %mul3A_302, %add3A_303 : i32
        %mul3A_305 = arith.constant 26 : i32
        %mul3A_306 = arith.muli %add3A_304, %mul3A_305 : i32
        %get3A_307 = arith.index_cast %mul3A_306 : i32 to index
        %get3A_308 = tpu.vector_load %arg9[%get3A_307] {strides = array<i32>} : memref<3120xf32, #tpu.memory_space<vmem>>, vector<16xf32>,
        %convert_element_type3A_309 = arith.fptosi %get3A_308 : vector<16xf32> to vector<16xi32>
        %mul3A_310 = arith.constant 26 : i32
        %mul3A_311 = arith.muli %add3A_304, %mul3A_310 : i32
        %add3A_312 = arith.constant 10 : i32
        %add3A_313 = arith.addi %mul3A_311, %add3A_312 : i32
        %get3A_314 = arith.index_cast %add3A_313 : i32 to index
        %get3A_315 = tpu.vector_load %arg9[%get3A_314] {strides = array<i32>} : memref<3120xf32, #tpu.memory_space<vmem>>, vector<16xf32>,
        %convert_element_type3A_316 = arith.fptosi %get3A_315 : vector<16xf32> to vector<16xi32>
        %mul3A_317 = arith.constant 1000 : i32
        %mul3A_318 = vector.broadcast %mul3A_317 : i32 to vector<16xi32>
        %mul3A_319 = arith.muli %iota3A, %mul3A_318 : vector<16xi32>
        %add3A_320 = arith.addi %mul3A_319, %convert_element_type3A_309 : vector<16xi32>
        %sub3A_321 = arith.constant 25600 : i32
        %sub3A_322 = vector.broadcast %sub3A_321 : i32 to vector<16xi32>
        %sub3A_323 = arith.subi %add3A_320, %sub3A_322 : vector<16xi32>
        %add3A_324 = arith.constant 10 : i32
        %add3A_325 = vector.broadcast %add3A_324 : i32 to vector<16xi32>
        %add3A_326 = arith.addi %iota3A, %add3A_325 : vector<16xi32>
        %mul3A_327 = arith.constant 1000 : i32
        %mul3A_328 = vector.broadcast %mul3A_327 : i32 to vector<16xi32>
        %mul3A_329 = arith.muli %add3A_326, %mul3A_328 : vector<16xi32>
        %add3A_330 = arith.addi %mul3A_329, %convert_element_type3A_316 : vector<16xi32>
        %sub3A_331 = arith.constant 25600 : i32
        %sub3A_332 = vector.broadcast %sub3A_331 : i32 to vector<16xi32>
        %sub3A_333 = arith.subi %add3A_330, %sub3A_332 : vector<16xi32>
        %ge3A_334 = arith.constant 0 : i32
        %ge3A_335 = vector.broadcast %ge3A_334 : i32 to vector<16xi32>
        %ge3A_336 = arith.cmpi sge, %sub3A_323, %ge3A_335 : vector<16xi32>
        %lt3A_337 = arith.constant 400 : i32
        %lt3A_338 = vector.broadcast %lt3A_337 : i32 to vector<16xi32>
        %lt3A_339 = arith.cmpi slt, %sub3A_323, %lt3A_338 : vector<16xi32>
        %and3A_340 = arith.andi %ge3A_336, %lt3A_339 : vector<16xi1>
        %ge3A_341 = arith.constant 0 : i32
        %ge3A_342 = vector.broadcast %ge3A_341 : i32 to vector<16xi32>
        %ge3A_343 = arith.cmpi sge, %sub3A_333, %ge3A_342 : vector<16xi32>
        %and3A_344 = arith.andi %ge3A_11, %ge3A_343 : vector<16xi1>
        %lt3A_345 = arith.constant 400 : i32
        %lt3A_346 = vector.broadcast %lt3A_345 : i32 to vector<16xi32>
        %lt3A_347 = arith.cmpi slt, %sub3A_333, %lt3A_346 : vector<16xi32>
        %and3A_348 = arith.andi %and3A_344, %lt3A_347 : vector<16xi1>
        %broadcast_in_dim3A_349 = arith.constant 4 : i32
        %broadcast_in_dim3A_350 = vector.broadcast %broadcast_in_dim3A_349 : i32 to vector<16xi32>
        tpu.vector_store_idx %arg8[%broadcast_in_dim3A_350, %sub3A_323], %broadcast_in_dim3A_7 masked %and3A_340 : memref<8x400xf32, #tpu.memory_space<vmem>>[vector<16xi32>, vector<16xi32>], vector<16xf32>, vector<16xi1>
        tpu.vector_store_idx %arg8[%broadcast_in_dim3A_350, %sub3A_333], %broadcast_in_dim3A_7 masked %and3A_348 : memref<8x400xf32, #tpu.memory_space<vmem>>[vector<16xi32>, vector<16xi32>], vector<16xf32>, vector<16xi1>
        %mul3A_351 = arith.constant 8 : i32
        %mul3A_352 = arith.muli %sub3A_102, %mul3A_351 : i32
        %add3A_353 = arith.constant 5 : i32
        %add3A_354 = arith.addi %mul3A_352, %add3A_353 : i32
        %mul3A_355 = arith.constant 26 : i32
        %mul3A_356 = arith.muli %add3A_354, %mul3A_355 : i32
        %get3A_357 = arith.index_cast %mul3A_356 : i32 to index
        %get3A_358 = tpu.vector_load %arg9[%get3A_357] {strides = array<i32>} : memref<3120xf32, #tpu.memory_space<vmem>>, vector<16xf32>,
        %convert_element_type3A_359 = arith.fptosi %get3A_358 : vector<16xf32> to vector<16xi32>
        %mul3A_360 = arith.constant 26 : i32
        %mul3A_361 = arith.muli %add3A_354, %mul3A_360 : i32
        %add3A_362 = arith.constant 10 : i32
        %add3A_363 = arith.addi %mul3A_361, %add3A_362 : i32
        %get3A_364 = arith.index_cast %add3A_363 : i32 to index
        %get3A_365 = tpu.vector_load %arg9[%get3A_364] {strides = array<i32>} : memref<3120xf32, #tpu.memory_space<vmem>>, vector<16xf32>,
        %convert_element_type3A_366 = arith.fptosi %get3A_365 : vector<16xf32> to vector<16xi32>
        %mul3A_367 = arith.constant 1000 : i32
        %mul3A_368 = vector.broadcast %mul3A_367 : i32 to vector<16xi32>
        %mul3A_369 = arith.muli %iota3A, %mul3A_368 : vector<16xi32>
        %add3A_370 = arith.addi %mul3A_369, %convert_element_type3A_359 : vector<16xi32>
        %sub3A_371 = arith.constant 25600 : i32
        %sub3A_372 = vector.broadcast %sub3A_371 : i32 to vector<16xi32>
        %sub3A_373 = arith.subi %add3A_370, %sub3A_372 : vector<16xi32>
        %add3A_374 = arith.constant 10 : i32
        %add3A_375 = vector.broadcast %add3A_374 : i32 to vector<16xi32>
        %add3A_376 = arith.addi %iota3A, %add3A_375 : vector<16xi32>
        %mul3A_377 = arith.constant 1000 : i32
        %mul3A_378 = vector.broadcast %mul3A_377 : i32 to vector<16xi32>
        %mul3A_379 = arith.muli %add3A_376, %mul3A_378 : vector<16xi32>
        %add3A_380 = arith.addi %mul3A_379, %convert_element_type3A_366 : vector<16xi32>
        %sub3A_381 = arith.constant 25600 : i32
        %sub3A_382 = vector.broadcast %sub3A_381 : i32 to vector<16xi32>
        %sub3A_383 = arith.subi %add3A_380, %sub3A_382 : vector<16xi32>
        %ge3A_384 = arith.constant 0 : i32
        %ge3A_385 = vector.broadcast %ge3A_384 : i32 to vector<16xi32>
        %ge3A_386 = arith.cmpi sge, %sub3A_373, %ge3A_385 : vector<16xi32>
        %lt3A_387 = arith.constant 400 : i32
        %lt3A_388 = vector.broadcast %lt3A_387 : i32 to vector<16xi32>
        %lt3A_389 = arith.cmpi slt, %sub3A_373, %lt3A_388 : vector<16xi32>
        %and3A_390 = arith.andi %ge3A_386, %lt3A_389 : vector<16xi1>
        %ge3A_391 = arith.constant 0 : i32
        %ge3A_392 = vector.broadcast %ge3A_391 : i32 to vector<16xi32>
        %ge3A_393 = arith.cmpi sge, %sub3A_383, %ge3A_392 : vector<16xi32>
        %and3A_394 = arith.andi %ge3A_11, %ge3A_393 : vector<16xi1>
        %lt3A_395 = arith.constant 400 : i32
        %lt3A_396 = vector.broadcast %lt3A_395 : i32 to vector<16xi32>
        %lt3A_397 = arith.cmpi slt, %sub3A_383, %lt3A_396 : vector<16xi32>
        %and3A_398 = arith.andi %and3A_394, %lt3A_397 : vector<16xi1>
        %broadcast_in_dim3A_399 = arith.constant 5 : i32
        %broadcast_in_dim3A_400 = vector.broadcast %broadcast_in_dim3A_399 : i32 to vector<16xi32>
        tpu.vector_store_idx %arg8[%broadcast_in_dim3A_400, %sub3A_373], %broadcast_in_dim3A_7 masked %and3A_390 : memref<8x400xf32, #tpu.memory_space<vmem>>[vector<16xi32>, vector<16xi32>], vector<16xf32>, vector<16xi1>
        tpu.vector_store_idx %arg8[%broadcast_in_dim3A_400, %sub3A_383], %broadcast_in_dim3A_7 masked %and3A_398 : memref<8x400xf32, #tpu.memory_space<vmem>>[vector<16xi32>, vector<16xi32>], vector<16xf32>, vector<16xi1>
        %mul3A_401 = arith.constant 8 : i32
        %mul3A_402 = arith.muli %sub3A_102, %mul3A_401 : i32
        %add3A_403 = arith.constant 6 : i32
        %add3A_404 = arith.addi %mul3A_402, %add3A_403 : i32
        %mul3A_405 = arith.constant 26 : i32
        %mul3A_406 = arith.muli %add3A_404, %mul3A_405 : i32
        %get3A_407 = arith.index_cast %mul3A_406 : i32 to index
        %get3A_408 = tpu.vector_load %arg9[%get3A_407] {strides = array<i32>} : memref<3120xf32, #tpu.memory_space<vmem>>, vector<16xf32>,
        %convert_element_type3A_409 = arith.fptosi %get3A_408 : vector<16xf32> to vector<16xi32>
        %mul3A_410 = arith.constant 26 : i32
        %mul3A_411 = arith.muli %add3A_404, %mul3A_410 : i32
        %add3A_412 = arith.constant 10 : i32
        %add3A_413 = arith.addi %mul3A_411, %add3A_412 : i32
        %get3A_414 = arith.index_cast %add3A_413 : i32 to index
        %get3A_415 = tpu.vector_load %arg9[%get3A_414] {strides = array<i32>} : memref<3120xf32, #tpu.memory_space<vmem>>, vector<16xf32>,
        %convert_element_type3A_416 = arith.fptosi %get3A_415 : vector<16xf32> to vector<16xi32>
        %mul3A_417 = arith.constant 1000 : i32
        %mul3A_418 = vector.broadcast %mul3A_417 : i32 to vector<16xi32>
        %mul3A_419 = arith.muli %iota3A, %mul3A_418 : vector<16xi32>
        %add3A_420 = arith.addi %mul3A_419, %convert_element_type3A_409 : vector<16xi32>
        %sub3A_421 = arith.constant 25600 : i32
        %sub3A_422 = vector.broadcast %sub3A_421 : i32 to vector<16xi32>
        %sub3A_423 = arith.subi %add3A_420, %sub3A_422 : vector<16xi32>
        %add3A_424 = arith.constant 10 : i32
        %add3A_425 = vector.broadcast %add3A_424 : i32 to vector<16xi32>
        %add3A_426 = arith.addi %iota3A, %add3A_425 : vector<16xi32>
        %mul3A_427 = arith.constant 1000 : i32
        %mul3A_428 = vector.broadcast %mul3A_427 : i32 to vector<16xi32>
        %mul3A_429 = arith.muli %add3A_426, %mul3A_428 : vector<16xi32>
        %add3A_430 = arith.addi %mul3A_429, %convert_element_type3A_416 : vector<16xi32>
        %sub3A_431 = arith.constant 25600 : i32
        %sub3A_432 = vector.broadcast %sub3A_431 : i32 to vector<16xi32>
        %sub3A_433 = arith.subi %add3A_430, %sub3A_432 : vector<16xi32>
        %ge3A_434 = arith.constant 0 : i32
        %ge3A_435 = vector.broadcast %ge3A_434 : i32 to vector<16xi32>
        %ge3A_436 = arith.cmpi sge, %sub3A_423, %ge3A_435 : vector<16xi32>
        %lt3A_437 = arith.constant 400 : i32
        %lt3A_438 = vector.broadcast %lt3A_437 : i32 to vector<16xi32>
        %lt3A_439 = arith.cmpi slt, %sub3A_423, %lt3A_438 : vector<16xi32>
        %and3A_440 = arith.andi %ge3A_436, %lt3A_439 : vector<16xi1>
        %ge3A_441 = arith.constant 0 : i32
        %ge3A_442 = vector.broadcast %ge3A_441 : i32 to vector<16xi32>
        %ge3A_443 = arith.cmpi sge, %sub3A_433, %ge3A_442 : vector<16xi32>
        %and3A_444 = arith.andi %ge3A_11, %ge3A_443 : vector<16xi1>
        %lt3A_445 = arith.constant 400 : i32
        %lt3A_446 = vector.broadcast %lt3A_445 : i32 to vector<16xi32>
        %lt3A_447 = arith.cmpi slt, %sub3A_433, %lt3A_446 : vector<16xi32>
        %and3A_448 = arith.andi %and3A_444, %lt3A_447 : vector<16xi1>
        %broadcast_in_dim3A_449 = arith.constant 6 : i32
        %broadcast_in_dim3A_450 = vector.broadcast %broadcast_in_dim3A_449 : i32 to vector<16xi32>
        tpu.vector_store_idx %arg8[%broadcast_in_dim3A_450, %sub3A_423], %broadcast_in_dim3A_7 masked %and3A_440 : memref<8x400xf32, #tpu.memory_space<vmem>>[vector<16xi32>, vector<16xi32>], vector<16xf32>, vector<16xi1>
        tpu.vector_store_idx %arg8[%broadcast_in_dim3A_450, %sub3A_433], %broadcast_in_dim3A_7 masked %and3A_448 : memref<8x400xf32, #tpu.memory_space<vmem>>[vector<16xi32>, vector<16xi32>], vector<16xf32>, vector<16xi1>
        %mul3A_451 = arith.constant 8 : i32
        %mul3A_452 = arith.muli %sub3A_102, %mul3A_451 : i32
        %add3A_453 = arith.constant 7 : i32
        %add3A_454 = arith.addi %mul3A_452, %add3A_453 : i32
        %mul3A_455 = arith.constant 26 : i32
        %mul3A_456 = arith.muli %add3A_454, %mul3A_455 : i32
        %get3A_457 = arith.index_cast %mul3A_456 : i32 to index
        %get3A_458 = tpu.vector_load %arg9[%get3A_457] {strides = array<i32>} : memref<3120xf32, #tpu.memory_space<vmem>>, vector<16xf32>,
        %convert_element_type3A_459 = arith.fptosi %get3A_458 : vector<16xf32> to vector<16xi32>
        %mul3A_460 = arith.constant 26 : i32
        %mul3A_461 = arith.muli %add3A_454, %mul3A_460 : i32
        %add3A_462 = arith.constant 10 : i32
        %add3A_463 = arith.addi %mul3A_461, %add3A_462 : i32
        %get3A_464 = arith.index_cast %add3A_463 : i32 to index
        %get3A_465 = tpu.vector_load %arg9[%get3A_464] {strides = array<i32>} : memref<3120xf32, #tpu.memory_space<vmem>>, vector<16xf32>,
        %convert_element_type3A_466 = arith.fptosi %get3A_465 : vector<16xf32> to vector<16xi32>
        %mul3A_467 = arith.constant 1000 : i32
        %mul3A_468 = vector.broadcast %mul3A_467 : i32 to vector<16xi32>
        %mul3A_469 = arith.muli %iota3A, %mul3A_468 : vector<16xi32>
        %add3A_470 = arith.addi %mul3A_469, %convert_element_type3A_459 : vector<16xi32>
        %sub3A_471 = arith.constant 25600 : i32
        %sub3A_472 = vector.broadcast %sub3A_471 : i32 to vector<16xi32>
        %sub3A_473 = arith.subi %add3A_470, %sub3A_472 : vector<16xi32>
        %add3A_474 = arith.constant 10 : i32
        %add3A_475 = vector.broadcast %add3A_474 : i32 to vector<16xi32>
        %add3A_476 = arith.addi %iota3A, %add3A_475 : vector<16xi32>
        %mul3A_477 = arith.constant 1000 : i32
        %mul3A_478 = vector.broadcast %mul3A_477 : i32 to vector<16xi32>
        %mul3A_479 = arith.muli %add3A_476, %mul3A_478 : vector<16xi32>
        %add3A_480 = arith.addi %mul3A_479, %convert_element_type3A_466 : vector<16xi32>
        %sub3A_481 = arith.constant 25600 : i32
        %sub3A_482 = vector.broadcast %sub3A_481 : i32 to vector<16xi32>
        %sub3A_483 = arith.subi %add3A_480, %sub3A_482 : vector<16xi32>
        %ge3A_484 = arith.constant 0 : i32
        %ge3A_485 = vector.broadcast %ge3A_484 : i32 to vector<16xi32>
        %ge3A_486 = arith.cmpi sge, %sub3A_473, %ge3A_485 : vector<16xi32>
        %lt3A_487 = arith.constant 400 : i32
        %lt3A_488 = vector.broadcast %lt3A_487 : i32 to vector<16xi32>
        %lt3A_489 = arith.cmpi slt, %sub3A_473, %lt3A_488 : vector<16xi32>
        %and3A_490 = arith.andi %ge3A_486, %lt3A_489 : vector<16xi1>
        %ge3A_491 = arith.constant 0 : i32
        %ge3A_492 = vector.broadcast %ge3A_491 : i32 to vector<16xi32>
        %ge3A_493 = arith.cmpi sge, %sub3A_483, %ge3A_492 : vector<16xi32>
        %and3A_494 = arith.andi %ge3A_11, %ge3A_493 : vector<16xi1>
        %lt3A_495 = arith.constant 400 : i32
        %lt3A_496 = vector.broadcast %lt3A_495 : i32 to vector<16xi32>
        %lt3A_497 = arith.cmpi slt, %sub3A_483, %lt3A_496 : vector<16xi32>
        %and3A_498 = arith.andi %and3A_494, %lt3A_497 : vector<16xi1>
        %broadcast_in_dim3A_499 = arith.constant 7 : i32
        %broadcast_in_dim3A_500 = vector.broadcast %broadcast_in_dim3A_499 : i32 to vector<16xi32>
        tpu.vector_store_idx %arg8[%broadcast_in_dim3A_500, %sub3A_473], %broadcast_in_dim3A_7 masked %and3A_490 : memref<8x400xf32, #tpu.memory_space<vmem>>[vector<16xi32>, vector<16xi32>], vector<16xf32>, vector<16xi1>
        tpu.vector_store_idx %arg8[%broadcast_in_dim3A_500, %sub3A_483], %broadcast_in_dim3A_7 masked %and3A_498 : memref<8x400xf32, #tpu.memory_space<vmem>>[vector<16xi32>, vector<16xi32>], vector<16xf32>, vector<16xi1>
      } else {
      }
      %lt3A_88 = arith.constant 15 : i32
      %lt3A_89 = arith.cmpi slt, %add3A_82, %lt3A_88 : i32
      %convert_element_type3A_90 = arith.extui %lt3A_89 : i1 to i32
      %cond3A_91 = arith.constant 0 : i32
      %cond3A_92 = arith.cmpi ne, %convert_element_type3A_90, %cond3A_91 : i32
      scf.if %cond3A_92 {
        %mul3A_93 = arith.constant 8 : i32
        %mul3A_94 = arith.muli %add3A_82, %mul3A_93 : i32
        %add3A_95 = arith.constant 0 : i32
        %add3A_96 = arith.addi %mul3A_94, %add3A_95 : i32
        %mul3A_97 = arith.constant 26 : i32
        %mul3A_98 = arith.muli %add3A_96, %mul3A_97 : i32
        %get3A = arith.index_cast %mul3A_98 : i32 to index
        %get3A_99 = tpu.vector_load %arg9[%get3A] {strides = array<i32>} : memref<3120xf32, #tpu.memory_space<vmem>>, vector<16xf32>,
        %convert_element_type3A_100 = arith.fptosi %get3A_99 : vector<16xf32> to vector<16xi32>
        %mul3A_101 = arith.constant 26 : i32
        %mul3A_102 = arith.muli %add3A_96, %mul3A_101 : i32
        %add3A_103 = arith.constant 10 : i32
        %add3A_104 = arith.addi %mul3A_102, %add3A_103 : i32
        %get3A_105 = arith.index_cast %add3A_104 : i32 to index
        %get3A_106 = tpu.vector_load %arg9[%get3A_105] {strides = array<i32>} : memref<3120xf32, #tpu.memory_space<vmem>>, vector<16xf32>,
        %convert_element_type3A_107 = arith.fptosi %get3A_106 : vector<16xf32> to vector<16xi32>
        %mul3A_108 = arith.constant 1000 : i32
        %mul3A_109 = vector.broadcast %mul3A_108 : i32 to vector<16xi32>
        %mul3A_110 = arith.muli %iota3A, %mul3A_109 : vector<16xi32>
        %add3A_111 = arith.addi %mul3A_110, %convert_element_type3A_100 : vector<16xi32>
        %sub3A = arith.constant 25600 : i32
        %sub3A_112 = vector.broadcast %sub3A : i32 to vector<16xi32>
        %sub3A_113 = arith.subi %add3A_111, %sub3A_112 : vector<16xi32>
        %add3A_114 = arith.constant 10 : i32
        %add3A_115 = vector.broadcast %add3A_114 : i32 to vector<16xi32>
        %add3A_116 = arith.addi %iota3A, %add3A_115 : vector<16xi32>
        %mul3A_117 = arith.constant 1000 : i32
        %mul3A_118 = vector.broadcast %mul3A_117 : i32 to vector<16xi32>
        %mul3A_119 = arith.muli %add3A_116, %mul3A_118 : vector<16xi32>
        %add3A_120 = arith.addi %mul3A_119, %convert_element_type3A_107 : vector<16xi32>
        %sub3A_121 = arith.constant 25600 : i32
        %sub3A_122 = vector.broadcast %sub3A_121 : i32 to vector<16xi32>
        %sub3A_123 = arith.subi %add3A_120, %sub3A_122 : vector<16xi32>
        %ge3A_124 = arith.constant 0 : i32
        %ge3A_125 = vector.broadcast %ge3A_124 : i32 to vector<16xi32>
        %ge3A_126 = arith.cmpi sge, %sub3A_113, %ge3A_125 : vector<16xi32>
        %lt3A_127 = arith.constant 400 : i32
        %lt3A_128 = vector.broadcast %lt3A_127 : i32 to vector<16xi32>
        %lt3A_129 = arith.cmpi slt, %sub3A_113, %lt3A_128 : vector<16xi32>
        %and3A = arith.andi %ge3A_126, %lt3A_129 : vector<16xi1>
        %ge3A_130 = arith.constant 0 : i32
        %ge3A_131 = vector.broadcast %ge3A_130 : i32 to vector<16xi32>
        %ge3A_132 = arith.cmpi sge, %sub3A_123, %ge3A_131 : vector<16xi32>
        %and3A_133 = arith.andi %ge3A_11, %ge3A_132 : vector<16xi1>
        %lt3A_134 = arith.constant 400 : i32
        %lt3A_135 = vector.broadcast %lt3A_134 : i32 to vector<16xi32>
        %lt3A_136 = arith.cmpi slt, %sub3A_123, %lt3A_135 : vector<16xi32>
        %and3A_137 = arith.andi %and3A_133, %lt3A_136 : vector<16xi1>
        %broadcast_in_dim3A_138 = arith.constant 0 : i32
        %broadcast_in_dim3A_139 = vector.broadcast %broadcast_in_dim3A_138 : i32 to vector<16xi32>
        tpu.vector_store_idx %arg8[%broadcast_in_dim3A_139, %sub3A_113], %broadcast_in_dim3A_9 masked %and3A : memref<8x400xf32, #tpu.memory_space<vmem>>[vector<16xi32>, vector<16xi32>], vector<16xf32>, vector<16xi1>
        tpu.vector_store_idx %arg8[%broadcast_in_dim3A_139, %sub3A_123], %broadcast_in_dim3A_9 masked %and3A_137 : memref<8x400xf32, #tpu.memory_space<vmem>>[vector<16xi32>, vector<16xi32>], vector<16xf32>, vector<16xi1>
        %mul3A_140 = arith.constant 8 : i32
        %mul3A_141 = arith.muli %add3A_82, %mul3A_140 : i32
        %add3A_142 = arith.constant 1 : i32
        %add3A_143 = arith.addi %mul3A_141, %add3A_142 : i32
        %mul3A_144 = arith.constant 26 : i32
        %mul3A_145 = arith.muli %add3A_143, %mul3A_144 : i32
        %get3A_146 = arith.index_cast %mul3A_145 : i32 to index
        %get3A_147 = tpu.vector_load %arg9[%get3A_146] {strides = array<i32>} : memref<3120xf32, #tpu.memory_space<vmem>>, vector<16xf32>,
        %convert_element_type3A_148 = arith.fptosi %get3A_147 : vector<16xf32> to vector<16xi32>
        %mul3A_149 = arith.constant 26 : i32
        %mul3A_150 = arith.muli %add3A_143, %mul3A_149 : i32
        %add3A_151 = arith.constant 10 : i32
        %add3A_152 = arith.addi %mul3A_150, %add3A_151 : i32
        %get3A_153 = arith.index_cast %add3A_152 : i32 to index
        %get3A_154 = tpu.vector_load %arg9[%get3A_153] {strides = array<i32>} : memref<3120xf32, #tpu.memory_space<vmem>>, vector<16xf32>,
        %convert_element_type3A_155 = arith.fptosi %get3A_154 : vector<16xf32> to vector<16xi32>
        %mul3A_156 = arith.constant 1000 : i32
        %mul3A_157 = vector.broadcast %mul3A_156 : i32 to vector<16xi32>
        %mul3A_158 = arith.muli %iota3A, %mul3A_157 : vector<16xi32>
        %add3A_159 = arith.addi %mul3A_158, %convert_element_type3A_148 : vector<16xi32>
        %sub3A_160 = arith.constant 25600 : i32
        %sub3A_161 = vector.broadcast %sub3A_160 : i32 to vector<16xi32>
        %sub3A_162 = arith.subi %add3A_159, %sub3A_161 : vector<16xi32>
        %add3A_163 = arith.constant 10 : i32
        %add3A_164 = vector.broadcast %add3A_163 : i32 to vector<16xi32>
        %add3A_165 = arith.addi %iota3A, %add3A_164 : vector<16xi32>
        %mul3A_166 = arith.constant 1000 : i32
        %mul3A_167 = vector.broadcast %mul3A_166 : i32 to vector<16xi32>
        %mul3A_168 = arith.muli %add3A_165, %mul3A_167 : vector<16xi32>
        %add3A_169 = arith.addi %mul3A_168, %convert_element_type3A_155 : vector<16xi32>
        %sub3A_170 = arith.constant 25600 : i32
        %sub3A_171 = vector.broadcast %sub3A_170 : i32 to vector<16xi32>
        %sub3A_172 = arith.subi %add3A_169, %sub3A_171 : vector<16xi32>
        %ge3A_173 = arith.constant 0 : i32
        %ge3A_174 = vector.broadcast %ge3A_173 : i32 to vector<16xi32>
        %ge3A_175 = arith.cmpi sge, %sub3A_162, %ge3A_174 : vector<16xi32>
        %lt3A_176 = arith.constant 400 : i32
        %lt3A_177 = vector.broadcast %lt3A_176 : i32 to vector<16xi32>
        %lt3A_178 = arith.cmpi slt, %sub3A_162, %lt3A_177 : vector<16xi32>
        %and3A_179 = arith.andi %ge3A_175, %lt3A_178 : vector<16xi1>
        %ge3A_180 = arith.constant 0 : i32
        %ge3A_181 = vector.broadcast %ge3A_180 : i32 to vector<16xi32>
        %ge3A_182 = arith.cmpi sge, %sub3A_172, %ge3A_181 : vector<16xi32>
        %and3A_183 = arith.andi %ge3A_11, %ge3A_182 : vector<16xi1>
        %lt3A_184 = arith.constant 400 : i32
        %lt3A_185 = vector.broadcast %lt3A_184 : i32 to vector<16xi32>
        %lt3A_186 = arith.cmpi slt, %sub3A_172, %lt3A_185 : vector<16xi32>
        %and3A_187 = arith.andi %and3A_183, %lt3A_186 : vector<16xi1>
        %broadcast_in_dim3A_188 = arith.constant 1 : i32
        %broadcast_in_dim3A_189 = vector.broadcast %broadcast_in_dim3A_188 : i32 to vector<16xi32>
        tpu.vector_store_idx %arg8[%broadcast_in_dim3A_189, %sub3A_162], %broadcast_in_dim3A_9 masked %and3A_179 : memref<8x400xf32, #tpu.memory_space<vmem>>[vector<16xi32>, vector<16xi32>], vector<16xf32>, vector<16xi1>
        tpu.vector_store_idx %arg8[%broadcast_in_dim3A_189, %sub3A_172], %broadcast_in_dim3A_9 masked %and3A_187 : memref<8x400xf32, #tpu.memory_space<vmem>>[vector<16xi32>, vector<16xi32>], vector<16xf32>, vector<16xi1>
        %mul3A_190 = arith.constant 8 : i32
        %mul3A_191 = arith.muli %add3A_82, %mul3A_190 : i32
        %add3A_192 = arith.constant 2 : i32
        %add3A_193 = arith.addi %mul3A_191, %add3A_192 : i32
        %mul3A_194 = arith.constant 26 : i32
        %mul3A_195 = arith.muli %add3A_193, %mul3A_194 : i32
        %get3A_196 = arith.index_cast %mul3A_195 : i32 to index
        %get3A_197 = tpu.vector_load %arg9[%get3A_196] {strides = array<i32>} : memref<3120xf32, #tpu.memory_space<vmem>>, vector<16xf32>,
        %convert_element_type3A_198 = arith.fptosi %get3A_197 : vector<16xf32> to vector<16xi32>
        %mul3A_199 = arith.constant 26 : i32
        %mul3A_200 = arith.muli %add3A_193, %mul3A_199 : i32
        %add3A_201 = arith.constant 10 : i32
        %add3A_202 = arith.addi %mul3A_200, %add3A_201 : i32
        %get3A_203 = arith.index_cast %add3A_202 : i32 to index
        %get3A_204 = tpu.vector_load %arg9[%get3A_203] {strides = array<i32>} : memref<3120xf32, #tpu.memory_space<vmem>>, vector<16xf32>,
        %convert_element_type3A_205 = arith.fptosi %get3A_204 : vector<16xf32> to vector<16xi32>
        %mul3A_206 = arith.constant 1000 : i32
        %mul3A_207 = vector.broadcast %mul3A_206 : i32 to vector<16xi32>
        %mul3A_208 = arith.muli %iota3A, %mul3A_207 : vector<16xi32>
        %add3A_209 = arith.addi %mul3A_208, %convert_element_type3A_198 : vector<16xi32>
        %sub3A_210 = arith.constant 25600 : i32
        %sub3A_211 = vector.broadcast %sub3A_210 : i32 to vector<16xi32>
        %sub3A_212 = arith.subi %add3A_209, %sub3A_211 : vector<16xi32>
        %add3A_213 = arith.constant 10 : i32
        %add3A_214 = vector.broadcast %add3A_213 : i32 to vector<16xi32>
        %add3A_215 = arith.addi %iota3A, %add3A_214 : vector<16xi32>
        %mul3A_216 = arith.constant 1000 : i32
        %mul3A_217 = vector.broadcast %mul3A_216 : i32 to vector<16xi32>
        %mul3A_218 = arith.muli %add3A_215, %mul3A_217 : vector<16xi32>
        %add3A_219 = arith.addi %mul3A_218, %convert_element_type3A_205 : vector<16xi32>
        %sub3A_220 = arith.constant 25600 : i32
        %sub3A_221 = vector.broadcast %sub3A_220 : i32 to vector<16xi32>
        %sub3A_222 = arith.subi %add3A_219, %sub3A_221 : vector<16xi32>
        %ge3A_223 = arith.constant 0 : i32
        %ge3A_224 = vector.broadcast %ge3A_223 : i32 to vector<16xi32>
        %ge3A_225 = arith.cmpi sge, %sub3A_212, %ge3A_224 : vector<16xi32>
        %lt3A_226 = arith.constant 400 : i32
        %lt3A_227 = vector.broadcast %lt3A_226 : i32 to vector<16xi32>
        %lt3A_228 = arith.cmpi slt, %sub3A_212, %lt3A_227 : vector<16xi32>
        %and3A_229 = arith.andi %ge3A_225, %lt3A_228 : vector<16xi1>
        %ge3A_230 = arith.constant 0 : i32
        %ge3A_231 = vector.broadcast %ge3A_230 : i32 to vector<16xi32>
        %ge3A_232 = arith.cmpi sge, %sub3A_222, %ge3A_231 : vector<16xi32>
        %and3A_233 = arith.andi %ge3A_11, %ge3A_232 : vector<16xi1>
        %lt3A_234 = arith.constant 400 : i32
        %lt3A_235 = vector.broadcast %lt3A_234 : i32 to vector<16xi32>
        %lt3A_236 = arith.cmpi slt, %sub3A_222, %lt3A_235 : vector<16xi32>
        %and3A_237 = arith.andi %and3A_233, %lt3A_236 : vector<16xi1>
        %broadcast_in_dim3A_238 = arith.constant 2 : i32
        %broadcast_in_dim3A_239 = vector.broadcast %broadcast_in_dim3A_238 : i32 to vector<16xi32>
        tpu.vector_store_idx %arg8[%broadcast_in_dim3A_239, %sub3A_212], %broadcast_in_dim3A_9 masked %and3A_229 : memref<8x400xf32, #tpu.memory_space<vmem>>[vector<16xi32>, vector<16xi32>], vector<16xf32>, vector<16xi1>
        tpu.vector_store_idx %arg8[%broadcast_in_dim3A_239, %sub3A_222], %broadcast_in_dim3A_9 masked %and3A_237 : memref<8x400xf32, #tpu.memory_space<vmem>>[vector<16xi32>, vector<16xi32>], vector<16xf32>, vector<16xi1>
        %mul3A_240 = arith.constant 8 : i32
        %mul3A_241 = arith.muli %add3A_82, %mul3A_240 : i32
        %add3A_242 = arith.constant 3 : i32
        %add3A_243 = arith.addi %mul3A_241, %add3A_242 : i32
        %mul3A_244 = arith.constant 26 : i32
        %mul3A_245 = arith.muli %add3A_243, %mul3A_244 : i32
        %get3A_246 = arith.index_cast %mul3A_245 : i32 to index
        %get3A_247 = tpu.vector_load %arg9[%get3A_246] {strides = array<i32>} : memref<3120xf32, #tpu.memory_space<vmem>>, vector<16xf32>,
        %convert_element_type3A_248 = arith.fptosi %get3A_247 : vector<16xf32> to vector<16xi32>
        %mul3A_249 = arith.constant 26 : i32
        %mul3A_250 = arith.muli %add3A_243, %mul3A_249 : i32
        %add3A_251 = arith.constant 10 : i32
        %add3A_252 = arith.addi %mul3A_250, %add3A_251 : i32
        %get3A_253 = arith.index_cast %add3A_252 : i32 to index
        %get3A_254 = tpu.vector_load %arg9[%get3A_253] {strides = array<i32>} : memref<3120xf32, #tpu.memory_space<vmem>>, vector<16xf32>,
        %convert_element_type3A_255 = arith.fptosi %get3A_254 : vector<16xf32> to vector<16xi32>
        %mul3A_256 = arith.constant 1000 : i32
        %mul3A_257 = vector.broadcast %mul3A_256 : i32 to vector<16xi32>
        %mul3A_258 = arith.muli %iota3A, %mul3A_257 : vector<16xi32>
        %add3A_259 = arith.addi %mul3A_258, %convert_element_type3A_248 : vector<16xi32>
        %sub3A_260 = arith.constant 25600 : i32
        %sub3A_261 = vector.broadcast %sub3A_260 : i32 to vector<16xi32>
        %sub3A_262 = arith.subi %add3A_259, %sub3A_261 : vector<16xi32>
        %add3A_263 = arith.constant 10 : i32
        %add3A_264 = vector.broadcast %add3A_263 : i32 to vector<16xi32>
        %add3A_265 = arith.addi %iota3A, %add3A_264 : vector<16xi32>
        %mul3A_266 = arith.constant 1000 : i32
        %mul3A_267 = vector.broadcast %mul3A_266 : i32 to vector<16xi32>
        %mul3A_268 = arith.muli %add3A_265, %mul3A_267 : vector<16xi32>
        %add3A_269 = arith.addi %mul3A_268, %convert_element_type3A_255 : vector<16xi32>
        %sub3A_270 = arith.constant 25600 : i32
        %sub3A_271 = vector.broadcast %sub3A_270 : i32 to vector<16xi32>
        %sub3A_272 = arith.subi %add3A_269, %sub3A_271 : vector<16xi32>
        %ge3A_273 = arith.constant 0 : i32
        %ge3A_274 = vector.broadcast %ge3A_273 : i32 to vector<16xi32>
        %ge3A_275 = arith.cmpi sge, %sub3A_262, %ge3A_274 : vector<16xi32>
        %lt3A_276 = arith.constant 400 : i32
        %lt3A_277 = vector.broadcast %lt3A_276 : i32 to vector<16xi32>
        %lt3A_278 = arith.cmpi slt, %sub3A_262, %lt3A_277 : vector<16xi32>
        %and3A_279 = arith.andi %ge3A_275, %lt3A_278 : vector<16xi1>
        %ge3A_280 = arith.constant 0 : i32
        %ge3A_281 = vector.broadcast %ge3A_280 : i32 to vector<16xi32>
        %ge3A_282 = arith.cmpi sge, %sub3A_272, %ge3A_281 : vector<16xi32>
        %and3A_283 = arith.andi %ge3A_11, %ge3A_282 : vector<16xi1>
        %lt3A_284 = arith.constant 400 : i32
        %lt3A_285 = vector.broadcast %lt3A_284 : i32 to vector<16xi32>
        %lt3A_286 = arith.cmpi slt, %sub3A_272, %lt3A_285 : vector<16xi32>
        %and3A_287 = arith.andi %and3A_283, %lt3A_286 : vector<16xi1>
        %broadcast_in_dim3A_288 = arith.constant 3 : i32
        %broadcast_in_dim3A_289 = vector.broadcast %broadcast_in_dim3A_288 : i32 to vector<16xi32>
        tpu.vector_store_idx %arg8[%broadcast_in_dim3A_289, %sub3A_262], %broadcast_in_dim3A_9 masked %and3A_279 : memref<8x400xf32, #tpu.memory_space<vmem>>[vector<16xi32>, vector<16xi32>], vector<16xf32>, vector<16xi1>
        tpu.vector_store_idx %arg8[%broadcast_in_dim3A_289, %sub3A_272], %broadcast_in_dim3A_9 masked %and3A_287 : memref<8x400xf32, #tpu.memory_space<vmem>>[vector<16xi32>, vector<16xi32>], vector<16xf32>, vector<16xi1>
        %mul3A_290 = arith.constant 8 : i32
        %mul3A_291 = arith.muli %add3A_82, %mul3A_290 : i32
        %add3A_292 = arith.constant 4 : i32
        %add3A_293 = arith.addi %mul3A_291, %add3A_292 : i32
        %mul3A_294 = arith.constant 26 : i32
        %mul3A_295 = arith.muli %add3A_293, %mul3A_294 : i32
        %get3A_296 = arith.index_cast %mul3A_295 : i32 to index
        %get3A_297 = tpu.vector_load %arg9[%get3A_296] {strides = array<i32>} : memref<3120xf32, #tpu.memory_space<vmem>>, vector<16xf32>,
        %convert_element_type3A_298 = arith.fptosi %get3A_297 : vector<16xf32> to vector<16xi32>
        %mul3A_299 = arith.constant 26 : i32
        %mul3A_300 = arith.muli %add3A_293, %mul3A_299 : i32
        %add3A_301 = arith.constant 10 : i32
        %add3A_302 = arith.addi %mul3A_300, %add3A_301 : i32
        %get3A_303 = arith.index_cast %add3A_302 : i32 to index
        %get3A_304 = tpu.vector_load %arg9[%get3A_303] {strides = array<i32>} : memref<3120xf32, #tpu.memory_space<vmem>>, vector<16xf32>,
        %convert_element_type3A_305 = arith.fptosi %get3A_304 : vector<16xf32> to vector<16xi32>
        %mul3A_306 = arith.constant 1000 : i32
        %mul3A_307 = vector.broadcast %mul3A_306 : i32 to vector<16xi32>
        %mul3A_308 = arith.muli %iota3A, %mul3A_307 : vector<16xi32>
        %add3A_309 = arith.addi %mul3A_308, %convert_element_type3A_298 : vector<16xi32>
        %sub3A_310 = arith.constant 25600 : i32
        %sub3A_311 = vector.broadcast %sub3A_310 : i32 to vector<16xi32>
        %sub3A_312 = arith.subi %add3A_309, %sub3A_311 : vector<16xi32>
        %add3A_313 = arith.constant 10 : i32
        %add3A_314 = vector.broadcast %add3A_313 : i32 to vector<16xi32>
        %add3A_315 = arith.addi %iota3A, %add3A_314 : vector<16xi32>
        %mul3A_316 = arith.constant 1000 : i32
        %mul3A_317 = vector.broadcast %mul3A_316 : i32 to vector<16xi32>
        %mul3A_318 = arith.muli %add3A_315, %mul3A_317 : vector<16xi32>
        %add3A_319 = arith.addi %mul3A_318, %convert_element_type3A_305 : vector<16xi32>
        %sub3A_320 = arith.constant 25600 : i32
        %sub3A_321 = vector.broadcast %sub3A_320 : i32 to vector<16xi32>
        %sub3A_322 = arith.subi %add3A_319, %sub3A_321 : vector<16xi32>
        %ge3A_323 = arith.constant 0 : i32
        %ge3A_324 = vector.broadcast %ge3A_323 : i32 to vector<16xi32>
        %ge3A_325 = arith.cmpi sge, %sub3A_312, %ge3A_324 : vector<16xi32>
        %lt3A_326 = arith.constant 400 : i32
        %lt3A_327 = vector.broadcast %lt3A_326 : i32 to vector<16xi32>
        %lt3A_328 = arith.cmpi slt, %sub3A_312, %lt3A_327 : vector<16xi32>
        %and3A_329 = arith.andi %ge3A_325, %lt3A_328 : vector<16xi1>
        %ge3A_330 = arith.constant 0 : i32
        %ge3A_331 = vector.broadcast %ge3A_330 : i32 to vector<16xi32>
        %ge3A_332 = arith.cmpi sge, %sub3A_322, %ge3A_331 : vector<16xi32>
        %and3A_333 = arith.andi %ge3A_11, %ge3A_332 : vector<16xi1>
        %lt3A_334 = arith.constant 400 : i32
        %lt3A_335 = vector.broadcast %lt3A_334 : i32 to vector<16xi32>
        %lt3A_336 = arith.cmpi slt, %sub3A_322, %lt3A_335 : vector<16xi32>
        %and3A_337 = arith.andi %and3A_333, %lt3A_336 : vector<16xi1>
        %broadcast_in_dim3A_338 = arith.constant 4 : i32
        %broadcast_in_dim3A_339 = vector.broadcast %broadcast_in_dim3A_338 : i32 to vector<16xi32>
        tpu.vector_store_idx %arg8[%broadcast_in_dim3A_339, %sub3A_312], %broadcast_in_dim3A_9 masked %and3A_329 : memref<8x400xf32, #tpu.memory_space<vmem>>[vector<16xi32>, vector<16xi32>], vector<16xf32>, vector<16xi1>
        tpu.vector_store_idx %arg8[%broadcast_in_dim3A_339, %sub3A_322], %broadcast_in_dim3A_9 masked %and3A_337 : memref<8x400xf32, #tpu.memory_space<vmem>>[vector<16xi32>, vector<16xi32>], vector<16xf32>, vector<16xi1>
        %mul3A_340 = arith.constant 8 : i32
        %mul3A_341 = arith.muli %add3A_82, %mul3A_340 : i32
        %add3A_342 = arith.constant 5 : i32
        %add3A_343 = arith.addi %mul3A_341, %add3A_342 : i32
        %mul3A_344 = arith.constant 26 : i32
        %mul3A_345 = arith.muli %add3A_343, %mul3A_344 : i32
        %get3A_346 = arith.index_cast %mul3A_345 : i32 to index
        %get3A_347 = tpu.vector_load %arg9[%get3A_346] {strides = array<i32>} : memref<3120xf32, #tpu.memory_space<vmem>>, vector<16xf32>,
        %convert_element_type3A_348 = arith.fptosi %get3A_347 : vector<16xf32> to vector<16xi32>
        %mul3A_349 = arith.constant 26 : i32
        %mul3A_350 = arith.muli %add3A_343, %mul3A_349 : i32
        %add3A_351 = arith.constant 10 : i32
        %add3A_352 = arith.addi %mul3A_350, %add3A_351 : i32
        %get3A_353 = arith.index_cast %add3A_352 : i32 to index
        %get3A_354 = tpu.vector_load %arg9[%get3A_353] {strides = array<i32>} : memref<3120xf32, #tpu.memory_space<vmem>>, vector<16xf32>,
        %convert_element_type3A_355 = arith.fptosi %get3A_354 : vector<16xf32> to vector<16xi32>
        %mul3A_356 = arith.constant 1000 : i32
        %mul3A_357 = vector.broadcast %mul3A_356 : i32 to vector<16xi32>
        %mul3A_358 = arith.muli %iota3A, %mul3A_357 : vector<16xi32>
        %add3A_359 = arith.addi %mul3A_358, %convert_element_type3A_348 : vector<16xi32>
        %sub3A_360 = arith.constant 25600 : i32
        %sub3A_361 = vector.broadcast %sub3A_360 : i32 to vector<16xi32>
        %sub3A_362 = arith.subi %add3A_359, %sub3A_361 : vector<16xi32>
        %add3A_363 = arith.constant 10 : i32
        %add3A_364 = vector.broadcast %add3A_363 : i32 to vector<16xi32>
        %add3A_365 = arith.addi %iota3A, %add3A_364 : vector<16xi32>
        %mul3A_366 = arith.constant 1000 : i32
        %mul3A_367 = vector.broadcast %mul3A_366 : i32 to vector<16xi32>
        %mul3A_368 = arith.muli %add3A_365, %mul3A_367 : vector<16xi32>
        %add3A_369 = arith.addi %mul3A_368, %convert_element_type3A_355 : vector<16xi32>
        %sub3A_370 = arith.constant 25600 : i32
        %sub3A_371 = vector.broadcast %sub3A_370 : i32 to vector<16xi32>
        %sub3A_372 = arith.subi %add3A_369, %sub3A_371 : vector<16xi32>
        %ge3A_373 = arith.constant 0 : i32
        %ge3A_374 = vector.broadcast %ge3A_373 : i32 to vector<16xi32>
        %ge3A_375 = arith.cmpi sge, %sub3A_362, %ge3A_374 : vector<16xi32>
        %lt3A_376 = arith.constant 400 : i32
        %lt3A_377 = vector.broadcast %lt3A_376 : i32 to vector<16xi32>
        %lt3A_378 = arith.cmpi slt, %sub3A_362, %lt3A_377 : vector<16xi32>
        %and3A_379 = arith.andi %ge3A_375, %lt3A_378 : vector<16xi1>
        %ge3A_380 = arith.constant 0 : i32
        %ge3A_381 = vector.broadcast %ge3A_380 : i32 to vector<16xi32>
        %ge3A_382 = arith.cmpi sge, %sub3A_372, %ge3A_381 : vector<16xi32>
        %and3A_383 = arith.andi %ge3A_11, %ge3A_382 : vector<16xi1>
        %lt3A_384 = arith.constant 400 : i32
        %lt3A_385 = vector.broadcast %lt3A_384 : i32 to vector<16xi32>
        %lt3A_386 = arith.cmpi slt, %sub3A_372, %lt3A_385 : vector<16xi32>
        %and3A_387 = arith.andi %and3A_383, %lt3A_386 : vector<16xi1>
        %broadcast_in_dim3A_388 = arith.constant 5 : i32
        %broadcast_in_dim3A_389 = vector.broadcast %broadcast_in_dim3A_388 : i32 to vector<16xi32>
        tpu.vector_store_idx %arg8[%broadcast_in_dim3A_389, %sub3A_362], %broadcast_in_dim3A_9 masked %and3A_379 : memref<8x400xf32, #tpu.memory_space<vmem>>[vector<16xi32>, vector<16xi32>], vector<16xf32>, vector<16xi1>
        tpu.vector_store_idx %arg8[%broadcast_in_dim3A_389, %sub3A_372], %broadcast_in_dim3A_9 masked %and3A_387 : memref<8x400xf32, #tpu.memory_space<vmem>>[vector<16xi32>, vector<16xi32>], vector<16xf32>, vector<16xi1>
        %mul3A_390 = arith.constant 8 : i32
        %mul3A_391 = arith.muli %add3A_82, %mul3A_390 : i32
        %add3A_392 = arith.constant 6 : i32
        %add3A_393 = arith.addi %mul3A_391, %add3A_392 : i32
        %mul3A_394 = arith.constant 26 : i32
        %mul3A_395 = arith.muli %add3A_393, %mul3A_394 : i32
        %get3A_396 = arith.index_cast %mul3A_395 : i32 to index
        %get3A_397 = tpu.vector_load %arg9[%get3A_396] {strides = array<i32>} : memref<3120xf32, #tpu.memory_space<vmem>>, vector<16xf32>,
        %convert_element_type3A_398 = arith.fptosi %get3A_397 : vector<16xf32> to vector<16xi32>
        %mul3A_399 = arith.constant 26 : i32
        %mul3A_400 = arith.muli %add3A_393, %mul3A_399 : i32
        %add3A_401 = arith.constant 10 : i32
        %add3A_402 = arith.addi %mul3A_400, %add3A_401 : i32
        %get3A_403 = arith.index_cast %add3A_402 : i32 to index
        %get3A_404 = tpu.vector_load %arg9[%get3A_403] {strides = array<i32>} : memref<3120xf32, #tpu.memory_space<vmem>>, vector<16xf32>,
        %convert_element_type3A_405 = arith.fptosi %get3A_404 : vector<16xf32> to vector<16xi32>
        %mul3A_406 = arith.constant 1000 : i32
        %mul3A_407 = vector.broadcast %mul3A_406 : i32 to vector<16xi32>
        %mul3A_408 = arith.muli %iota3A, %mul3A_407 : vector<16xi32>
        %add3A_409 = arith.addi %mul3A_408, %convert_element_type3A_398 : vector<16xi32>
        %sub3A_410 = arith.constant 25600 : i32
        %sub3A_411 = vector.broadcast %sub3A_410 : i32 to vector<16xi32>
        %sub3A_412 = arith.subi %add3A_409, %sub3A_411 : vector<16xi32>
        %add3A_413 = arith.constant 10 : i32
        %add3A_414 = vector.broadcast %add3A_413 : i32 to vector<16xi32>
        %add3A_415 = arith.addi %iota3A, %add3A_414 : vector<16xi32>
        %mul3A_416 = arith.constant 1000 : i32
        %mul3A_417 = vector.broadcast %mul3A_416 : i32 to vector<16xi32>
        %mul3A_418 = arith.muli %add3A_415, %mul3A_417 : vector<16xi32>
        %add3A_419 = arith.addi %mul3A_418, %convert_element_type3A_405 : vector<16xi32>
        %sub3A_420 = arith.constant 25600 : i32
        %sub3A_421 = vector.broadcast %sub3A_420 : i32 to vector<16xi32>
        %sub3A_422 = arith.subi %add3A_419, %sub3A_421 : vector<16xi32>
        %ge3A_423 = arith.constant 0 : i32
        %ge3A_424 = vector.broadcast %ge3A_423 : i32 to vector<16xi32>
        %ge3A_425 = arith.cmpi sge, %sub3A_412, %ge3A_424 : vector<16xi32>
        %lt3A_426 = arith.constant 400 : i32
        %lt3A_427 = vector.broadcast %lt3A_426 : i32 to vector<16xi32>
        %lt3A_428 = arith.cmpi slt, %sub3A_412, %lt3A_427 : vector<16xi32>
        %and3A_429 = arith.andi %ge3A_425, %lt3A_428 : vector<16xi1>
        %ge3A_430 = arith.constant 0 : i32
        %ge3A_431 = vector.broadcast %ge3A_430 : i32 to vector<16xi32>
        %ge3A_432 = arith.cmpi sge, %sub3A_422, %ge3A_431 : vector<16xi32>
        %and3A_433 = arith.andi %ge3A_11, %ge3A_432 : vector<16xi1>
        %lt3A_434 = arith.constant 400 : i32
        %lt3A_435 = vector.broadcast %lt3A_434 : i32 to vector<16xi32>
        %lt3A_436 = arith.cmpi slt, %sub3A_422, %lt3A_435 : vector<16xi32>
        %and3A_437 = arith.andi %and3A_433, %lt3A_436 : vector<16xi1>
        %broadcast_in_dim3A_438 = arith.constant 6 : i32
        %broadcast_in_dim3A_439 = vector.broadcast %broadcast_in_dim3A_438 : i32 to vector<16xi32>
        tpu.vector_store_idx %arg8[%broadcast_in_dim3A_439, %sub3A_412], %broadcast_in_dim3A_9 masked %and3A_429 : memref<8x400xf32, #tpu.memory_space<vmem>>[vector<16xi32>, vector<16xi32>], vector<16xf32>, vector<16xi1>
        tpu.vector_store_idx %arg8[%broadcast_in_dim3A_439, %sub3A_422], %broadcast_in_dim3A_9 masked %and3A_437 : memref<8x400xf32, #tpu.memory_space<vmem>>[vector<16xi32>, vector<16xi32>], vector<16xf32>, vector<16xi1>
        %mul3A_440 = arith.constant 8 : i32
        %mul3A_441 = arith.muli %add3A_82, %mul3A_440 : i32
        %add3A_442 = arith.constant 7 : i32
        %add3A_443 = arith.addi %mul3A_441, %add3A_442 : i32
        %mul3A_444 = arith.constant 26 : i32
        %mul3A_445 = arith.muli %add3A_443, %mul3A_444 : i32
        %get3A_446 = arith.index_cast %mul3A_445 : i32 to index
        %get3A_447 = tpu.vector_load %arg9[%get3A_446] {strides = array<i32>} : memref<3120xf32, #tpu.memory_space<vmem>>, vector<16xf32>,
        %convert_element_type3A_448 = arith.fptosi %get3A_447 : vector<16xf32> to vector<16xi32>
        %mul3A_449 = arith.constant 26 : i32
        %mul3A_450 = arith.muli %add3A_443, %mul3A_449 : i32
        %add3A_451 = arith.constant 10 : i32
        %add3A_452 = arith.addi %mul3A_450, %add3A_451 : i32
        %get3A_453 = arith.index_cast %add3A_452 : i32 to index
        %get3A_454 = tpu.vector_load %arg9[%get3A_453] {strides = array<i32>} : memref<3120xf32, #tpu.memory_space<vmem>>, vector<16xf32>,
        %convert_element_type3A_455 = arith.fptosi %get3A_454 : vector<16xf32> to vector<16xi32>
        %mul3A_456 = arith.constant 1000 : i32
        %mul3A_457 = vector.broadcast %mul3A_456 : i32 to vector<16xi32>
        %mul3A_458 = arith.muli %iota3A, %mul3A_457 : vector<16xi32>
        %add3A_459 = arith.addi %mul3A_458, %convert_element_type3A_448 : vector<16xi32>
        %sub3A_460 = arith.constant 25600 : i32
        %sub3A_461 = vector.broadcast %sub3A_460 : i32 to vector<16xi32>
        %sub3A_462 = arith.subi %add3A_459, %sub3A_461 : vector<16xi32>
        %add3A_463 = arith.constant 10 : i32
        %add3A_464 = vector.broadcast %add3A_463 : i32 to vector<16xi32>
        %add3A_465 = arith.addi %iota3A, %add3A_464 : vector<16xi32>
        %mul3A_466 = arith.constant 1000 : i32
        %mul3A_467 = vector.broadcast %mul3A_466 : i32 to vector<16xi32>
        %mul3A_468 = arith.muli %add3A_465, %mul3A_467 : vector<16xi32>
        %add3A_469 = arith.addi %mul3A_468, %convert_element_type3A_455 : vector<16xi32>
        %sub3A_470 = arith.constant 25600 : i32
        %sub3A_471 = vector.broadcast %sub3A_470 : i32 to vector<16xi32>
        %sub3A_472 = arith.subi %add3A_469, %sub3A_471 : vector<16xi32>
        %ge3A_473 = arith.constant 0 : i32
        %ge3A_474 = vector.broadcast %ge3A_473 : i32 to vector<16xi32>
        %ge3A_475 = arith.cmpi sge, %sub3A_462, %ge3A_474 : vector<16xi32>
        %lt3A_476 = arith.constant 400 : i32
        %lt3A_477 = vector.broadcast %lt3A_476 : i32 to vector<16xi32>
        %lt3A_478 = arith.cmpi slt, %sub3A_462, %lt3A_477 : vector<16xi32>
        %and3A_479 = arith.andi %ge3A_475, %lt3A_478 : vector<16xi1>
        %ge3A_480 = arith.constant 0 : i32
        %ge3A_481 = vector.broadcast %ge3A_480 : i32 to vector<16xi32>
        %ge3A_482 = arith.cmpi sge, %sub3A_472, %ge3A_481 : vector<16xi32>
        %and3A_483 = arith.andi %ge3A_11, %ge3A_482 : vector<16xi1>
        %lt3A_484 = arith.constant 400 : i32
        %lt3A_485 = vector.broadcast %lt3A_484 : i32 to vector<16xi32>
        %lt3A_486 = arith.cmpi slt, %sub3A_472, %lt3A_485 : vector<16xi32>
        %and3A_487 = arith.andi %and3A_483, %lt3A_486 : vector<16xi1>
        %broadcast_in_dim3A_488 = arith.constant 7 : i32
        %broadcast_in_dim3A_489 = vector.broadcast %broadcast_in_dim3A_488 : i32 to vector<16xi32>
        tpu.vector_store_idx %arg8[%broadcast_in_dim3A_489, %sub3A_462], %broadcast_in_dim3A_9 masked %and3A_479 : memref<8x400xf32, #tpu.memory_space<vmem>>[vector<16xi32>, vector<16xi32>], vector<16xf32>, vector<16xi1>
        tpu.vector_store_idx %arg8[%broadcast_in_dim3A_489, %sub3A_472], %broadcast_in_dim3A_9 masked %and3A_487 : memref<8x400xf32, #tpu.memory_space<vmem>>[vector<16xi32>, vector<16xi32>], vector<16xf32>, vector<16xi1>
        %mul3A_490 = arith.constant 8 : i32
        %mul3A_491 = arith.muli %add3A_82, %mul3A_490 : i32
        %add3A_492 = arith.addi %add3A_38, %mul3A_491 : i32
        %dma_start3A = arith.constant 25600 : i32
        %dma_start3A_493 = tpu.memref_slice %arg3[%add3A_492, %dma_start3A] : memref<4096x26000xf32, #tpu.memory_space<hbm>> -> memref<8x400xf32, #tpu.memory_space<hbm>>
        %dma_start3A_494 = arith.constant 25600 : i32
        %dma_start3A_495 = tpu.memref_slice %arg3[%add3A_492, %dma_start3A_494] : memref<4096x26000xf32, #tpu.memory_space<hbm>> -> memref<8x400xf32, #tpu.memory_space<hbm>>
        tpu.enqueue_dma source(%arg8 : memref<8x400xf32, #tpu.memory_space<vmem>>) target(%dma_start3A_495 : memref<8x400xf32, #tpu.memory_space<hbm>>) target_semaphore(%arg13 : memref<!tpu.dma_semaphore, #tpu.memory_space<semaphore_mem>>)
      } else {
      }
    }
    %scan3A_50 = arith.constant 8 : i32
    %add3A_51 = arith.constant 112 : i32
    %add3A_52 = arith.addi %add3A_38, %add3A_51 : i32
    %dma_wait3A = arith.constant 12800 : i32
    %dma_wait3A_53 = tpu.memref_slice %arg3[%add3A_52, %dma_wait3A] : memref<4096x26000xf32, #tpu.memory_space<hbm>> -> memref<8x6400xf32, #tpu.memory_space<hbm>>
    %dma_wait3A_54 = arith.constant 12800 : i32
    %dma_wait3A_55 = tpu.memref_slice %arg3[%add3A_52, %dma_wait3A_54] : memref<4096x26000xf32, #tpu.memory_space<hbm>> -> memref<8x6400xf32, #tpu.memory_space<hbm>>
    tpu.wait_dma2 semaphore(%arg10 : memref<!tpu.dma_semaphore, #tpu.memory_space<semaphore_mem>>) src(%arg5 : memref<8x6400xf32, #tpu.memory_space<vmem>>) dst(%dma_wait3A_55 : memref<8x6400xf32, #tpu.memory_space<hbm>>)
    %add3A_56 = arith.constant 112 : i32
    %add3A_57 = arith.addi %add3A_38, %add3A_56 : i32
    %dma_wait3A_58 = arith.constant 19200 : i32
    %dma_wait3A_59 = tpu.memref_slice %arg3[%add3A_57, %dma_wait3A_58] : memref<4096x26000xf32, #tpu.memory_space<hbm>> -> memref<8x6400xf32, #tpu.memory_space<hbm>>
    %dma_wait3A_60 = arith.constant 19200 : i32
    %dma_wait3A_61 = tpu.memref_slice %arg3[%add3A_57, %dma_wait3A_60] : memref<4096x26000xf32, #tpu.memory_space<hbm>> -> memref<8x6400xf32, #tpu.memory_space<hbm>>
    tpu.wait_dma2 semaphore(%arg11 : memref<!tpu.dma_semaphore, #tpu.memory_space<semaphore_mem>>) src(%arg6 : memref<8x6400xf32, #tpu.memory_space<vmem>>) dst(%dma_wait3A_61 : memref<8x6400xf32, #tpu.memory_space<hbm>>)
    %add3A_62 = arith.constant 112 : i32
    %add3A_63 = arith.addi %add3A_38, %add3A_62 : i32
    %dma_wait3A_64 = arith.constant 25600 : i32
    %dma_wait3A_65 = tpu.memref_slice %arg3[%add3A_63, %dma_wait3A_64] : memref<4096x26000xf32, #tpu.memory_space<hbm>> -> memref<8x400xf32, #tpu.memory_space<hbm>>
    %dma_wait3A_66 = arith.constant 25600 : i32
    %dma_wait3A_67 = tpu.memref_slice %arg3[%add3A_63, %dma_wait3A_66] : memref<4096x26000xf32, #tpu.memory_space<hbm>> -> memref<8x400xf32, #tpu.memory_space<hbm>>
    tpu.wait_dma2 semaphore(%arg12 : memref<!tpu.dma_semaphore, #tpu.memory_space<semaphore_mem>>) src(%arg7 : memref<8x400xf32, #tpu.memory_space<vmem>>) dst(%dma_wait3A_67 : memref<8x400xf32, #tpu.memory_space<hbm>>)
    return
  }
}

module attributes {stable_mosaic.version = 14 : i64} {
  func.func @_tc_body(%arg0: i32, %arg1: memref<128x26xf32, #tpu.memory_space<vmem>>, %arg2: memref<128x26000xf32, #tpu.memory_space<vmem>>) attributes {dimension_semantics = [#tpu.dimension_semantics<arbitrary>], iteration_bounds = array<i64: 2>, scalar_prefetch = 0 : i64, scratch_operands = 0 : i64, tpu.core_type = #tpu.core_type<tc>, window_params = [{transform_indices = @transform_0, window_bounds = array<i64: 128, 26>}, {transform_indices = @transform_1, window_bounds = array<i64: 128, 26000>}]} {
    %get3A = arith.constant 0 : index
    %get3A_0 = arith.constant 0 : index
    %get3A_1 = vector.load %arg1[%get3A, %get3A_0] : memref<128x26xf32, #tpu.memory_space<vmem>>, vector<128x26xf32>
    %iota3A = tpu.iota {dimensions = array<i32: 1>} : vector<128x1000xi32>
    %convert_element_type3A = arith.sitofp %iota3A : vector<128x1000xi32> to vector<128x1000xf32>
    %slice3A = vector.extract_strided_slice %get3A_1 {offsets = [0, 0], sizes = [128, 1], strides = [1, 1]} : vector<128x26xf32> to vector<128x1xf32>
    %eq3A = vector.broadcast %slice3A : vector<128x1xf32> to vector<128x1000xf32>
    %eq3A_2 = arith.cmpf oeq, %convert_element_type3A, %eq3A : vector<128x1000xf32>
    %convert_element_type3A_3 = arith.extui %eq3A_2 : vector<128x1000xi1> to vector<128x1000xi32>
    %convert_element_type3A_4 = arith.sitofp %convert_element_type3A_3 : vector<128x1000xi32> to vector<128x1000xf32>
    %swap3A = arith.constant 0 : index
    %swap3A_5 = arith.constant 0 : index
    %swap3A_6 = vector.load %arg2[%swap3A, %swap3A_5] : memref<128x26000xf32, #tpu.memory_space<vmem>>, vector<128x1000xf32>
    tpu.vector_store %arg2[%swap3A, %swap3A_5], %convert_element_type3A_4 {strides = array<i32>} : memref<128x26000xf32, #tpu.memory_space<vmem>>, vector<128x1000xf32>,
    %slice3A_7 = vector.extract_strided_slice %get3A_1 {offsets = [0, 1], sizes = [128, 1], strides = [1, 1]} : vector<128x26xf32> to vector<128x1xf32>
    %eq3A_8 = vector.broadcast %slice3A_7 : vector<128x1xf32> to vector<128x1000xf32>
    %eq3A_9 = arith.cmpf oeq, %convert_element_type3A, %eq3A_8 : vector<128x1000xf32>
    %convert_element_type3A_10 = arith.extui %eq3A_9 : vector<128x1000xi1> to vector<128x1000xi32>
    %convert_element_type3A_11 = arith.sitofp %convert_element_type3A_10 : vector<128x1000xi32> to vector<128x1000xf32>
    %swap3A_12 = arith.constant 0 : index
    %swap3A_13 = arith.constant 1000 : index
    %swap3A_14 = vector.load %arg2[%swap3A_12, %swap3A_13] : memref<128x26000xf32, #tpu.memory_space<vmem>>, vector<128x1000xf32>
    tpu.vector_store %arg2[%swap3A_12, %swap3A_13], %convert_element_type3A_11 {strides = array<i32>} : memref<128x26000xf32, #tpu.memory_space<vmem>>, vector<128x1000xf32>,
    %slice3A_15 = vector.extract_strided_slice %get3A_1 {offsets = [0, 2], sizes = [128, 1], strides = [1, 1]} : vector<128x26xf32> to vector<128x1xf32>
    %eq3A_16 = vector.broadcast %slice3A_15 : vector<128x1xf32> to vector<128x1000xf32>
    %eq3A_17 = arith.cmpf oeq, %convert_element_type3A, %eq3A_16 : vector<128x1000xf32>
    %convert_element_type3A_18 = arith.extui %eq3A_17 : vector<128x1000xi1> to vector<128x1000xi32>
    %convert_element_type3A_19 = arith.sitofp %convert_element_type3A_18 : vector<128x1000xi32> to vector<128x1000xf32>
    %swap3A_20 = arith.constant 0 : index
    %swap3A_21 = arith.constant 2000 : index
    %swap3A_22 = vector.load %arg2[%swap3A_20, %swap3A_21] : memref<128x26000xf32, #tpu.memory_space<vmem>>, vector<128x1000xf32>
    tpu.vector_store %arg2[%swap3A_20, %swap3A_21], %convert_element_type3A_19 {strides = array<i32>} : memref<128x26000xf32, #tpu.memory_space<vmem>>, vector<128x1000xf32>,
    %slice3A_23 = vector.extract_strided_slice %get3A_1 {offsets = [0, 3], sizes = [128, 1], strides = [1, 1]} : vector<128x26xf32> to vector<128x1xf32>
    %eq3A_24 = vector.broadcast %slice3A_23 : vector<128x1xf32> to vector<128x1000xf32>
    %eq3A_25 = arith.cmpf oeq, %convert_element_type3A, %eq3A_24 : vector<128x1000xf32>
    %convert_element_type3A_26 = arith.extui %eq3A_25 : vector<128x1000xi1> to vector<128x1000xi32>
    %convert_element_type3A_27 = arith.sitofp %convert_element_type3A_26 : vector<128x1000xi32> to vector<128x1000xf32>
    %swap3A_28 = arith.constant 0 : index
    %swap3A_29 = arith.constant 3000 : index
    %swap3A_30 = vector.load %arg2[%swap3A_28, %swap3A_29] : memref<128x26000xf32, #tpu.memory_space<vmem>>, vector<128x1000xf32>
    tpu.vector_store %arg2[%swap3A_28, %swap3A_29], %convert_element_type3A_27 {strides = array<i32>} : memref<128x26000xf32, #tpu.memory_space<vmem>>, vector<128x1000xf32>,
    %slice3A_31 = vector.extract_strided_slice %get3A_1 {offsets = [0, 4], sizes = [128, 1], strides = [1, 1]} : vector<128x26xf32> to vector<128x1xf32>
    %eq3A_32 = vector.broadcast %slice3A_31 : vector<128x1xf32> to vector<128x1000xf32>
    %eq3A_33 = arith.cmpf oeq, %convert_element_type3A, %eq3A_32 : vector<128x1000xf32>
    %convert_element_type3A_34 = arith.extui %eq3A_33 : vector<128x1000xi1> to vector<128x1000xi32>
    %convert_element_type3A_35 = arith.sitofp %convert_element_type3A_34 : vector<128x1000xi32> to vector<128x1000xf32>
    %swap3A_36 = arith.constant 0 : index
    %swap3A_37 = arith.constant 4000 : index
    %swap3A_38 = vector.load %arg2[%swap3A_36, %swap3A_37] : memref<128x26000xf32, #tpu.memory_space<vmem>>, vector<128x1000xf32>
    tpu.vector_store %arg2[%swap3A_36, %swap3A_37], %convert_element_type3A_35 {strides = array<i32>} : memref<128x26000xf32, #tpu.memory_space<vmem>>, vector<128x1000xf32>,
    %slice3A_39 = vector.extract_strided_slice %get3A_1 {offsets = [0, 5], sizes = [128, 1], strides = [1, 1]} : vector<128x26xf32> to vector<128x1xf32>
    %eq3A_40 = vector.broadcast %slice3A_39 : vector<128x1xf32> to vector<128x1000xf32>
    %eq3A_41 = arith.cmpf oeq, %convert_element_type3A, %eq3A_40 : vector<128x1000xf32>
    %convert_element_type3A_42 = arith.extui %eq3A_41 : vector<128x1000xi1> to vector<128x1000xi32>
    %convert_element_type3A_43 = arith.sitofp %convert_element_type3A_42 : vector<128x1000xi32> to vector<128x1000xf32>
    %swap3A_44 = arith.constant 0 : index
    %swap3A_45 = arith.constant 5000 : index
    %swap3A_46 = vector.load %arg2[%swap3A_44, %swap3A_45] : memref<128x26000xf32, #tpu.memory_space<vmem>>, vector<128x1000xf32>
    tpu.vector_store %arg2[%swap3A_44, %swap3A_45], %convert_element_type3A_43 {strides = array<i32>} : memref<128x26000xf32, #tpu.memory_space<vmem>>, vector<128x1000xf32>,
    %slice3A_47 = vector.extract_strided_slice %get3A_1 {offsets = [0, 6], sizes = [128, 1], strides = [1, 1]} : vector<128x26xf32> to vector<128x1xf32>
    %eq3A_48 = vector.broadcast %slice3A_47 : vector<128x1xf32> to vector<128x1000xf32>
    %eq3A_49 = arith.cmpf oeq, %convert_element_type3A, %eq3A_48 : vector<128x1000xf32>
    %convert_element_type3A_50 = arith.extui %eq3A_49 : vector<128x1000xi1> to vector<128x1000xi32>
    %convert_element_type3A_51 = arith.sitofp %convert_element_type3A_50 : vector<128x1000xi32> to vector<128x1000xf32>
    %swap3A_52 = arith.constant 0 : index
    %swap3A_53 = arith.constant 6000 : index
    %swap3A_54 = vector.load %arg2[%swap3A_52, %swap3A_53] : memref<128x26000xf32, #tpu.memory_space<vmem>>, vector<128x1000xf32>
    tpu.vector_store %arg2[%swap3A_52, %swap3A_53], %convert_element_type3A_51 {strides = array<i32>} : memref<128x26000xf32, #tpu.memory_space<vmem>>, vector<128x1000xf32>,
    %slice3A_55 = vector.extract_strided_slice %get3A_1 {offsets = [0, 7], sizes = [128, 1], strides = [1, 1]} : vector<128x26xf32> to vector<128x1xf32>
    %eq3A_56 = vector.broadcast %slice3A_55 : vector<128x1xf32> to vector<128x1000xf32>
    %eq3A_57 = arith.cmpf oeq, %convert_element_type3A, %eq3A_56 : vector<128x1000xf32>
    %convert_element_type3A_58 = arith.extui %eq3A_57 : vector<128x1000xi1> to vector<128x1000xi32>
    %convert_element_type3A_59 = arith.sitofp %convert_element_type3A_58 : vector<128x1000xi32> to vector<128x1000xf32>
    %swap3A_60 = arith.constant 0 : index
    %swap3A_61 = arith.constant 7000 : index
    %swap3A_62 = vector.load %arg2[%swap3A_60, %swap3A_61] : memref<128x26000xf32, #tpu.memory_space<vmem>>, vector<128x1000xf32>
    tpu.vector_store %arg2[%swap3A_60, %swap3A_61], %convert_element_type3A_59 {strides = array<i32>} : memref<128x26000xf32, #tpu.memory_space<vmem>>, vector<128x1000xf32>,
    %slice3A_63 = vector.extract_strided_slice %get3A_1 {offsets = [0, 8], sizes = [128, 1], strides = [1, 1]} : vector<128x26xf32> to vector<128x1xf32>
    %eq3A_64 = vector.broadcast %slice3A_63 : vector<128x1xf32> to vector<128x1000xf32>
    %eq3A_65 = arith.cmpf oeq, %convert_element_type3A, %eq3A_64 : vector<128x1000xf32>
    %convert_element_type3A_66 = arith.extui %eq3A_65 : vector<128x1000xi1> to vector<128x1000xi32>
    %convert_element_type3A_67 = arith.sitofp %convert_element_type3A_66 : vector<128x1000xi32> to vector<128x1000xf32>
    %swap3A_68 = arith.constant 0 : index
    %swap3A_69 = arith.constant 8000 : index
    %swap3A_70 = vector.load %arg2[%swap3A_68, %swap3A_69] : memref<128x26000xf32, #tpu.memory_space<vmem>>, vector<128x1000xf32>
    tpu.vector_store %arg2[%swap3A_68, %swap3A_69], %convert_element_type3A_67 {strides = array<i32>} : memref<128x26000xf32, #tpu.memory_space<vmem>>, vector<128x1000xf32>,
    %slice3A_71 = vector.extract_strided_slice %get3A_1 {offsets = [0, 9], sizes = [128, 1], strides = [1, 1]} : vector<128x26xf32> to vector<128x1xf32>
    %eq3A_72 = vector.broadcast %slice3A_71 : vector<128x1xf32> to vector<128x1000xf32>
    %eq3A_73 = arith.cmpf oeq, %convert_element_type3A, %eq3A_72 : vector<128x1000xf32>
    %convert_element_type3A_74 = arith.extui %eq3A_73 : vector<128x1000xi1> to vector<128x1000xi32>
    %convert_element_type3A_75 = arith.sitofp %convert_element_type3A_74 : vector<128x1000xi32> to vector<128x1000xf32>
    %swap3A_76 = arith.constant 0 : index
    %swap3A_77 = arith.constant 9000 : index
    %swap3A_78 = vector.load %arg2[%swap3A_76, %swap3A_77] : memref<128x26000xf32, #tpu.memory_space<vmem>>, vector<128x1000xf32>
    tpu.vector_store %arg2[%swap3A_76, %swap3A_77], %convert_element_type3A_75 {strides = array<i32>} : memref<128x26000xf32, #tpu.memory_space<vmem>>, vector<128x1000xf32>,
    %slice3A_79 = vector.extract_strided_slice %get3A_1 {offsets = [0, 10], sizes = [128, 1], strides = [1, 1]} : vector<128x26xf32> to vector<128x1xf32>
    %eq3A_80 = vector.broadcast %slice3A_79 : vector<128x1xf32> to vector<128x1000xf32>
    %eq3A_81 = arith.cmpf oeq, %convert_element_type3A, %eq3A_80 : vector<128x1000xf32>
    %convert_element_type3A_82 = arith.extui %eq3A_81 : vector<128x1000xi1> to vector<128x1000xi32>
    %convert_element_type3A_83 = arith.sitofp %convert_element_type3A_82 : vector<128x1000xi32> to vector<128x1000xf32>
    %swap3A_84 = arith.constant 0 : index
    %swap3A_85 = arith.constant 10000 : index
    %swap3A_86 = vector.load %arg2[%swap3A_84, %swap3A_85] : memref<128x26000xf32, #tpu.memory_space<vmem>>, vector<128x1000xf32>
    tpu.vector_store %arg2[%swap3A_84, %swap3A_85], %convert_element_type3A_83 {strides = array<i32>} : memref<128x26000xf32, #tpu.memory_space<vmem>>, vector<128x1000xf32>,
    %slice3A_87 = vector.extract_strided_slice %get3A_1 {offsets = [0, 11], sizes = [128, 1], strides = [1, 1]} : vector<128x26xf32> to vector<128x1xf32>
    %eq3A_88 = vector.broadcast %slice3A_87 : vector<128x1xf32> to vector<128x1000xf32>
    %eq3A_89 = arith.cmpf oeq, %convert_element_type3A, %eq3A_88 : vector<128x1000xf32>
    %convert_element_type3A_90 = arith.extui %eq3A_89 : vector<128x1000xi1> to vector<128x1000xi32>
    %convert_element_type3A_91 = arith.sitofp %convert_element_type3A_90 : vector<128x1000xi32> to vector<128x1000xf32>
    %swap3A_92 = arith.constant 0 : index
    %swap3A_93 = arith.constant 11000 : index
    %swap3A_94 = vector.load %arg2[%swap3A_92, %swap3A_93] : memref<128x26000xf32, #tpu.memory_space<vmem>>, vector<128x1000xf32>
    tpu.vector_store %arg2[%swap3A_92, %swap3A_93], %convert_element_type3A_91 {strides = array<i32>} : memref<128x26000xf32, #tpu.memory_space<vmem>>, vector<128x1000xf32>,
    %slice3A_95 = vector.extract_strided_slice %get3A_1 {offsets = [0, 12], sizes = [128, 1], strides = [1, 1]} : vector<128x26xf32> to vector<128x1xf32>
    %eq3A_96 = vector.broadcast %slice3A_95 : vector<128x1xf32> to vector<128x1000xf32>
    %eq3A_97 = arith.cmpf oeq, %convert_element_type3A, %eq3A_96 : vector<128x1000xf32>
    %convert_element_type3A_98 = arith.extui %eq3A_97 : vector<128x1000xi1> to vector<128x1000xi32>
    %convert_element_type3A_99 = arith.sitofp %convert_element_type3A_98 : vector<128x1000xi32> to vector<128x1000xf32>
    %swap3A_100 = arith.constant 0 : index
    %swap3A_101 = arith.constant 12000 : index
    %swap3A_102 = vector.load %arg2[%swap3A_100, %swap3A_101] : memref<128x26000xf32, #tpu.memory_space<vmem>>, vector<128x1000xf32>
    tpu.vector_store %arg2[%swap3A_100, %swap3A_101], %convert_element_type3A_99 {strides = array<i32>} : memref<128x26000xf32, #tpu.memory_space<vmem>>, vector<128x1000xf32>,
    %slice3A_103 = vector.extract_strided_slice %get3A_1 {offsets = [0, 13], sizes = [128, 1], strides = [1, 1]} : vector<128x26xf32> to vector<128x1xf32>
    %eq3A_104 = vector.broadcast %slice3A_103 : vector<128x1xf32> to vector<128x1000xf32>
    %eq3A_105 = arith.cmpf oeq, %convert_element_type3A, %eq3A_104 : vector<128x1000xf32>
    %convert_element_type3A_106 = arith.extui %eq3A_105 : vector<128x1000xi1> to vector<128x1000xi32>
    %convert_element_type3A_107 = arith.sitofp %convert_element_type3A_106 : vector<128x1000xi32> to vector<128x1000xf32>
    %swap3A_108 = arith.constant 0 : index
    %swap3A_109 = arith.constant 13000 : index
    %swap3A_110 = vector.load %arg2[%swap3A_108, %swap3A_109] : memref<128x26000xf32, #tpu.memory_space<vmem>>, vector<128x1000xf32>
    tpu.vector_store %arg2[%swap3A_108, %swap3A_109], %convert_element_type3A_107 {strides = array<i32>} : memref<128x26000xf32, #tpu.memory_space<vmem>>, vector<128x1000xf32>,
    %slice3A_111 = vector.extract_strided_slice %get3A_1 {offsets = [0, 14], sizes = [128, 1], strides = [1, 1]} : vector<128x26xf32> to vector<128x1xf32>
    %eq3A_112 = vector.broadcast %slice3A_111 : vector<128x1xf32> to vector<128x1000xf32>
    %eq3A_113 = arith.cmpf oeq, %convert_element_type3A, %eq3A_112 : vector<128x1000xf32>
    %convert_element_type3A_114 = arith.extui %eq3A_113 : vector<128x1000xi1> to vector<128x1000xi32>
    %convert_element_type3A_115 = arith.sitofp %convert_element_type3A_114 : vector<128x1000xi32> to vector<128x1000xf32>
    %swap3A_116 = arith.constant 0 : index
    %swap3A_117 = arith.constant 14000 : index
    %swap3A_118 = vector.load %arg2[%swap3A_116, %swap3A_117] : memref<128x26000xf32, #tpu.memory_space<vmem>>, vector<128x1000xf32>
    tpu.vector_store %arg2[%swap3A_116, %swap3A_117], %convert_element_type3A_115 {strides = array<i32>} : memref<128x26000xf32, #tpu.memory_space<vmem>>, vector<128x1000xf32>,
    %slice3A_119 = vector.extract_strided_slice %get3A_1 {offsets = [0, 15], sizes = [128, 1], strides = [1, 1]} : vector<128x26xf32> to vector<128x1xf32>
    %eq3A_120 = vector.broadcast %slice3A_119 : vector<128x1xf32> to vector<128x1000xf32>
    %eq3A_121 = arith.cmpf oeq, %convert_element_type3A, %eq3A_120 : vector<128x1000xf32>
    %convert_element_type3A_122 = arith.extui %eq3A_121 : vector<128x1000xi1> to vector<128x1000xi32>
    %convert_element_type3A_123 = arith.sitofp %convert_element_type3A_122 : vector<128x1000xi32> to vector<128x1000xf32>
    %swap3A_124 = arith.constant 0 : index
    %swap3A_125 = arith.constant 15000 : index
    %swap3A_126 = vector.load %arg2[%swap3A_124, %swap3A_125] : memref<128x26000xf32, #tpu.memory_space<vmem>>, vector<128x1000xf32>
    tpu.vector_store %arg2[%swap3A_124, %swap3A_125], %convert_element_type3A_123 {strides = array<i32>} : memref<128x26000xf32, #tpu.memory_space<vmem>>, vector<128x1000xf32>,
    %slice3A_127 = vector.extract_strided_slice %get3A_1 {offsets = [0, 16], sizes = [128, 1], strides = [1, 1]} : vector<128x26xf32> to vector<128x1xf32>
    %eq3A_128 = vector.broadcast %slice3A_127 : vector<128x1xf32> to vector<128x1000xf32>
    %eq3A_129 = arith.cmpf oeq, %convert_element_type3A, %eq3A_128 : vector<128x1000xf32>
    %convert_element_type3A_130 = arith.extui %eq3A_129 : vector<128x1000xi1> to vector<128x1000xi32>
    %convert_element_type3A_131 = arith.sitofp %convert_element_type3A_130 : vector<128x1000xi32> to vector<128x1000xf32>
    %swap3A_132 = arith.constant 0 : index
    %swap3A_133 = arith.constant 16000 : index
    %swap3A_134 = vector.load %arg2[%swap3A_132, %swap3A_133] : memref<128x26000xf32, #tpu.memory_space<vmem>>, vector<128x1000xf32>
    tpu.vector_store %arg2[%swap3A_132, %swap3A_133], %convert_element_type3A_131 {strides = array<i32>} : memref<128x26000xf32, #tpu.memory_space<vmem>>, vector<128x1000xf32>,
    %slice3A_135 = vector.extract_strided_slice %get3A_1 {offsets = [0, 17], sizes = [128, 1], strides = [1, 1]} : vector<128x26xf32> to vector<128x1xf32>
    %eq3A_136 = vector.broadcast %slice3A_135 : vector<128x1xf32> to vector<128x1000xf32>
    %eq3A_137 = arith.cmpf oeq, %convert_element_type3A, %eq3A_136 : vector<128x1000xf32>
    %convert_element_type3A_138 = arith.extui %eq3A_137 : vector<128x1000xi1> to vector<128x1000xi32>
    %convert_element_type3A_139 = arith.sitofp %convert_element_type3A_138 : vector<128x1000xi32> to vector<128x1000xf32>
    %swap3A_140 = arith.constant 0 : index
    %swap3A_141 = arith.constant 17000 : index
    %swap3A_142 = vector.load %arg2[%swap3A_140, %swap3A_141] : memref<128x26000xf32, #tpu.memory_space<vmem>>, vector<128x1000xf32>
    tpu.vector_store %arg2[%swap3A_140, %swap3A_141], %convert_element_type3A_139 {strides = array<i32>} : memref<128x26000xf32, #tpu.memory_space<vmem>>, vector<128x1000xf32>,
    %slice3A_143 = vector.extract_strided_slice %get3A_1 {offsets = [0, 18], sizes = [128, 1], strides = [1, 1]} : vector<128x26xf32> to vector<128x1xf32>
    %eq3A_144 = vector.broadcast %slice3A_143 : vector<128x1xf32> to vector<128x1000xf32>
    %eq3A_145 = arith.cmpf oeq, %convert_element_type3A, %eq3A_144 : vector<128x1000xf32>
    %convert_element_type3A_146 = arith.extui %eq3A_145 : vector<128x1000xi1> to vector<128x1000xi32>
    %convert_element_type3A_147 = arith.sitofp %convert_element_type3A_146 : vector<128x1000xi32> to vector<128x1000xf32>
    %swap3A_148 = arith.constant 0 : index
    %swap3A_149 = arith.constant 18000 : index
    %swap3A_150 = vector.load %arg2[%swap3A_148, %swap3A_149] : memref<128x26000xf32, #tpu.memory_space<vmem>>, vector<128x1000xf32>
    tpu.vector_store %arg2[%swap3A_148, %swap3A_149], %convert_element_type3A_147 {strides = array<i32>} : memref<128x26000xf32, #tpu.memory_space<vmem>>, vector<128x1000xf32>,
    %slice3A_151 = vector.extract_strided_slice %get3A_1 {offsets = [0, 19], sizes = [128, 1], strides = [1, 1]} : vector<128x26xf32> to vector<128x1xf32>
    %eq3A_152 = vector.broadcast %slice3A_151 : vector<128x1xf32> to vector<128x1000xf32>
    %eq3A_153 = arith.cmpf oeq, %convert_element_type3A, %eq3A_152 : vector<128x1000xf32>
    %convert_element_type3A_154 = arith.extui %eq3A_153 : vector<128x1000xi1> to vector<128x1000xi32>
    %convert_element_type3A_155 = arith.sitofp %convert_element_type3A_154 : vector<128x1000xi32> to vector<128x1000xf32>
    %swap3A_156 = arith.constant 0 : index
    %swap3A_157 = arith.constant 19000 : index
    %swap3A_158 = vector.load %arg2[%swap3A_156, %swap3A_157] : memref<128x26000xf32, #tpu.memory_space<vmem>>, vector<128x1000xf32>
    tpu.vector_store %arg2[%swap3A_156, %swap3A_157], %convert_element_type3A_155 {strides = array<i32>} : memref<128x26000xf32, #tpu.memory_space<vmem>>, vector<128x1000xf32>,
    %slice3A_159 = vector.extract_strided_slice %get3A_1 {offsets = [0, 20], sizes = [128, 1], strides = [1, 1]} : vector<128x26xf32> to vector<128x1xf32>
    %eq3A_160 = vector.broadcast %slice3A_159 : vector<128x1xf32> to vector<128x1000xf32>
    %eq3A_161 = arith.cmpf oeq, %convert_element_type3A, %eq3A_160 : vector<128x1000xf32>
    %convert_element_type3A_162 = arith.extui %eq3A_161 : vector<128x1000xi1> to vector<128x1000xi32>
    %convert_element_type3A_163 = arith.sitofp %convert_element_type3A_162 : vector<128x1000xi32> to vector<128x1000xf32>
    %swap3A_164 = arith.constant 0 : index
    %swap3A_165 = arith.constant 20000 : index
    %swap3A_166 = vector.load %arg2[%swap3A_164, %swap3A_165] : memref<128x26000xf32, #tpu.memory_space<vmem>>, vector<128x1000xf32>
    tpu.vector_store %arg2[%swap3A_164, %swap3A_165], %convert_element_type3A_163 {strides = array<i32>} : memref<128x26000xf32, #tpu.memory_space<vmem>>, vector<128x1000xf32>,
    %slice3A_167 = vector.extract_strided_slice %get3A_1 {offsets = [0, 21], sizes = [128, 1], strides = [1, 1]} : vector<128x26xf32> to vector<128x1xf32>
    %eq3A_168 = vector.broadcast %slice3A_167 : vector<128x1xf32> to vector<128x1000xf32>
    %eq3A_169 = arith.cmpf oeq, %convert_element_type3A, %eq3A_168 : vector<128x1000xf32>
    %convert_element_type3A_170 = arith.extui %eq3A_169 : vector<128x1000xi1> to vector<128x1000xi32>
    %convert_element_type3A_171 = arith.sitofp %convert_element_type3A_170 : vector<128x1000xi32> to vector<128x1000xf32>
    %swap3A_172 = arith.constant 0 : index
    %swap3A_173 = arith.constant 21000 : index
    %swap3A_174 = vector.load %arg2[%swap3A_172, %swap3A_173] : memref<128x26000xf32, #tpu.memory_space<vmem>>, vector<128x1000xf32>
    tpu.vector_store %arg2[%swap3A_172, %swap3A_173], %convert_element_type3A_171 {strides = array<i32>} : memref<128x26000xf32, #tpu.memory_space<vmem>>, vector<128x1000xf32>,
    %slice3A_175 = vector.extract_strided_slice %get3A_1 {offsets = [0, 22], sizes = [128, 1], strides = [1, 1]} : vector<128x26xf32> to vector<128x1xf32>
    %eq3A_176 = vector.broadcast %slice3A_175 : vector<128x1xf32> to vector<128x1000xf32>
    %eq3A_177 = arith.cmpf oeq, %convert_element_type3A, %eq3A_176 : vector<128x1000xf32>
    %convert_element_type3A_178 = arith.extui %eq3A_177 : vector<128x1000xi1> to vector<128x1000xi32>
    %convert_element_type3A_179 = arith.sitofp %convert_element_type3A_178 : vector<128x1000xi32> to vector<128x1000xf32>
    %swap3A_180 = arith.constant 0 : index
    %swap3A_181 = arith.constant 22000 : index
    %swap3A_182 = vector.load %arg2[%swap3A_180, %swap3A_181] : memref<128x26000xf32, #tpu.memory_space<vmem>>, vector<128x1000xf32>
    tpu.vector_store %arg2[%swap3A_180, %swap3A_181], %convert_element_type3A_179 {strides = array<i32>} : memref<128x26000xf32, #tpu.memory_space<vmem>>, vector<128x1000xf32>,
    %slice3A_183 = vector.extract_strided_slice %get3A_1 {offsets = [0, 23], sizes = [128, 1], strides = [1, 1]} : vector<128x26xf32> to vector<128x1xf32>
    %eq3A_184 = vector.broadcast %slice3A_183 : vector<128x1xf32> to vector<128x1000xf32>
    %eq3A_185 = arith.cmpf oeq, %convert_element_type3A, %eq3A_184 : vector<128x1000xf32>
    %convert_element_type3A_186 = arith.extui %eq3A_185 : vector<128x1000xi1> to vector<128x1000xi32>
    %convert_element_type3A_187 = arith.sitofp %convert_element_type3A_186 : vector<128x1000xi32> to vector<128x1000xf32>
    %swap3A_188 = arith.constant 0 : index
    %swap3A_189 = arith.constant 23000 : index
    %swap3A_190 = vector.load %arg2[%swap3A_188, %swap3A_189] : memref<128x26000xf32, #tpu.memory_space<vmem>>, vector<128x1000xf32>
    tpu.vector_store %arg2[%swap3A_188, %swap3A_189], %convert_element_type3A_187 {strides = array<i32>} : memref<128x26000xf32, #tpu.memory_space<vmem>>, vector<128x1000xf32>,
    %slice3A_191 = vector.extract_strided_slice %get3A_1 {offsets = [0, 24], sizes = [128, 1], strides = [1, 1]} : vector<128x26xf32> to vector<128x1xf32>
    %eq3A_192 = vector.broadcast %slice3A_191 : vector<128x1xf32> to vector<128x1000xf32>
    %eq3A_193 = arith.cmpf oeq, %convert_element_type3A, %eq3A_192 : vector<128x1000xf32>
    %convert_element_type3A_194 = arith.extui %eq3A_193 : vector<128x1000xi1> to vector<128x1000xi32>
    %convert_element_type3A_195 = arith.sitofp %convert_element_type3A_194 : vector<128x1000xi32> to vector<128x1000xf32>
    %swap3A_196 = arith.constant 0 : index
    %swap3A_197 = arith.constant 24000 : index
    %swap3A_198 = vector.load %arg2[%swap3A_196, %swap3A_197] : memref<128x26000xf32, #tpu.memory_space<vmem>>, vector<128x1000xf32>
    tpu.vector_store %arg2[%swap3A_196, %swap3A_197], %convert_element_type3A_195 {strides = array<i32>} : memref<128x26000xf32, #tpu.memory_space<vmem>>, vector<128x1000xf32>,
    %slice3A_199 = vector.extract_strided_slice %get3A_1 {offsets = [0, 25], sizes = [128, 1], strides = [1, 1]} : vector<128x26xf32> to vector<128x1xf32>
    %eq3A_200 = vector.broadcast %slice3A_199 : vector<128x1xf32> to vector<128x1000xf32>
    %eq3A_201 = arith.cmpf oeq, %convert_element_type3A, %eq3A_200 : vector<128x1000xf32>
    %convert_element_type3A_202 = arith.extui %eq3A_201 : vector<128x1000xi1> to vector<128x1000xi32>
    %convert_element_type3A_203 = arith.sitofp %convert_element_type3A_202 : vector<128x1000xi32> to vector<128x1000xf32>
    %swap3A_204 = arith.constant 0 : index
    %swap3A_205 = arith.constant 25000 : index
    %swap3A_206 = vector.load %arg2[%swap3A_204, %swap3A_205] : memref<128x26000xf32, #tpu.memory_space<vmem>>, vector<128x1000xf32>
    tpu.vector_store %arg2[%swap3A_204, %swap3A_205], %convert_element_type3A_203 {strides = array<i32>} : memref<128x26000xf32, #tpu.memory_space<vmem>>, vector<128x1000xf32>,
    return
  }
  func.func @transform_0(%arg0: i32) -> (i32, i32) {
    %c0_i32 = arith.constant 0 : i32
    %c0_i32_0 = arith.constant 0 : i32
    return %arg0, %c0_i32 : i32, i32
  }
  func.func @transform_1(%arg0: i32) -> (i32, i32) {
    %c0_i32 = arith.constant 0 : i32
    %c0_i32_0 = arith.constant 0 : i32
    return %arg0, %c0_i32 : i32, i32
  }
}

</mosaic_0001>

<sc_bundles>
// kernel: kernel.4.cloned.1.call-start
scs
__scs_entry_jumppad:
0x0: {  	(pc) =	sbr.rel $0x88, $3  }
0x1: {  	(tag) =	ssettag $0x0;
	lr =	simm.s32 $0x1  }
0x2: {  	[smem:$0x3FA0] =	sst lr;
	_ =	strace $0xD0000000  }
0x3: {  	_ = 	snop  }
0x4: {  	_ = 	snop  }
0x5: {  	_ = 	snop  }
0x6: {  	_ = 	snop  }
0x7: {  	_ = 	snop  }
__scs_overlays_trampoline_lowered:
0x8: {  	[smem:$0x3FAF] =	sst s0  }
0x9: {  	[smem:$0x3FB0] =	sst s1  }
0xa: {  	[smem:$0x3FB1] =	sst s2  }
0xb: {  	[smem:$0x3FB2] =	sst s3  }
0xc: {  	[smem:$0x3FB3] =	sst s4  }
0xd: {  	[smem:$0x3FB4] =	sst s5  }
0xe: {  	[smem:$0x3FB5] =	sst s6  }
0xf: {  	[smem:$0x3FB6] =	sst s7  }
0x10: {  	[smem:$0x3FB7] =	sst s8  }
0x11: {  	[smem:$0x3FB8] =	sst s9;
	s0 =	simm.s32 @!p0 $0x0  }
0x12: {  	s1 =	sld [smem:$0x3F9E];
	s0 =	simm.s32 @p0 $0x1  }
0x13: {  	[smem:$0x3FB9] =	sst s0;
	s0 =	simm.s32 @!p1 $0x0  }
0x14: {  	s2 =	sld [smem:$0x3F9D];
	s0 =	simm.s32 @p1 $0x1  }
0x15: {  	[smem:$0x3FBA] =	sst s0;
	s0 =	simm.s32 @!p2 $0x0  }
0x16: {  	s3 =	sld [smem:$0x3FDB];
	s0 =	simm.s32 @p2 $0x1  }
0x17: {  	s4 =	simm.s32 $0x1BF5;
	[smem:$0x3FBC] =	sst s0  }
0x18: {  	s0 =	sld [smem:$0x3F9F];
	_ =	swait.ge [sflag:s4], $0x0  }
0x19: {  	s7 =	sld [smem:$0x3FA0]  }
0x1a: {  	s8 =	sadd.s32 $0xFFFFE003, lr  }
0x1b: {  	s9 =	sadd.s32 $0xFFFFFEF7, lr;
	s5 =	simm.s32 $0xFFFFFFFF;
	p2 =	slt.u32 s8, $0xFFFFF086  }
0x1c: {  	p1 =	slt.u32 s9, $0xF7A;
	s5 =	simm.s32 @!p2 $0x0  }
0x1d: {  	s5 =	simm.s32 @p1 $0x1;
	p0 =	seq.s32 s7, s2  }
0x1e: {  	s7 =	smul.u32 @!p0 $0xF7A, s2;
	p2 =	seq.s32 @!p0 s5, $0x0  }
0x1f: {  	s9 =	smul.u32 $0xF7A, s1;
	s8 =	simm.s32 @!p0 $0x1BF5;
	p2 =	por !p2, p0  }
0x20: {  	[sflag:s8] =	ssyncset.s32 @!p0 $0xFFFFF086;
	s6 =	sadd.s32 @!p0 s3, s7;
	s7 =	simm.s32 @!p0 $0x108  }
0x21: {  	s3 =	sadd.s32 s3, s9;
	s6 =	sadd.s32 @!p0 $0x88, s6;
	s7 =	simm.s32 @p2 $0x1082  }
0x22: {  	[simem:s7], [sflag:s8] =	dma.local @!p0 [hbm:s6], $0xF7A  }
0x23: {  	s9 =	sor.u32 $0xD0000000, s2;
	s6 =	simm.s32 $0x108;
	_ =	swait.ge @!p0 [sflag:s8], $0x0  }
0x24: {  	s3 =	sadd.s32 $0x88, s3;
	s6 =	simm.s32 @!p1 $0x1082;
	[sflag:s4] =	ssyncset.s32 $0xFFFFF086  }
0x25: {  	[simem:s6], [sflag:s4] =	dma.local [hbm:s3], $0xF7A  }
0x26: {  	[smem:$0x3FA0] =	sst s1;
	(tag) =	ssettag s2;
	_ =	strace s9  }
0x27: {  	s1 =	sld [smem:$0x3FB0]  }
0x28: {  	s2 =	sld [smem:$0x3FB1]  }
0x29: {  	s4 =	sld [smem:$0x3FB3]  }
0x2a: {  	p0 =	seq.s32 s5, $0x0;
	s5 =	sld [smem:$0x3FB4]  }
0x2b: {  	s6 =	sld [smem:$0x3FB5]  }
0x2c: {  	s7 =	sld [smem:$0x3FB6]  }
0x2d: {  	s3 =	simm.s32 $0x108;
	s8 =	sld [smem:$0x3FB7]  }
0x2e: {  	s3 =	simm.s32 @!p0 $0x1082;
	s9 =	sld [smem:$0x3FB8]  }
0x2f: {  	lr =	sadd.s32 s0, s3;
	s0 =	sld [smem:$0x3FAF]  }
0x30: {  	s3 =	sld [smem:$0x3FB2]  }
0x31: {  	[smem:$0x3FBB] =	sst s10  }
0x32: {  	s10 =	sld [smem:$0x3FB9];
	_ =	sdelay $0x3  }
0x33: {  	p0 =	seq.s32 s10, $0x1;
	s10 =	sld [smem:$0x3FBB];
	_ =	sdelay $0x3  }
0x34: {  	[smem:$0x3FBB] =	sst s10  }
0x35: {  	s10 =	sld [smem:$0x3FBA];
	_ =	sdelay $0x3  }
0x36: {  	p1 =	seq.s32 s10, $0x1;
	s10 =	sld [smem:$0x3FBB];
	_ =	sdelay $0x3  }
0x37: {  	[smem:$0x3FBB] =	sst s10  }
0x38: {  	s10 =	sld [smem:$0x3FBC]  }
0x39: {  	_ = 	snop;
	(pc) =	sbr.ind lr, $3  }
0x3a: {  	_ = 	snop  }
0x3b: {  	_ = 	snop  }
0x3c: {  	p2 =	seq.s32 s10, $0x1;
	s10 =	sld [smem:$0x3FBB]  }
0x3d: {  	_ =	shalt  }
0x3e: {  	_ =	shalt  }
0x3f: {  	_ =	shalt  }
0x40: {  	_ =	shalt  }
0x41: {  	_ =	shalt  }
0x42: {  	_ =	shalt  }
0x43: {  	_ =	shalt  }
0x44: {  	_ =	shalt  }
0x45: {  	_ =	shalt  }
0x46: {  	_ =	shalt  }
0x47: {  	_ =	shalt  }
0x48: {  	_ =	shalt  }
0x49: {  	_ =	shalt  }
0x4a: {  	_ =	shalt  }
0x4b: {  	_ =	shalt  }
0x4c: {  	_ =	shalt  }
0x4d: {  	_ =	shalt  }
0x4e: {  	_ =	shalt  }
0x4f: {  	_ =	shalt  }
0x50: {  	_ =	shalt  }
0x51: {  	_ =	shalt  }
0x52: {  	_ =	shalt  }
0x53: {  	_ =	shalt  }
0x54: {  	_ =	shalt  }
0x55: {  	_ =	shalt  }
0x56: {  	_ =	shalt  }
0x57: {  	_ =	shalt  }
0x58: {  	_ =	shalt  }
0x59: {  	_ =	shalt  }
0x5a: {  	_ =	shalt  }
0x5b: {  	_ =	shalt  }
0x5c: {  	_ =	shalt  }
0x5d: {  	_ =	shalt  }
0x5e: {  	_ =	shalt  }
0x5f: {  	_ =	shalt  }
0x60: {  	_ =	shalt  }
0x61: {  	_ =	shalt  }
0x62: {  	_ =	shalt  }
0x63: {  	_ =	shalt  }
0x64: {  	_ =	shalt  }
0x65: {  	_ =	shalt  }
0x66: {  	_ =	shalt  }
0x67: {  	_ =	shalt  }
0x68: {  	_ =	shalt  }
0x69: {  	_ =	shalt  }
0x6a: {  	_ =	shalt  }
0x6b: {  	_ =	shalt  }
0x6c: {  	_ =	shalt  }
0x6d: {  	_ =	shalt  }
0x6e: {  	_ =	shalt  }
0x6f: {  	_ =	shalt  }
0x70: {  	_ =	shalt  }
0x71: {  	_ =	shalt  }
0x72: {  	_ =	shalt  }
0x73: {  	_ =	shalt  }
0x74: {  	_ =	shalt  }
0x75: {  	_ =	shalt  }
0x76: {  	_ =	shalt  }
0x77: {  	_ =	shalt  }
0x78: {  	_ =	shalt  }
0x79: {  	_ =	shalt  }
0x7a: {  	_ =	shalt  }
0x7b: {  	_ =	shalt  }
0x7c: {  	_ =	shalt  }
0x7d: {  	_ =	shalt  }
0x7e: {  	_ =	shalt  }
0x7f: {  	_ =	shalt  }
0x80: {  	_ =	shalt  }
0x81: {  	_ =	shalt  }
0x82: {  	_ =	shalt  }
0x83: {  	_ =	shalt  }
0x84: {  	_ =	shalt  }
0x85: {  	_ =	shalt  }
0x86: {  	_ =	shalt  }
0x87: {  	_ =	shalt  }
.Lfunc_end0:
.L_simem_size_0:
called_computation_lowered:
.L_overlay_start_0:
0x88: {  	s2 =	sld [smem:$0x3FD9]  }
0x89: {  	s3 =	sld [smem:$0x3FFE];
	_ =	sdelay $0x1  }
0x8a: {  	s1 =	srdreg.scid  }
0x8b: {  	s0 =	sand.u32 $0x1, s1  }
0x8c: {  	s17 =	sshll.u32 s0, $0xA;
	s2 =	sadd.s32 s3, s2  }
0x8d: {  	s2 =	sadd.s32 s2, s17  }
0x8e: {  	[smem:$0x3FC7] =	sst s2  }
0x8f: {  	_ = 	snop  }
0x90: {  	s2 =	sld [smem:$0x3FD0];
	(tm) =	ssettm $0x1  }
0x91: {  	s18 =	sld [smem:$0x3FFB];
	_ =	sdelay $0x3  }
0x92: {  	_ =	strace s18  }
0x93: {  	s3 =	sld [smem:$0x3FFC];
	_ =	sdelay $0x3  }
0x94: {  	_ =	strace s3  }
0x95: {  	s3 =	sld [smem:$0x3FFD];
	_ =	sdelay $0x3  }
0x96: {  	_ =	strace s3  }
0x97: {  	_ =	strace $0x8FFFFFFF  }
0x98: {  	s19 =	sld [smem:$0x3FDB];
	_ =	sdelay $0x1  }
0x99: {  	s4 =	simm.s32 $_scs_section_size  }
0x9a: {  	s5 =	simm.s32 $_size__tile_overlayer_lowered;
	s6 =	simm.s32 $_tile_overlayer_lowered  }
0x9b: {  	s22 =	simm.s32 $0x1BFF;
	s21 =	sshll.u32 s6, $0x1;
	s3 =	sadd.s32 s4, s19  }
0x9c: {  	s7 =	simm.s32 $0x0;
	s20 =	sshll.u32 s5, $0x1;
	s5 =	sadd.s32 s21, s3  }
0x9d: {  	[timem:s7], [sflag:s22] =	dma.local [hbm:s5], s20  }
0x9e: {  	_ =	swait.ge [sflag:s22], s20  }
0x9f: {  	s4 =	ssub.s32 $0x0, s20;
	[sflag:s22] =	ssyncset.done $0x0  }
0xa0: {  	[sflag:s22] =	ssyncadd.s32 s4;
	_ =	sdelay $0x1  }
0xa1: {  	s23 =	simm.s32 $0x1B8B  }
0xa2: {  	_ =	swait.ge [sflag:s23], $0x1  }
0xa3: {  	[sflag:s23] =	ssyncset.done $0x0  }
0xa4: {  	s25 =	simm.s32 $0x1B8E;
	s24 =	sld [smem:$0x3FFE];
	[sflag:s23] =	ssyncadd.s32 $0xFFFFFFFF  }
0xa5: {  	s26 =	simm.s32 $execute0_lowered;
	[smem:$0x3FD2] =	sst s25  }
0xa6: {  	s5 =	sshll.u32 s26, $0x1;
	_ =	strace $0x80000046;
	[dreg:$0x1] =	wrdreg $0xFFFFFFFF  }
0xa7: {  	s28 =	simm.s32 $_size_execute0_lowered;
	s3 =	sadd.s32 s3, s5;
	[dreg:$0x0] =	wrdreg $0x0  }
0xa8: {  	s5 =	sshll.u32 s28, $0x1;
	[dreg:$0x2] =	wrdreg s3  }
0xa9: {  	[dreg:$0x3] =	wrdreg s5  }
0xaa: {  	[dreg:$0x4] =	wrdreg $0xC0  }
0xab: {  	_ =	task [dreg:s7], $0x5FFFF  }
0xac: {  	[dreg:$0x1] =	wrdreg $0xFFFFFFFF  }
0xad: {  	[dreg:$0x0] =	wrdreg $0x60  }
0xae: {  	[dreg:$0x2] =	wrdreg s2  }
0xaf: {  	[dreg:$0x3] =	wrdreg s24  }
0xb0: {  	[dreg:$0x4] =	wrdreg $0x9  }
0xb1: {  	_ =	task.clear_ibuf [dreg:s7], $0x5FFFF;
	_ =	strace $0x90000046  }
0xb2: {  	s29 =	simm.s32 $0x9;
	_ =	strace $0x80000048  }
0xb3: {  	_ =	swait.ge [sflag:s29], $0x1  }
0xb4: {  	[sflag:s29] =	ssyncadd.s32 $0xFFFFFFFF  }
0xb5: {  	_ =	strace $0x90000048  }
0xb6: {  	_ =	sfence  }
0xb7: {  	s30 =	sld [smem:$0x0];
	_ =	sdelay $0x2  }
0xb8: {  	s31 =	sshll.u32 s1, $0xD;
	s1 =	sshrl.u32 s1, $0x2  }
0xb9: {  	s3 =	sand.u32 $0x4000, s31;
	s1 =	sadd.s32 s1, s30  }
0xba: {  	s0 =	sor.u32 s3, s0;
	s1 =	sshll.u32 s1, $0x11  }
0xbb: {  	s0 =	sor.u32 s1, s0  }
0xbc: {  	s0 =	sadd.s32 $0x8F2B, s0  }
0xbd: {  	[sflag:s0] =	ssyncadd.remote.s32 $0x1  }
0xbe: {  	_ =	sfence.sel $0xFFFF  }
0xbf: {  	[dreg:$0x0] =	wrdreg $0xFFFFFFFF;
	(pc) =	sbr.abs _section_cstart, $3  }
0xc0: {  	[dreg:$0x1] =	wrdreg $0xFFFFFFFF  }
0xc1: {  	_ =	task.clear_ibuf [dreg:s7], $0x2FFFF;
	_ =	strace $0x9FFFFFFF  }
0xc2: {  	(tm) =	ssettm $0x7FFFFFFF  }
0xc3: {  	_ =	shalt  }
tec
execute0_lowered:
.L_overlay_start_1:
0x0: {  	(tag) =	ssettag $0x1  }
0x1: {  	s1 =	srdreg.scid;
	s5 =	rddreg [dreg:$0x0]  }
0x2: {  	s0 =	stileid.u32;
	s7 =	rddreg [dreg:$0x1];
	s2 =	simm.s32 $0x0  }
0x3: {  	s11 =	simm.s32 $0x19000;
	s12 =	simm.s32 $0x1A000;
	s13 =	simm.s32 $0x1  }
0x4: {  	s3 =	sand.u32 $0x1, s1;
	s23 =	sshll.u32 s0, $0x1;
	s4 =	smul.u32 $0xF0, s0  }
0x5: {  	s14 =	simm.s32 $0x2;
	s1 =	sor.u32 s3, s23;
	s6 =	smul.u32 $0x78, s3  }
0x6: {  	s15 =	simm.s32 $0x3;
	s16 =	simm.s32 $0x4;
	s8 =	smul.u32 $0x78, s1  }
0x7: {  	s17 =	simm.s32 $0x0;
	[smem:$0x7FF] =	sst s2;
	s25 =	ssub.s32 $0x2, s3  }
0x8: {  	s3 =	sadd.s32 $0x400, s7;
	s4 =	sadd.s32 s6, s4;
	s24 =	sadd.s32 $0x100, s8  }
0x9: {  	s1 =	rddreg [dreg:$0x2];
	s4 =	sadd.s32 $0x100, s4;
	s9 =	smul.u32 $0x1A, s24  }
.Ltmp0:
0xa: {  	s28 =	sshrl.u32 s25, $0x1;
	s26 =	sshrl.u32 s4, $0x3;
	(pc) =	sbr.rel .LBB2_1-.Ltmp0, $4  }
0xb: {  	v0 =	vlaneseq.u32;
	_ =	strace $0x80000047;
	s29 =	ssub.s32 s25, s28;
	s10 =	smul.u32 $0x6600, s26  }
0xc: {  	v0 =	vmul.u32 $0x3E8, v0;
	s6 =	smax.u32 s29, $0x1;
	s8 =	simm.s32 $0x1B000;
	s30 =	sshrl.u32 s9, $0x3  }
0xd: {  	v1 =	vimm.f32 $0.0e+00;
	s9 =	simm.s32 $0x5;
	s4 =	sadd.s32 s5, s30;
	s31 =	sadd.s32 s10, s3  }
0xe: {  	vm0 =	vcmask $0x3F18;
	v3 =	vimm.f32 $1.000000000e+00;
	v2 =	vadd.s32 $0x2710, v0;
	s5 =	sshrl.u32 s24, $0x3;
	s10 =	simm.s32 $0xC800;
	s7 =	sadd.s32 $0xCA00, s31  }
.LBB2_79:
0xf: {  	_ =	swait.ge [sflag:s13], $0xC800  }
0x10: {  	[sflag:s13] =	ssyncset.done $0x0  }
0x11: {  	s17 =	sadd.s32 $0x1, s17;
	[sflag:s13] =	ssyncadd.s32 $0xFFFF3800  }
0x12: {  	p0 =	sne.s32 s17, s6;
	_ =	swait.ge [sflag:s14], $0xC800  }
.Ltmp1:
0x13: {  	[sflag:s14] =	ssyncset.done $0x0;
	(pc) =	sbr.rel @!p0 .LBB2_80-.Ltmp1, $4  }
0x14: {  	[sflag:s14] =	ssyncadd.s32 $0xFFFF3800  }
0x15: {  	_ =	swait.ge [sflag:s15], $0x1000  }
0x16: {  	[sflag:s15] =	ssyncset.done $0x0  }
0x17: {  	[sflag:s15] =	ssyncadd.s32 $0xFFFFF000  }
.LBB2_1:
0x18: {  	[tilespmem:s8], [sflag:$0x5] =	stream.linear.gather [hbm4b:s4+s2], $0xC30, $0x38;
	[tilespmem:$0x1BC80] =	vst v63  }
0x19: {  	_ =	swait.ge [sflag:s9], $0xC30  }
0x1a: {  	s18 =	sand.u32 $0x70, s2;
	s19 =	sand.u32 $0xFC00, s2;
	[sflag:s9] =	ssyncset.done $0x0  }
0x1b: {  	s18 =	sor.u32 s18, s19;
	[sflag:s9] =	ssyncadd.s32 $0xFFFFF3D0  }
0x1c: {  	s20 =	simm.s32 $0x0;
	s19 =	simm.s32 $0x10;
	[tilespmem:s18+$0x0] =	vst v1  }
.LBB2_2:
0x1d: {  	p0 =	sne.s32 s19, $0x18F0  }
.Ltmp2:
0x1e: {  	_ = 	snop;
	(pc) =	sbr.rel @p0 .LBB2_2-.Ltmp2, $4  }
0x1f: {  	s20 =	sadd.s32 $0x80, s20  }
0x20: {  	s18 =	sand.u32 $0x70, s19;
	s21 =	sand.u32 $0xFC00, s20  }
0x21: {  	s18 =	sor.u32 s18, s21  }
0x22: {  	s19 =	sadd.s32 $0x10, s19;
	[tilespmem:s18+$0x0] =	vst v1;
	s18 =	simm.s32 $0x0  }
0x23: {  	s19 =	sand.u32 $0x70, s18;
	s20 =	sand.u32 $0xFC00, s18  }
0x24: {  	s19 =	sor.u32 s19, s20  }
0x25: {  	s21 =	simm.s32 $0x0;
	s20 =	simm.s32 $0x10;
	[tilespmem:s19+$0x80] =	vst v1  }
.LBB2_4:
0x26: {  	p0 =	sne.s32 s20, $0x18F0  }
.Ltmp3:
0x27: {  	_ = 	snop;
	(pc) =	sbr.rel @p0 .LBB2_4-.Ltmp3, $4  }
0x28: {  	s21 =	sadd.s32 $0x80, s21  }
0x29: {  	s22 =	sand.u32 $0x70, s20;
	s23 =	sand.u32 $0xFC00, s21  }
0x2a: {  	s22 =	sor.u32 s22, s23  }
0x2b: {  	s20 =	sadd.s32 $0x10, s20;
	[tilespmem:s22+$0x80] =	vst v1  }
0x2c: {  	s20 =	simm.s32 $0x10;
	[tilespmem:s19+$0x100] =	vst v1  }
.LBB2_6:
0x2d: {  	p0 =	sne.s32 s20, $0x18F0  }
.Ltmp4:
0x2e: {  	_ = 	snop;
	(pc) =	sbr.rel @p0 .LBB2_6-.Ltmp4, $4  }
0x2f: {  	s18 =	sadd.s32 $0x80, s18  }
0x30: {  	s19 =	sand.u32 $0x70, s20;
	s21 =	sand.u32 $0xFC00, s18  }
0x31: {  	s19 =	sor.u32 s19, s21  }
0x32: {  	s20 =	sadd.s32 $0x10, s20;
	[tilespmem:s19+$0x100] =	vst v1;
	s19 =	simm.s32 $0x0  }
0x33: {  	s18 =	sand.u32 $0x70, s19;
	s20 =	sand.u32 $0xFC00, s19  }
0x34: {  	s18 =	sor.u32 s18, s20  }
0x35: {  	s21 =	simm.s32 $0x0;
	s20 =	simm.s32 $0x10;
	[tilespmem:s18+$0x180] =	vst v1  }
.LBB2_8:
0x36: {  	p0 =	sne.s32 s20, $0x18F0  }
.Ltmp5:
0x37: {  	_ = 	snop;
	(pc) =	sbr.rel @p0 .LBB2_8-.Ltmp5, $4  }
0x38: {  	s21 =	sadd.s32 $0x80, s21  }
0x39: {  	s22 =	sand.u32 $0x70, s20;
	s23 =	sand.u32 $0xFC00, s21  }
0x3a: {  	s22 =	sor.u32 s22, s23  }
0x3b: {  	s20 =	sadd.s32 $0x10, s20;
	[tilespmem:s22+$0x180] =	vst v1  }
0x3c: {  	s21 =	simm.s32 $0x10;
	[tilespmem:s18+$0x200] =	vst v1  }
.LBB2_10:
0x3d: {  	p0 =	sne.s32 s21, $0x18F0  }
.Ltmp6:
0x3e: {  	_ = 	snop;
	(pc) =	sbr.rel @p0 .LBB2_10-.Ltmp6, $4  }
0x3f: {  	s19 =	sadd.s32 $0x80, s19  }
0x40: {  	s18 =	sand.u32 $0x70, s21;
	s20 =	sand.u32 $0xFC00, s19  }
0x41: {  	s18 =	sor.u32 s18, s20  }
0x42: {  	s21 =	sadd.s32 $0x10, s21;
	s20 =	simm.s32 $0x0;
	[tilespmem:s18+$0x200] =	vst v1  }
0x43: {  	s18 =	sand.u32 $0x70, s20;
	s19 =	sand.u32 $0xFC00, s20  }
0x44: {  	s18 =	sor.u32 s18, s19  }
0x45: {  	s21 =	simm.s32 $0x0;
	s19 =	simm.s32 $0x10;
	[tilespmem:s18+$0x280] =	vst v1  }
.LBB2_12:
0x46: {  	p0 =	sne.s32 s19, $0x18F0  }
.Ltmp7:
0x47: {  	_ = 	snop;
	(pc) =	sbr.rel @p0 .LBB2_12-.Ltmp7, $4  }
0x48: {  	s21 =	sadd.s32 $0x80, s21  }
0x49: {  	s22 =	sand.u32 $0x70, s19;
	s23 =	sand.u32 $0xFC00, s21  }
0x4a: {  	s22 =	sor.u32 s22, s23  }
0x4b: {  	s19 =	sadd.s32 $0x10, s19;
	[tilespmem:s22+$0x280] =	vst v1  }
0x4c: {  	s19 =	simm.s32 $0x10;
	[tilespmem:s18+$0x300] =	vst v1  }
.LBB2_14:
0x4d: {  	p0 =	sne.s32 s19, $0x18F0  }
.Ltmp8:
0x4e: {  	_ = 	snop;
	(pc) =	sbr.rel @p0 .LBB2_14-.Ltmp8, $4  }
0x4f: {  	s20 =	sadd.s32 $0x80, s20  }
0x50: {  	s18 =	sand.u32 $0x70, s19;
	s21 =	sand.u32 $0xFC00, s20  }
0x51: {  	s18 =	sor.u32 s18, s21  }
0x52: {  	s19 =	sadd.s32 $0x10, s19;
	[tilespmem:s18+$0x300] =	vst v1;
	s18 =	simm.s32 $0x0  }
0x53: {  	s19 =	sand.u32 $0x70, s18;
	s20 =	sand.u32 $0xFC00, s18  }
0x54: {  	s21 =	sor.u32 s19, s20  }
0x55: {  	s20 =	simm.s32 $0x10;
	[tilespmem:s21+$0x380] =	vst v1;
	s21 =	simm.s32 $0x0  }
.LBB2_16:
0x56: {  	p0 =	sne.s32 s20, $0x18F0  }
.Ltmp9:
0x57: {  	_ = 	snop;
	(pc) =	sbr.rel @p0 .LBB2_16-.Ltmp9, $4  }
0x58: {  	s21 =	sadd.s32 $0x80, s21  }
0x59: {  	s22 =	sand.u32 $0x70, s20;
	s23 =	sand.u32 $0xFC00, s21  }
0x5a: {  	s22 =	sor.u32 s22, s23  }
0x5b: {  	s20 =	sadd.s32 $0x10, s20;
	[tilespmem:s22+$0x380] =	vst v1  }
0x5c: {  	s20 =	sand.u32 $0xC00, s18  }
0x5d: {  	s19 =	sor.u32 s19, s20  }
0x5e: {  	s20 =	simm.s32 $0x10;
	[tilespmem:s19+$0x19000] =	vst v1  }
.LBB2_18:
0x5f: {  	p0 =	sne.s32 s20, $0x180  }
.Ltmp10:
0x60: {  	_ = 	snop;
	(pc) =	sbr.rel @p0 .LBB2_18-.Ltmp10, $4  }
0x61: {  	s18 =	sadd.s32 $0x80, s18  }
0x62: {  	s19 =	sand.u32 $0x70, s20;
	s21 =	sand.u32 $0xC00, s18  }
0x63: {  	s19 =	sor.u32 s19, s21  }
0x64: {  	s20 =	sadd.s32 $0x10, s20;
	[tilespmem:s19+$0x19000] =	vst v1;
	s19 =	simm.s32 $0x0  }
0x65: {  	s18 =	sand.u32 $0x70, s19;
	s20 =	sand.u32 $0xC00, s19  }
0x66: {  	s18 =	sor.u32 s18, s20  }
0x67: {  	s21 =	simm.s32 $0x0;
	s20 =	simm.s32 $0x10;
	[tilespmem:s18+$0x19080] =	vst v1  }
.LBB2_20:
0x68: {  	p0 =	sne.s32 s20, $0x180  }
.Ltmp11:
0x69: {  	_ = 	snop;
	(pc) =	sbr.rel @p0 .LBB2_20-.Ltmp11, $4  }
0x6a: {  	s21 =	sadd.s32 $0x80, s21  }
0x6b: {  	s22 =	sand.u32 $0x70, s20;
	s23 =	sand.u32 $0xC00, s21  }
0x6c: {  	s22 =	sor.u32 s22, s23  }
0x6d: {  	s20 =	sadd.s32 $0x10, s20;
	[tilespmem:s22+$0x19080] =	vst v1  }
0x6e: {  	s20 =	simm.s32 $0x10;
	[tilespmem:s18+$0x19100] =	vst v1  }
.LBB2_22:
0x6f: {  	p0 =	sne.s32 s20, $0x180  }
.Ltmp12:
0x70: {  	_ = 	snop;
	(pc) =	sbr.rel @p0 .LBB2_22-.Ltmp12, $4  }
0x71: {  	s19 =	sadd.s32 $0x80, s19  }
0x72: {  	s18 =	sand.u32 $0x70, s20;
	s21 =	sand.u32 $0xC00, s19  }
0x73: {  	s18 =	sor.u32 s18, s21  }
0x74: {  	s20 =	sadd.s32 $0x10, s20;
	[tilespmem:s18+$0x19100] =	vst v1;
	s18 =	simm.s32 $0x0  }
0x75: {  	s19 =	sand.u32 $0x70, s18;
	s20 =	sand.u32 $0xC00, s18  }
0x76: {  	s19 =	sor.u32 s19, s20  }
0x77: {  	s21 =	simm.s32 $0x0;
	s20 =	simm.s32 $0x10;
	[tilespmem:s19+$0x19180] =	vst v1  }
.LBB2_24:
0x78: {  	p0 =	sne.s32 s20, $0x180  }
.Ltmp13:
0x79: {  	_ = 	snop;
	(pc) =	sbr.rel @p0 .LBB2_24-.Ltmp13, $4  }
0x7a: {  	s21 =	sadd.s32 $0x80, s21  }
0x7b: {  	s22 =	sand.u32 $0x70, s20;
	s23 =	sand.u32 $0xC00, s21  }
0x7c: {  	s22 =	sor.u32 s22, s23  }
0x7d: {  	s20 =	sadd.s32 $0x10, s20;
	[tilespmem:s22+$0x19180] =	vst v1  }
0x7e: {  	s20 =	simm.s32 $0x10;
	[tilespmem:s19+$0x19200] =	vst v1  }
.LBB2_26:
0x7f: {  	p0 =	sne.s32 s20, $0x180  }
.Ltmp14:
0x80: {  	_ = 	snop;
	(pc) =	sbr.rel @p0 .LBB2_26-.Ltmp14, $4  }
0x81: {  	s18 =	sadd.s32 $0x80, s18  }
0x82: {  	s19 =	sand.u32 $0x70, s20;
	s21 =	sand.u32 $0xC00, s18  }
0x83: {  	s19 =	sor.u32 s19, s21  }
0x84: {  	s20 =	sadd.s32 $0x10, s20;
	[tilespmem:s19+$0x19200] =	vst v1;
	s19 =	simm.s32 $0x0  }
0x85: {  	s18 =	sand.u32 $0x70, s19;
	s20 =	sand.u32 $0xC00, s19  }
0x86: {  	s18 =	sor.u32 s18, s20  }
0x87: {  	s21 =	simm.s32 $0x0;
	s20 =	simm.s32 $0x10;
	[tilespmem:s18+$0x19280] =	vst v1  }
.LBB2_28:
0x88: {  	p0 =	sne.s32 s20, $0x180  }
.Ltmp15:
0x89: {  	_ = 	snop;
	(pc) =	sbr.rel @p0 .LBB2_28-.Ltmp15, $4  }
0x8a: {  	s21 =	sadd.s32 $0x80, s21  }
0x8b: {  	s22 =	sand.u32 $0x70, s20;
	s23 =	sand.u32 $0xC00, s21  }
0x8c: {  	s22 =	sor.u32 s22, s23  }
0x8d: {  	s20 =	sadd.s32 $0x10, s20;
	[tilespmem:s22+$0x19280] =	vst v1  }
0x8e: {  	s20 =	simm.s32 $0x10;
	[tilespmem:s18+$0x19300] =	vst v1  }
.LBB2_30:
0x8f: {  	p0 =	sne.s32 s20, $0x180  }
.Ltmp16:
0x90: {  	_ = 	snop;
	(pc) =	sbr.rel @p0 .LBB2_30-.Ltmp16, $4  }
0x91: {  	s19 =	sadd.s32 $0x80, s19  }
0x92: {  	s18 =	sand.u32 $0x70, s20;
	s21 =	sand.u32 $0xC00, s19  }
0x93: {  	s18 =	sor.u32 s18, s21  }
0x94: {  	s20 =	sadd.s32 $0x10, s20;
	[tilespmem:s18+$0x19300] =	vst v1;
	s18 =	simm.s32 $0x0  }
0x95: {  	s19 =	sand.u32 $0x70, s18;
	s20 =	sand.u32 $0xC00, s18  }
0x96: {  	s21 =	sor.u32 s19, s20  }
0x97: {  	s20 =	simm.s32 $0x10;
	[tilespmem:s21+$0x19380] =	vst v1;
	s21 =	simm.s32 $0x0  }
.LBB2_32:
0x98: {  	p0 =	sne.s32 s20, $0x180  }
.Ltmp17:
0x99: {  	_ = 	snop;
	(pc) =	sbr.rel @p0 .LBB2_32-.Ltmp17, $4  }
0x9a: {  	s21 =	sadd.s32 $0x80, s21  }
0x9b: {  	s22 =	sand.u32 $0x70, s20;
	s23 =	sand.u32 $0xC00, s21  }
0x9c: {  	s22 =	sor.u32 s22, s23  }
0x9d: {  	s20 =	sadd.s32 $0x10, s20;
	[tilespmem:s22+$0x19380] =	vst v1  }
0x9e: {  	s20 =	sand.u32 $0xFC00, s18  }
0x9f: {  	s19 =	sor.u32 s19, s20  }
0xa0: {  	s20 =	simm.s32 $0x10;
	[tilespmem:s19+$0xC800] =	vst v1  }
.LBB2_34:
0xa1: {  	p0 =	sne.s32 s20, $0x18F0  }
.Ltmp18:
0xa2: {  	_ = 	snop;
	(pc) =	sbr.rel @p0 .LBB2_34-.Ltmp18, $4  }
0xa3: {  	s18 =	sadd.s32 $0x80, s18  }
0xa4: {  	s19 =	sand.u32 $0x70, s20;
	s21 =	sand.u32 $0xFC00, s18  }
0xa5: {  	s19 =	sor.u32 s19, s21  }
0xa6: {  	s20 =	sadd.s32 $0x10, s20;
	[tilespmem:s19+$0xC800] =	vst v1;
	s19 =	simm.s32 $0x0  }
0xa7: {  	s18 =	sand.u32 $0x70, s19;
	s20 =	sand.u32 $0xFC00, s19  }
0xa8: {  	s18 =	sor.u32 s18, s20  }
0xa9: {  	s21 =	simm.s32 $0x0;
	s20 =	simm.s32 $0x10;
	[tilespmem:s18+$0xC880] =	vst v1  }
.LBB2_36:
0xaa: {  	p0 =	sne.s32 s20, $0x18F0  }
.Ltmp19:
0xab: {  	_ = 	snop;
	(pc) =	sbr.rel @p0 .LBB2_36-.Ltmp19, $4  }
0xac: {  	s21 =	sadd.s32 $0x80, s21  }
0xad: {  	s22 =	sand.u32 $0x70, s20;
	s23 =	sand.u32 $0xFC00, s21  }
0xae: {  	s22 =	sor.u32 s22, s23  }
0xaf: {  	s20 =	sadd.s32 $0x10, s20;
	[tilespmem:s22+$0xC880] =	vst v1  }
0xb0: {  	s20 =	simm.s32 $0x10;
	[tilespmem:s18+$0xC900] =	vst v1  }
.LBB2_38:
0xb1: {  	p0 =	sne.s32 s20, $0x18F0  }
.Ltmp20:
0xb2: {  	_ = 	snop;
	(pc) =	sbr.rel @p0 .LBB2_38-.Ltmp20, $4  }
0xb3: {  	s19 =	sadd.s32 $0x80, s19  }
0xb4: {  	s18 =	sand.u32 $0x70, s20;
	s21 =	sand.u32 $0xFC00, s19  }
0xb5: {  	s18 =	sor.u32 s18, s21  }
0xb6: {  	s20 =	sadd.s32 $0x10, s20;
	[tilespmem:s18+$0xC900] =	vst v1;
	s18 =	simm.s32 $0x0  }
0xb7: {  	s19 =	sand.u32 $0x70, s18;
	s20 =	sand.u32 $0xFC00, s18  }
0xb8: {  	s19 =	sor.u32 s19, s20  }
0xb9: {  	s21 =	simm.s32 $0x0;
	s20 =	simm.s32 $0x10;
	[tilespmem:s19+$0xC980] =	vst v1  }
.LBB2_40:
0xba: {  	p0 =	sne.s32 s20, $0x18F0  }
.Ltmp21:
0xbb: {  	_ = 	snop;
	(pc) =	sbr.rel @p0 .LBB2_40-.Ltmp21, $4  }
0xbc: {  	s21 =	sadd.s32 $0x80, s21  }
0xbd: {  	s22 =	sand.u32 $0x70, s20;
	s23 =	sand.u32 $0xFC00, s21  }
0xbe: {  	s22 =	sor.u32 s22, s23  }
0xbf: {  	s20 =	sadd.s32 $0x10, s20;
	[tilespmem:s22+$0xC980] =	vst v1  }
0xc0: {  	s20 =	simm.s32 $0x10;
	[tilespmem:s19+$0xCA00] =	vst v1  }
.LBB2_42:
0xc1: {  	p0 =	sne.s32 s20, $0x18F0  }
.Ltmp22:
0xc2: {  	_ = 	snop;
	(pc) =	sbr.rel @p0 .LBB2_42-.Ltmp22, $4  }
0xc3: {  	s18 =	sadd.s32 $0x80, s18  }
0xc4: {  	s19 =	sand.u32 $0x70, s20;
	s21 =	sand.u32 $0xFC00, s18  }
0xc5: {  	s19 =	sor.u32 s19, s21  }
0xc6: {  	s20 =	sadd.s32 $0x10, s20;
	[tilespmem:s19+$0xCA00] =	vst v1;
	s19 =	simm.s32 $0x0  }
0xc7: {  	s18 =	sand.u32 $0x70, s19;
	s20 =	sand.u32 $0xFC00, s19  }
0xc8: {  	s18 =	sor.u32 s18, s20  }
0xc9: {  	s21 =	simm.s32 $0x0;
	s20 =	simm.s32 $0x10;
	[tilespmem:s18+$0xCA80] =	vst v1  }
.LBB2_44:
0xca: {  	p0 =	sne.s32 s20, $0x18F0  }
.Ltmp23:
0xcb: {  	_ = 	snop;
	(pc) =	sbr.rel @p0 .LBB2_44-.Ltmp23, $4  }
0xcc: {  	s21 =	sadd.s32 $0x80, s21  }
0xcd: {  	s22 =	sand.u32 $0x70, s20;
	s23 =	sand.u32 $0xFC00, s21  }
0xce: {  	s22 =	sor.u32 s22, s23  }
0xcf: {  	s20 =	sadd.s32 $0x10, s20;
	[tilespmem:s22+$0xCA80] =	vst v1  }
0xd0: {  	s20 =	simm.s32 $0x10;
	[tilespmem:s18+$0xCB00] =	vst v1  }
.LBB2_46:
0xd1: {  	p0 =	sne.s32 s20, $0x18F0  }
.Ltmp24:
0xd2: {  	_ = 	snop;
	(pc) =	sbr.rel @p0 .LBB2_46-.Ltmp24, $4  }
0xd3: {  	s19 =	sadd.s32 $0x80, s19  }
0xd4: {  	s18 =	sand.u32 $0x70, s20;
	s21 =	sand.u32 $0xFC00, s19  }
0xd5: {  	s18 =	sor.u32 s18, s21  }
0xd6: {  	s20 =	sadd.s32 $0x10, s20;
	[tilespmem:s18+$0xCB00] =	vst v1;
	s18 =	simm.s32 $0x0  }
0xd7: {  	s19 =	sand.u32 $0x70, s18;
	s20 =	sand.u32 $0xFC00, s18  }
0xd8: {  	s21 =	sor.u32 s19, s20  }
0xd9: {  	s20 =	simm.s32 $0x10;
	[tilespmem:s21+$0xCB80] =	vst v1;
	s21 =	simm.s32 $0x0  }
.LBB2_48:
0xda: {  	p0 =	sne.s32 s20, $0x18F0  }
.Ltmp25:
0xdb: {  	_ = 	snop;
	(pc) =	sbr.rel @p0 .LBB2_48-.Ltmp25, $4  }
0xdc: {  	s21 =	sadd.s32 $0x80, s21  }
0xdd: {  	s22 =	sand.u32 $0x70, s20;
	s23 =	sand.u32 $0xFC00, s21  }
0xde: {  	s22 =	sor.u32 s22, s23  }
0xdf: {  	s20 =	sadd.s32 $0x10, s20;
	[tilespmem:s22+$0xCB80] =	vst v1  }
0xe0: {  	s20 =	sand.u32 $0xC00, s18  }
0xe1: {  	s19 =	sor.u32 s19, s20  }
0xe2: {  	s20 =	simm.s32 $0x10;
	[tilespmem:s19+$0x1A000] =	vst v1  }
.LBB2_50:
0xe3: {  	p0 =	sne.s32 s20, $0x180  }
.Ltmp26:
0xe4: {  	_ = 	snop;
	(pc) =	sbr.rel @p0 .LBB2_50-.Ltmp26, $4  }
0xe5: {  	s18 =	sadd.s32 $0x80, s18  }
0xe6: {  	s19 =	sand.u32 $0x70, s20;
	s21 =	sand.u32 $0xC00, s18  }
0xe7: {  	s19 =	sor.u32 s19, s21  }
0xe8: {  	s20 =	sadd.s32 $0x10, s20;
	[tilespmem:s19+$0x1A000] =	vst v1;
	s19 =	simm.s32 $0x0  }
0xe9: {  	s18 =	sand.u32 $0x70, s19;
	s20 =	sand.u32 $0xC00, s19  }
0xea: {  	s18 =	sor.u32 s18, s20  }
0xeb: {  	s21 =	simm.s32 $0x0;
	s20 =	simm.s32 $0x10;
	[tilespmem:s18+$0x1A080] =	vst v1  }
.LBB2_52:
0xec: {  	p0 =	sne.s32 s20, $0x180  }
.Ltmp27:
0xed: {  	_ = 	snop;
	(pc) =	sbr.rel @p0 .LBB2_52-.Ltmp27, $4  }
0xee: {  	s21 =	sadd.s32 $0x80, s21  }
0xef: {  	s22 =	sand.u32 $0x70, s20;
	s23 =	sand.u32 $0xC00, s21  }
0xf0: {  	s22 =	sor.u32 s22, s23  }
0xf1: {  	s20 =	sadd.s32 $0x10, s20;
	[tilespmem:s22+$0x1A080] =	vst v1  }
0xf2: {  	s20 =	simm.s32 $0x10;
	[tilespmem:s18+$0x1A100] =	vst v1  }
.LBB2_54:
0xf3: {  	p0 =	sne.s32 s20, $0x180  }
.Ltmp28:
0xf4: {  	_ = 	snop;
	(pc) =	sbr.rel @p0 .LBB2_54-.Ltmp28, $4  }
0xf5: {  	s19 =	sadd.s32 $0x80, s19  }
0xf6: {  	s18 =	sand.u32 $0x70, s20;
	s21 =	sand.u32 $0xC00, s19  }
0xf7: {  	s18 =	sor.u32 s18, s21  }
0xf8: {  	s20 =	sadd.s32 $0x10, s20;
	[tilespmem:s18+$0x1A100] =	vst v1;
	s18 =	simm.s32 $0x0  }
0xf9: {  	s19 =	sand.u32 $0x70, s18;
	s20 =	sand.u32 $0xC00, s18  }
0xfa: {  	s19 =	sor.u32 s19, s20  }
0xfb: {  	s21 =	simm.s32 $0x0;
	s20 =	simm.s32 $0x10;
	[tilespmem:s19+$0x1A180] =	vst v1  }
.LBB2_56:
0xfc: {  	p0 =	sne.s32 s20, $0x180  }
.Ltmp29:
0xfd: {  	_ = 	snop;
	(pc) =	sbr.rel @p0 .LBB2_56-.Ltmp29, $4  }
0xfe: {  	s21 =	sadd.s32 $0x80, s21  }
0xff: {  	s22 =	sand.u32 $0x70, s20;
	s23 =	sand.u32 $0xC00, s21  }
0x100: {  	s22 =	sor.u32 s22, s23  }
0x101: {  	s20 =	sadd.s32 $0x10, s20;
	[tilespmem:s22+$0x1A180] =	vst v1  }
0x102: {  	s20 =	simm.s32 $0x10;
	[tilespmem:s19+$0x1A200] =	vst v1  }
.LBB2_58:
0x103: {  	p0 =	sne.s32 s20, $0x180  }
.Ltmp30:
0x104: {  	_ = 	snop;
	(pc) =	sbr.rel @p0 .LBB2_58-.Ltmp30, $4  }
0x105: {  	s18 =	sadd.s32 $0x80, s18  }
0x106: {  	s19 =	sand.u32 $0x70, s20;
	s21 =	sand.u32 $0xC00, s18  }
0x107: {  	s19 =	sor.u32 s19, s21  }
0x108: {  	s20 =	sadd.s32 $0x10, s20;
	[tilespmem:s19+$0x1A200] =	vst v1;
	s19 =	simm.s32 $0x0  }
0x109: {  	s18 =	sand.u32 $0x70, s19;
	s20 =	sand.u32 $0xC00, s19  }
0x10a: {  	s18 =	sor.u32 s18, s20  }
0x10b: {  	s21 =	simm.s32 $0x0;
	s20 =	simm.s32 $0x10;
	[tilespmem:s18+$0x1A280] =	vst v1  }
.LBB2_60:
0x10c: {  	p0 =	sne.s32 s20, $0x180  }
.Ltmp31:
0x10d: {  	_ = 	snop;
	(pc) =	sbr.rel @p0 .LBB2_60-.Ltmp31, $4  }
0x10e: {  	s21 =	sadd.s32 $0x80, s21  }
0x10f: {  	s22 =	sand.u32 $0x70, s20;
	s23 =	sand.u32 $0xC00, s21  }
0x110: {  	s22 =	sor.u32 s22, s23  }
0x111: {  	s20 =	sadd.s32 $0x10, s20;
	[tilespmem:s22+$0x1A280] =	vst v1  }
0x112: {  	s20 =	simm.s32 $0x10;
	[tilespmem:s18+$0x1A300] =	vst v1  }
.LBB2_62:
0x113: {  	p0 =	sne.s32 s20, $0x180  }
.Ltmp32:
0x114: {  	_ = 	snop;
	(pc) =	sbr.rel @p0 .LBB2_62-.Ltmp32, $4  }
0x115: {  	s19 =	sadd.s32 $0x80, s19  }
0x116: {  	s18 =	sand.u32 $0x70, s20;
	s21 =	sand.u32 $0xC00, s19  }
0x117: {  	s18 =	sor.u32 s18, s21  }
0x118: {  	s20 =	sadd.s32 $0x10, s20;
	[tilespmem:s18+$0x1A300] =	vst v1;
	s18 =	simm.s32 $0x0  }
0x119: {  	s19 =	sand.u32 $0x70, s18;
	s20 =	sand.u32 $0xC00, s18  }
0x11a: {  	s20 =	sor.u32 s19, s20  }
0x11b: {  	s19 =	simm.s32 $0x10;
	[tilespmem:s20+$0x1A380] =	vst v1;
	s20 =	simm.s32 $0x0  }
.LBB2_64:
0x11c: {  	p0 =	sne.s32 s19, $0x180  }
.Ltmp33:
0x11d: {  	_ = 	snop;
	(pc) =	sbr.rel @p0 .LBB2_64-.Ltmp33, $4  }
0x11e: {  	s20 =	sadd.s32 $0x80, s20  }
0x11f: {  	s21 =	sand.u32 $0x70, s19;
	s22 =	sand.u32 $0xC00, s20  }
0x120: {  	s21 =	sor.u32 s21, s22  }
0x121: {  	s19 =	sadd.s32 $0x10, s19;
	[tilespmem:s21+$0x1A380] =	vst v1  }
.Ltmp34:
0x122: {  	(pc) =	sbr.rel .LBB2_66-.Ltmp34, $2  }
0x123: {  	_ =	sdelay $0x2  }
0x124: {  	s19 =	simm.s32 $0x0  }
.LBB2_70:
0x125: {  	v4 =	vld [tilespmem:s20+$0x1B00A]  }
0x126: {  	v5 =	vld [tilespmem:s20+$0x1B000];
	_ =	sdelay $0x4  }
0x127: {  	s21 =	sor.u32 $0x1, s21;
	v4 =	vtrunc.f32 v4;
	v5 =	vtrunc.f32 v5  }
0x128: {  	s23 =	smul.u32 $0x1900, s21;
	v6 =	vcvt.f32.s32 v4;
	v5 =	vcvt.f32.s32 v5;
	_ =	sdelay $0x1  }
0x129: {  	v4 =	vmov s23;
	v6 =	vadd.s32 v2, v6;
	v5 =	vadd.s32 v0, v5  }
0x12a: {  	v7 =	vsub.s32 v6, v4;
	v8 =	vsub.s32 v5, v4;
	v5 =	vand.u32 $0x7F, v5  }
0x12b: {  	v6 =	vand.u32 $0x7F, v6;
	vm2 =	vlt.u32 v8, $0x1900;
	v8 =	vshll.u32 v8, $0x3  }
0x12c: {  	vm1 =	vlt.u32 v7, $0x1900;
	v7 =	vshll.u32 v7, $0x3;
	v8 =	vand.u32 $0xFFFFFC00, v8  }
0x12d: {  	vm1 =	vmand vm1, vm0;
	v7 =	vand.u32 $0xFFFFFC00, v7;
	v5 =	vor.u32 v5, v8  }
0x12e: {  	v6 =	vor.u32 v6, v7;
	_ =	sdelay $0x3  }
0x12f: {  	[tilespmem:v5+s10+$0x0] =	vst.idx.msk vm2, v3  }
0x130: {  	[tilespmem:v6+s10+$0x0] =	vst.idx.msk vm1, v3  }
0x131: {  	v5 =	vld [tilespmem:s20+$0x1B01A]  }
0x132: {  	v6 =	vld [tilespmem:s20+$0x1B024];
	_ =	sdelay $0x4  }
0x133: {  	v5 =	vtrunc.f32 v5;
	v6 =	vtrunc.f32 v6  }
0x134: {  	v5 =	vcvt.f32.s32 v5;
	v6 =	vcvt.f32.s32 v6;
	_ =	sdelay $0x1  }
0x135: {  	v5 =	vadd.s32 v0, v5;
	v6 =	vadd.s32 v2, v6  }
0x136: {  	v45 =	vsub.s32 v5, v4;
	v46 =	vsub.s32 v6, v4  }
0x137: {  	v5 =	vand.u32 $0x7F, v5;
	v6 =	vand.u32 $0x7F, v6;
	v7 =	vshll.u32 v45, $0x3  }
0x138: {  	vm1 =	vlt.u32 v45, $0x1900;
	v8 =	vshll.u32 v46, $0x3;
	v7 =	vand.u32 $0xFFFFFC00, v7  }
0x139: {  	vm2 =	vlt.u32 v46, $0x1900;
	v47 =	vand.u32 $0xFFFFFC00, v8;
	v5 =	vor.u32 v7, v5  }
0x13a: {  	vm2 =	vmand vm2, vm0;
	v6 =	vor.u32 v47, v6;
	v5 =	vor.u32 $0x80, v5  }
0x13b: {  	v6 =	vor.u32 $0x80, v6;
	_ =	sdelay $0x3  }
0x13c: {  	[tilespmem:v5+s10+$0x0] =	vst.idx.msk vm1, v3  }
0x13d: {  	[tilespmem:v6+s10+$0x0] =	vst.idx.msk vm2, v3  }
0x13e: {  	v5 =	vld [tilespmem:s20+$0x1B034]  }
0x13f: {  	v6 =	vld [tilespmem:s20+$0x1B03E];
	_ =	sdelay $0x4  }
0x140: {  	v5 =	vtrunc.f32 v5;
	v6 =	vtrunc.f32 v6  }
0x141: {  	v5 =	vcvt.f32.s32 v5;
	v6 =	vcvt.f32.s32 v6;
	_ =	sdelay $0x1  }
0x142: {  	v5 =	vadd.s32 v0, v5;
	v6 =	vadd.s32 v2, v6  }
0x143: {  	v48 =	vsub.s32 v5, v4;
	v49 =	vsub.s32 v6, v4  }
0x144: {  	v5 =	vand.u32 $0x7F, v5;
	v6 =	vand.u32 $0x7F, v6;
	v7 =	vshll.u32 v48, $0x3  }
0x145: {  	vm1 =	vlt.u32 v48, $0x1900;
	v8 =	vshll.u32 v49, $0x3;
	v7 =	vand.u32 $0xFFFFFC00, v7  }
0x146: {  	vm2 =	vlt.u32 v49, $0x1900;
	v50 =	vand.u32 $0xFFFFFC00, v8;
	v5 =	vor.u32 v7, v5  }
0x147: {  	vm2 =	vmand vm2, vm0;
	v6 =	vor.u32 v50, v6;
	v5 =	vor.u32 $0x100, v5  }
0x148: {  	v6 =	vor.u32 $0x100, v6;
	_ =	sdelay $0x3  }
0x149: {  	[tilespmem:v5+s10+$0x0] =	vst.idx.msk vm1, v3  }
0x14a: {  	[tilespmem:v6+s10+$0x0] =	vst.idx.msk vm2, v3  }
0x14b: {  	v5 =	vld [tilespmem:s20+$0x1B04E]  }
0x14c: {  	v6 =	vld [tilespmem:s20+$0x1B058];
	_ =	sdelay $0x4  }
0x14d: {  	v5 =	vtrunc.f32 v5;
	v6 =	vtrunc.f32 v6  }
0x14e: {  	v5 =	vcvt.f32.s32 v5;
	v6 =	vcvt.f32.s32 v6;
	_ =	sdelay $0x1  }
0x14f: {  	v5 =	vadd.s32 v0, v5;
	v6 =	vadd.s32 v2, v6  }
0x150: {  	v51 =	vsub.s32 v5, v4;
	v52 =	vsub.s32 v6, v4  }
0x151: {  	v5 =	vand.u32 $0x7F, v5;
	v6 =	vand.u32 $0x7F, v6;
	v7 =	vshll.u32 v51, $0x3  }
0x152: {  	vm1 =	vlt.u32 v51, $0x1900;
	v8 =	vshll.u32 v52, $0x3;
	v7 =	vand.u32 $0xFFFFFC00, v7  }
0x153: {  	vm2 =	vlt.u32 v52, $0x1900;
	v53 =	vand.u32 $0xFFFFFC00, v8;
	v5 =	vor.u32 v7, v5  }
0x154: {  	vm2 =	vmand vm2, vm0;
	v6 =	vor.u32 v53, v6;
	v5 =	vor.u32 $0x180, v5  }
0x155: {  	v6 =	vor.u32 $0x180, v6;
	_ =	sdelay $0x3  }
0x156: {  	[tilespmem:v5+s10+$0x0] =	vst.idx.msk vm1, v3  }
0x157: {  	[tilespmem:v6+s10+$0x0] =	vst.idx.msk vm2, v3  }
0x158: {  	v5 =	vld [tilespmem:s20+$0x1B068]  }
0x159: {  	v6 =	vld [tilespmem:s20+$0x1B072];
	_ =	sdelay $0x4  }
0x15a: {  	v5 =	vtrunc.f32 v5;
	v6 =	vtrunc.f32 v6  }
0x15b: {  	v5 =	vcvt.f32.s32 v5;
	v6 =	vcvt.f32.s32 v6;
	_ =	sdelay $0x1  }
0x15c: {  	v5 =	vadd.s32 v0, v5;
	v6 =	vadd.s32 v2, v6  }
0x15d: {  	v54 =	vsub.s32 v5, v4;
	v55 =	vsub.s32 v6, v4  }
0x15e: {  	v5 =	vand.u32 $0x7F, v5;
	v6 =	vand.u32 $0x7F, v6;
	v7 =	vshll.u32 v54, $0x3  }
0x15f: {  	vm1 =	vlt.u32 v54, $0x1900;
	v8 =	vshll.u32 v55, $0x3;
	v7 =	vand.u32 $0xFFFFFC00, v7  }
0x160: {  	vm2 =	vlt.u32 v55, $0x1900;
	v56 =	vand.u32 $0xFFFFFC00, v8;
	v5 =	vor.u32 v7, v5  }
0x161: {  	vm2 =	vmand vm2, vm0;
	v6 =	vor.u32 v56, v6;
	v5 =	vor.u32 $0x200, v5  }
0x162: {  	v6 =	vor.u32 $0x200, v6;
	_ =	sdelay $0x3  }
0x163: {  	[tilespmem:v5+s10+$0x0] =	vst.idx.msk vm1, v3  }
0x164: {  	[tilespmem:v6+s10+$0x0] =	vst.idx.msk vm2, v3  }
0x165: {  	v5 =	vld [tilespmem:s20+$0x1B082]  }
0x166: {  	v6 =	vld [tilespmem:s20+$0x1B08C];
	_ =	sdelay $0x4  }
0x167: {  	v5 =	vtrunc.f32 v5;
	v6 =	vtrunc.f32 v6  }
0x168: {  	v5 =	vcvt.f32.s32 v5;
	v6 =	vcvt.f32.s32 v6;
	_ =	sdelay $0x1  }
0x169: {  	v5 =	vadd.s32 v0, v5;
	v6 =	vadd.s32 v2, v6  }
0x16a: {  	v57 =	vsub.s32 v5, v4;
	v58 =	vsub.s32 v6, v4  }
0x16b: {  	v5 =	vand.u32 $0x7F, v5;
	v6 =	vand.u32 $0x7F, v6;
	v7 =	vshll.u32 v57, $0x3  }
0x16c: {  	vm1 =	vlt.u32 v57, $0x1900;
	v8 =	vshll.u32 v58, $0x3;
	v7 =	vand.u32 $0xFFFFFC00, v7  }
0x16d: {  	vm2 =	vlt.u32 v58, $0x1900;
	v59 =	vand.u32 $0xFFFFFC00, v8;
	v5 =	vor.u32 v7, v5  }
0x16e: {  	vm2 =	vmand vm2, vm0;
	v6 =	vor.u32 v59, v6;
	v5 =	vor.u32 $0x280, v5  }
0x16f: {  	v6 =	vor.u32 $0x280, v6;
	_ =	sdelay $0x3  }
0x170: {  	[tilespmem:v5+s10+$0x0] =	vst.idx.msk vm1, v3  }
0x171: {  	[tilespmem:v6+s10+$0x0] =	vst.idx.msk vm2, v3  }
0x172: {  	v5 =	vld [tilespmem:s20+$0x1B09C]  }
0x173: {  	v6 =	vld [tilespmem:s20+$0x1B0A6];
	_ =	sdelay $0x4  }
0x174: {  	v5 =	vtrunc.f32 v5;
	v6 =	vtrunc.f32 v6  }
0x175: {  	v5 =	vcvt.f32.s32 v5;
	v6 =	vcvt.f32.s32 v6;
	_ =	sdelay $0x1  }
0x176: {  	v5 =	vadd.s32 v0, v5;
	v6 =	vadd.s32 v2, v6  }
0x177: {  	v60 =	vsub.s32 v5, v4;
	v61 =	vsub.s32 v6, v4  }
0x178: {  	v5 =	vand.u32 $0x7F, v5;
	v6 =	vand.u32 $0x7F, v6;
	v7 =	vshll.u32 v60, $0x3  }
0x179: {  	vm1 =	vlt.u32 v60, $0x1900;
	v8 =	vshll.u32 v61, $0x3;
	v7 =	vand.u32 $0xFFFFFC00, v7  }
0x17a: {  	vm2 =	vlt.u32 v61, $0x1900;
	v62 =	vand.u32 $0xFFFFFC00, v8;
	v5 =	vor.u32 v7, v5  }
0x17b: {  	vm2 =	vmand vm2, vm0;
	v6 =	vor.u32 v62, v6;
	v5 =	vor.u32 $0x300, v5  }
0x17c: {  	v6 =	vor.u32 $0x300, v6;
	_ =	sdelay $0x3  }
0x17d: {  	[tilespmem:v5+s10+$0x0] =	vst.idx.msk vm1, v3  }
0x17e: {  	[tilespmem:v6+s10+$0x0] =	vst.idx.msk vm2, v3  }
0x17f: {  	v5 =	vld [tilespmem:s20+$0x1B0B6]  }
0x180: {  	v6 =	vld [tilespmem:s20+$0x1B0C0];
	_ =	sdelay $0x4  }
0x181: {  	v5 =	vtrunc.f32 v5;
	v6 =	vtrunc.f32 v6  }
0x182: {  	v5 =	vcvt.f32.s32 v5;
	v6 =	vcvt.f32.s32 v6;
	_ =	sdelay $0x1  }
0x183: {  	v5 =	vadd.s32 v0, v5;
	v6 =	vadd.s32 v2, v6  }
0x184: {  	v63 =	vsub.s32 v5, v4;
	v4 =	vsub.s32 v6, v4  }
0x185: {  	v5 =	vand.u32 $0x7F, v5;
	v6 =	vand.u32 $0x7F, v6;
	v7 =	vshll.u32 v63, $0x3  }
0x186: {  	vm2 =	vlt.u32 v4, $0x1900;
	v4 =	vshll.u32 v4, $0x3;
	v7 =	vand.u32 $0xFFFFFC00, v7  }
0x187: {  	vm1 =	vlt.u32 v63, $0x1900;
	v4 =	vand.u32 $0xFFFFFC00, v4;
	v5 =	vor.u32 v7, v5  }
0x188: {  	vm2 =	vmand vm2, vm0;
	v4 =	vor.u32 v4, v6;
	v5 =	vor.u32 $0x380, v5  }
0x189: {  	s18 =	sadd.s32 $0x2, s18;
	v4 =	vor.u32 $0x380, v4  }
0x18a: {  	s30 =	smul.u32 $0xC800, s21;
	p0 =	sne.s32 s18, $0x3C  }
.Ltmp35:
0x18b: {  	_ = 	snop;
	(pc) =	sbr.rel @!p0 .LBB2_71-.Ltmp35, $4  }
0x18c: {  	s20 =	sadd.s32 s22, s30  }
0x18d: {  	s20 =	sshrl.u32 s20, $0x3;
	[tilespmem:v5+s10+$0x0] =	vst.idx.msk vm1, v3  }
0x18e: {  	s19 =	sadd.s32 $0x1, s19;
	s31 =	sadd.s32 s3, s20;
	s20 =	simm.s32 $0x0;
	[tilespmem:v4+s10+$0x0] =	vst.idx.msk vm2, v3  }
0x18f: {  	[hbm4b:s31+s20] =	stream.linear.scatter [tilespmem:s10], [sflag:$0x2], $0xC800, $0x38;
	[tilespmem:$0x1BC80] =	vst v63  }
.LBB2_66:
0x190: {  	p0 =	seq.s32 s18, $0x0  }
.Ltmp36:
0x191: {  	_ = 	snop;
	(pc) =	sbr.rel @p0 .LBB2_68-.Ltmp36, $1  }
0x192: {  	_ =	sdelay $0x3  }
0x193: {  	s21 =	sadd.s32 $0xFFFFFFFE, s18  }
0x194: {  	s20 =	sshll.u32 s21, $0x18  }
0x195: {  	s20 =	sshra.s32 s20, $0x1F  }
0x196: {  	s20 =	sand.u32 $0x3, s20  }
0x197: {  	s20 =	sadd.s32 s20, s21  }
0x198: {  	s22 =	sand.u32 $0xFF, s21;
	s23 =	sand.u32 $0xFC, s20  }
0x199: {  	p1 =	seq.s32 s18, $0x2;
	p2 =	sne.s32 s22, s23  }
0x19a: {  	p1 =	por !p1, !p2  }
0x19b: {  	s20 =	sshll.u32 s20, $0x18;
	s22 =	simm.s32 $0x1;
	p1 =	por !p1, !p1  }
0x19c: {  	s20 =	sshra.s32 s20, $0x1A;
	s22 =	simm.s32 @!p1 $0x0  }
0x19d: {  	s20 =	ssub.s32 s20, s22  }
0x19e: {  	_ =	swait.ge [sflag:s13], $0xC800;
	s20 =	smul.u32 $0x340, s20  }
0x19f: {  	[sflag:s13] =	ssyncset.done $0x0  }
0x1a0: {  	[sflag:s13] =	ssyncadd.s32 $0xFFFF3800;
	s20 =	sshra.s32 s20, $0x2  }
0x1a1: {  	v4 =	vld [tilespmem:s20+$0x1B00A]  }
0x1a2: {  	v5 =	vld [tilespmem:s20+$0x1B000];
	_ =	sdelay $0x4  }
0x1a3: {  	s21 =	sand.u32 $0x2, s21;
	v4 =	vtrunc.f32 v4;
	v5 =	vtrunc.f32 v5  }
0x1a4: {  	s21 =	smul.u32 $0x1900, s21;
	v6 =	vcvt.f32.s32 v4;
	v5 =	vcvt.f32.s32 v5;
	_ =	sdelay $0x1  }
0x1a5: {  	v4 =	vmov s21;
	v6 =	vadd.s32 v2, v6;
	v5 =	vadd.s32 v0, v5  }
0x1a6: {  	v7 =	vsub.s32 v6, v4;
	v8 =	vsub.s32 v5, v4;
	v5 =	vand.u32 $0x7F, v5  }
0x1a7: {  	v6 =	vand.u32 $0x7F, v6;
	vm2 =	vlt.u32 v8, $0x1900;
	v8 =	vshll.u32 v8, $0x3  }
0x1a8: {  	vm1 =	vlt.u32 v7, $0x1900;
	v7 =	vshll.u32 v7, $0x3;
	v8 =	vand.u32 $0xFFFFFC00, v8  }
0x1a9: {  	vm1 =	vmand vm1, vm0;
	v7 =	vand.u32 $0xFFFFFC00, v7;
	v5 =	vor.u32 v5, v8  }
0x1aa: {  	v6 =	vor.u32 v6, v7;
	_ =	sdelay $0x3  }
0x1ab: {  	[tilespmem:v5+s2+$0x0] =	vst.idx.msk vm2, v1  }
0x1ac: {  	[tilespmem:v6+s2+$0x0] =	vst.idx.msk vm1, v1  }
0x1ad: {  	v5 =	vld [tilespmem:s20+$0x1B01A]  }
0x1ae: {  	v6 =	vld [tilespmem:s20+$0x1B024];
	_ =	sdelay $0x4  }
0x1af: {  	v5 =	vtrunc.f32 v5;
	v6 =	vtrunc.f32 v6  }
0x1b0: {  	v5 =	vcvt.f32.s32 v5;
	v6 =	vcvt.f32.s32 v6;
	_ =	sdelay $0x1  }
0x1b1: {  	v5 =	vadd.s32 v0, v5;
	v6 =	vadd.s32 v2, v6  }
0x1b2: {  	v45 =	vsub.s32 v5, v4;
	v46 =	vsub.s32 v6, v4  }
0x1b3: {  	v5 =	vand.u32 $0x7F, v5;
	v6 =	vand.u32 $0x7F, v6;
	v7 =	vshll.u32 v45, $0x3  }
0x1b4: {  	vm1 =	vlt.u32 v45, $0x1900;
	v8 =	vshll.u32 v46, $0x3;
	v7 =	vand.u32 $0xFFFFFC00, v7  }
0x1b5: {  	vm2 =	vlt.u32 v46, $0x1900;
	v47 =	vand.u32 $0xFFFFFC00, v8;
	v5 =	vor.u32 v7, v5  }
0x1b6: {  	vm2 =	vmand vm2, vm0;
	v6 =	vor.u32 v47, v6;
	v5 =	vor.u32 $0x80, v5  }
0x1b7: {  	v6 =	vor.u32 $0x80, v6;
	_ =	sdelay $0x3  }
0x1b8: {  	[tilespmem:v5+s2+$0x0] =	vst.idx.msk vm1, v1  }
0x1b9: {  	[tilespmem:v6+s2+$0x0] =	vst.idx.msk vm2, v1  }
0x1ba: {  	v5 =	vld [tilespmem:s20+$0x1B034]  }
0x1bb: {  	v6 =	vld [tilespmem:s20+$0x1B03E];
	_ =	sdelay $0x4  }
0x1bc: {  	v5 =	vtrunc.f32 v5;
	v6 =	vtrunc.f32 v6  }
0x1bd: {  	v5 =	vcvt.f32.s32 v5;
	v6 =	vcvt.f32.s32 v6;
	_ =	sdelay $0x1  }
0x1be: {  	v5 =	vadd.s32 v0, v5;
	v6 =	vadd.s32 v2, v6  }
0x1bf: {  	v48 =	vsub.s32 v5, v4;
	v49 =	vsub.s32 v6, v4  }
0x1c0: {  	v5 =	vand.u32 $0x7F, v5;
	v6 =	vand.u32 $0x7F, v6;
	v7 =	vshll.u32 v48, $0x3  }
0x1c1: {  	vm1 =	vlt.u32 v48, $0x1900;
	v8 =	vshll.u32 v49, $0x3;
	v7 =	vand.u32 $0xFFFFFC00, v7  }
0x1c2: {  	vm2 =	vlt.u32 v49, $0x1900;
	v50 =	vand.u32 $0xFFFFFC00, v8;
	v5 =	vor.u32 v7, v5  }
0x1c3: {  	vm2 =	vmand vm2, vm0;
	v6 =	vor.u32 v50, v6;
	v5 =	vor.u32 $0x100, v5  }
0x1c4: {  	v6 =	vor.u32 $0x100, v6;
	_ =	sdelay $0x3  }
0x1c5: {  	[tilespmem:v5+s2+$0x0] =	vst.idx.msk vm1, v1  }
0x1c6: {  	[tilespmem:v6+s2+$0x0] =	vst.idx.msk vm2, v1  }
0x1c7: {  	v5 =	vld [tilespmem:s20+$0x1B04E]  }
0x1c8: {  	v6 =	vld [tilespmem:s20+$0x1B058];
	_ =	sdelay $0x4  }
0x1c9: {  	v5 =	vtrunc.f32 v5;
	v6 =	vtrunc.f32 v6  }
0x1ca: {  	v5 =	vcvt.f32.s32 v5;
	v6 =	vcvt.f32.s32 v6;
	_ =	sdelay $0x1  }
0x1cb: {  	v5 =	vadd.s32 v0, v5;
	v6 =	vadd.s32 v2, v6  }
0x1cc: {  	v51 =	vsub.s32 v5, v4;
	v52 =	vsub.s32 v6, v4  }
0x1cd: {  	v5 =	vand.u32 $0x7F, v5;
	v6 =	vand.u32 $0x7F, v6;
	v7 =	vshll.u32 v51, $0x3  }
0x1ce: {  	vm1 =	vlt.u32 v51, $0x1900;
	v8 =	vshll.u32 v52, $0x3;
	v7 =	vand.u32 $0xFFFFFC00, v7  }
0x1cf: {  	vm2 =	vlt.u32 v52, $0x1900;
	v53 =	vand.u32 $0xFFFFFC00, v8;
	v5 =	vor.u32 v7, v5  }
0x1d0: {  	vm2 =	vmand vm2, vm0;
	v6 =	vor.u32 v53, v6;
	v5 =	vor.u32 $0x180, v5  }
0x1d1: {  	v6 =	vor.u32 $0x180, v6;
	_ =	sdelay $0x3  }
0x1d2: {  	[tilespmem:v5+s2+$0x0] =	vst.idx.msk vm1, v1  }
0x1d3: {  	[tilespmem:v6+s2+$0x0] =	vst.idx.msk vm2, v1  }
0x1d4: {  	v5 =	vld [tilespmem:s20+$0x1B068]  }
0x1d5: {  	v6 =	vld [tilespmem:s20+$0x1B072];
	_ =	sdelay $0x4  }
0x1d6: {  	v5 =	vtrunc.f32 v5;
	v6 =	vtrunc.f32 v6  }
0x1d7: {  	v5 =	vcvt.f32.s32 v5;
	v6 =	vcvt.f32.s32 v6;
	_ =	sdelay $0x1  }
0x1d8: {  	v5 =	vadd.s32 v0, v5;
	v6 =	vadd.s32 v2, v6  }
0x1d9: {  	v54 =	vsub.s32 v5, v4;
	v55 =	vsub.s32 v6, v4  }
0x1da: {  	v5 =	vand.u32 $0x7F, v5;
	v6 =	vand.u32 $0x7F, v6;
	v7 =	vshll.u32 v54, $0x3  }
0x1db: {  	vm1 =	vlt.u32 v54, $0x1900;
	v8 =	vshll.u32 v55, $0x3;
	v7 =	vand.u32 $0xFFFFFC00, v7  }
0x1dc: {  	vm2 =	vlt.u32 v55, $0x1900;
	v56 =	vand.u32 $0xFFFFFC00, v8;
	v5 =	vor.u32 v7, v5  }
0x1dd: {  	vm2 =	vmand vm2, vm0;
	v6 =	vor.u32 v56, v6;
	v5 =	vor.u32 $0x200, v5  }
0x1de: {  	v6 =	vor.u32 $0x200, v6;
	_ =	sdelay $0x3  }
0x1df: {  	[tilespmem:v5+s2+$0x0] =	vst.idx.msk vm1, v1  }
0x1e0: {  	[tilespmem:v6+s2+$0x0] =	vst.idx.msk vm2, v1  }
0x1e1: {  	v5 =	vld [tilespmem:s20+$0x1B082]  }
0x1e2: {  	v6 =	vld [tilespmem:s20+$0x1B08C];
	_ =	sdelay $0x4  }
0x1e3: {  	v5 =	vtrunc.f32 v5;
	v6 =	vtrunc.f32 v6  }
0x1e4: {  	v5 =	vcvt.f32.s32 v5;
	v6 =	vcvt.f32.s32 v6;
	_ =	sdelay $0x1  }
0x1e5: {  	v5 =	vadd.s32 v0, v5;
	v6 =	vadd.s32 v2, v6  }
0x1e6: {  	v57 =	vsub.s32 v5, v4;
	v58 =	vsub.s32 v6, v4  }
0x1e7: {  	v5 =	vand.u32 $0x7F, v5;
	v6 =	vand.u32 $0x7F, v6;
	v7 =	vshll.u32 v57, $0x3  }
0x1e8: {  	vm1 =	vlt.u32 v57, $0x1900;
	v8 =	vshll.u32 v58, $0x3;
	v7 =	vand.u32 $0xFFFFFC00, v7  }
0x1e9: {  	vm2 =	vlt.u32 v58, $0x1900;
	v59 =	vand.u32 $0xFFFFFC00, v8;
	v5 =	vor.u32 v7, v5  }
0x1ea: {  	vm2 =	vmand vm2, vm0;
	v6 =	vor.u32 v59, v6;
	v5 =	vor.u32 $0x280, v5  }
0x1eb: {  	v6 =	vor.u32 $0x280, v6;
	_ =	sdelay $0x3  }
0x1ec: {  	[tilespmem:v5+s2+$0x0] =	vst.idx.msk vm1, v1  }
0x1ed: {  	[tilespmem:v6+s2+$0x0] =	vst.idx.msk vm2, v1  }
0x1ee: {  	v5 =	vld [tilespmem:s20+$0x1B09C]  }
0x1ef: {  	v6 =	vld [tilespmem:s20+$0x1B0A6];
	_ =	sdelay $0x4  }
0x1f0: {  	v5 =	vtrunc.f32 v5;
	v6 =	vtrunc.f32 v6  }
0x1f1: {  	v5 =	vcvt.f32.s32 v5;
	v6 =	vcvt.f32.s32 v6;
	_ =	sdelay $0x1  }
0x1f2: {  	v5 =	vadd.s32 v0, v5;
	v6 =	vadd.s32 v2, v6  }
0x1f3: {  	v60 =	vsub.s32 v5, v4;
	v61 =	vsub.s32 v6, v4  }
0x1f4: {  	v5 =	vand.u32 $0x7F, v5;
	v6 =	vand.u32 $0x7F, v6;
	v7 =	vshll.u32 v60, $0x3  }
0x1f5: {  	vm1 =	vlt.u32 v60, $0x1900;
	v8 =	vshll.u32 v61, $0x3;
	v7 =	vand.u32 $0xFFFFFC00, v7  }
0x1f6: {  	vm2 =	vlt.u32 v61, $0x1900;
	v62 =	vand.u32 $0xFFFFFC00, v8;
	v5 =	vor.u32 v7, v5  }
0x1f7: {  	vm2 =	vmand vm2, vm0;
	v6 =	vor.u32 v62, v6;
	v5 =	vor.u32 $0x300, v5  }
0x1f8: {  	v6 =	vor.u32 $0x300, v6;
	_ =	sdelay $0x3  }
0x1f9: {  	[tilespmem:v5+s2+$0x0] =	vst.idx.msk vm1, v1  }
0x1fa: {  	[tilespmem:v6+s2+$0x0] =	vst.idx.msk vm2, v1  }
0x1fb: {  	v5 =	vld [tilespmem:s20+$0x1B0B6]  }
0x1fc: {  	v6 =	vld [tilespmem:s20+$0x1B0C0];
	_ =	sdelay $0x4  }
0x1fd: {  	v5 =	vtrunc.f32 v5;
	v6 =	vtrunc.f32 v6  }
0x1fe: {  	v5 =	vcvt.f32.s32 v5;
	v6 =	vcvt.f32.s32 v6;
	_ =	sdelay $0x1  }
0x1ff: {  	v5 =	vadd.s32 v0, v5;
	v6 =	vadd.s32 v2, v6  }
0x200: {  	v63 =	vsub.s32 v5, v4;
	v4 =	vsub.s32 v6, v4  }
0x201: {  	v5 =	vand.u32 $0x7F, v5;
	v6 =	vand.u32 $0x7F, v6;
	v7 =	vshll.u32 v63, $0x3  }
0x202: {  	vm2 =	vlt.u32 v4, $0x1900;
	v4 =	vshll.u32 v4, $0x3;
	v7 =	vand.u32 $0xFFFFFC00, v7  }
0x203: {  	vm1 =	vlt.u32 v63, $0x1900;
	v4 =	vand.u32 $0xFFFFFC00, v4;
	v5 =	vor.u32 v7, v5  }
0x204: {  	vm2 =	vmand vm2, vm0;
	v4 =	vor.u32 v4, v6;
	v5 =	vor.u32 $0x380, v5  }
0x205: {  	v4 =	vor.u32 $0x380, v4;
	_ =	sdelay $0x3  }
0x206: {  	[tilespmem:v5+s2+$0x0] =	vst.idx.msk vm1, v1  }
0x207: {  	[tilespmem:v4+s2+$0x0] =	vst.idx.msk vm2, v1  }
.LBB2_68:
0x208: {  	s22 =	sshrl.u32 s19, $0x1  }
0x209: {  	s20 =	smul.u32 $0x340, s22;
	_ =	sdelay $0x1  }
0x20a: {  	s20 =	sshra.s32 s20, $0x2  }
0x20b: {  	v4 =	vld [tilespmem:s20+$0x1B00A]  }
0x20c: {  	v5 =	vld [tilespmem:s20+$0x1B000];
	_ =	sdelay $0x4  }
0x20d: {  	s21 =	sand.u32 $0x2, s18;
	v4 =	vtrunc.f32 v4;
	v5 =	vtrunc.f32 v5  }
0x20e: {  	s23 =	smul.u32 $0x1900, s21;
	v6 =	vcvt.f32.s32 v4;
	v5 =	vcvt.f32.s32 v5;
	_ =	sdelay $0x1  }
0x20f: {  	v4 =	vmov s23;
	v6 =	vadd.s32 v2, v6;
	v5 =	vadd.s32 v0, v5  }
0x210: {  	v7 =	vsub.s32 v6, v4;
	v8 =	vsub.s32 v5, v4;
	v5 =	vand.u32 $0x7F, v5  }
0x211: {  	v6 =	vand.u32 $0x7F, v6;
	vm2 =	vlt.u32 v8, $0x1900;
	v8 =	vshll.u32 v8, $0x3  }
0x212: {  	vm1 =	vlt.u32 v7, $0x1900;
	v7 =	vshll.u32 v7, $0x3;
	v8 =	vand.u32 $0xFFFFFC00, v8  }
0x213: {  	vm1 =	vmand vm1, vm0;
	v7 =	vand.u32 $0xFFFFFC00, v7;
	v5 =	vor.u32 v5, v8  }
0x214: {  	v6 =	vor.u32 v6, v7;
	_ =	sdelay $0x3  }
0x215: {  	[tilespmem:v5+s2+$0x0] =	vst.idx.msk vm2, v3  }
0x216: {  	[tilespmem:v6+s2+$0x0] =	vst.idx.msk vm1, v3  }
0x217: {  	v5 =	vld [tilespmem:s20+$0x1B01A]  }
0x218: {  	v6 =	vld [tilespmem:s20+$0x1B024];
	_ =	sdelay $0x4  }
0x219: {  	v5 =	vtrunc.f32 v5;
	v6 =	vtrunc.f32 v6  }
0x21a: {  	v5 =	vcvt.f32.s32 v5;
	v6 =	vcvt.f32.s32 v6;
	_ =	sdelay $0x1  }
0x21b: {  	v5 =	vadd.s32 v0, v5;
	v6 =	vadd.s32 v2, v6  }
0x21c: {  	v45 =	vsub.s32 v5, v4;
	v46 =	vsub.s32 v6, v4  }
0x21d: {  	v5 =	vand.u32 $0x7F, v5;
	v6 =	vand.u32 $0x7F, v6;
	v7 =	vshll.u32 v45, $0x3  }
0x21e: {  	vm1 =	vlt.u32 v45, $0x1900;
	v8 =	vshll.u32 v46, $0x3;
	v7 =	vand.u32 $0xFFFFFC00, v7  }
0x21f: {  	vm2 =	vlt.u32 v46, $0x1900;
	v47 =	vand.u32 $0xFFFFFC00, v8;
	v5 =	vor.u32 v7, v5  }
0x220: {  	vm2 =	vmand vm2, vm0;
	v6 =	vor.u32 v47, v6;
	v5 =	vor.u32 $0x80, v5  }
0x221: {  	v6 =	vor.u32 $0x80, v6;
	_ =	sdelay $0x3  }
0x222: {  	[tilespmem:v5+s2+$0x0] =	vst.idx.msk vm1, v3  }
0x223: {  	[tilespmem:v6+s2+$0x0] =	vst.idx.msk vm2, v3  }
0x224: {  	v5 =	vld [tilespmem:s20+$0x1B034]  }
0x225: {  	v6 =	vld [tilespmem:s20+$0x1B03E];
	_ =	sdelay $0x4  }
0x226: {  	v5 =	vtrunc.f32 v5;
	v6 =	vtrunc.f32 v6  }
0x227: {  	v5 =	vcvt.f32.s32 v5;
	v6 =	vcvt.f32.s32 v6;
	_ =	sdelay $0x1  }
0x228: {  	v5 =	vadd.s32 v0, v5;
	v6 =	vadd.s32 v2, v6  }
0x229: {  	v48 =	vsub.s32 v5, v4;
	v49 =	vsub.s32 v6, v4  }
0x22a: {  	v5 =	vand.u32 $0x7F, v5;
	v6 =	vand.u32 $0x7F, v6;
	v7 =	vshll.u32 v48, $0x3  }
0x22b: {  	vm1 =	vlt.u32 v48, $0x1900;
	v8 =	vshll.u32 v49, $0x3;
	v7 =	vand.u32 $0xFFFFFC00, v7  }
0x22c: {  	vm2 =	vlt.u32 v49, $0x1900;
	v50 =	vand.u32 $0xFFFFFC00, v8;
	v5 =	vor.u32 v7, v5  }
0x22d: {  	vm2 =	vmand vm2, vm0;
	v6 =	vor.u32 v50, v6;
	v5 =	vor.u32 $0x100, v5  }
0x22e: {  	v6 =	vor.u32 $0x100, v6;
	_ =	sdelay $0x3  }
0x22f: {  	[tilespmem:v5+s2+$0x0] =	vst.idx.msk vm1, v3  }
0x230: {  	[tilespmem:v6+s2+$0x0] =	vst.idx.msk vm2, v3  }
0x231: {  	v5 =	vld [tilespmem:s20+$0x1B04E]  }
0x232: {  	v6 =	vld [tilespmem:s20+$0x1B058];
	_ =	sdelay $0x4  }
0x233: {  	v5 =	vtrunc.f32 v5;
	v6 =	vtrunc.f32 v6  }
0x234: {  	v5 =	vcvt.f32.s32 v5;
	v6 =	vcvt.f32.s32 v6;
	_ =	sdelay $0x1  }
0x235: {  	v5 =	vadd.s32 v0, v5;
	v6 =	vadd.s32 v2, v6  }
0x236: {  	v51 =	vsub.s32 v5, v4;
	v52 =	vsub.s32 v6, v4  }
0x237: {  	v5 =	vand.u32 $0x7F, v5;
	v6 =	vand.u32 $0x7F, v6;
	v7 =	vshll.u32 v51, $0x3  }
0x238: {  	vm1 =	vlt.u32 v51, $0x1900;
	v8 =	vshll.u32 v52, $0x3;
	v7 =	vand.u32 $0xFFFFFC00, v7  }
0x239: {  	vm2 =	vlt.u32 v52, $0x1900;
	v53 =	vand.u32 $0xFFFFFC00, v8;
	v5 =	vor.u32 v7, v5  }
0x23a: {  	vm2 =	vmand vm2, vm0;
	v6 =	vor.u32 v53, v6;
	v5 =	vor.u32 $0x180, v5  }
0x23b: {  	v6 =	vor.u32 $0x180, v6;
	_ =	sdelay $0x3  }
0x23c: {  	[tilespmem:v5+s2+$0x0] =	vst.idx.msk vm1, v3  }
0x23d: {  	[tilespmem:v6+s2+$0x0] =	vst.idx.msk vm2, v3  }
0x23e: {  	v5 =	vld [tilespmem:s20+$0x1B068]  }
0x23f: {  	v6 =	vld [tilespmem:s20+$0x1B072];
	_ =	sdelay $0x4  }
0x240: {  	v5 =	vtrunc.f32 v5;
	v6 =	vtrunc.f32 v6  }
0x241: {  	v5 =	vcvt.f32.s32 v5;
	v6 =	vcvt.f32.s32 v6;
	_ =	sdelay $0x1  }
0x242: {  	v5 =	vadd.s32 v0, v5;
	v6 =	vadd.s32 v2, v6  }
0x243: {  	v54 =	vsub.s32 v5, v4;
	v55 =	vsub.s32 v6, v4  }
0x244: {  	v5 =	vand.u32 $0x7F, v5;
	v6 =	vand.u32 $0x7F, v6;
	v7 =	vshll.u32 v54, $0x3  }
0x245: {  	vm1 =	vlt.u32 v54, $0x1900;
	v8 =	vshll.u32 v55, $0x3;
	v7 =	vand.u32 $0xFFFFFC00, v7  }
0x246: {  	vm2 =	vlt.u32 v55, $0x1900;
	v56 =	vand.u32 $0xFFFFFC00, v8;
	v5 =	vor.u32 v7, v5  }
0x247: {  	vm2 =	vmand vm2, vm0;
	v6 =	vor.u32 v56, v6;
	v5 =	vor.u32 $0x200, v5  }
0x248: {  	v6 =	vor.u32 $0x200, v6;
	_ =	sdelay $0x3  }
0x249: {  	[tilespmem:v5+s2+$0x0] =	vst.idx.msk vm1, v3  }
0x24a: {  	[tilespmem:v6+s2+$0x0] =	vst.idx.msk vm2, v3  }
0x24b: {  	v5 =	vld [tilespmem:s20+$0x1B082]  }
0x24c: {  	v6 =	vld [tilespmem:s20+$0x1B08C];
	_ =	sdelay $0x4  }
0x24d: {  	v5 =	vtrunc.f32 v5;
	v6 =	vtrunc.f32 v6  }
0x24e: {  	v5 =	vcvt.f32.s32 v5;
	v6 =	vcvt.f32.s32 v6;
	_ =	sdelay $0x1  }
0x24f: {  	v5 =	vadd.s32 v0, v5;
	v6 =	vadd.s32 v2, v6  }
0x250: {  	v57 =	vsub.s32 v5, v4;
	v58 =	vsub.s32 v6, v4  }
0x251: {  	v5 =	vand.u32 $0x7F, v5;
	v6 =	vand.u32 $0x7F, v6;
	v7 =	vshll.u32 v57, $0x3  }
0x252: {  	vm1 =	vlt.u32 v57, $0x1900;
	v8 =	vshll.u32 v58, $0x3;
	v7 =	vand.u32 $0xFFFFFC00, v7  }
0x253: {  	vm2 =	vlt.u32 v58, $0x1900;
	v59 =	vand.u32 $0xFFFFFC00, v8;
	v5 =	vor.u32 v7, v5  }
0x254: {  	vm2 =	vmand vm2, vm0;
	v6 =	vor.u32 v59, v6;
	v5 =	vor.u32 $0x280, v5  }
0x255: {  	v6 =	vor.u32 $0x280, v6;
	_ =	sdelay $0x3  }
0x256: {  	[tilespmem:v5+s2+$0x0] =	vst.idx.msk vm1, v3  }
0x257: {  	[tilespmem:v6+s2+$0x0] =	vst.idx.msk vm2, v3  }
0x258: {  	v5 =	vld [tilespmem:s20+$0x1B09C]  }
0x259: {  	v6 =	vld [tilespmem:s20+$0x1B0A6];
	_ =	sdelay $0x4  }
0x25a: {  	v5 =	vtrunc.f32 v5;
	v6 =	vtrunc.f32 v6  }
0x25b: {  	v5 =	vcvt.f32.s32 v5;
	v6 =	vcvt.f32.s32 v6;
	_ =	sdelay $0x1  }
0x25c: {  	v5 =	vadd.s32 v0, v5;
	v6 =	vadd.s32 v2, v6  }
0x25d: {  	v60 =	vsub.s32 v5, v4;
	v61 =	vsub.s32 v6, v4  }
0x25e: {  	v5 =	vand.u32 $0x7F, v5;
	v6 =	vand.u32 $0x7F, v6;
	v7 =	vshll.u32 v60, $0x3  }
0x25f: {  	vm1 =	vlt.u32 v60, $0x1900;
	v8 =	vshll.u32 v61, $0x3;
	v7 =	vand.u32 $0xFFFFFC00, v7  }
0x260: {  	vm2 =	vlt.u32 v61, $0x1900;
	v62 =	vand.u32 $0xFFFFFC00, v8;
	v5 =	vor.u32 v7, v5  }
0x261: {  	vm2 =	vmand vm2, vm0;
	v6 =	vor.u32 v62, v6;
	v5 =	vor.u32 $0x300, v5  }
0x262: {  	v6 =	vor.u32 $0x300, v6;
	_ =	sdelay $0x3  }
0x263: {  	[tilespmem:v5+s2+$0x0] =	vst.idx.msk vm1, v3  }
0x264: {  	[tilespmem:v6+s2+$0x0] =	vst.idx.msk vm2, v3  }
0x265: {  	v5 =	vld [tilespmem:s20+$0x1B0B6]  }
0x266: {  	v6 =	vld [tilespmem:s20+$0x1B0C0];
	_ =	sdelay $0x4  }
0x267: {  	v5 =	vtrunc.f32 v5;
	v6 =	vtrunc.f32 v6  }
0x268: {  	v5 =	vcvt.f32.s32 v5;
	v6 =	vcvt.f32.s32 v6;
	_ =	sdelay $0x1  }
0x269: {  	v5 =	vadd.s32 v0, v5;
	v6 =	vadd.s32 v2, v6  }
0x26a: {  	v63 =	vsub.s32 v5, v4;
	v4 =	vsub.s32 v6, v4  }
0x26b: {  	v5 =	vand.u32 $0x7F, v5;
	v6 =	vand.u32 $0x7F, v6;
	v7 =	vshll.u32 v63, $0x3  }
0x26c: {  	vm2 =	vlt.u32 v4, $0x1900;
	v4 =	vshll.u32 v4, $0x3;
	v7 =	vand.u32 $0xFFFFFC00, v7  }
0x26d: {  	vm1 =	vlt.u32 v63, $0x1900;
	v4 =	vand.u32 $0xFFFFFC00, v4;
	v5 =	vor.u32 v7, v5  }
0x26e: {  	vm2 =	vmand vm2, vm0;
	v4 =	vor.u32 v4, v6;
	v5 =	vor.u32 $0x380, v5  }
0x26f: {  	s22 =	sadd.s32 s5, s22;
	s31 =	smul.u32 $0xC800, s21;
	v4 =	vor.u32 $0x380, v4  }
0x270: {  	s22 =	smul.u32 $0x33000, s22  }
.Ltmp37:
0x271: {  	_ = 	snop;
	(pc) =	sbr.rel @p0 .LBB2_70-.Ltmp37, $4  }
0x272: {  	s23 =	sadd.s32 s31, s22  }
0x273: {  	s23 =	sshrl.u32 s23, $0x3;
	[tilespmem:v5+s2+$0x0] =	vst.idx.msk vm1, v3  }
0x274: {  	s23 =	sadd.s32 s3, s23;
	[tilespmem:v4+s2+$0x0] =	vst.idx.msk vm2, v3  }
0x275: {  	[hbm4b:s23+s2] =	stream.linear.scatter [tilespmem:s2], [sflag:$0x1], $0xC800, $0x38;
	[tilespmem:$0x1BC80] =	vst v63  }
0x276: {  	s24 =	sadd.s32 $0xFFFFFFFF, s18  }
0x277: {  	s23 =	sshll.u32 s24, $0x18  }
0x278: {  	s23 =	sshra.s32 s23, $0x1F  }
0x279: {  	s23 =	sand.u32 $0x3, s23  }
0x27a: {  	s23 =	sadd.s32 s23, s24  }
0x27b: {  	s23 =	sshll.u32 s23, $0x18  }
0x27c: {  	s25 =	sshra.s32 s24, $0x1F;
	s23 =	sshra.s32 s23, $0x1A  }
0x27d: {  	s23 =	sadd.s32 s23, s25  }
0x27e: {  	_ =	swait.ge [sflag:s14], $0xC800;
	s23 =	smul.u32 $0x340, s23  }
0x27f: {  	[sflag:s14] =	ssyncset.done $0x0  }
0x280: {  	[sflag:s14] =	ssyncadd.s32 $0xFFFF3800;
	s23 =	sshra.s32 s23, $0x2  }
0x281: {  	v4 =	vld [tilespmem:s23+$0x1B00A]  }
0x282: {  	v5 =	vld [tilespmem:s23+$0x1B000];
	_ =	sdelay $0x4  }
0x283: {  	s24 =	sand.u32 $0x3, s24;
	v4 =	vtrunc.f32 v4;
	v5 =	vtrunc.f32 v5  }
0x284: {  	s24 =	smul.u32 $0x1900, s24;
	v6 =	vcvt.f32.s32 v4;
	v5 =	vcvt.f32.s32 v5;
	_ =	sdelay $0x1  }
0x285: {  	v4 =	vmov s24;
	v6 =	vadd.s32 v2, v6;
	v5 =	vadd.s32 v0, v5  }
0x286: {  	v7 =	vsub.s32 v6, v4;
	v8 =	vsub.s32 v5, v4;
	v5 =	vand.u32 $0x7F, v5  }
0x287: {  	v6 =	vand.u32 $0x7F, v6;
	vm2 =	vlt.u32 v8, $0x1900;
	v8 =	vshll.u32 v8, $0x3  }
0x288: {  	vm1 =	vlt.u32 v7, $0x1900;
	v7 =	vshll.u32 v7, $0x3;
	v8 =	vand.u32 $0xFFFFFC00, v8  }
0x289: {  	vm1 =	vmand vm1, vm0;
	v7 =	vand.u32 $0xFFFFFC00, v7;
	v5 =	vor.u32 v5, v8  }
0x28a: {  	v6 =	vor.u32 v6, v7;
	_ =	sdelay $0x3  }
0x28b: {  	[tilespmem:v5+s10+$0x0] =	vst.idx.msk vm2, v1  }
0x28c: {  	[tilespmem:v6+s10+$0x0] =	vst.idx.msk vm1, v1  }
0x28d: {  	v5 =	vld [tilespmem:s23+$0x1B01A]  }
0x28e: {  	v6 =	vld [tilespmem:s23+$0x1B024];
	_ =	sdelay $0x4  }
0x28f: {  	v5 =	vtrunc.f32 v5;
	v6 =	vtrunc.f32 v6  }
0x290: {  	v5 =	vcvt.f32.s32 v5;
	v6 =	vcvt.f32.s32 v6;
	_ =	sdelay $0x1  }
0x291: {  	v5 =	vadd.s32 v0, v5;
	v6 =	vadd.s32 v2, v6  }
0x292: {  	v45 =	vsub.s32 v5, v4;
	v46 =	vsub.s32 v6, v4  }
0x293: {  	v5 =	vand.u32 $0x7F, v5;
	v6 =	vand.u32 $0x7F, v6;
	v7 =	vshll.u32 v45, $0x3  }
0x294: {  	vm1 =	vlt.u32 v45, $0x1900;
	v8 =	vshll.u32 v46, $0x3;
	v7 =	vand.u32 $0xFFFFFC00, v7  }
0x295: {  	vm2 =	vlt.u32 v46, $0x1900;
	v47 =	vand.u32 $0xFFFFFC00, v8;
	v5 =	vor.u32 v7, v5  }
0x296: {  	vm2 =	vmand vm2, vm0;
	v6 =	vor.u32 v47, v6;
	v5 =	vor.u32 $0x80, v5  }
0x297: {  	v6 =	vor.u32 $0x80, v6;
	_ =	sdelay $0x3  }
0x298: {  	[tilespmem:v5+s10+$0x0] =	vst.idx.msk vm1, v1  }
0x299: {  	[tilespmem:v6+s10+$0x0] =	vst.idx.msk vm2, v1  }
0x29a: {  	v5 =	vld [tilespmem:s23+$0x1B034]  }
0x29b: {  	v6 =	vld [tilespmem:s23+$0x1B03E];
	_ =	sdelay $0x4  }
0x29c: {  	v5 =	vtrunc.f32 v5;
	v6 =	vtrunc.f32 v6  }
0x29d: {  	v5 =	vcvt.f32.s32 v5;
	v6 =	vcvt.f32.s32 v6;
	_ =	sdelay $0x1  }
0x29e: {  	v5 =	vadd.s32 v0, v5;
	v6 =	vadd.s32 v2, v6  }
0x29f: {  	v48 =	vsub.s32 v5, v4;
	v49 =	vsub.s32 v6, v4  }
0x2a0: {  	v5 =	vand.u32 $0x7F, v5;
	v6 =	vand.u32 $0x7F, v6;
	v7 =	vshll.u32 v48, $0x3  }
0x2a1: {  	vm1 =	vlt.u32 v48, $0x1900;
	v8 =	vshll.u32 v49, $0x3;
	v7 =	vand.u32 $0xFFFFFC00, v7  }
0x2a2: {  	vm2 =	vlt.u32 v49, $0x1900;
	v50 =	vand.u32 $0xFFFFFC00, v8;
	v5 =	vor.u32 v7, v5  }
0x2a3: {  	vm2 =	vmand vm2, vm0;
	v6 =	vor.u32 v50, v6;
	v5 =	vor.u32 $0x100, v5  }
0x2a4: {  	v6 =	vor.u32 $0x100, v6;
	_ =	sdelay $0x3  }
0x2a5: {  	[tilespmem:v5+s10+$0x0] =	vst.idx.msk vm1, v1  }
0x2a6: {  	[tilespmem:v6+s10+$0x0] =	vst.idx.msk vm2, v1  }
0x2a7: {  	v5 =	vld [tilespmem:s23+$0x1B04E]  }
0x2a8: {  	v6 =	vld [tilespmem:s23+$0x1B058];
	_ =	sdelay $0x4  }
0x2a9: {  	v5 =	vtrunc.f32 v5;
	v6 =	vtrunc.f32 v6  }
0x2aa: {  	v5 =	vcvt.f32.s32 v5;
	v6 =	vcvt.f32.s32 v6;
	_ =	sdelay $0x1  }
0x2ab: {  	v5 =	vadd.s32 v0, v5;
	v6 =	vadd.s32 v2, v6  }
0x2ac: {  	v51 =	vsub.s32 v5, v4;
	v52 =	vsub.s32 v6, v4  }
0x2ad: {  	v5 =	vand.u32 $0x7F, v5;
	v6 =	vand.u32 $0x7F, v6;
	v7 =	vshll.u32 v51, $0x3  }
0x2ae: {  	vm1 =	vlt.u32 v51, $0x1900;
	v8 =	vshll.u32 v52, $0x3;
	v7 =	vand.u32 $0xFFFFFC00, v7  }
0x2af: {  	vm2 =	vlt.u32 v52, $0x1900;
	v53 =	vand.u32 $0xFFFFFC00, v8;
	v5 =	vor.u32 v7, v5  }
0x2b0: {  	vm2 =	vmand vm2, vm0;
	v6 =	vor.u32 v53, v6;
	v5 =	vor.u32 $0x180, v5  }
0x2b1: {  	v6 =	vor.u32 $0x180, v6;
	_ =	sdelay $0x3  }
0x2b2: {  	[tilespmem:v5+s10+$0x0] =	vst.idx.msk vm1, v1  }
0x2b3: {  	[tilespmem:v6+s10+$0x0] =	vst.idx.msk vm2, v1  }
0x2b4: {  	v5 =	vld [tilespmem:s23+$0x1B068]  }
0x2b5: {  	v6 =	vld [tilespmem:s23+$0x1B072];
	_ =	sdelay $0x4  }
0x2b6: {  	v5 =	vtrunc.f32 v5;
	v6 =	vtrunc.f32 v6  }
0x2b7: {  	v5 =	vcvt.f32.s32 v5;
	v6 =	vcvt.f32.s32 v6;
	_ =	sdelay $0x1  }
0x2b8: {  	v5 =	vadd.s32 v0, v5;
	v6 =	vadd.s32 v2, v6  }
0x2b9: {  	v54 =	vsub.s32 v5, v4;
	v55 =	vsub.s32 v6, v4  }
0x2ba: {  	v5 =	vand.u32 $0x7F, v5;
	v6 =	vand.u32 $0x7F, v6;
	v7 =	vshll.u32 v54, $0x3  }
0x2bb: {  	vm1 =	vlt.u32 v54, $0x1900;
	v8 =	vshll.u32 v55, $0x3;
	v7 =	vand.u32 $0xFFFFFC00, v7  }
0x2bc: {  	vm2 =	vlt.u32 v55, $0x1900;
	v56 =	vand.u32 $0xFFFFFC00, v8;
	v5 =	vor.u32 v7, v5  }
0x2bd: {  	vm2 =	vmand vm2, vm0;
	v6 =	vor.u32 v56, v6;
	v5 =	vor.u32 $0x200, v5  }
0x2be: {  	v6 =	vor.u32 $0x200, v6;
	_ =	sdelay $0x3  }
0x2bf: {  	[tilespmem:v5+s10+$0x0] =	vst.idx.msk vm1, v1  }
0x2c0: {  	[tilespmem:v6+s10+$0x0] =	vst.idx.msk vm2, v1  }
0x2c1: {  	v5 =	vld [tilespmem:s23+$0x1B082]  }
0x2c2: {  	v6 =	vld [tilespmem:s23+$0x1B08C];
	_ =	sdelay $0x4  }
0x2c3: {  	v5 =	vtrunc.f32 v5;
	v6 =	vtrunc.f32 v6  }
0x2c4: {  	v5 =	vcvt.f32.s32 v5;
	v6 =	vcvt.f32.s32 v6;
	_ =	sdelay $0x1  }
0x2c5: {  	v5 =	vadd.s32 v0, v5;
	v6 =	vadd.s32 v2, v6  }
0x2c6: {  	v57 =	vsub.s32 v5, v4;
	v58 =	vsub.s32 v6, v4  }
0x2c7: {  	v5 =	vand.u32 $0x7F, v5;
	v6 =	vand.u32 $0x7F, v6;
	v7 =	vshll.u32 v57, $0x3  }
0x2c8: {  	vm1 =	vlt.u32 v57, $0x1900;
	v8 =	vshll.u32 v58, $0x3;
	v7 =	vand.u32 $0xFFFFFC00, v7  }
0x2c9: {  	vm2 =	vlt.u32 v58, $0x1900;
	v59 =	vand.u32 $0xFFFFFC00, v8;
	v5 =	vor.u32 v7, v5  }
0x2ca: {  	vm2 =	vmand vm2, vm0;
	v6 =	vor.u32 v59, v6;
	v5 =	vor.u32 $0x280, v5  }
0x2cb: {  	v6 =	vor.u32 $0x280, v6;
	_ =	sdelay $0x3  }
0x2cc: {  	[tilespmem:v5+s10+$0x0] =	vst.idx.msk vm1, v1  }
0x2cd: {  	[tilespmem:v6+s10+$0x0] =	vst.idx.msk vm2, v1  }
0x2ce: {  	v5 =	vld [tilespmem:s23+$0x1B09C]  }
0x2cf: {  	v6 =	vld [tilespmem:s23+$0x1B0A6];
	_ =	sdelay $0x4  }
0x2d0: {  	v5 =	vtrunc.f32 v5;
	v6 =	vtrunc.f32 v6  }
0x2d1: {  	v5 =	vcvt.f32.s32 v5;
	v6 =	vcvt.f32.s32 v6;
	_ =	sdelay $0x1  }
0x2d2: {  	v5 =	vadd.s32 v0, v5;
	v6 =	vadd.s32 v2, v6  }
0x2d3: {  	v60 =	vsub.s32 v5, v4;
	v61 =	vsub.s32 v6, v4  }
0x2d4: {  	v5 =	vand.u32 $0x7F, v5;
	v6 =	vand.u32 $0x7F, v6;
	v7 =	vshll.u32 v60, $0x3  }
0x2d5: {  	vm1 =	vlt.u32 v60, $0x1900;
	v8 =	vshll.u32 v61, $0x3;
	v7 =	vand.u32 $0xFFFFFC00, v7  }
0x2d6: {  	vm2 =	vlt.u32 v61, $0x1900;
	v62 =	vand.u32 $0xFFFFFC00, v8;
	v5 =	vor.u32 v7, v5  }
0x2d7: {  	vm2 =	vmand vm2, vm0;
	v6 =	vor.u32 v62, v6;
	v5 =	vor.u32 $0x300, v5  }
0x2d8: {  	v6 =	vor.u32 $0x300, v6;
	_ =	sdelay $0x3  }
0x2d9: {  	[tilespmem:v5+s10+$0x0] =	vst.idx.msk vm1, v1  }
0x2da: {  	[tilespmem:v6+s10+$0x0] =	vst.idx.msk vm2, v1  }
0x2db: {  	v5 =	vld [tilespmem:s23+$0x1B0B6]  }
0x2dc: {  	v6 =	vld [tilespmem:s23+$0x1B0C0];
	_ =	sdelay $0x4  }
0x2dd: {  	v5 =	vtrunc.f32 v5;
	v6 =	vtrunc.f32 v6  }
0x2de: {  	v5 =	vcvt.f32.s32 v5;
	v6 =	vcvt.f32.s32 v6;
	_ =	sdelay $0x1  }
0x2df: {  	v5 =	vadd.s32 v0, v5;
	v6 =	vadd.s32 v2, v6  }
0x2e0: {  	v63 =	vsub.s32 v5, v4;
	v4 =	vsub.s32 v6, v4  }
0x2e1: {  	v5 =	vand.u32 $0x7F, v5;
	v6 =	vand.u32 $0x7F, v6;
	v7 =	vshll.u32 v63, $0x3  }
0x2e2: {  	vm2 =	vlt.u32 v4, $0x1900;
	v4 =	vshll.u32 v4, $0x3;
	v7 =	vand.u32 $0xFFFFFC00, v7  }
0x2e3: {  	vm1 =	vlt.u32 v63, $0x1900;
	v4 =	vand.u32 $0xFFFFFC00, v4;
	v5 =	vor.u32 v7, v5  }
0x2e4: {  	vm2 =	vmand vm2, vm0;
	v4 =	vor.u32 v4, v6;
	v5 =	vor.u32 $0x380, v5  }
0x2e5: {  	v4 =	vor.u32 $0x380, v4  }
.Ltmp38:
0x2e6: {  	_ = 	snop;
	(pc) =	sbr.rel .LBB2_70-.Ltmp38, $3  }
0x2e7: {  	_ =	sdelay $0x1  }
0x2e8: {  	[tilespmem:v5+s10+$0x0] =	vst.idx.msk vm1, v1  }
0x2e9: {  	[tilespmem:v4+s10+$0x0] =	vst.idx.msk vm2, v1  }
.LBB2_71:
.Ltmp39:
0x2ea: {  	(pc) =	sbr.rel .LBB2_72-.Ltmp39, $2  }
0x2eb: {  	_ =	sdelay $0x2  }
0x2ec: {  	s18 =	simm.s32 $0x1;
	s19 =	smov.u32 s7  }
.LBB2_78:
0x2ed: {  	s20 =	sadd.s32 $0x680, s20  }
0x2ee: {  	p0 =	sne.s32 s20, $0x3400  }
.Ltmp40:
0x2ef: {  	_ = 	snop;
	(pc) =	sbr.rel @!p0 .LBB2_79-.Ltmp40, $2  }
0x2f0: {  	_ =	sdelay $0x2  }
0x2f1: {  	s18 =	sadd.s32 $0x2, s18;
	s19 =	sadd.s32 $0xCC00, s19  }
.LBB2_72:
0x2f2: {  	p0 =	seq.s32 s20, $0x0  }
.Ltmp41:
0x2f3: {  	_ = 	snop;
	(pc) =	sbr.rel @p0 .LBB2_74-.Ltmp41, $2  }
0x2f4: {  	_ =	sdelay $0x2  }
0x2f5: {  	s21 =	simm.s32 $0x0  }
0x2f6: {  	_ =	swait.ge [sflag:s15], $0x1000  }
0x2f7: {  	[sflag:s15] =	ssyncset.done $0x0  }
0x2f8: {  	s21 =	sshra.s32 s20, $0x2;
	[sflag:s15] =	ssyncadd.s32 $0xFFFFF000  }
0x2f9: {  	v4 =	vld [tilespmem:s21+$0x1AE60]  }
0x2fa: {  	v5 =	vld [tilespmem:s21+$0x1AE6A];
	_ =	sdelay $0x3  }
0x2fb: {  	v4 =	vtrunc.f32 v4  }
0x2fc: {  	v6 =	vcvt.f32.s32 v4;
	v4 =	vtrunc.f32 v5  }
0x2fd: {  	v7 =	vcvt.f32.s32 v4;
	v4 =	vadd.s32 $0xFFFF9C00, v0  }
0x2fe: {  	v5 =	vadd.s32 $0xFFFFC310, v0;
	v6 =	vadd.s32 v4, v6  }
0x2ff: {  	v7 =	vadd.s32 v5, v7;
	v8 =	vshll.u32 v6, $0x3  }
0x300: {  	vm1 =	vlt.u32 v6, $0x190;
	v6 =	vand.u32 $0x7F, v6;
	v8 =	vand.u32 $0xFFFFFC00, v8  }
0x301: {  	vm2 =	vlt.u32 v7, $0x190;
	v39 =	vshll.u32 v7, $0x3;
	v7 =	vand.u32 $0x7F, v7  }
0x302: {  	v6 =	vor.u32 v6, v8;
	vm2 =	vmand vm2, vm0;
	v8 =	vand.u32 $0xFFFFFC00, v39  }
0x303: {  	v7 =	vor.u32 v7, v8;
	_ =	sdelay $0x3  }
0x304: {  	[tilespmem:v6+s11+$0x0] =	vst.idx.msk vm1, v1  }
0x305: {  	[tilespmem:v7+s11+$0x0] =	vst.idx.msk vm2, v1  }
0x306: {  	v6 =	vld [tilespmem:s21+$0x1AE7A]  }
0x307: {  	v7 =	vld [tilespmem:s21+$0x1AE84];
	_ =	sdelay $0x4  }
0x308: {  	v6 =	vtrunc.f32 v6;
	v7 =	vtrunc.f32 v7  }
0x309: {  	v6 =	vcvt.f32.s32 v6;
	v7 =	vcvt.f32.s32 v7;
	_ =	sdelay $0x1  }
0x30a: {  	v6 =	vadd.s32 v4, v6;
	v7 =	vadd.s32 v5, v7  }
0x30b: {  	v40 =	vshll.u32 v6, $0x3;
	v9 =	vand.u32 $0x7F, v6;
	vm1 =	vlt.u32 v6, $0x190  }
0x30c: {  	v42 =	vshll.u32 v7, $0x3;
	vm2 =	vlt.u32 v7, $0x190;
	v8 =	vand.u32 $0xFFFFFC00, v40  }
0x30d: {  	v7 =	vand.u32 $0x7F, v7;
	v41 =	vor.u32 v8, v9;
	v8 =	vand.u32 $0xFFFFFC00, v42  }
0x30e: {  	vm2 =	vmand vm2, vm0;
	v6 =	vor.u32 $0x80, v41;
	v7 =	vor.u32 v8, v7  }
0x30f: {  	v7 =	vor.u32 $0x80, v7;
	_ =	sdelay $0x3  }
0x310: {  	[tilespmem:v6+s11+$0x0] =	vst.idx.msk vm1, v1  }
0x311: {  	[tilespmem:v7+s11+$0x0] =	vst.idx.msk vm2, v1  }
0x312: {  	v6 =	vld [tilespmem:s21+$0x1AE94]  }
0x313: {  	v7 =	vld [tilespmem:s21+$0x1AE9E];
	_ =	sdelay $0x4  }
0x314: {  	v6 =	vtrunc.f32 v6;
	v7 =	vtrunc.f32 v7  }
0x315: {  	v6 =	vcvt.f32.s32 v6;
	v7 =	vcvt.f32.s32 v7;
	_ =	sdelay $0x1  }
0x316: {  	v6 =	vadd.s32 v4, v6;
	v7 =	vadd.s32 v5, v7  }
0x317: {  	v43 =	vshll.u32 v6, $0x3;
	v44 =	vand.u32 $0x7F, v6;
	vm1 =	vlt.u32 v6, $0x190  }
0x318: {  	v46 =	vshll.u32 v7, $0x3;
	vm2 =	vlt.u32 v7, $0x190;
	v8 =	vand.u32 $0xFFFFFC00, v43  }
0x319: {  	v7 =	vand.u32 $0x7F, v7;
	v45 =	vor.u32 v8, v44;
	v8 =	vand.u32 $0xFFFFFC00, v46  }
0x31a: {  	vm2 =	vmand vm2, vm0;
	v6 =	vor.u32 $0x100, v45;
	v7 =	vor.u32 v8, v7  }
0x31b: {  	v7 =	vor.u32 $0x100, v7;
	_ =	sdelay $0x3  }
0x31c: {  	[tilespmem:v6+s11+$0x0] =	vst.idx.msk vm1, v1  }
0x31d: {  	[tilespmem:v7+s11+$0x0] =	vst.idx.msk vm2, v1  }
0x31e: {  	v6 =	vld [tilespmem:s21+$0x1AEAE]  }
0x31f: {  	v7 =	vld [tilespmem:s21+$0x1AEB8];
	_ =	sdelay $0x4  }
0x320: {  	v6 =	vtrunc.f32 v6;
	v7 =	vtrunc.f32 v7  }
0x321: {  	v6 =	vcvt.f32.s32 v6;
	v7 =	vcvt.f32.s32 v7;
	_ =	sdelay $0x1  }
0x322: {  	v6 =	vadd.s32 v4, v6;
	v7 =	vadd.s32 v5, v7  }
0x323: {  	v47 =	vshll.u32 v6, $0x3;
	v48 =	vand.u32 $0x7F, v6;
	vm1 =	vlt.u32 v6, $0x190  }
0x324: {  	v50 =	vshll.u32 v7, $0x3;
	vm2 =	vlt.u32 v7, $0x190;
	v8 =	vand.u32 $0xFFFFFC00, v47  }
0x325: {  	v7 =	vand.u32 $0x7F, v7;
	v49 =	vor.u32 v8, v48;
	v8 =	vand.u32 $0xFFFFFC00, v50  }
0x326: {  	vm2 =	vmand vm2, vm0;
	v6 =	vor.u32 $0x180, v49;
	v7 =	vor.u32 v8, v7  }
0x327: {  	v7 =	vor.u32 $0x180, v7;
	_ =	sdelay $0x3  }
0x328: {  	[tilespmem:v6+s11+$0x0] =	vst.idx.msk vm1, v1  }
0x329: {  	[tilespmem:v7+s11+$0x0] =	vst.idx.msk vm2, v1  }
0x32a: {  	v6 =	vld [tilespmem:s21+$0x1AEC8]  }
0x32b: {  	v7 =	vld [tilespmem:s21+$0x1AED2];
	_ =	sdelay $0x4  }
0x32c: {  	v6 =	vtrunc.f32 v6;
	v7 =	vtrunc.f32 v7  }
0x32d: {  	v6 =	vcvt.f32.s32 v6;
	v7 =	vcvt.f32.s32 v7;
	_ =	sdelay $0x1  }
0x32e: {  	v6 =	vadd.s32 v4, v6;
	v7 =	vadd.s32 v5, v7  }
0x32f: {  	v51 =	vshll.u32 v6, $0x3;
	v52 =	vand.u32 $0x7F, v6;
	vm1 =	vlt.u32 v6, $0x190  }
0x330: {  	v54 =	vshll.u32 v7, $0x3;
	vm2 =	vlt.u32 v7, $0x190;
	v8 =	vand.u32 $0xFFFFFC00, v51  }
0x331: {  	v7 =	vand.u32 $0x7F, v7;
	v53 =	vor.u32 v8, v52;
	v8 =	vand.u32 $0xFFFFFC00, v54  }
0x332: {  	vm2 =	vmand vm2, vm0;
	v6 =	vor.u32 $0x200, v53;
	v7 =	vor.u32 v8, v7  }
0x333: {  	v7 =	vor.u32 $0x200, v7;
	_ =	sdelay $0x3  }
0x334: {  	[tilespmem:v6+s11+$0x0] =	vst.idx.msk vm1, v1  }
0x335: {  	[tilespmem:v7+s11+$0x0] =	vst.idx.msk vm2, v1  }
0x336: {  	v6 =	vld [tilespmem:s21+$0x1AEE2]  }
0x337: {  	v7 =	vld [tilespmem:s21+$0x1AEEC];
	_ =	sdelay $0x4  }
0x338: {  	v6 =	vtrunc.f32 v6;
	v7 =	vtrunc.f32 v7  }
0x339: {  	v6 =	vcvt.f32.s32 v6;
	v7 =	vcvt.f32.s32 v7;
	_ =	sdelay $0x1  }
0x33a: {  	v6 =	vadd.s32 v4, v6;
	v7 =	vadd.s32 v5, v7  }
0x33b: {  	v55 =	vshll.u32 v6, $0x3;
	v56 =	vand.u32 $0x7F, v6;
	vm1 =	vlt.u32 v6, $0x190  }
0x33c: {  	v58 =	vshll.u32 v7, $0x3;
	vm2 =	vlt.u32 v7, $0x190;
	v8 =	vand.u32 $0xFFFFFC00, v55  }
0x33d: {  	v7 =	vand.u32 $0x7F, v7;
	v57 =	vor.u32 v8, v56;
	v8 =	vand.u32 $0xFFFFFC00, v58  }
0x33e: {  	vm2 =	vmand vm2, vm0;
	v6 =	vor.u32 $0x280, v57;
	v7 =	vor.u32 v8, v7  }
0x33f: {  	v7 =	vor.u32 $0x280, v7;
	_ =	sdelay $0x3  }
0x340: {  	[tilespmem:v6+s11+$0x0] =	vst.idx.msk vm1, v1  }
0x341: {  	[tilespmem:v7+s11+$0x0] =	vst.idx.msk vm2, v1  }
0x342: {  	v6 =	vld [tilespmem:s21+$0x1AEFC]  }
0x343: {  	v7 =	vld [tilespmem:s21+$0x1AF06];
	_ =	sdelay $0x4  }
0x344: {  	v6 =	vtrunc.f32 v6;
	v7 =	vtrunc.f32 v7  }
0x345: {  	v6 =	vcvt.f32.s32 v6;
	v7 =	vcvt.f32.s32 v7;
	_ =	sdelay $0x1  }
0x346: {  	v6 =	vadd.s32 v4, v6;
	v7 =	vadd.s32 v5, v7  }
0x347: {  	v59 =	vshll.u32 v6, $0x3;
	v60 =	vand.u32 $0x7F, v6;
	vm1 =	vlt.u32 v6, $0x190  }
0x348: {  	v62 =	vshll.u32 v7, $0x3;
	vm2 =	vlt.u32 v7, $0x190;
	v8 =	vand.u32 $0xFFFFFC00, v59  }
0x349: {  	v7 =	vand.u32 $0x7F, v7;
	v61 =	vor.u32 v8, v60;
	v8 =	vand.u32 $0xFFFFFC00, v62  }
0x34a: {  	vm2 =	vmand vm2, vm0;
	v6 =	vor.u32 $0x300, v61;
	v7 =	vor.u32 v8, v7  }
0x34b: {  	v7 =	vor.u32 $0x300, v7;
	_ =	sdelay $0x3  }
0x34c: {  	[tilespmem:v6+s11+$0x0] =	vst.idx.msk vm1, v1  }
0x34d: {  	[tilespmem:v7+s11+$0x0] =	vst.idx.msk vm2, v1  }
0x34e: {  	v6 =	vld [tilespmem:s21+$0x1AF16]  }
0x34f: {  	v7 =	vld [tilespmem:s21+$0x1AF20];
	_ =	sdelay $0x4  }
0x350: {  	v6 =	vtrunc.f32 v6;
	v7 =	vtrunc.f32 v7  }
0x351: {  	v6 =	vcvt.f32.s32 v6;
	v7 =	vcvt.f32.s32 v7;
	_ =	sdelay $0x1  }
0x352: {  	v4 =	vadd.s32 v4, v6;
	v5 =	vadd.s32 v5, v7  }
0x353: {  	vm1 =	vlt.u32 v4, $0x190;
	vm2 =	vlt.u32 v5, $0x190;
	v6 =	vshll.u32 v4, $0x3  }
0x354: {  	v4 =	vand.u32 $0x7F, v4;
	v7 =	vshll.u32 v5, $0x3;
	v6 =	vand.u32 $0xFFFFFC00, v6  }
0x355: {  	v5 =	vand.u32 $0x7F, v5;
	v63 =	vand.u32 $0xFFFFFC00, v7;
	v4 =	vor.u32 v6, v4  }
0x356: {  	vm2 =	vmand vm2, vm0;
	v5 =	vor.u32 v63, v5;
	v4 =	vor.u32 $0x380, v4  }
0x357: {  	v5 =	vor.u32 $0x380, v5;
	_ =	sdelay $0x3  }
0x358: {  	[tilespmem:v4+s11+$0x0] =	vst.idx.msk vm1, v1  }
0x359: {  	s21 =	smov.u32 s20;
	[tilespmem:v5+s11+$0x0] =	vst.idx.msk vm2, v1  }
.LBB2_74:
0x35a: {  	s21 =	sshra.s32 s21, $0x2  }
0x35b: {  	v4 =	vld [tilespmem:s21+$0x1B000]  }
0x35c: {  	v5 =	vld [tilespmem:s21+$0x1B00A];
	_ =	sdelay $0x3  }
0x35d: {  	v4 =	vtrunc.f32 v4  }
0x35e: {  	v6 =	vcvt.f32.s32 v4;
	v4 =	vtrunc.f32 v5  }
0x35f: {  	v7 =	vcvt.f32.s32 v4;
	v4 =	vadd.s32 $0xFFFF9C00, v0  }
0x360: {  	v5 =	vadd.s32 $0xFFFFC310, v0;
	v6 =	vadd.s32 v4, v6  }
0x361: {  	v7 =	vadd.s32 v5, v7;
	v8 =	vshll.u32 v6, $0x3  }
0x362: {  	vm1 =	vlt.u32 v6, $0x190;
	v6 =	vand.u32 $0x7F, v6;
	v8 =	vand.u32 $0xFFFFFC00, v8  }
0x363: {  	vm2 =	vlt.u32 v7, $0x190;
	v43 =	vshll.u32 v7, $0x3;
	v7 =	vand.u32 $0x7F, v7  }
0x364: {  	v6 =	vor.u32 v6, v8;
	vm2 =	vmand vm2, vm0;
	v8 =	vand.u32 $0xFFFFFC00, v43  }
0x365: {  	v7 =	vor.u32 v7, v8;
	_ =	sdelay $0x3  }
0x366: {  	[tilespmem:v6+s11+$0x0] =	vst.idx.msk vm1, v3  }
0x367: {  	[tilespmem:v7+s11+$0x0] =	vst.idx.msk vm2, v3  }
0x368: {  	v6 =	vld [tilespmem:s21+$0x1B01A]  }
0x369: {  	v7 =	vld [tilespmem:s21+$0x1B024];
	_ =	sdelay $0x4  }
0x36a: {  	v6 =	vtrunc.f32 v6;
	v7 =	vtrunc.f32 v7  }
0x36b: {  	v6 =	vcvt.f32.s32 v6;
	v7 =	vcvt.f32.s32 v7;
	_ =	sdelay $0x1  }
0x36c: {  	v6 =	vadd.s32 v4, v6;
	v7 =	vadd.s32 v5, v7  }
0x36d: {  	v44 =	vshll.u32 v6, $0x3;
	v9 =	vand.u32 $0x7F, v6;
	vm1 =	vlt.u32 v6, $0x190  }
0x36e: {  	v45 =	vshll.u32 v7, $0x3;
	vm2 =	vlt.u32 v7, $0x190;
	v8 =	vand.u32 $0xFFFFFC00, v44  }
0x36f: {  	v7 =	vand.u32 $0x7F, v7;
	v6 =	vor.u32 v8, v9;
	v8 =	vand.u32 $0xFFFFFC00, v45  }
0x370: {  	vm2 =	vmand vm2, vm0;
	v6 =	vor.u32 $0x80, v6;
	v7 =	vor.u32 v8, v7  }
0x371: {  	v7 =	vor.u32 $0x80, v7;
	_ =	sdelay $0x3  }
0x372: {  	[tilespmem:v6+s11+$0x0] =	vst.idx.msk vm1, v3  }
0x373: {  	[tilespmem:v7+s11+$0x0] =	vst.idx.msk vm2, v3  }
0x374: {  	v6 =	vld [tilespmem:s21+$0x1B034]  }
0x375: {  	v7 =	vld [tilespmem:s21+$0x1B03E];
	_ =	sdelay $0x4  }
0x376: {  	v6 =	vtrunc.f32 v6;
	v7 =	vtrunc.f32 v7  }
0x377: {  	v6 =	vcvt.f32.s32 v6;
	v7 =	vcvt.f32.s32 v7;
	_ =	sdelay $0x1  }
0x378: {  	v6 =	vadd.s32 v4, v6;
	v7 =	vadd.s32 v5, v7  }
0x379: {  	v46 =	vshll.u32 v6, $0x3;
	v47 =	vand.u32 $0x7F, v6;
	vm1 =	vlt.u32 v6, $0x190  }
0x37a: {  	v48 =	vshll.u32 v7, $0x3;
	vm2 =	vlt.u32 v7, $0x190;
	v8 =	vand.u32 $0xFFFFFC00, v46  }
0x37b: {  	v7 =	vand.u32 $0x7F, v7;
	v6 =	vor.u32 v8, v47;
	v8 =	vand.u32 $0xFFFFFC00, v48  }
0x37c: {  	vm2 =	vmand vm2, vm0;
	v6 =	vor.u32 $0x100, v6;
	v7 =	vor.u32 v8, v7  }
0x37d: {  	v7 =	vor.u32 $0x100, v7;
	_ =	sdelay $0x3  }
0x37e: {  	[tilespmem:v6+s11+$0x0] =	vst.idx.msk vm1, v3  }
0x37f: {  	[tilespmem:v7+s11+$0x0] =	vst.idx.msk vm2, v3  }
0x380: {  	v6 =	vld [tilespmem:s21+$0x1B04E]  }
0x381: {  	v7 =	vld [tilespmem:s21+$0x1B058];
	_ =	sdelay $0x4  }
0x382: {  	v6 =	vtrunc.f32 v6;
	v7 =	vtrunc.f32 v7  }
0x383: {  	v6 =	vcvt.f32.s32 v6;
	v7 =	vcvt.f32.s32 v7;
	_ =	sdelay $0x1  }
0x384: {  	v6 =	vadd.s32 v4, v6;
	v7 =	vadd.s32 v5, v7  }
0x385: {  	v49 =	vshll.u32 v6, $0x3;
	v50 =	vand.u32 $0x7F, v6;
	vm1 =	vlt.u32 v6, $0x190  }
0x386: {  	v51 =	vshll.u32 v7, $0x3;
	vm2 =	vlt.u32 v7, $0x190;
	v8 =	vand.u32 $0xFFFFFC00, v49  }
0x387: {  	v7 =	vand.u32 $0x7F, v7;
	v6 =	vor.u32 v8, v50;
	v8 =	vand.u32 $0xFFFFFC00, v51  }
0x388: {  	vm2 =	vmand vm2, vm0;
	v6 =	vor.u32 $0x180, v6;
	v7 =	vor.u32 v8, v7  }
0x389: {  	v7 =	vor.u32 $0x180, v7;
	_ =	sdelay $0x3  }
0x38a: {  	[tilespmem:v6+s11+$0x0] =	vst.idx.msk vm1, v3  }
0x38b: {  	[tilespmem:v7+s11+$0x0] =	vst.idx.msk vm2, v3  }
0x38c: {  	v6 =	vld [tilespmem:s21+$0x1B068]  }
0x38d: {  	v7 =	vld [tilespmem:s21+$0x1B072];
	_ =	sdelay $0x4  }
0x38e: {  	v6 =	vtrunc.f32 v6;
	v7 =	vtrunc.f32 v7  }
0x38f: {  	v6 =	vcvt.f32.s32 v6;
	v7 =	vcvt.f32.s32 v7;
	_ =	sdelay $0x1  }
0x390: {  	v6 =	vadd.s32 v4, v6;
	v7 =	vadd.s32 v5, v7  }
0x391: {  	v52 =	vshll.u32 v6, $0x3;
	v53 =	vand.u32 $0x7F, v6;
	vm1 =	vlt.u32 v6, $0x190  }
0x392: {  	v54 =	vshll.u32 v7, $0x3;
	vm2 =	vlt.u32 v7, $0x190;
	v8 =	vand.u32 $0xFFFFFC00, v52  }
0x393: {  	v7 =	vand.u32 $0x7F, v7;
	v6 =	vor.u32 v8, v53;
	v8 =	vand.u32 $0xFFFFFC00, v54  }
0x394: {  	vm2 =	vmand vm2, vm0;
	v6 =	vor.u32 $0x200, v6;
	v7 =	vor.u32 v8, v7  }
0x395: {  	v7 =	vor.u32 $0x200, v7;
	_ =	sdelay $0x3  }
0x396: {  	[tilespmem:v6+s11+$0x0] =	vst.idx.msk vm1, v3  }
0x397: {  	[tilespmem:v7+s11+$0x0] =	vst.idx.msk vm2, v3  }
0x398: {  	v6 =	vld [tilespmem:s21+$0x1B082]  }
0x399: {  	v7 =	vld [tilespmem:s21+$0x1B08C];
	_ =	sdelay $0x4  }
0x39a: {  	v6 =	vtrunc.f32 v6;
	v7 =	vtrunc.f32 v7  }
0x39b: {  	v6 =	vcvt.f32.s32 v6;
	v7 =	vcvt.f32.s32 v7;
	_ =	sdelay $0x1  }
0x39c: {  	v6 =	vadd.s32 v4, v6;
	v7 =	vadd.s32 v5, v7  }
0x39d: {  	v55 =	vshll.u32 v6, $0x3;
	v56 =	vand.u32 $0x7F, v6;
	vm1 =	vlt.u32 v6, $0x190  }
0x39e: {  	v57 =	vshll.u32 v7, $0x3;
	vm2 =	vlt.u32 v7, $0x190;
	v8 =	vand.u32 $0xFFFFFC00, v55  }
0x39f: {  	v7 =	vand.u32 $0x7F, v7;
	v6 =	vor.u32 v8, v56;
	v8 =	vand.u32 $0xFFFFFC00, v57  }
0x3a0: {  	vm2 =	vmand vm2, vm0;
	v6 =	vor.u32 $0x280, v6;
	v7 =	vor.u32 v8, v7  }
0x3a1: {  	v7 =	vor.u32 $0x280, v7;
	_ =	sdelay $0x3  }
0x3a2: {  	[tilespmem:v6+s11+$0x0] =	vst.idx.msk vm1, v3  }
0x3a3: {  	[tilespmem:v7+s11+$0x0] =	vst.idx.msk vm2, v3  }
0x3a4: {  	v6 =	vld [tilespmem:s21+$0x1B09C]  }
0x3a5: {  	v7 =	vld [tilespmem:s21+$0x1B0A6];
	_ =	sdelay $0x4  }
0x3a6: {  	v6 =	vtrunc.f32 v6;
	v7 =	vtrunc.f32 v7  }
0x3a7: {  	v6 =	vcvt.f32.s32 v6;
	v7 =	vcvt.f32.s32 v7;
	_ =	sdelay $0x1  }
0x3a8: {  	v6 =	vadd.s32 v4, v6;
	v7 =	vadd.s32 v5, v7  }
0x3a9: {  	v58 =	vshll.u32 v6, $0x3;
	v59 =	vand.u32 $0x7F, v6;
	vm1 =	vlt.u32 v6, $0x190  }
0x3aa: {  	v60 =	vshll.u32 v7, $0x3;
	vm2 =	vlt.u32 v7, $0x190;
	v8 =	vand.u32 $0xFFFFFC00, v58  }
0x3ab: {  	v7 =	vand.u32 $0x7F, v7;
	v6 =	vor.u32 v8, v59;
	v8 =	vand.u32 $0xFFFFFC00, v60  }
0x3ac: {  	vm2 =	vmand vm2, vm0;
	v6 =	vor.u32 $0x300, v6;
	v7 =	vor.u32 v8, v7  }
0x3ad: {  	v7 =	vor.u32 $0x300, v7;
	_ =	sdelay $0x3  }
0x3ae: {  	[tilespmem:v6+s11+$0x0] =	vst.idx.msk vm1, v3  }
0x3af: {  	[tilespmem:v7+s11+$0x0] =	vst.idx.msk vm2, v3  }
0x3b0: {  	v6 =	vld [tilespmem:s21+$0x1B0B6]  }
0x3b1: {  	v7 =	vld [tilespmem:s21+$0x1B0C0];
	_ =	sdelay $0x4  }
0x3b2: {  	v6 =	vtrunc.f32 v6;
	v7 =	vtrunc.f32 v7  }
0x3b3: {  	v6 =	vcvt.f32.s32 v6;
	v7 =	vcvt.f32.s32 v7;
	_ =	sdelay $0x1  }
0x3b4: {  	v6 =	vadd.s32 v4, v6;
	v7 =	vadd.s32 v5, v7  }
0x3b5: {  	v61 =	vshll.u32 v6, $0x3;
	v62 =	vand.u32 $0x7F, v6;
	vm1 =	vlt.u32 v6, $0x190  }
0x3b6: {  	v63 =	vshll.u32 v7, $0x3;
	vm2 =	vlt.u32 v7, $0x190;
	v8 =	vand.u32 $0xFFFFFC00, v61  }
0x3b7: {  	v7 =	vand.u32 $0x7F, v7;
	v6 =	vor.u32 v8, v62;
	v8 =	vand.u32 $0xFFFFFC00, v63  }
0x3b8: {  	vm2 =	vmand vm2, vm0;
	v6 =	vor.u32 $0x380, v6;
	v7 =	vor.u32 v8, v7  }
0x3b9: {  	v7 =	vor.u32 $0x380, v7;
	_ =	sdelay $0x1  }
.Ltmp42:
0x3ba: {  	_ = 	snop;
	(pc) =	sbr.rel @p0 .LBB2_76-.Ltmp42, $4  }
0x3bb: {  	_ = 	snop  }
0x3bc: {  	[tilespmem:v6+s11+$0x0] =	vst.idx.msk vm1, v3  }
0x3bd: {  	s22 =	sadd.s32 $0xFFFF9A00, s19;
	[tilespmem:v7+s11+$0x0] =	vst.idx.msk vm2, v3  }
0x3be: {  	[hbm4b:s22+s2] =	stream.linear.scatter [tilespmem:s11], [sflag:$0x3], $0x1000, $0x38;
	[tilespmem:$0x1BC80] =	vst v63  }
0x3bf: {  	_ =	swait.ge [sflag:s16], $0x1000  }
0x3c0: {  	[sflag:s16] =	ssyncset.done $0x0  }
0x3c1: {  	[sflag:s16] =	ssyncadd.s32 $0xFFFFF000  }
0x3c2: {  	v6 =	vld [tilespmem:s21+$0x1AF30]  }
0x3c3: {  	v7 =	vld [tilespmem:s21+$0x1AF3A];
	_ =	sdelay $0x3  }
0x3c4: {  	v6 =	vtrunc.f32 v6  }
0x3c5: {  	v7 =	vtrunc.f32 v7;
	v6 =	vcvt.f32.s32 v6  }
0x3c6: {  	v7 =	vcvt.f32.s32 v7  }
0x3c7: {  	v6 =	vadd.s32 v4, v6  }
0x3c8: {  	v7 =	vadd.s32 v5, v7;
	v8 =	vshll.u32 v6, $0x3  }
0x3c9: {  	vm1 =	vlt.u32 v6, $0x190;
	v6 =	vand.u32 $0x7F, v6;
	vm2 =	vlt.u32 v7, $0x190  }
0x3ca: {  	v43 =	vshll.u32 v7, $0x3;
	v7 =	vand.u32 $0x7F, v7;
	v8 =	vand.u32 $0xFFFFFC00, v8  }
0x3cb: {  	vm2 =	vmand vm2, vm0;
	v6 =	vor.u32 v6, v8;
	v8 =	vand.u32 $0xFFFFFC00, v43  }
0x3cc: {  	v7 =	vor.u32 v7, v8;
	_ =	sdelay $0x3  }
0x3cd: {  	[tilespmem:v6+s12+$0x0] =	vst.idx.msk vm1, v1  }
0x3ce: {  	[tilespmem:v7+s12+$0x0] =	vst.idx.msk vm2, v1  }
0x3cf: {  	v6 =	vld [tilespmem:s21+$0x1AF4A]  }
0x3d0: {  	v7 =	vld [tilespmem:s21+$0x1AF54];
	_ =	sdelay $0x4  }
0x3d1: {  	v6 =	vtrunc.f32 v6;
	v7 =	vtrunc.f32 v7  }
0x3d2: {  	v6 =	vcvt.f32.s32 v6;
	v7 =	vcvt.f32.s32 v7;
	_ =	sdelay $0x1  }
0x3d3: {  	v6 =	vadd.s32 v4, v6;
	v7 =	vadd.s32 v5, v7  }
0x3d4: {  	v44 =	vshll.u32 v6, $0x3;
	v9 =	vand.u32 $0x7F, v6;
	vm1 =	vlt.u32 v6, $0x190  }
0x3d5: {  	v45 =	vshll.u32 v7, $0x3;
	vm2 =	vlt.u32 v7, $0x190;
	v8 =	vand.u32 $0xFFFFFC00, v44  }
0x3d6: {  	v7 =	vand.u32 $0x7F, v7;
	v6 =	vor.u32 v8, v9;
	v8 =	vand.u32 $0xFFFFFC00, v45  }
0x3d7: {  	vm2 =	vmand vm2, vm0;
	v6 =	vor.u32 $0x80, v6;
	v7 =	vor.u32 v8, v7  }
0x3d8: {  	v7 =	vor.u32 $0x80, v7;
	_ =	sdelay $0x3  }
0x3d9: {  	[tilespmem:v6+s12+$0x0] =	vst.idx.msk vm1, v1  }
0x3da: {  	[tilespmem:v7+s12+$0x0] =	vst.idx.msk vm2, v1  }
0x3db: {  	v6 =	vld [tilespmem:s21+$0x1AF64]  }
0x3dc: {  	v7 =	vld [tilespmem:s21+$0x1AF6E];
	_ =	sdelay $0x4  }
0x3dd: {  	v6 =	vtrunc.f32 v6;
	v7 =	vtrunc.f32 v7  }
0x3de: {  	v6 =	vcvt.f32.s32 v6;
	v7 =	vcvt.f32.s32 v7;
	_ =	sdelay $0x1  }
0x3df: {  	v6 =	vadd.s32 v4, v6;
	v7 =	vadd.s32 v5, v7  }
0x3e0: {  	v46 =	vshll.u32 v6, $0x3;
	v47 =	vand.u32 $0x7F, v6;
	vm1 =	vlt.u32 v6, $0x190  }
0x3e1: {  	v48 =	vshll.u32 v7, $0x3;
	vm2 =	vlt.u32 v7, $0x190;
	v8 =	vand.u32 $0xFFFFFC00, v46  }
0x3e2: {  	v7 =	vand.u32 $0x7F, v7;
	v6 =	vor.u32 v8, v47;
	v8 =	vand.u32 $0xFFFFFC00, v48  }
0x3e3: {  	vm2 =	vmand vm2, vm0;
	v6 =	vor.u32 $0x100, v6;
	v7 =	vor.u32 v8, v7  }
0x3e4: {  	v7 =	vor.u32 $0x100, v7;
	_ =	sdelay $0x3  }
0x3e5: {  	[tilespmem:v6+s12+$0x0] =	vst.idx.msk vm1, v1  }
0x3e6: {  	[tilespmem:v7+s12+$0x0] =	vst.idx.msk vm2, v1  }
0x3e7: {  	v6 =	vld [tilespmem:s21+$0x1AF7E]  }
0x3e8: {  	v7 =	vld [tilespmem:s21+$0x1AF88];
	_ =	sdelay $0x4  }
0x3e9: {  	v6 =	vtrunc.f32 v6;
	v7 =	vtrunc.f32 v7  }
0x3ea: {  	v6 =	vcvt.f32.s32 v6;
	v7 =	vcvt.f32.s32 v7;
	_ =	sdelay $0x1  }
0x3eb: {  	v6 =	vadd.s32 v4, v6;
	v7 =	vadd.s32 v5, v7  }
0x3ec: {  	v49 =	vshll.u32 v6, $0x3;
	v50 =	vand.u32 $0x7F, v6;
	vm1 =	vlt.u32 v6, $0x190  }
0x3ed: {  	v51 =	vshll.u32 v7, $0x3;
	vm2 =	vlt.u32 v7, $0x190;
	v8 =	vand.u32 $0xFFFFFC00, v49  }
0x3ee: {  	v7 =	vand.u32 $0x7F, v7;
	v6 =	vor.u32 v8, v50;
	v8 =	vand.u32 $0xFFFFFC00, v51  }
0x3ef: {  	vm2 =	vmand vm2, vm0;
	v6 =	vor.u32 $0x180, v6;
	v7 =	vor.u32 v8, v7  }
0x3f0: {  	v7 =	vor.u32 $0x180, v7;
	_ =	sdelay $0x3  }
0x3f1: {  	[tilespmem:v6+s12+$0x0] =	vst.idx.msk vm1, v1  }
0x3f2: {  	[tilespmem:v7+s12+$0x0] =	vst.idx.msk vm2, v1  }
0x3f3: {  	v6 =	vld [tilespmem:s21+$0x1AF98]  }
0x3f4: {  	v7 =	vld [tilespmem:s21+$0x1AFA2];
	_ =	sdelay $0x4  }
0x3f5: {  	v6 =	vtrunc.f32 v6;
	v7 =	vtrunc.f32 v7  }
0x3f6: {  	v6 =	vcvt.f32.s32 v6;
	v7 =	vcvt.f32.s32 v7;
	_ =	sdelay $0x1  }
0x3f7: {  	v6 =	vadd.s32 v4, v6;
	v7 =	vadd.s32 v5, v7  }
0x3f8: {  	v52 =	vshll.u32 v6, $0x3;
	v53 =	vand.u32 $0x7F, v6;
	vm1 =	vlt.u32 v6, $0x190  }
0x3f9: {  	v54 =	vshll.u32 v7, $0x3;
	vm2 =	vlt.u32 v7, $0x190;
	v8 =	vand.u32 $0xFFFFFC00, v52  }
0x3fa: {  	v7 =	vand.u32 $0x7F, v7;
	v6 =	vor.u32 v8, v53;
	v8 =	vand.u32 $0xFFFFFC00, v54  }
0x3fb: {  	vm2 =	vmand vm2, vm0;
	v6 =	vor.u32 $0x200, v6;
	v7 =	vor.u32 v8, v7  }
0x3fc: {  	v7 =	vor.u32 $0x200, v7;
	_ =	sdelay $0x3  }
0x3fd: {  	[tilespmem:v6+s12+$0x0] =	vst.idx.msk vm1, v1  }
0x3fe: {  	[tilespmem:v7+s12+$0x0] =	vst.idx.msk vm2, v1  }
0x3ff: {  	v6 =	vld [tilespmem:s21+$0x1AFB2]  }
0x400: {  	v7 =	vld [tilespmem:s21+$0x1AFBC];
	_ =	sdelay $0x4  }
0x401: {  	v6 =	vtrunc.f32 v6;
	v7 =	vtrunc.f32 v7  }
0x402: {  	v6 =	vcvt.f32.s32 v6;
	v7 =	vcvt.f32.s32 v7;
	_ =	sdelay $0x1  }
0x403: {  	v6 =	vadd.s32 v4, v6;
	v7 =	vadd.s32 v5, v7  }
0x404: {  	v55 =	vshll.u32 v6, $0x3;
	v56 =	vand.u32 $0x7F, v6;
	vm1 =	vlt.u32 v6, $0x190  }
0x405: {  	v57 =	vshll.u32 v7, $0x3;
	vm2 =	vlt.u32 v7, $0x190;
	v8 =	vand.u32 $0xFFFFFC00, v55  }
0x406: {  	v7 =	vand.u32 $0x7F, v7;
	v6 =	vor.u32 v8, v56;
	v8 =	vand.u32 $0xFFFFFC00, v57  }
0x407: {  	vm2 =	vmand vm2, vm0;
	v6 =	vor.u32 $0x280, v6;
	v7 =	vor.u32 v8, v7  }
0x408: {  	v7 =	vor.u32 $0x280, v7;
	_ =	sdelay $0x3  }
0x409: {  	[tilespmem:v6+s12+$0x0] =	vst.idx.msk vm1, v1  }
0x40a: {  	[tilespmem:v7+s12+$0x0] =	vst.idx.msk vm2, v1  }
0x40b: {  	v6 =	vld [tilespmem:s21+$0x1AFCC]  }
0x40c: {  	v7 =	vld [tilespmem:s21+$0x1AFD6];
	_ =	sdelay $0x4  }
0x40d: {  	v6 =	vtrunc.f32 v6;
	v7 =	vtrunc.f32 v7  }
0x40e: {  	v6 =	vcvt.f32.s32 v6;
	v7 =	vcvt.f32.s32 v7;
	_ =	sdelay $0x1  }
0x40f: {  	v6 =	vadd.s32 v4, v6;
	v7 =	vadd.s32 v5, v7  }
0x410: {  	v58 =	vshll.u32 v6, $0x3;
	v59 =	vand.u32 $0x7F, v6;
	vm1 =	vlt.u32 v6, $0x190  }
0x411: {  	v60 =	vshll.u32 v7, $0x3;
	vm2 =	vlt.u32 v7, $0x190;
	v8 =	vand.u32 $0xFFFFFC00, v58  }
0x412: {  	v7 =	vand.u32 $0x7F, v7;
	v6 =	vor.u32 v8, v59;
	v8 =	vand.u32 $0xFFFFFC00, v60  }
0x413: {  	vm2 =	vmand vm2, vm0;
	v6 =	vor.u32 $0x300, v6;
	v7 =	vor.u32 v8, v7  }
0x414: {  	v7 =	vor.u32 $0x300, v7;
	_ =	sdelay $0x3  }
0x415: {  	[tilespmem:v6+s12+$0x0] =	vst.idx.msk vm1, v1  }
0x416: {  	[tilespmem:v7+s12+$0x0] =	vst.idx.msk vm2, v1  }
0x417: {  	v6 =	vld [tilespmem:s21+$0x1AFE6]  }
0x418: {  	v7 =	vld [tilespmem:s21+$0x1AFF0];
	_ =	sdelay $0x4  }
0x419: {  	v6 =	vtrunc.f32 v6;
	v7 =	vtrunc.f32 v7  }
0x41a: {  	v6 =	vcvt.f32.s32 v6;
	v7 =	vcvt.f32.s32 v7;
	_ =	sdelay $0x1  }
0x41b: {  	v6 =	vadd.s32 v4, v6;
	v7 =	vadd.s32 v5, v7  }
0x41c: {  	v61 =	vshll.u32 v6, $0x3;
	v62 =	vand.u32 $0x7F, v6;
	vm1 =	vlt.u32 v6, $0x190  }
0x41d: {  	v63 =	vshll.u32 v7, $0x3;
	vm2 =	vlt.u32 v7, $0x190;
	v8 =	vand.u32 $0xFFFFFC00, v61  }
0x41e: {  	v7 =	vand.u32 $0x7F, v7;
	v6 =	vor.u32 v8, v62;
	v8 =	vand.u32 $0xFFFFFC00, v63  }
0x41f: {  	vm2 =	vmand vm2, vm0;
	v6 =	vor.u32 $0x380, v6;
	v7 =	vor.u32 v8, v7  }
0x420: {  	v7 =	vor.u32 $0x380, v7;
	_ =	sdelay $0x3  }
0x421: {  	[tilespmem:v6+s12+$0x0] =	vst.idx.msk vm1, v1  }
0x422: {  	[tilespmem:v7+s12+$0x0] =	vst.idx.msk vm2, v1  }
.LBB2_76:
0x423: {  	p0 =	sgt.u32 s18, $0xE  }
.Ltmp43:
0x424: {  	_ = 	snop;
	(pc) =	sbr.rel @p0 .LBB2_78-.Ltmp43, $1  }
0x425: {  	_ =	sdelay $0x3  }
0x426: {  	s21 =	sshra.s32 s20, $0x2  }
0x427: {  	v6 =	vld [tilespmem:s21+$0x1B0D0]  }
0x428: {  	v7 =	vld [tilespmem:s21+$0x1B0DA];
	_ =	sdelay $0x3  }
0x429: {  	v6 =	vtrunc.f32 v6  }
0x42a: {  	v7 =	vtrunc.f32 v7;
	v6 =	vcvt.f32.s32 v6  }
0x42b: {  	v7 =	vcvt.f32.s32 v7  }
0x42c: {  	v6 =	vadd.s32 v4, v6  }
0x42d: {  	v7 =	vadd.s32 v5, v7;
	v8 =	vshll.u32 v6, $0x3  }
0x42e: {  	vm1 =	vlt.u32 v6, $0x190;
	v6 =	vand.u32 $0x7F, v6;
	vm2 =	vlt.u32 v7, $0x190  }
0x42f: {  	v39 =	vshll.u32 v7, $0x3;
	v7 =	vand.u32 $0x7F, v7;
	v8 =	vand.u32 $0xFFFFFC00, v8  }
0x430: {  	vm2 =	vmand vm2, vm0;
	v6 =	vor.u32 v6, v8;
	v8 =	vand.u32 $0xFFFFFC00, v39  }
0x431: {  	v7 =	vor.u32 v7, v8;
	_ =	sdelay $0x3  }
0x432: {  	[tilespmem:v6+s12+$0x0] =	vst.idx.msk vm1, v3  }
0x433: {  	[tilespmem:v7+s12+$0x0] =	vst.idx.msk vm2, v3  }
0x434: {  	v6 =	vld [tilespmem:s21+$0x1B0EA]  }
0x435: {  	v7 =	vld [tilespmem:s21+$0x1B0F4];
	_ =	sdelay $0x4  }
0x436: {  	v6 =	vtrunc.f32 v6;
	v7 =	vtrunc.f32 v7  }
0x437: {  	v6 =	vcvt.f32.s32 v6;
	v7 =	vcvt.f32.s32 v7;
	_ =	sdelay $0x1  }
0x438: {  	v6 =	vadd.s32 v4, v6;
	v7 =	vadd.s32 v5, v7  }
0x439: {  	v40 =	vshll.u32 v6, $0x3;
	v9 =	vand.u32 $0x7F, v6;
	vm1 =	vlt.u32 v6, $0x190  }
0x43a: {  	v42 =	vshll.u32 v7, $0x3;
	vm2 =	vlt.u32 v7, $0x190;
	v8 =	vand.u32 $0xFFFFFC00, v40  }
0x43b: {  	v7 =	vand.u32 $0x7F, v7;
	v41 =	vor.u32 v8, v9;
	v8 =	vand.u32 $0xFFFFFC00, v42  }
0x43c: {  	vm2 =	vmand vm2, vm0;
	v6 =	vor.u32 $0x80, v41;
	v7 =	vor.u32 v8, v7  }
0x43d: {  	v7 =	vor.u32 $0x80, v7;
	_ =	sdelay $0x3  }
0x43e: {  	[tilespmem:v6+s12+$0x0] =	vst.idx.msk vm1, v3  }
0x43f: {  	[tilespmem:v7+s12+$0x0] =	vst.idx.msk vm2, v3  }
0x440: {  	v6 =	vld [tilespmem:s21+$0x1B104]  }
0x441: {  	v7 =	vld [tilespmem:s21+$0x1B10E];
	_ =	sdelay $0x4  }
0x442: {  	v6 =	vtrunc.f32 v6;
	v7 =	vtrunc.f32 v7  }
0x443: {  	v6 =	vcvt.f32.s32 v6;
	v7 =	vcvt.f32.s32 v7;
	_ =	sdelay $0x1  }
0x444: {  	v6 =	vadd.s32 v4, v6;
	v7 =	vadd.s32 v5, v7  }
0x445: {  	v43 =	vshll.u32 v6, $0x3;
	v44 =	vand.u32 $0x7F, v6;
	vm1 =	vlt.u32 v6, $0x190  }
0x446: {  	v46 =	vshll.u32 v7, $0x3;
	vm2 =	vlt.u32 v7, $0x190;
	v8 =	vand.u32 $0xFFFFFC00, v43  }
0x447: {  	v7 =	vand.u32 $0x7F, v7;
	v45 =	vor.u32 v8, v44;
	v8 =	vand.u32 $0xFFFFFC00, v46  }
0x448: {  	vm2 =	vmand vm2, vm0;
	v6 =	vor.u32 $0x100, v45;
	v7 =	vor.u32 v8, v7  }
0x449: {  	v7 =	vor.u32 $0x100, v7;
	_ =	sdelay $0x3  }
0x44a: {  	[tilespmem:v6+s12+$0x0] =	vst.idx.msk vm1, v3  }
0x44b: {  	[tilespmem:v7+s12+$0x0] =	vst.idx.msk vm2, v3  }
0x44c: {  	v6 =	vld [tilespmem:s21+$0x1B11E]  }
0x44d: {  	v7 =	vld [tilespmem:s21+$0x1B128];
	_ =	sdelay $0x4  }
0x44e: {  	v6 =	vtrunc.f32 v6;
	v7 =	vtrunc.f32 v7  }
0x44f: {  	v6 =	vcvt.f32.s32 v6;
	v7 =	vcvt.f32.s32 v7;
	_ =	sdelay $0x1  }
0x450: {  	v6 =	vadd.s32 v4, v6;
	v7 =	vadd.s32 v5, v7  }
0x451: {  	v47 =	vshll.u32 v6, $0x3;
	v48 =	vand.u32 $0x7F, v6;
	vm1 =	vlt.u32 v6, $0x190  }
0x452: {  	v50 =	vshll.u32 v7, $0x3;
	vm2 =	vlt.u32 v7, $0x190;
	v8 =	vand.u32 $0xFFFFFC00, v47  }
0x453: {  	v7 =	vand.u32 $0x7F, v7;
	v49 =	vor.u32 v8, v48;
	v8 =	vand.u32 $0xFFFFFC00, v50  }
0x454: {  	vm2 =	vmand vm2, vm0;
	v6 =	vor.u32 $0x180, v49;
	v7 =	vor.u32 v8, v7  }
0x455: {  	v7 =	vor.u32 $0x180, v7;
	_ =	sdelay $0x3  }
0x456: {  	[tilespmem:v6+s12+$0x0] =	vst.idx.msk vm1, v3  }
0x457: {  	[tilespmem:v7+s12+$0x0] =	vst.idx.msk vm2, v3  }
0x458: {  	v6 =	vld [tilespmem:s21+$0x1B138]  }
0x459: {  	v7 =	vld [tilespmem:s21+$0x1B142];
	_ =	sdelay $0x4  }
0x45a: {  	v6 =	vtrunc.f32 v6;
	v7 =	vtrunc.f32 v7  }
0x45b: {  	v6 =	vcvt.f32.s32 v6;
	v7 =	vcvt.f32.s32 v7;
	_ =	sdelay $0x1  }
0x45c: {  	v6 =	vadd.s32 v4, v6;
	v7 =	vadd.s32 v5, v7  }
0x45d: {  	v51 =	vshll.u32 v6, $0x3;
	v52 =	vand.u32 $0x7F, v6;
	vm1 =	vlt.u32 v6, $0x190  }
0x45e: {  	v54 =	vshll.u32 v7, $0x3;
	vm2 =	vlt.u32 v7, $0x190;
	v8 =	vand.u32 $0xFFFFFC00, v51  }
0x45f: {  	v7 =	vand.u32 $0x7F, v7;
	v53 =	vor.u32 v8, v52;
	v8 =	vand.u32 $0xFFFFFC00, v54  }
0x460: {  	vm2 =	vmand vm2, vm0;
	v6 =	vor.u32 $0x200, v53;
	v7 =	vor.u32 v8, v7  }
0x461: {  	v7 =	vor.u32 $0x200, v7;
	_ =	sdelay $0x3  }
0x462: {  	[tilespmem:v6+s12+$0x0] =	vst.idx.msk vm1, v3  }
0x463: {  	[tilespmem:v7+s12+$0x0] =	vst.idx.msk vm2, v3  }
0x464: {  	v6 =	vld [tilespmem:s21+$0x1B152]  }
0x465: {  	v7 =	vld [tilespmem:s21+$0x1B15C];
	_ =	sdelay $0x4  }
0x466: {  	v6 =	vtrunc.f32 v6;
	v7 =	vtrunc.f32 v7  }
0x467: {  	v6 =	vcvt.f32.s32 v6;
	v7 =	vcvt.f32.s32 v7;
	_ =	sdelay $0x1  }
0x468: {  	v6 =	vadd.s32 v4, v6;
	v7 =	vadd.s32 v5, v7  }
0x469: {  	v55 =	vshll.u32 v6, $0x3;
	v56 =	vand.u32 $0x7F, v6;
	vm1 =	vlt.u32 v6, $0x190  }
0x46a: {  	v58 =	vshll.u32 v7, $0x3;
	vm2 =	vlt.u32 v7, $0x190;
	v8 =	vand.u32 $0xFFFFFC00, v55  }
0x46b: {  	v7 =	vand.u32 $0x7F, v7;
	v57 =	vor.u32 v8, v56;
	v8 =	vand.u32 $0xFFFFFC00, v58  }
0x46c: {  	vm2 =	vmand vm2, vm0;
	v6 =	vor.u32 $0x280, v57;
	v7 =	vor.u32 v8, v7  }
0x46d: {  	v7 =	vor.u32 $0x280, v7;
	_ =	sdelay $0x3  }
0x46e: {  	[tilespmem:v6+s12+$0x0] =	vst.idx.msk vm1, v3  }
0x46f: {  	[tilespmem:v7+s12+$0x0] =	vst.idx.msk vm2, v3  }
0x470: {  	v6 =	vld [tilespmem:s21+$0x1B16C]  }
0x471: {  	v7 =	vld [tilespmem:s21+$0x1B176];
	_ =	sdelay $0x4  }
0x472: {  	v6 =	vtrunc.f32 v6;
	v7 =	vtrunc.f32 v7  }
0x473: {  	v6 =	vcvt.f32.s32 v6;
	v7 =	vcvt.f32.s32 v7;
	_ =	sdelay $0x1  }
0x474: {  	v6 =	vadd.s32 v4, v6;
	v7 =	vadd.s32 v5, v7  }
0x475: {  	v59 =	vshll.u32 v6, $0x3;
	v60 =	vand.u32 $0x7F, v6;
	vm1 =	vlt.u32 v6, $0x190  }
0x476: {  	v62 =	vshll.u32 v7, $0x3;
	vm2 =	vlt.u32 v7, $0x190;
	v8 =	vand.u32 $0xFFFFFC00, v59  }
0x477: {  	v7 =	vand.u32 $0x7F, v7;
	v61 =	vor.u32 v8, v60;
	v8 =	vand.u32 $0xFFFFFC00, v62  }
0x478: {  	vm2 =	vmand vm2, vm0;
	v6 =	vor.u32 $0x300, v61;
	v7 =	vor.u32 v8, v7  }
0x479: {  	v7 =	vor.u32 $0x300, v7;
	_ =	sdelay $0x3  }
0x47a: {  	[tilespmem:v6+s12+$0x0] =	vst.idx.msk vm1, v3  }
0x47b: {  	[tilespmem:v7+s12+$0x0] =	vst.idx.msk vm2, v3  }
0x47c: {  	v6 =	vld [tilespmem:s21+$0x1B186]  }
0x47d: {  	v7 =	vld [tilespmem:s21+$0x1B190];
	_ =	sdelay $0x4  }
0x47e: {  	v6 =	vtrunc.f32 v6;
	v7 =	vtrunc.f32 v7  }
0x47f: {  	v6 =	vcvt.f32.s32 v6;
	v7 =	vcvt.f32.s32 v7;
	_ =	sdelay $0x1  }
0x480: {  	v4 =	vadd.s32 v4, v6;
	v5 =	vadd.s32 v5, v7  }
0x481: {  	vm1 =	vlt.u32 v4, $0x190;
	vm2 =	vlt.u32 v5, $0x190;
	v6 =	vshll.u32 v4, $0x3  }
0x482: {  	v4 =	vand.u32 $0x7F, v4;
	v7 =	vshll.u32 v5, $0x3;
	v6 =	vand.u32 $0xFFFFFC00, v6  }
0x483: {  	v5 =	vand.u32 $0x7F, v5;
	v63 =	vand.u32 $0xFFFFFC00, v7;
	v4 =	vor.u32 v6, v4  }
0x484: {  	vm2 =	vmand vm2, vm0;
	v5 =	vor.u32 v63, v5;
	v4 =	vor.u32 $0x380, v4  }
0x485: {  	v5 =	vor.u32 $0x380, v5;
	_ =	sdelay $0x1  }
.Ltmp44:
0x486: {  	_ = 	snop;
	(pc) =	sbr.rel .LBB2_78-.Ltmp44, $4  }
0x487: {  	_ = 	snop  }
0x488: {  	[tilespmem:v4+s12+$0x0] =	vst.idx.msk vm1, v3  }
0x489: {  	[tilespmem:v5+s12+$0x0] =	vst.idx.msk vm2, v3  }
0x48a: {  	[hbm4b:s19+s2] =	stream.linear.scatter [tilespmem:s12], [sflag:$0x4], $0x1000, $0x38;
	[tilespmem:$0x1BC80] =	vst v63  }
.LBB2_80:
0x48b: {  	_ =	sfence.sel $0x180000  }
0x48c: {  	[bflag:$0x0] =	sbarrier.arrive $0xFFFF  }
0x48d: {  	p0 =	sne.s32 s0, $0x0;
	_ =	strace $0x90000047  }
0x48e: {  	s0 =	sadd.s32 @!p0 $0x100000, s1;
	[bflag:$0x2] =	sbarrier.arrive $0xFFFF  }
0x48f: {  	[sflag:s0] =	ssyncadd.tile.s32 @!p0 $0x1;
	_ =	shalt  }
.Lfunc_end2:
_tile_overlayer_lowered:
.L_overlay_start_2:
0x490: {  	(tag) =	ssettag $0x2  }
0x491: {  	s0 =	rddreg [dreg:$0x0];
	s2 =	stileid.u32  }
0x492: {  	s1 =	rddreg [dreg:$0x1];
	p0 =	sne.s32 s2, $0x0  }
0x493: {  	s3 =	rddreg [dreg:$0x2];
	[bflag:$0x3] =	sbarrier.arrive $0xFFFF;
	s2 =	simm.s32 @!p0 $0x1C05  }
0x494: {  	[timem:s3], [sflag:s2] =	dma.local @!p0 [hbm:s0], s1  }
0x495: {  	s0 =	simm.s32 @!p0 $0x5  }
0x496: {  	_ =	swait.ge @!p0 [sflag:s0], s1  }
0x497: {  	s1 =	ssub.s32 @!p0 $0x0, s1;
	[sflag:s0] =	ssyncset.done @!p0 $0x0  }
0x498: {  	[sflag:s0] =	ssyncadd.s32 @!p0 s1  }
0x499: {  	[bflag:$0x3] =	sbarrier.arrive $0xFFFF  }
0x49a: {  	_ =	shalt  }

</sc_bundles>
